<compile_context>
chip_gen: v7x
topology: tpu7x:2x2x1
jax: 0.10.2.dev20260603
libtpu: 0.0.44.dev20260713+nightly
codegen_flags: <defaults>
</compile_context>

<pallas_src>
import jax
import jax.numpy as jnp
from jax import lax
from jax.experimental import pallas as pl
from jax.experimental.pallas import tpu as pltpu
from jax.experimental.pallas import tpu_sc as plsc

BATCH = 1024
VOCAB = 1000
EMB = 64
VPAD = 1024
NCB = VPAD // 128
LANES = 16
NC = 2
NS = 16
NW = NC * NS
BPW = BATCH // NW
HALF = BPW // 2


def _tc_main_body(wc_ref, wo_ref, avt_ref, eg_ref, av3_ref):
    wc = jnp.concatenate(
        [wc_ref[...], jnp.zeros((VPAD - VOCAB, EMB), jnp.float32)], axis=0)
    wo = jnp.concatenate(
        [wo_ref[...], jnp.zeros((VPAD - VOCAB, EMB), jnp.float32)], axis=0)
    ntail = VOCAB - (NCB - 1) * 128
    for cb in range(NCB):
        wo_cb = wo[cb * 128:(cb + 1) * 128, :]
        g_cb = lax.dot_general(wc, wo_cb, (((1,), (1,)), ((), ())),
                               preferred_element_type=jnp.float32)
        e_cb = jnp.exp(g_cb)
        if cb == NCB - 1:
            ccol = lax.broadcasted_iota(jnp.int32, (VPAD, 128), 1)
            e_cb = jnp.where(ccol < ntail, e_cb, 0.0)
        eg_ref[:, cb, :] = e_cb
        if cb == NCB - 1:
            blk = lax.transpose(avt_ref[cb * 128:VOCAB, :], (1, 0))
            av3_ref[cb, :, :] = jnp.concatenate(
                [blk, jnp.full((BATCH, 128 - ntail), VOCAB, jnp.int32)],
                axis=1)
        else:
            av3_ref[cb, :, :] = lax.transpose(
                avt_ref[cb * 128:(cb + 1) * 128, :], (1, 0))


_tc_main = pl.pallas_call(
    _tc_main_body,
    out_shape=[jax.ShapeDtypeStruct((VPAD, NCB, 128), jnp.float32),
               jax.ShapeDtypeStruct((NCB, BATCH, 128), jnp.int32)],
)


def _sc_lowsum_body(cidx_hbm, oidx_hbm, av_hbm, eg_hbm, lp_hbm, tp_hbm,
                    cidx_v, oidx_v, av_v, rows_v, lp_v, tp_v,
                    sem_a, sem_g1, sem_g2):
    wid = lax.axis_index("s") * NC + lax.axis_index("c")
    base = wid * BPW
    d_c = pltpu.async_copy(cidx_hbm.at[0, pl.ds(base, BPW)], cidx_v, sem_a)
    d_o = pltpu.async_copy(oidx_hbm.at[0, pl.ds(base, BPW)], oidx_v, sem_a)
    av_copies = [pltpu.async_copy(av_hbm.at[cb, pl.ds(base, BPW)],
                                  av_v.at[cb], sem_a)
                 for cb in range(NCB)]
    d_c.wait()
    d_o.wait()
    i16 = jnp.arange(LANES, dtype=jnp.int32)
    cv0 = cidx_v[pl.ds(0, LANES)]
    cv1 = cidx_v[pl.ds(LANES, LANES)]
    g1 = pltpu.async_copy(eg_hbm.at[cv0], rows_v.at[pl.ds(0, HALF)], sem_g1)
    g2 = pltpu.async_copy(eg_hbm.at[cv1], rows_v.at[pl.ds(HALF, HALF)],
                          sem_g2)
    for c in av_copies:
        c.wait()

    def row_body(rloc, _):
        rvec = jnp.full((LANES,), rloc, jnp.int32)
        partial = []
        for cb in range(NCB):
            for j in range(128 // LANES):
                a = av_v[cb, rloc, pl.ds(j * LANES, LANES)]
                partial.append(plsc.load_gather(
                    rows_v, [rvec, lax.shift_right_logical(a, 7),
                             lax.bitwise_and(a, 127)]))
        while len(partial) > 1:
            partial = [partial[i] + partial[i + 1]
                       for i in range(0, len(partial) - 1, 2)] \
                      + ([partial[-1]] if len(partial) % 2 else [])
        lp_v[rloc >> 3, pl.ds((rloc & 7) * LANES, LANES)] = partial[0]
        return 0

    g1.wait()
    ov0 = oidx_v[pl.ds(0, LANES)]
    tp_v[0, pl.ds(0, LANES)] = plsc.load_gather(
        rows_v, [i16, lax.shift_right_logical(ov0, 7),
                 lax.bitwise_and(ov0, 127)])
    lax.fori_loop(0, HALF, row_body, 0)
    g2.wait()
    ov1 = oidx_v[pl.ds(LANES, LANES)]
    tp_v[0, pl.ds(LANES, LANES)] = plsc.load_gather(
        rows_v, [i16 + LANES, lax.shift_right_logical(ov1, 7),
                 lax.bitwise_and(ov1, 127)])
    lax.fori_loop(HALF, BPW, row_body, 0)

    pltpu.sync_copy(tp_v, tp_hbm.at[pl.ds(wid >> 2, 1),
                                    pl.ds((wid & 3) * 2 * LANES, 2 * LANES)])
    pltpu.sync_copy(lp_v, lp_hbm.at[pl.ds(wid * (BPW * LANES // 128),
                                          BPW * LANES // 128)])


_sc_lowsum = pl.kernel(
    _sc_lowsum_body,
    out_type=[jax.ShapeDtypeStruct((BATCH * LANES // 128, 128), jnp.float32),
              jax.ShapeDtypeStruct((BATCH // 128, 128), jnp.float32)],
    mesh=plsc.VectorSubcoreMesh(core_axis_name="c", subcore_axis_name="s"),
    scratch_types=[pltpu.VMEM((BPW,), jnp.int32),
                   pltpu.VMEM((BPW,), jnp.int32),
                   pltpu.VMEM((NCB, BPW, 128), jnp.int32),
                   pltpu.VMEM((BPW, NCB, 128), jnp.float32),
                   pltpu.VMEM((BPW * LANES // 128, 128), jnp.float32),
                   pltpu.VMEM((1, 2 * LANES), jnp.float32),
                   pltpu.SemaphoreType.DMA,
                   pltpu.SemaphoreType.DMA,
                   pltpu.SemaphoreType.DMA],
    compiler_params=pltpu.CompilerParams(use_tc_tiling_on_sc=False,
                                         needs_layout_passes=False),
)


def _tc_final_body(lp_ref, top_ref, out_ref):
    cc = lax.broadcasted_iota(jnp.int32, (128, 128 // LANES), 0)
    gg = lax.broadcasted_iota(jnp.int32, (128, 128 // LANES), 1)
    sel = (lax.shift_right_logical(cc, 4) == gg).astype(jnp.float32)
    low = jnp.dot(lp_ref[...], sel,
                  preferred_element_type=jnp.float32)
    total = jnp.sum(jnp.log(low)) - jnp.sum(jnp.log(top_ref[...]))
    out_ref[...] = (total / BATCH).reshape(1, 1)


_tc_final = pl.pallas_call(
    _tc_final_body,
    out_shape=jax.ShapeDtypeStruct((1, 1), jnp.float32),
)


def kernel(center, outside, all_vocabs, W_center, W_outside):
    eg, av3 = _tc_main(W_center, W_outside, all_vocabs.T)
    lp, tp = _sc_lowsum(center.T, outside.T, av3, eg)
    loss = _tc_final(lp, tp)
    return loss[0, 0]

# --- scband reference (transcript-rebuilt; emitter-appended) ---
"""Pipeline reference for scband-skipgram-33526514712938 (READ-ONLY COPY).

The authoritative reference and input builder live on the scoring server;
editing this copy changes nothing except your own understanding.
"""

import jax, jax.numpy as jnp
import numpy as np

VOC = 1000
EMB = 64
B = 1024


def setup_inputs(seed: int = 0) -> dict:
    key = jax.random.key(seed)
    k1, k2, k3, k4, k5 = jax.random.split(key, 5)
    center = jax.random.randint(k1, (B, 1), 0, VOC)
    outside = jax.random.randint(k2, (B, 1), 0, VOC)
    all_vocabs = jax.random.randint(k3, (B, VOC), 0, VOC)
    W_center = jax.random.normal(k4, (VOC, EMB), dtype=jnp.float32) * 0.02
    W_outside = jax.random.normal(k5, (VOC, EMB), dtype=jnp.float32) * 0.02
    return {
        "center": center,
        "outside": outside,
        "all_vocabs": all_vocabs,
        "W_center": W_center,
        "W_outside": W_outside,
    }


def reference(center, outside, all_vocabs, W_center, W_outside):
    # embedding lookups (gather)
    center_emb = jnp.take(W_center, center, axis=0)      # [B, 1, E]
    outside_emb = jnp.take(W_outside, outside, axis=0)   # [B, 1, E]
    all_emb = jnp.take(W_outside, all_vocabs, axis=0)    # [B, V, E]
    # top term: exp(u_o . v_c) per example  (bmm with q=k=1)
    top_term = jnp.exp(jnp.einsum("bqe,bke->bq", outside_emb, center_emb)).squeeze(1)  # [B]
    # lower term: sum_v exp(u_v . v_c)
    lower_term = jnp.einsum("bve,bke->bv", all_emb, center_emb)  # [B, V]
    lower_term_sum = jnp.sum(jnp.exp(lower_term), axis=1)        # [B]
    loss = -jnp.mean(jnp.log(top_term / lower_term_sum))
    return loss

if __name__ == "__main__":
    import jax
    _d = setup_inputs()
    print(jax.jit(kernel)(*tuple(_d.values())))

</pallas_src>

<mosaic_0001>
#map = affine_map<(d0, d1) -> (0, 0)>
#map1 = affine_map<(d0, d1) -> (0, 0, 0)>
module attributes {stable_mosaic.version = 14 : i64} {
  func.func @_sc_lowsum_body(%arg0: i32, %arg1: i32, %arg2: memref<1x1024xi32, #tpu.memory_space<hbm>>, %arg3: memref<1x1024xi32, #tpu.memory_space<hbm>>, %arg4: memref<8x1024x128xi32, #tpu.memory_space<hbm>>, %arg5: memref<1024x8x128xf32, #tpu.memory_space<hbm>>, %arg6: memref<128x128xf32, #tpu.memory_space<hbm>>, %arg7: memref<8x128xf32, #tpu.memory_space<hbm>>, %arg8: memref<32xi32, #tpu.memory_space<vmem>>, %arg9: memref<32xi32, #tpu.memory_space<vmem>>, %arg10: memref<8x32x128xi32, #tpu.memory_space<vmem>>, %arg11: memref<32x8x128xf32, #tpu.memory_space<vmem>>, %arg12: memref<4x128xf32, #tpu.memory_space<vmem>>, %arg13: memref<1x32xf32, #tpu.memory_space<vmem>>, %arg14: memref<!tpu.dma_semaphore, #tpu.memory_space<semaphore_mem>>, %arg15: memref<!tpu.dma_semaphore, #tpu.memory_space<semaphore_mem>>, %arg16: memref<!tpu.dma_semaphore, #tpu.memory_space<semaphore_mem>>) attributes {dimension_semantics = [#tpu.dimension_semantics<core_parallel>, #tpu.dimension_semantics<subcore_parallel>], iteration_bounds = array<i64: 2, 16>, scalar_prefetch = 0 : i64, scratch_operands = 9 : i64, tpu.core_type = #tpu.core_type<sc_vector_subcore>, window_params = [{transform_indices = #map}, {transform_indices = #map}, {transform_indices = #map1}, {transform_indices = #map1}, {transform_indices = #map}, {transform_indices = #map}]} {
    %mul3A = arith.constant 2 : i32
    %mul3A_0 = arith.muli %arg1, %mul3A : i32
    %add3A = arith.addi %mul3A_0, %arg0 : i32
    %mul3A_1 = arith.constant 32 : i32
    %mul3A_2 = arith.muli %add3A, %mul3A_1 : i32
    %dma_start3A = arith.constant 0 : i32
    %dma_start3A_3 = tpu.memref_slice %arg2[%dma_start3A, %mul3A_2] : memref<1x1024xi32, #tpu.memory_space<hbm>> -> memref<1x32xi32, #tpu.memory_space<hbm>>
    %dma_start3A_4 = tpu.memref_squeeze %dma_start3A_3 : memref<1x32xi32, #tpu.memory_space<hbm>> -> memref<32xi32, #tpu.memory_space<hbm>>
    %dma_start3A_5 = tpu.memref_slice %arg2[%dma_start3A, %mul3A_2] : memref<1x1024xi32, #tpu.memory_space<hbm>> -> memref<1x32xi32, #tpu.memory_space<hbm>>
    %dma_start3A_6 = tpu.memref_squeeze %dma_start3A_5 : memref<1x32xi32, #tpu.memory_space<hbm>> -> memref<32xi32, #tpu.memory_space<hbm>>
    tpu.enqueue_dma source(%dma_start3A_6 : memref<32xi32, #tpu.memory_space<hbm>>) target(%arg8 : memref<32xi32, #tpu.memory_space<vmem>>) target_semaphore(%arg14 : memref<!tpu.dma_semaphore, #tpu.memory_space<semaphore_mem>>)
    %dma_start3A_7 = arith.constant 0 : i32
    %dma_start3A_8 = tpu.memref_slice %arg3[%dma_start3A_7, %mul3A_2] : memref<1x1024xi32, #tpu.memory_space<hbm>> -> memref<1x32xi32, #tpu.memory_space<hbm>>
    %dma_start3A_9 = tpu.memref_squeeze %dma_start3A_8 : memref<1x32xi32, #tpu.memory_space<hbm>> -> memref<32xi32, #tpu.memory_space<hbm>>
    %dma_start3A_10 = tpu.memref_slice %arg3[%dma_start3A_7, %mul3A_2] : memref<1x1024xi32, #tpu.memory_space<hbm>> -> memref<1x32xi32, #tpu.memory_space<hbm>>
    %dma_start3A_11 = tpu.memref_squeeze %dma_start3A_10 : memref<1x32xi32, #tpu.memory_space<hbm>> -> memref<32xi32, #tpu.memory_space<hbm>>
    tpu.enqueue_dma source(%dma_start3A_11 : memref<32xi32, #tpu.memory_space<hbm>>) target(%arg9 : memref<32xi32, #tpu.memory_space<vmem>>) target_semaphore(%arg14 : memref<!tpu.dma_semaphore, #tpu.memory_space<semaphore_mem>>)
    %dma_start3A_12 = arith.constant 0 : i32
    %dma_start3A_13 = arith.constant 0 : i32
    %dma_start3A_14 = arith.constant 0 : i32
    %dma_start3A_15 = arith.constant 0 : i32
    %dma_start3A_16 = tpu.memref_slice %arg10[%dma_start3A_13, %dma_start3A_14, %dma_start3A_15] : memref<8x32x128xi32, #tpu.memory_space<vmem>> -> memref<1x32x128xi32, #tpu.memory_space<vmem>>
    %dma_start3A_17 = tpu.memref_squeeze %dma_start3A_16 : memref<1x32x128xi32, #tpu.memory_space<vmem>> -> memref<32x128xi32, #tpu.memory_space<vmem>>
    %dma_start3A_18 = arith.constant 0 : i32
    %dma_start3A_19 = tpu.memref_slice %arg4[%dma_start3A_12, %mul3A_2, %dma_start3A_18] : memref<8x1024x128xi32, #tpu.memory_space<hbm>> -> memref<1x32x128xi32, #tpu.memory_space<hbm>>
    %dma_start3A_20 = tpu.memref_squeeze %dma_start3A_19 : memref<1x32x128xi32, #tpu.memory_space<hbm>> -> memref<32x128xi32, #tpu.memory_space<hbm>>
    %dma_start3A_21 = arith.constant 0 : i32
    %dma_start3A_22 = arith.constant 0 : i32
    %dma_start3A_23 = tpu.memref_slice %arg10[%dma_start3A_13, %dma_start3A_21, %dma_start3A_22] : memref<8x32x128xi32, #tpu.memory_space<vmem>> -> memref<1x32x128xi32, #tpu.memory_space<vmem>>
    %dma_start3A_24 = tpu.memref_squeeze %dma_start3A_23 : memref<1x32x128xi32, #tpu.memory_space<vmem>> -> memref<32x128xi32, #tpu.memory_space<vmem>>
    %dma_start3A_25 = arith.constant 0 : i32
    %dma_start3A_26 = tpu.memref_slice %arg4[%dma_start3A_12, %mul3A_2, %dma_start3A_25] : memref<8x1024x128xi32, #tpu.memory_space<hbm>> -> memref<1x32x128xi32, #tpu.memory_space<hbm>>
    %dma_start3A_27 = tpu.memref_squeeze %dma_start3A_26 : memref<1x32x128xi32, #tpu.memory_space<hbm>> -> memref<32x128xi32, #tpu.memory_space<hbm>>
    tpu.enqueue_dma source(%dma_start3A_27 : memref<32x128xi32, #tpu.memory_space<hbm>>) target(%dma_start3A_24 : memref<32x128xi32, #tpu.memory_space<vmem>>) target_semaphore(%arg14 : memref<!tpu.dma_semaphore, #tpu.memory_space<semaphore_mem>>)
    %dma_start3A_28 = arith.constant 1 : i32
    %dma_start3A_29 = arith.constant 1 : i32
    %dma_start3A_30 = arith.constant 0 : i32
    %dma_start3A_31 = arith.constant 0 : i32
    %dma_start3A_32 = tpu.memref_slice %arg10[%dma_start3A_29, %dma_start3A_30, %dma_start3A_31] : memref<8x32x128xi32, #tpu.memory_space<vmem>> -> memref<1x32x128xi32, #tpu.memory_space<vmem>>
    %dma_start3A_33 = tpu.memref_squeeze %dma_start3A_32 : memref<1x32x128xi32, #tpu.memory_space<vmem>> -> memref<32x128xi32, #tpu.memory_space<vmem>>
    %dma_start3A_34 = arith.constant 0 : i32
    %dma_start3A_35 = tpu.memref_slice %arg4[%dma_start3A_28, %mul3A_2, %dma_start3A_34] : memref<8x1024x128xi32, #tpu.memory_space<hbm>> -> memref<1x32x128xi32, #tpu.memory_space<hbm>>
    %dma_start3A_36 = tpu.memref_squeeze %dma_start3A_35 : memref<1x32x128xi32, #tpu.memory_space<hbm>> -> memref<32x128xi32, #tpu.memory_space<hbm>>
    %dma_start3A_37 = arith.constant 0 : i32
    %dma_start3A_38 = arith.constant 0 : i32
    %dma_start3A_39 = tpu.memref_slice %arg10[%dma_start3A_29, %dma_start3A_37, %dma_start3A_38] : memref<8x32x128xi32, #tpu.memory_space<vmem>> -> memref<1x32x128xi32, #tpu.memory_space<vmem>>
    %dma_start3A_40 = tpu.memref_squeeze %dma_start3A_39 : memref<1x32x128xi32, #tpu.memory_space<vmem>> -> memref<32x128xi32, #tpu.memory_space<vmem>>
    %dma_start3A_41 = arith.constant 0 : i32
    %dma_start3A_42 = tpu.memref_slice %arg4[%dma_start3A_28, %mul3A_2, %dma_start3A_41] : memref<8x1024x128xi32, #tpu.memory_space<hbm>> -> memref<1x32x128xi32, #tpu.memory_space<hbm>>
    %dma_start3A_43 = tpu.memref_squeeze %dma_start3A_42 : memref<1x32x128xi32, #tpu.memory_space<hbm>> -> memref<32x128xi32, #tpu.memory_space<hbm>>
    tpu.enqueue_dma source(%dma_start3A_43 : memref<32x128xi32, #tpu.memory_space<hbm>>) target(%dma_start3A_40 : memref<32x128xi32, #tpu.memory_space<vmem>>) target_semaphore(%arg14 : memref<!tpu.dma_semaphore, #tpu.memory_space<semaphore_mem>>)
    %dma_start3A_44 = arith.constant 2 : i32
    %dma_start3A_45 = arith.constant 2 : i32
    %dma_start3A_46 = arith.constant 0 : i32
    %dma_start3A_47 = arith.constant 0 : i32
    %dma_start3A_48 = tpu.memref_slice %arg10[%dma_start3A_45, %dma_start3A_46, %dma_start3A_47] : memref<8x32x128xi32, #tpu.memory_space<vmem>> -> memref<1x32x128xi32, #tpu.memory_space<vmem>>
    %dma_start3A_49 = tpu.memref_squeeze %dma_start3A_48 : memref<1x32x128xi32, #tpu.memory_space<vmem>> -> memref<32x128xi32, #tpu.memory_space<vmem>>
    %dma_start3A_50 = arith.constant 0 : i32
    %dma_start3A_51 = tpu.memref_slice %arg4[%dma_start3A_44, %mul3A_2, %dma_start3A_50] : memref<8x1024x128xi32, #tpu.memory_space<hbm>> -> memref<1x32x128xi32, #tpu.memory_space<hbm>>
    %dma_start3A_52 = tpu.memref_squeeze %dma_start3A_51 : memref<1x32x128xi32, #tpu.memory_space<hbm>> -> memref<32x128xi32, #tpu.memory_space<hbm>>
    %dma_start3A_53 = arith.constant 0 : i32
    %dma_start3A_54 = arith.constant 0 : i32
    %dma_start3A_55 = tpu.memref_slice %arg10[%dma_start3A_45, %dma_start3A_53, %dma_start3A_54] : memref<8x32x128xi32, #tpu.memory_space<vmem>> -> memref<1x32x128xi32, #tpu.memory_space<vmem>>
    %dma_start3A_56 = tpu.memref_squeeze %dma_start3A_55 : memref<1x32x128xi32, #tpu.memory_space<vmem>> -> memref<32x128xi32, #tpu.memory_space<vmem>>
    %dma_start3A_57 = arith.constant 0 : i32
    %dma_start3A_58 = tpu.memref_slice %arg4[%dma_start3A_44, %mul3A_2, %dma_start3A_57] : memref<8x1024x128xi32, #tpu.memory_space<hbm>> -> memref<1x32x128xi32, #tpu.memory_space<hbm>>
    %dma_start3A_59 = tpu.memref_squeeze %dma_start3A_58 : memref<1x32x128xi32, #tpu.memory_space<hbm>> -> memref<32x128xi32, #tpu.memory_space<hbm>>
    tpu.enqueue_dma source(%dma_start3A_59 : memref<32x128xi32, #tpu.memory_space<hbm>>) target(%dma_start3A_56 : memref<32x128xi32, #tpu.memory_space<vmem>>) target_semaphore(%arg14 : memref<!tpu.dma_semaphore, #tpu.memory_space<semaphore_mem>>)
    %dma_start3A_60 = arith.constant 3 : i32
    %dma_start3A_61 = arith.constant 3 : i32
    %dma_start3A_62 = arith.constant 0 : i32
    %dma_start3A_63 = arith.constant 0 : i32
    %dma_start3A_64 = tpu.memref_slice %arg10[%dma_start3A_61, %dma_start3A_62, %dma_start3A_63] : memref<8x32x128xi32, #tpu.memory_space<vmem>> -> memref<1x32x128xi32, #tpu.memory_space<vmem>>
    %dma_start3A_65 = tpu.memref_squeeze %dma_start3A_64 : memref<1x32x128xi32, #tpu.memory_space<vmem>> -> memref<32x128xi32, #tpu.memory_space<vmem>>
    %dma_start3A_66 = arith.constant 0 : i32
    %dma_start3A_67 = tpu.memref_slice %arg4[%dma_start3A_60, %mul3A_2, %dma_start3A_66] : memref<8x1024x128xi32, #tpu.memory_space<hbm>> -> memref<1x32x128xi32, #tpu.memory_space<hbm>>
    %dma_start3A_68 = tpu.memref_squeeze %dma_start3A_67 : memref<1x32x128xi32, #tpu.memory_space<hbm>> -> memref<32x128xi32, #tpu.memory_space<hbm>>
    %dma_start3A_69 = arith.constant 0 : i32
    %dma_start3A_70 = arith.constant 0 : i32
    %dma_start3A_71 = tpu.memref_slice %arg10[%dma_start3A_61, %dma_start3A_69, %dma_start3A_70] : memref<8x32x128xi32, #tpu.memory_space<vmem>> -> memref<1x32x128xi32, #tpu.memory_space<vmem>>
    %dma_start3A_72 = tpu.memref_squeeze %dma_start3A_71 : memref<1x32x128xi32, #tpu.memory_space<vmem>> -> memref<32x128xi32, #tpu.memory_space<vmem>>
    %dma_start3A_73 = arith.constant 0 : i32
    %dma_start3A_74 = tpu.memref_slice %arg4[%dma_start3A_60, %mul3A_2, %dma_start3A_73] : memref<8x1024x128xi32, #tpu.memory_space<hbm>> -> memref<1x32x128xi32, #tpu.memory_space<hbm>>
    %dma_start3A_75 = tpu.memref_squeeze %dma_start3A_74 : memref<1x32x128xi32, #tpu.memory_space<hbm>> -> memref<32x128xi32, #tpu.memory_space<hbm>>
    tpu.enqueue_dma source(%dma_start3A_75 : memref<32x128xi32, #tpu.memory_space<hbm>>) target(%dma_start3A_72 : memref<32x128xi32, #tpu.memory_space<vmem>>) target_semaphore(%arg14 : memref<!tpu.dma_semaphore, #tpu.memory_space<semaphore_mem>>)
    %dma_start3A_76 = arith.constant 4 : i32
    %dma_start3A_77 = arith.constant 4 : i32
    %dma_start3A_78 = arith.constant 0 : i32
    %dma_start3A_79 = arith.constant 0 : i32
    %dma_start3A_80 = tpu.memref_slice %arg10[%dma_start3A_77, %dma_start3A_78, %dma_start3A_79] : memref<8x32x128xi32, #tpu.memory_space<vmem>> -> memref<1x32x128xi32, #tpu.memory_space<vmem>>
    %dma_start3A_81 = tpu.memref_squeeze %dma_start3A_80 : memref<1x32x128xi32, #tpu.memory_space<vmem>> -> memref<32x128xi32, #tpu.memory_space<vmem>>
    %dma_start3A_82 = arith.constant 0 : i32
    %dma_start3A_83 = tpu.memref_slice %arg4[%dma_start3A_76, %mul3A_2, %dma_start3A_82] : memref<8x1024x128xi32, #tpu.memory_space<hbm>> -> memref<1x32x128xi32, #tpu.memory_space<hbm>>
    %dma_start3A_84 = tpu.memref_squeeze %dma_start3A_83 : memref<1x32x128xi32, #tpu.memory_space<hbm>> -> memref<32x128xi32, #tpu.memory_space<hbm>>
    %dma_start3A_85 = arith.constant 0 : i32
    %dma_start3A_86 = arith.constant 0 : i32
    %dma_start3A_87 = tpu.memref_slice %arg10[%dma_start3A_77, %dma_start3A_85, %dma_start3A_86] : memref<8x32x128xi32, #tpu.memory_space<vmem>> -> memref<1x32x128xi32, #tpu.memory_space<vmem>>
    %dma_start3A_88 = tpu.memref_squeeze %dma_start3A_87 : memref<1x32x128xi32, #tpu.memory_space<vmem>> -> memref<32x128xi32, #tpu.memory_space<vmem>>
    %dma_start3A_89 = arith.constant 0 : i32
    %dma_start3A_90 = tpu.memref_slice %arg4[%dma_start3A_76, %mul3A_2, %dma_start3A_89] : memref<8x1024x128xi32, #tpu.memory_space<hbm>> -> memref<1x32x128xi32, #tpu.memory_space<hbm>>
    %dma_start3A_91 = tpu.memref_squeeze %dma_start3A_90 : memref<1x32x128xi32, #tpu.memory_space<hbm>> -> memref<32x128xi32, #tpu.memory_space<hbm>>
    tpu.enqueue_dma source(%dma_start3A_91 : memref<32x128xi32, #tpu.memory_space<hbm>>) target(%dma_start3A_88 : memref<32x128xi32, #tpu.memory_space<vmem>>) target_semaphore(%arg14 : memref<!tpu.dma_semaphore, #tpu.memory_space<semaphore_mem>>)
    %dma_start3A_92 = arith.constant 5 : i32
    %dma_start3A_93 = arith.constant 5 : i32
    %dma_start3A_94 = arith.constant 0 : i32
    %dma_start3A_95 = arith.constant 0 : i32
    %dma_start3A_96 = tpu.memref_slice %arg10[%dma_start3A_93, %dma_start3A_94, %dma_start3A_95] : memref<8x32x128xi32, #tpu.memory_space<vmem>> -> memref<1x32x128xi32, #tpu.memory_space<vmem>>
    %dma_start3A_97 = tpu.memref_squeeze %dma_start3A_96 : memref<1x32x128xi32, #tpu.memory_space<vmem>> -> memref<32x128xi32, #tpu.memory_space<vmem>>
    %dma_start3A_98 = arith.constant 0 : i32
    %dma_start3A_99 = tpu.memref_slice %arg4[%dma_start3A_92, %mul3A_2, %dma_start3A_98] : memref<8x1024x128xi32, #tpu.memory_space<hbm>> -> memref<1x32x128xi32, #tpu.memory_space<hbm>>
    %dma_start3A_100 = tpu.memref_squeeze %dma_start3A_99 : memref<1x32x128xi32, #tpu.memory_space<hbm>> -> memref<32x128xi32, #tpu.memory_space<hbm>>
    %dma_start3A_101 = arith.constant 0 : i32
    %dma_start3A_102 = arith.constant 0 : i32
    %dma_start3A_103 = tpu.memref_slice %arg10[%dma_start3A_93, %dma_start3A_101, %dma_start3A_102] : memref<8x32x128xi32, #tpu.memory_space<vmem>> -> memref<1x32x128xi32, #tpu.memory_space<vmem>>
    %dma_start3A_104 = tpu.memref_squeeze %dma_start3A_103 : memref<1x32x128xi32, #tpu.memory_space<vmem>> -> memref<32x128xi32, #tpu.memory_space<vmem>>
    %dma_start3A_105 = arith.constant 0 : i32
    %dma_start3A_106 = tpu.memref_slice %arg4[%dma_start3A_92, %mul3A_2, %dma_start3A_105] : memref<8x1024x128xi32, #tpu.memory_space<hbm>> -> memref<1x32x128xi32, #tpu.memory_space<hbm>>
    %dma_start3A_107 = tpu.memref_squeeze %dma_start3A_106 : memref<1x32x128xi32, #tpu.memory_space<hbm>> -> memref<32x128xi32, #tpu.memory_space<hbm>>
    tpu.enqueue_dma source(%dma_start3A_107 : memref<32x128xi32, #tpu.memory_space<hbm>>) target(%dma_start3A_104 : memref<32x128xi32, #tpu.memory_space<vmem>>) target_semaphore(%arg14 : memref<!tpu.dma_semaphore, #tpu.memory_space<semaphore_mem>>)
    %dma_start3A_108 = arith.constant 6 : i32
    %dma_start3A_109 = arith.constant 6 : i32
    %dma_start3A_110 = arith.constant 0 : i32
    %dma_start3A_111 = arith.constant 0 : i32
    %dma_start3A_112 = tpu.memref_slice %arg10[%dma_start3A_109, %dma_start3A_110, %dma_start3A_111] : memref<8x32x128xi32, #tpu.memory_space<vmem>> -> memref<1x32x128xi32, #tpu.memory_space<vmem>>
    %dma_start3A_113 = tpu.memref_squeeze %dma_start3A_112 : memref<1x32x128xi32, #tpu.memory_space<vmem>> -> memref<32x128xi32, #tpu.memory_space<vmem>>
    %dma_start3A_114 = arith.constant 0 : i32
    %dma_start3A_115 = tpu.memref_slice %arg4[%dma_start3A_108, %mul3A_2, %dma_start3A_114] : memref<8x1024x128xi32, #tpu.memory_space<hbm>> -> memref<1x32x128xi32, #tpu.memory_space<hbm>>
    %dma_start3A_116 = tpu.memref_squeeze %dma_start3A_115 : memref<1x32x128xi32, #tpu.memory_space<hbm>> -> memref<32x128xi32, #tpu.memory_space<hbm>>
    %dma_start3A_117 = arith.constant 0 : i32
    %dma_start3A_118 = arith.constant 0 : i32
    %dma_start3A_119 = tpu.memref_slice %arg10[%dma_start3A_109, %dma_start3A_117, %dma_start3A_118] : memref<8x32x128xi32, #tpu.memory_space<vmem>> -> memref<1x32x128xi32, #tpu.memory_space<vmem>>
    %dma_start3A_120 = tpu.memref_squeeze %dma_start3A_119 : memref<1x32x128xi32, #tpu.memory_space<vmem>> -> memref<32x128xi32, #tpu.memory_space<vmem>>
    %dma_start3A_121 = arith.constant 0 : i32
    %dma_start3A_122 = tpu.memref_slice %arg4[%dma_start3A_108, %mul3A_2, %dma_start3A_121] : memref<8x1024x128xi32, #tpu.memory_space<hbm>> -> memref<1x32x128xi32, #tpu.memory_space<hbm>>
    %dma_start3A_123 = tpu.memref_squeeze %dma_start3A_122 : memref<1x32x128xi32, #tpu.memory_space<hbm>> -> memref<32x128xi32, #tpu.memory_space<hbm>>
    tpu.enqueue_dma source(%dma_start3A_123 : memref<32x128xi32, #tpu.memory_space<hbm>>) target(%dma_start3A_120 : memref<32x128xi32, #tpu.memory_space<vmem>>) target_semaphore(%arg14 : memref<!tpu.dma_semaphore, #tpu.memory_space<semaphore_mem>>)
    %dma_start3A_124 = arith.constant 7 : i32
    %dma_start3A_125 = arith.constant 7 : i32
    %dma_start3A_126 = arith.constant 0 : i32
    %dma_start3A_127 = arith.constant 0 : i32
    %dma_start3A_128 = tpu.memref_slice %arg10[%dma_start3A_125, %dma_start3A_126, %dma_start3A_127] : memref<8x32x128xi32, #tpu.memory_space<vmem>> -> memref<1x32x128xi32, #tpu.memory_space<vmem>>
    %dma_start3A_129 = tpu.memref_squeeze %dma_start3A_128 : memref<1x32x128xi32, #tpu.memory_space<vmem>> -> memref<32x128xi32, #tpu.memory_space<vmem>>
    %dma_start3A_130 = arith.constant 0 : i32
    %dma_start3A_131 = tpu.memref_slice %arg4[%dma_start3A_124, %mul3A_2, %dma_start3A_130] : memref<8x1024x128xi32, #tpu.memory_space<hbm>> -> memref<1x32x128xi32, #tpu.memory_space<hbm>>
    %dma_start3A_132 = tpu.memref_squeeze %dma_start3A_131 : memref<1x32x128xi32, #tpu.memory_space<hbm>> -> memref<32x128xi32, #tpu.memory_space<hbm>>
    %dma_start3A_133 = arith.constant 0 : i32
    %dma_start3A_134 = arith.constant 0 : i32
    %dma_start3A_135 = tpu.memref_slice %arg10[%dma_start3A_125, %dma_start3A_133, %dma_start3A_134] : memref<8x32x128xi32, #tpu.memory_space<vmem>> -> memref<1x32x128xi32, #tpu.memory_space<vmem>>
    %dma_start3A_136 = tpu.memref_squeeze %dma_start3A_135 : memref<1x32x128xi32, #tpu.memory_space<vmem>> -> memref<32x128xi32, #tpu.memory_space<vmem>>
    %dma_start3A_137 = arith.constant 0 : i32
    %dma_start3A_138 = tpu.memref_slice %arg4[%dma_start3A_124, %mul3A_2, %dma_start3A_137] : memref<8x1024x128xi32, #tpu.memory_space<hbm>> -> memref<1x32x128xi32, #tpu.memory_space<hbm>>
    %dma_start3A_139 = tpu.memref_squeeze %dma_start3A_138 : memref<1x32x128xi32, #tpu.memory_space<hbm>> -> memref<32x128xi32, #tpu.memory_space<hbm>>
    tpu.enqueue_dma source(%dma_start3A_139 : memref<32x128xi32, #tpu.memory_space<hbm>>) target(%dma_start3A_136 : memref<32x128xi32, #tpu.memory_space<vmem>>) target_semaphore(%arg14 : memref<!tpu.dma_semaphore, #tpu.memory_space<semaphore_mem>>)
    %dma_wait3A = arith.constant 0 : i32
    %dma_wait3A_140 = tpu.memref_slice %arg2[%dma_wait3A, %mul3A_2] : memref<1x1024xi32, #tpu.memory_space<hbm>> -> memref<1x32xi32, #tpu.memory_space<hbm>>
    %dma_wait3A_141 = tpu.memref_squeeze %dma_wait3A_140 : memref<1x32xi32, #tpu.memory_space<hbm>> -> memref<32xi32, #tpu.memory_space<hbm>>
    %dma_wait3A_142 = tpu.memref_slice %arg2[%dma_wait3A, %mul3A_2] : memref<1x1024xi32, #tpu.memory_space<hbm>> -> memref<1x32xi32, #tpu.memory_space<hbm>>
    %dma_wait3A_143 = tpu.memref_squeeze %dma_wait3A_142 : memref<1x32xi32, #tpu.memory_space<hbm>> -> memref<32xi32, #tpu.memory_space<hbm>>
    tpu.wait_dma2 semaphore(%arg14 : memref<!tpu.dma_semaphore, #tpu.memory_space<semaphore_mem>>) src(%dma_wait3A_143 : memref<32xi32, #tpu.memory_space<hbm>>) dst(%arg8 : memref<32xi32, #tpu.memory_space<vmem>>)
    %dma_wait3A_144 = arith.constant 0 : i32
    %dma_wait3A_145 = tpu.memref_slice %arg3[%dma_wait3A_144, %mul3A_2] : memref<1x1024xi32, #tpu.memory_space<hbm>> -> memref<1x32xi32, #tpu.memory_space<hbm>>
    %dma_wait3A_146 = tpu.memref_squeeze %dma_wait3A_145 : memref<1x32xi32, #tpu.memory_space<hbm>> -> memref<32xi32, #tpu.memory_space<hbm>>
    %dma_wait3A_147 = tpu.memref_slice %arg3[%dma_wait3A_144, %mul3A_2] : memref<1x1024xi32, #tpu.memory_space<hbm>> -> memref<1x32xi32, #tpu.memory_space<hbm>>
    %dma_wait3A_148 = tpu.memref_squeeze %dma_wait3A_147 : memref<1x32xi32, #tpu.memory_space<hbm>> -> memref<32xi32, #tpu.memory_space<hbm>>
    tpu.wait_dma2 semaphore(%arg14 : memref<!tpu.dma_semaphore, #tpu.memory_space<semaphore_mem>>) src(%dma_wait3A_148 : memref<32xi32, #tpu.memory_space<hbm>>) dst(%arg9 : memref<32xi32, #tpu.memory_space<vmem>>)
    %iota3A = tpu.iota {dimensions = array<i32: 0>} : vector<16xi32>
    %get3A = arith.constant 0 : index
    %get3A_149 = tpu.vector_load %arg8[%get3A] {strides = array<i32>} : memref<32xi32, #tpu.memory_space<vmem>>, vector<16xi32>,
    %get3A_150 = arith.constant 16 : index
    %get3A_151 = tpu.vector_load %arg8[%get3A_150] {strides = array<i32>} : memref<32xi32, #tpu.memory_space<vmem>>, vector<16xi32>,
    %dma_start3A_152 = arith.constant 0 : i32
    %dma_start3A_153 = arith.constant 0 : i32
    %dma_start3A_154 = arith.constant 0 : i32
    %dma_start3A_155 = tpu.memref_slice %arg11[%dma_start3A_152, %dma_start3A_153, %dma_start3A_154] : memref<32x8x128xf32, #tpu.memory_space<vmem>> -> memref<16x8x128xf32, #tpu.memory_space<vmem>>
    %dma_start3A_156 = arith.constant 0 : i32
    %dma_start3A_157 = arith.constant 0 : i32
    %dma_start3A_158 = arith.constant 0 : i32
    %dma_start3A_159 = tpu.memref_slice %arg5[%dma_start3A_156, %dma_start3A_157, %dma_start3A_158] : memref<1024x8x128xf32, #tpu.memory_space<hbm>> -> memref<1024x8x128xf32, #tpu.memory_space<hbm>>
    tpu.enqueue_indirect_dma source(%dma_start3A_159 : memref<1024x8x128xf32, #tpu.memory_space<hbm>>) target(%dma_start3A_155 : memref<16x8x128xf32, #tpu.memory_space<vmem>>) offsets(%get3A_149 : vector<16xi32>) semaphore(%arg15 : memref<!tpu.dma_semaphore, #tpu.memory_space<semaphore_mem>>)
    %dma_start3A_160 = arith.constant 16 : i32
    %dma_start3A_161 = arith.constant 0 : i32
    %dma_start3A_162 = arith.constant 0 : i32
    %dma_start3A_163 = tpu.memref_slice %arg11[%dma_start3A_160, %dma_start3A_161, %dma_start3A_162] : memref<32x8x128xf32, #tpu.memory_space<vmem>> -> memref<16x8x128xf32, #tpu.memory_space<vmem>>
    %dma_start3A_164 = arith.constant 0 : i32
    %dma_start3A_165 = arith.constant 0 : i32
    %dma_start3A_166 = arith.constant 0 : i32
    %dma_start3A_167 = tpu.memref_slice %arg5[%dma_start3A_164, %dma_start3A_165, %dma_start3A_166] : memref<1024x8x128xf32, #tpu.memory_space<hbm>> -> memref<1024x8x128xf32, #tpu.memory_space<hbm>>
    tpu.enqueue_indirect_dma source(%dma_start3A_167 : memref<1024x8x128xf32, #tpu.memory_space<hbm>>) target(%dma_start3A_163 : memref<16x8x128xf32, #tpu.memory_space<vmem>>) offsets(%get3A_151 : vector<16xi32>) semaphore(%arg16 : memref<!tpu.dma_semaphore, #tpu.memory_space<semaphore_mem>>)
    %dma_wait3A_168 = arith.constant 0 : i32
    %dma_wait3A_169 = arith.constant 0 : i32
    %dma_wait3A_170 = arith.constant 0 : i32
    %dma_wait3A_171 = arith.constant 0 : i32
    %dma_wait3A_172 = tpu.memref_slice %arg10[%dma_wait3A_169, %dma_wait3A_170, %dma_wait3A_171] : memref<8x32x128xi32, #tpu.memory_space<vmem>> -> memref<1x32x128xi32, #tpu.memory_space<vmem>>
    %dma_wait3A_173 = tpu.memref_squeeze %dma_wait3A_172 : memref<1x32x128xi32, #tpu.memory_space<vmem>> -> memref<32x128xi32, #tpu.memory_space<vmem>>
    %dma_wait3A_174 = arith.constant 0 : i32
    %dma_wait3A_175 = tpu.memref_slice %arg4[%dma_wait3A_168, %mul3A_2, %dma_wait3A_174] : memref<8x1024x128xi32, #tpu.memory_space<hbm>> -> memref<1x32x128xi32, #tpu.memory_space<hbm>>
    %dma_wait3A_176 = tpu.memref_squeeze %dma_wait3A_175 : memref<1x32x128xi32, #tpu.memory_space<hbm>> -> memref<32x128xi32, #tpu.memory_space<hbm>>
    %dma_wait3A_177 = arith.constant 0 : i32
    %dma_wait3A_178 = arith.constant 0 : i32
    %dma_wait3A_179 = tpu.memref_slice %arg10[%dma_wait3A_169, %dma_wait3A_177, %dma_wait3A_178] : memref<8x32x128xi32, #tpu.memory_space<vmem>> -> memref<1x32x128xi32, #tpu.memory_space<vmem>>
    %dma_wait3A_180 = tpu.memref_squeeze %dma_wait3A_179 : memref<1x32x128xi32, #tpu.memory_space<vmem>> -> memref<32x128xi32, #tpu.memory_space<vmem>>
    %dma_wait3A_181 = arith.constant 0 : i32
    %dma_wait3A_182 = tpu.memref_slice %arg4[%dma_wait3A_168, %mul3A_2, %dma_wait3A_181] : memref<8x1024x128xi32, #tpu.memory_space<hbm>> -> memref<1x32x128xi32, #tpu.memory_space<hbm>>
    %dma_wait3A_183 = tpu.memref_squeeze %dma_wait3A_182 : memref<1x32x128xi32, #tpu.memory_space<hbm>> -> memref<32x128xi32, #tpu.memory_space<hbm>>
    tpu.wait_dma2 semaphore(%arg14 : memref<!tpu.dma_semaphore, #tpu.memory_space<semaphore_mem>>) src(%dma_wait3A_183 : memref<32x128xi32, #tpu.memory_space<hbm>>) dst(%dma_wait3A_180 : memref<32x128xi32, #tpu.memory_space<vmem>>)
    %dma_wait3A_184 = arith.constant 1 : i32
    %dma_wait3A_185 = arith.constant 1 : i32
    %dma_wait3A_186 = arith.constant 0 : i32
    %dma_wait3A_187 = arith.constant 0 : i32
    %dma_wait3A_188 = tpu.memref_slice %arg10[%dma_wait3A_185, %dma_wait3A_186, %dma_wait3A_187] : memref<8x32x128xi32, #tpu.memory_space<vmem>> -> memref<1x32x128xi32, #tpu.memory_space<vmem>>
    %dma_wait3A_189 = tpu.memref_squeeze %dma_wait3A_188 : memref<1x32x128xi32, #tpu.memory_space<vmem>> -> memref<32x128xi32, #tpu.memory_space<vmem>>
    %dma_wait3A_190 = arith.constant 0 : i32
    %dma_wait3A_191 = tpu.memref_slice %arg4[%dma_wait3A_184, %mul3A_2, %dma_wait3A_190] : memref<8x1024x128xi32, #tpu.memory_space<hbm>> -> memref<1x32x128xi32, #tpu.memory_space<hbm>>
    %dma_wait3A_192 = tpu.memref_squeeze %dma_wait3A_191 : memref<1x32x128xi32, #tpu.memory_space<hbm>> -> memref<32x128xi32, #tpu.memory_space<hbm>>
    %dma_wait3A_193 = arith.constant 0 : i32
    %dma_wait3A_194 = arith.constant 0 : i32
    %dma_wait3A_195 = tpu.memref_slice %arg10[%dma_wait3A_185, %dma_wait3A_193, %dma_wait3A_194] : memref<8x32x128xi32, #tpu.memory_space<vmem>> -> memref<1x32x128xi32, #tpu.memory_space<vmem>>
    %dma_wait3A_196 = tpu.memref_squeeze %dma_wait3A_195 : memref<1x32x128xi32, #tpu.memory_space<vmem>> -> memref<32x128xi32, #tpu.memory_space<vmem>>
    %dma_wait3A_197 = arith.constant 0 : i32
    %dma_wait3A_198 = tpu.memref_slice %arg4[%dma_wait3A_184, %mul3A_2, %dma_wait3A_197] : memref<8x1024x128xi32, #tpu.memory_space<hbm>> -> memref<1x32x128xi32, #tpu.memory_space<hbm>>
    %dma_wait3A_199 = tpu.memref_squeeze %dma_wait3A_198 : memref<1x32x128xi32, #tpu.memory_space<hbm>> -> memref<32x128xi32, #tpu.memory_space<hbm>>
    tpu.wait_dma2 semaphore(%arg14 : memref<!tpu.dma_semaphore, #tpu.memory_space<semaphore_mem>>) src(%dma_wait3A_199 : memref<32x128xi32, #tpu.memory_space<hbm>>) dst(%dma_wait3A_196 : memref<32x128xi32, #tpu.memory_space<vmem>>)
    %dma_wait3A_200 = arith.constant 2 : i32
    %dma_wait3A_201 = arith.constant 2 : i32
    %dma_wait3A_202 = arith.constant 0 : i32
    %dma_wait3A_203 = arith.constant 0 : i32
    %dma_wait3A_204 = tpu.memref_slice %arg10[%dma_wait3A_201, %dma_wait3A_202, %dma_wait3A_203] : memref<8x32x128xi32, #tpu.memory_space<vmem>> -> memref<1x32x128xi32, #tpu.memory_space<vmem>>
    %dma_wait3A_205 = tpu.memref_squeeze %dma_wait3A_204 : memref<1x32x128xi32, #tpu.memory_space<vmem>> -> memref<32x128xi32, #tpu.memory_space<vmem>>
    %dma_wait3A_206 = arith.constant 0 : i32
    %dma_wait3A_207 = tpu.memref_slice %arg4[%dma_wait3A_200, %mul3A_2, %dma_wait3A_206] : memref<8x1024x128xi32, #tpu.memory_space<hbm>> -> memref<1x32x128xi32, #tpu.memory_space<hbm>>
    %dma_wait3A_208 = tpu.memref_squeeze %dma_wait3A_207 : memref<1x32x128xi32, #tpu.memory_space<hbm>> -> memref<32x128xi32, #tpu.memory_space<hbm>>
    %dma_wait3A_209 = arith.constant 0 : i32
    %dma_wait3A_210 = arith.constant 0 : i32
    %dma_wait3A_211 = tpu.memref_slice %arg10[%dma_wait3A_201, %dma_wait3A_209, %dma_wait3A_210] : memref<8x32x128xi32, #tpu.memory_space<vmem>> -> memref<1x32x128xi32, #tpu.memory_space<vmem>>
    %dma_wait3A_212 = tpu.memref_squeeze %dma_wait3A_211 : memref<1x32x128xi32, #tpu.memory_space<vmem>> -> memref<32x128xi32, #tpu.memory_space<vmem>>
    %dma_wait3A_213 = arith.constant 0 : i32
    %dma_wait3A_214 = tpu.memref_slice %arg4[%dma_wait3A_200, %mul3A_2, %dma_wait3A_213] : memref<8x1024x128xi32, #tpu.memory_space<hbm>> -> memref<1x32x128xi32, #tpu.memory_space<hbm>>
    %dma_wait3A_215 = tpu.memref_squeeze %dma_wait3A_214 : memref<1x32x128xi32, #tpu.memory_space<hbm>> -> memref<32x128xi32, #tpu.memory_space<hbm>>
    tpu.wait_dma2 semaphore(%arg14 : memref<!tpu.dma_semaphore, #tpu.memory_space<semaphore_mem>>) src(%dma_wait3A_215 : memref<32x128xi32, #tpu.memory_space<hbm>>) dst(%dma_wait3A_212 : memref<32x128xi32, #tpu.memory_space<vmem>>)
    %dma_wait3A_216 = arith.constant 3 : i32
    %dma_wait3A_217 = arith.constant 3 : i32
    %dma_wait3A_218 = arith.constant 0 : i32
    %dma_wait3A_219 = arith.constant 0 : i32
    %dma_wait3A_220 = tpu.memref_slice %arg10[%dma_wait3A_217, %dma_wait3A_218, %dma_wait3A_219] : memref<8x32x128xi32, #tpu.memory_space<vmem>> -> memref<1x32x128xi32, #tpu.memory_space<vmem>>
    %dma_wait3A_221 = tpu.memref_squeeze %dma_wait3A_220 : memref<1x32x128xi32, #tpu.memory_space<vmem>> -> memref<32x128xi32, #tpu.memory_space<vmem>>
    %dma_wait3A_222 = arith.constant 0 : i32
    %dma_wait3A_223 = tpu.memref_slice %arg4[%dma_wait3A_216, %mul3A_2, %dma_wait3A_222] : memref<8x1024x128xi32, #tpu.memory_space<hbm>> -> memref<1x32x128xi32, #tpu.memory_space<hbm>>
    %dma_wait3A_224 = tpu.memref_squeeze %dma_wait3A_223 : memref<1x32x128xi32, #tpu.memory_space<hbm>> -> memref<32x128xi32, #tpu.memory_space<hbm>>
    %dma_wait3A_225 = arith.constant 0 : i32
    %dma_wait3A_226 = arith.constant 0 : i32
    %dma_wait3A_227 = tpu.memref_slice %arg10[%dma_wait3A_217, %dma_wait3A_225, %dma_wait3A_226] : memref<8x32x128xi32, #tpu.memory_space<vmem>> -> memref<1x32x128xi32, #tpu.memory_space<vmem>>
    %dma_wait3A_228 = tpu.memref_squeeze %dma_wait3A_227 : memref<1x32x128xi32, #tpu.memory_space<vmem>> -> memref<32x128xi32, #tpu.memory_space<vmem>>
    %dma_wait3A_229 = arith.constant 0 : i32
    %dma_wait3A_230 = tpu.memref_slice %arg4[%dma_wait3A_216, %mul3A_2, %dma_wait3A_229] : memref<8x1024x128xi32, #tpu.memory_space<hbm>> -> memref<1x32x128xi32, #tpu.memory_space<hbm>>
    %dma_wait3A_231 = tpu.memref_squeeze %dma_wait3A_230 : memref<1x32x128xi32, #tpu.memory_space<hbm>> -> memref<32x128xi32, #tpu.memory_space<hbm>>
    tpu.wait_dma2 semaphore(%arg14 : memref<!tpu.dma_semaphore, #tpu.memory_space<semaphore_mem>>) src(%dma_wait3A_231 : memref<32x128xi32, #tpu.memory_space<hbm>>) dst(%dma_wait3A_228 : memref<32x128xi32, #tpu.memory_space<vmem>>)
    %dma_wait3A_232 = arith.constant 4 : i32
    %dma_wait3A_233 = arith.constant 4 : i32
    %dma_wait3A_234 = arith.constant 0 : i32
    %dma_wait3A_235 = arith.constant 0 : i32
    %dma_wait3A_236 = tpu.memref_slice %arg10[%dma_wait3A_233, %dma_wait3A_234, %dma_wait3A_235] : memref<8x32x128xi32, #tpu.memory_space<vmem>> -> memref<1x32x128xi32, #tpu.memory_space<vmem>>
    %dma_wait3A_237 = tpu.memref_squeeze %dma_wait3A_236 : memref<1x32x128xi32, #tpu.memory_space<vmem>> -> memref<32x128xi32, #tpu.memory_space<vmem>>
    %dma_wait3A_238 = arith.constant 0 : i32
    %dma_wait3A_239 = tpu.memref_slice %arg4[%dma_wait3A_232, %mul3A_2, %dma_wait3A_238] : memref<8x1024x128xi32, #tpu.memory_space<hbm>> -> memref<1x32x128xi32, #tpu.memory_space<hbm>>
    %dma_wait3A_240 = tpu.memref_squeeze %dma_wait3A_239 : memref<1x32x128xi32, #tpu.memory_space<hbm>> -> memref<32x128xi32, #tpu.memory_space<hbm>>
    %dma_wait3A_241 = arith.constant 0 : i32
    %dma_wait3A_242 = arith.constant 0 : i32
    %dma_wait3A_243 = tpu.memref_slice %arg10[%dma_wait3A_233, %dma_wait3A_241, %dma_wait3A_242] : memref<8x32x128xi32, #tpu.memory_space<vmem>> -> memref<1x32x128xi32, #tpu.memory_space<vmem>>
    %dma_wait3A_244 = tpu.memref_squeeze %dma_wait3A_243 : memref<1x32x128xi32, #tpu.memory_space<vmem>> -> memref<32x128xi32, #tpu.memory_space<vmem>>
    %dma_wait3A_245 = arith.constant 0 : i32
    %dma_wait3A_246 = tpu.memref_slice %arg4[%dma_wait3A_232, %mul3A_2, %dma_wait3A_245] : memref<8x1024x128xi32, #tpu.memory_space<hbm>> -> memref<1x32x128xi32, #tpu.memory_space<hbm>>
    %dma_wait3A_247 = tpu.memref_squeeze %dma_wait3A_246 : memref<1x32x128xi32, #tpu.memory_space<hbm>> -> memref<32x128xi32, #tpu.memory_space<hbm>>
    tpu.wait_dma2 semaphore(%arg14 : memref<!tpu.dma_semaphore, #tpu.memory_space<semaphore_mem>>) src(%dma_wait3A_247 : memref<32x128xi32, #tpu.memory_space<hbm>>) dst(%dma_wait3A_244 : memref<32x128xi32, #tpu.memory_space<vmem>>)
    %dma_wait3A_248 = arith.constant 5 : i32
    %dma_wait3A_249 = arith.constant 5 : i32
    %dma_wait3A_250 = arith.constant 0 : i32
    %dma_wait3A_251 = arith.constant 0 : i32
    %dma_wait3A_252 = tpu.memref_slice %arg10[%dma_wait3A_249, %dma_wait3A_250, %dma_wait3A_251] : memref<8x32x128xi32, #tpu.memory_space<vmem>> -> memref<1x32x128xi32, #tpu.memory_space<vmem>>
    %dma_wait3A_253 = tpu.memref_squeeze %dma_wait3A_252 : memref<1x32x128xi32, #tpu.memory_space<vmem>> -> memref<32x128xi32, #tpu.memory_space<vmem>>
    %dma_wait3A_254 = arith.constant 0 : i32
    %dma_wait3A_255 = tpu.memref_slice %arg4[%dma_wait3A_248, %mul3A_2, %dma_wait3A_254] : memref<8x1024x128xi32, #tpu.memory_space<hbm>> -> memref<1x32x128xi32, #tpu.memory_space<hbm>>
    %dma_wait3A_256 = tpu.memref_squeeze %dma_wait3A_255 : memref<1x32x128xi32, #tpu.memory_space<hbm>> -> memref<32x128xi32, #tpu.memory_space<hbm>>
    %dma_wait3A_257 = arith.constant 0 : i32
    %dma_wait3A_258 = arith.constant 0 : i32
    %dma_wait3A_259 = tpu.memref_slice %arg10[%dma_wait3A_249, %dma_wait3A_257, %dma_wait3A_258] : memref<8x32x128xi32, #tpu.memory_space<vmem>> -> memref<1x32x128xi32, #tpu.memory_space<vmem>>
    %dma_wait3A_260 = tpu.memref_squeeze %dma_wait3A_259 : memref<1x32x128xi32, #tpu.memory_space<vmem>> -> memref<32x128xi32, #tpu.memory_space<vmem>>
    %dma_wait3A_261 = arith.constant 0 : i32
    %dma_wait3A_262 = tpu.memref_slice %arg4[%dma_wait3A_248, %mul3A_2, %dma_wait3A_261] : memref<8x1024x128xi32, #tpu.memory_space<hbm>> -> memref<1x32x128xi32, #tpu.memory_space<hbm>>
    %dma_wait3A_263 = tpu.memref_squeeze %dma_wait3A_262 : memref<1x32x128xi32, #tpu.memory_space<hbm>> -> memref<32x128xi32, #tpu.memory_space<hbm>>
    tpu.wait_dma2 semaphore(%arg14 : memref<!tpu.dma_semaphore, #tpu.memory_space<semaphore_mem>>) src(%dma_wait3A_263 : memref<32x128xi32, #tpu.memory_space<hbm>>) dst(%dma_wait3A_260 : memref<32x128xi32, #tpu.memory_space<vmem>>)
    %dma_wait3A_264 = arith.constant 6 : i32
    %dma_wait3A_265 = arith.constant 6 : i32
    %dma_wait3A_266 = arith.constant 0 : i32
    %dma_wait3A_267 = arith.constant 0 : i32
    %dma_wait3A_268 = tpu.memref_slice %arg10[%dma_wait3A_265, %dma_wait3A_266, %dma_wait3A_267] : memref<8x32x128xi32, #tpu.memory_space<vmem>> -> memref<1x32x128xi32, #tpu.memory_space<vmem>>
    %dma_wait3A_269 = tpu.memref_squeeze %dma_wait3A_268 : memref<1x32x128xi32, #tpu.memory_space<vmem>> -> memref<32x128xi32, #tpu.memory_space<vmem>>
    %dma_wait3A_270 = arith.constant 0 : i32
    %dma_wait3A_271 = tpu.memref_slice %arg4[%dma_wait3A_264, %mul3A_2, %dma_wait3A_270] : memref<8x1024x128xi32, #tpu.memory_space<hbm>> -> memref<1x32x128xi32, #tpu.memory_space<hbm>>
    %dma_wait3A_272 = tpu.memref_squeeze %dma_wait3A_271 : memref<1x32x128xi32, #tpu.memory_space<hbm>> -> memref<32x128xi32, #tpu.memory_space<hbm>>
    %dma_wait3A_273 = arith.constant 0 : i32
    %dma_wait3A_274 = arith.constant 0 : i32
    %dma_wait3A_275 = tpu.memref_slice %arg10[%dma_wait3A_265, %dma_wait3A_273, %dma_wait3A_274] : memref<8x32x128xi32, #tpu.memory_space<vmem>> -> memref<1x32x128xi32, #tpu.memory_space<vmem>>
    %dma_wait3A_276 = tpu.memref_squeeze %dma_wait3A_275 : memref<1x32x128xi32, #tpu.memory_space<vmem>> -> memref<32x128xi32, #tpu.memory_space<vmem>>
    %dma_wait3A_277 = arith.constant 0 : i32
    %dma_wait3A_278 = tpu.memref_slice %arg4[%dma_wait3A_264, %mul3A_2, %dma_wait3A_277] : memref<8x1024x128xi32, #tpu.memory_space<hbm>> -> memref<1x32x128xi32, #tpu.memory_space<hbm>>
    %dma_wait3A_279 = tpu.memref_squeeze %dma_wait3A_278 : memref<1x32x128xi32, #tpu.memory_space<hbm>> -> memref<32x128xi32, #tpu.memory_space<hbm>>
    tpu.wait_dma2 semaphore(%arg14 : memref<!tpu.dma_semaphore, #tpu.memory_space<semaphore_mem>>) src(%dma_wait3A_279 : memref<32x128xi32, #tpu.memory_space<hbm>>) dst(%dma_wait3A_276 : memref<32x128xi32, #tpu.memory_space<vmem>>)
    %dma_wait3A_280 = arith.constant 7 : i32
    %dma_wait3A_281 = arith.constant 7 : i32
    %dma_wait3A_282 = arith.constant 0 : i32
    %dma_wait3A_283 = arith.constant 0 : i32
    %dma_wait3A_284 = tpu.memref_slice %arg10[%dma_wait3A_281, %dma_wait3A_282, %dma_wait3A_283] : memref<8x32x128xi32, #tpu.memory_space<vmem>> -> memref<1x32x128xi32, #tpu.memory_space<vmem>>
    %dma_wait3A_285 = tpu.memref_squeeze %dma_wait3A_284 : memref<1x32x128xi32, #tpu.memory_space<vmem>> -> memref<32x128xi32, #tpu.memory_space<vmem>>
    %dma_wait3A_286 = arith.constant 0 : i32
    %dma_wait3A_287 = tpu.memref_slice %arg4[%dma_wait3A_280, %mul3A_2, %dma_wait3A_286] : memref<8x1024x128xi32, #tpu.memory_space<hbm>> -> memref<1x32x128xi32, #tpu.memory_space<hbm>>
    %dma_wait3A_288 = tpu.memref_squeeze %dma_wait3A_287 : memref<1x32x128xi32, #tpu.memory_space<hbm>> -> memref<32x128xi32, #tpu.memory_space<hbm>>
    %dma_wait3A_289 = arith.constant 0 : i32
    %dma_wait3A_290 = arith.constant 0 : i32
    %dma_wait3A_291 = tpu.memref_slice %arg10[%dma_wait3A_281, %dma_wait3A_289, %dma_wait3A_290] : memref<8x32x128xi32, #tpu.memory_space<vmem>> -> memref<1x32x128xi32, #tpu.memory_space<vmem>>
    %dma_wait3A_292 = tpu.memref_squeeze %dma_wait3A_291 : memref<1x32x128xi32, #tpu.memory_space<vmem>> -> memref<32x128xi32, #tpu.memory_space<vmem>>
    %dma_wait3A_293 = arith.constant 0 : i32
    %dma_wait3A_294 = tpu.memref_slice %arg4[%dma_wait3A_280, %mul3A_2, %dma_wait3A_293] : memref<8x1024x128xi32, #tpu.memory_space<hbm>> -> memref<1x32x128xi32, #tpu.memory_space<hbm>>
    %dma_wait3A_295 = tpu.memref_squeeze %dma_wait3A_294 : memref<1x32x128xi32, #tpu.memory_space<hbm>> -> memref<32x128xi32, #tpu.memory_space<hbm>>
    tpu.wait_dma2 semaphore(%arg14 : memref<!tpu.dma_semaphore, #tpu.memory_space<semaphore_mem>>) src(%dma_wait3A_295 : memref<32x128xi32, #tpu.memory_space<hbm>>) dst(%dma_wait3A_292 : memref<32x128xi32, #tpu.memory_space<vmem>>)
    %dma_wait3A_296 = arith.constant 0 : i32
    %dma_wait3A_297 = arith.constant 0 : i32
    %dma_wait3A_298 = arith.constant 0 : i32
    %dma_wait3A_299 = tpu.memref_slice %arg11[%dma_wait3A_296, %dma_wait3A_297, %dma_wait3A_298] : memref<32x8x128xf32, #tpu.memory_space<vmem>> -> memref<16x8x128xf32, #tpu.memory_space<vmem>>
    %dma_wait3A_300 = arith.constant 0 : i32
    %dma_wait3A_301 = arith.constant 0 : i32
    %dma_wait3A_302 = arith.constant 0 : i32
    %dma_wait3A_303 = tpu.memref_slice %arg5[%dma_wait3A_300, %dma_wait3A_301, %dma_wait3A_302] : memref<1024x8x128xf32, #tpu.memory_space<hbm>> -> memref<1024x8x128xf32, #tpu.memory_space<hbm>>
    tpu.wait_indirect_dma semaphore(%arg15 : memref<!tpu.dma_semaphore, #tpu.memory_space<semaphore_mem>>) src(%dma_wait3A_303 : memref<1024x8x128xf32, #tpu.memory_space<hbm>>) dst(%dma_wait3A_299 : memref<16x8x128xf32, #tpu.memory_space<vmem>>)
    %get3A_304 = arith.constant 0 : index
    %get3A_305 = tpu.vector_load %arg9[%get3A_304] {strides = array<i32>} : memref<32xi32, #tpu.memory_space<vmem>>, vector<16xi32>,
    %shift_right_logical3A = arith.constant 7 : i32
    %shift_right_logical3A_306 = vector.broadcast %shift_right_logical3A : i32 to vector<16xi32>
    %shift_right_logical3A_307 = arith.shrui %get3A_305, %shift_right_logical3A_306 : vector<16xi32>
    %and3A = arith.constant 127 : i32
    %and3A_308 = vector.broadcast %and3A : i32 to vector<16xi32>
    %and3A_309 = arith.andi %get3A_305, %and3A_308 : vector<16xi32>
    %gather3A = tpu.vector_load_idx %arg11[%iota3A, %shift_right_logical3A_307, %and3A_309] : memref<32x8x128xf32, #tpu.memory_space<vmem>>[vector<16xi32>, vector<16xi32>, vector<16xi32>], vector<16xf32>,
    %swap3A = arith.constant 0 : i32
    %swap3A_310 = arith.index_cast %swap3A : i32 to index
    %swap3A_311 = arith.constant 0 : index
    %swap3A_312 = tpu.vector_load %arg13[%swap3A_310, %swap3A_311] {strides = array<i32>} : memref<1x32xf32, #tpu.memory_space<vmem>>, vector<16xf32>,
    tpu.vector_store %arg13[%swap3A_310, %swap3A_311], %gather3A {strides = array<i32>} : memref<1x32xf32, #tpu.memory_space<vmem>>, vector<16xf32>,
    %scan3A = arith.constant 0 : i32
    %scan3A_313 = arith.constant 0 : i32
    %scan3A_314 = arith.constant 16 : i32
    %scan3A_315 = arith.addi %scan3A_313, %scan3A_314 : i32
    %scan3A_316 = arith.constant 1 : i32
    %scan3A_317 = scf.for %scan3A_359 = %scan3A_313 to %scan3A_315 step %scan3A_316 iter_args(%scan3A_360 = %scan3A) -> (i32)  : i32 {
      %broadcast_in_dim3A = vector.broadcast %scan3A_359 : i32 to vector<16xi32>
      %get3A_361 = arith.constant 0 : i32
      %get3A_362 = arith.index_cast %get3A_361 : i32 to index
      %get3A_363 = arith.index_cast %scan3A_359 : i32 to index
      %get3A_364 = arith.constant 0 : index
      %get3A_365 = tpu.vector_load %arg10[%get3A_362, %get3A_363, %get3A_364] {strides = array<i32>} : memref<8x32x128xi32, #tpu.memory_space<vmem>>, vector<16xi32>,
      %shift_right_logical3A_366 = arith.constant 7 : i32
      %shift_right_logical3A_367 = vector.broadcast %shift_right_logical3A_366 : i32 to vector<16xi32>
      %shift_right_logical3A_368 = arith.shrui %get3A_365, %shift_right_logical3A_367 : vector<16xi32>
      %and3A_369 = arith.constant 127 : i32
      %and3A_370 = vector.broadcast %and3A_369 : i32 to vector<16xi32>
      %and3A_371 = arith.andi %get3A_365, %and3A_370 : vector<16xi32>
      %gather3A_372 = tpu.vector_load_idx %arg11[%broadcast_in_dim3A, %shift_right_logical3A_368, %and3A_371] : memref<32x8x128xf32, #tpu.memory_space<vmem>>[vector<16xi32>, vector<16xi32>, vector<16xi32>], vector<16xf32>,
      %get3A_373 = arith.constant 0 : i32
      %get3A_374 = arith.index_cast %get3A_373 : i32 to index
      %get3A_375 = arith.index_cast %scan3A_359 : i32 to index
      %get3A_376 = arith.constant 16 : index
      %get3A_377 = tpu.vector_load %arg10[%get3A_374, %get3A_375, %get3A_376] {strides = array<i32>} : memref<8x32x128xi32, #tpu.memory_space<vmem>>, vector<16xi32>,
      %shift_right_logical3A_378 = arith.constant 7 : i32
      %shift_right_logical3A_379 = vector.broadcast %shift_right_logical3A_378 : i32 to vector<16xi32>
      %shift_right_logical3A_380 = arith.shrui %get3A_377, %shift_right_logical3A_379 : vector<16xi32>
      %and3A_381 = arith.constant 127 : i32
      %and3A_382 = vector.broadcast %and3A_381 : i32 to vector<16xi32>
      %and3A_383 = arith.andi %get3A_377, %and3A_382 : vector<16xi32>
      %gather3A_384 = tpu.vector_load_idx %arg11[%broadcast_in_dim3A, %shift_right_logical3A_380, %and3A_383] : memref<32x8x128xf32, #tpu.memory_space<vmem>>[vector<16xi32>, vector<16xi32>, vector<16xi32>], vector<16xf32>,
      %get3A_385 = arith.constant 0 : i32
      %get3A_386 = arith.index_cast %get3A_385 : i32 to index
      %get3A_387 = arith.index_cast %scan3A_359 : i32 to index
      %get3A_388 = arith.constant 32 : index
      %get3A_389 = tpu.vector_load %arg10[%get3A_386, %get3A_387, %get3A_388] {strides = array<i32>} : memref<8x32x128xi32, #tpu.memory_space<vmem>>, vector<16xi32>,
      %shift_right_logical3A_390 = arith.constant 7 : i32
      %shift_right_logical3A_391 = vector.broadcast %shift_right_logical3A_390 : i32 to vector<16xi32>
      %shift_right_logical3A_392 = arith.shrui %get3A_389, %shift_right_logical3A_391 : vector<16xi32>
      %and3A_393 = arith.constant 127 : i32
      %and3A_394 = vector.broadcast %and3A_393 : i32 to vector<16xi32>
      %and3A_395 = arith.andi %get3A_389, %and3A_394 : vector<16xi32>
      %gather3A_396 = tpu.vector_load_idx %arg11[%broadcast_in_dim3A, %shift_right_logical3A_392, %and3A_395] : memref<32x8x128xf32, #tpu.memory_space<vmem>>[vector<16xi32>, vector<16xi32>, vector<16xi32>], vector<16xf32>,
      %get3A_397 = arith.constant 0 : i32
      %get3A_398 = arith.index_cast %get3A_397 : i32 to index
      %get3A_399 = arith.index_cast %scan3A_359 : i32 to index
      %get3A_400 = arith.constant 48 : index
      %get3A_401 = tpu.vector_load %arg10[%get3A_398, %get3A_399, %get3A_400] {strides = array<i32>} : memref<8x32x128xi32, #tpu.memory_space<vmem>>, vector<16xi32>,
      %shift_right_logical3A_402 = arith.constant 7 : i32
      %shift_right_logical3A_403 = vector.broadcast %shift_right_logical3A_402 : i32 to vector<16xi32>
      %shift_right_logical3A_404 = arith.shrui %get3A_401, %shift_right_logical3A_403 : vector<16xi32>
      %and3A_405 = arith.constant 127 : i32
      %and3A_406 = vector.broadcast %and3A_405 : i32 to vector<16xi32>
      %and3A_407 = arith.andi %get3A_401, %and3A_406 : vector<16xi32>
      %gather3A_408 = tpu.vector_load_idx %arg11[%broadcast_in_dim3A, %shift_right_logical3A_404, %and3A_407] : memref<32x8x128xf32, #tpu.memory_space<vmem>>[vector<16xi32>, vector<16xi32>, vector<16xi32>], vector<16xf32>,
      %get3A_409 = arith.constant 0 : i32
      %get3A_410 = arith.index_cast %get3A_409 : i32 to index
      %get3A_411 = arith.index_cast %scan3A_359 : i32 to index
      %get3A_412 = arith.constant 64 : index
      %get3A_413 = tpu.vector_load %arg10[%get3A_410, %get3A_411, %get3A_412] {strides = array<i32>} : memref<8x32x128xi32, #tpu.memory_space<vmem>>, vector<16xi32>,
      %shift_right_logical3A_414 = arith.constant 7 : i32
      %shift_right_logical3A_415 = vector.broadcast %shift_right_logical3A_414 : i32 to vector<16xi32>
      %shift_right_logical3A_416 = arith.shrui %get3A_413, %shift_right_logical3A_415 : vector<16xi32>
      %and3A_417 = arith.constant 127 : i32
      %and3A_418 = vector.broadcast %and3A_417 : i32 to vector<16xi32>
      %and3A_419 = arith.andi %get3A_413, %and3A_418 : vector<16xi32>
      %gather3A_420 = tpu.vector_load_idx %arg11[%broadcast_in_dim3A, %shift_right_logical3A_416, %and3A_419] : memref<32x8x128xf32, #tpu.memory_space<vmem>>[vector<16xi32>, vector<16xi32>, vector<16xi32>], vector<16xf32>,
      %get3A_421 = arith.constant 0 : i32
      %get3A_422 = arith.index_cast %get3A_421 : i32 to index
      %get3A_423 = arith.index_cast %scan3A_359 : i32 to index
      %get3A_424 = arith.constant 80 : index
      %get3A_425 = tpu.vector_load %arg10[%get3A_422, %get3A_423, %get3A_424] {strides = array<i32>} : memref<8x32x128xi32, #tpu.memory_space<vmem>>, vector<16xi32>,
      %shift_right_logical3A_426 = arith.constant 7 : i32
      %shift_right_logical3A_427 = vector.broadcast %shift_right_logical3A_426 : i32 to vector<16xi32>
      %shift_right_logical3A_428 = arith.shrui %get3A_425, %shift_right_logical3A_427 : vector<16xi32>
      %and3A_429 = arith.constant 127 : i32
      %and3A_430 = vector.broadcast %and3A_429 : i32 to vector<16xi32>
      %and3A_431 = arith.andi %get3A_425, %and3A_430 : vector<16xi32>
      %gather3A_432 = tpu.vector_load_idx %arg11[%broadcast_in_dim3A, %shift_right_logical3A_428, %and3A_431] : memref<32x8x128xf32, #tpu.memory_space<vmem>>[vector<16xi32>, vector<16xi32>, vector<16xi32>], vector<16xf32>,
      %get3A_433 = arith.constant 0 : i32
      %get3A_434 = arith.index_cast %get3A_433 : i32 to index
      %get3A_435 = arith.index_cast %scan3A_359 : i32 to index
      %get3A_436 = arith.constant 96 : index
      %get3A_437 = tpu.vector_load %arg10[%get3A_434, %get3A_435, %get3A_436] {strides = array<i32>} : memref<8x32x128xi32, #tpu.memory_space<vmem>>, vector<16xi32>,
      %shift_right_logical3A_438 = arith.constant 7 : i32
      %shift_right_logical3A_439 = vector.broadcast %shift_right_logical3A_438 : i32 to vector<16xi32>
      %shift_right_logical3A_440 = arith.shrui %get3A_437, %shift_right_logical3A_439 : vector<16xi32>
      %and3A_441 = arith.constant 127 : i32
      %and3A_442 = vector.broadcast %and3A_441 : i32 to vector<16xi32>
      %and3A_443 = arith.andi %get3A_437, %and3A_442 : vector<16xi32>
      %gather3A_444 = tpu.vector_load_idx %arg11[%broadcast_in_dim3A, %shift_right_logical3A_440, %and3A_443] : memref<32x8x128xf32, #tpu.memory_space<vmem>>[vector<16xi32>, vector<16xi32>, vector<16xi32>], vector<16xf32>,
      %get3A_445 = arith.constant 0 : i32
      %get3A_446 = arith.index_cast %get3A_445 : i32 to index
      %get3A_447 = arith.index_cast %scan3A_359 : i32 to index
      %get3A_448 = arith.constant 112 : index
      %get3A_449 = tpu.vector_load %arg10[%get3A_446, %get3A_447, %get3A_448] {strides = array<i32>} : memref<8x32x128xi32, #tpu.memory_space<vmem>>, vector<16xi32>,
      %shift_right_logical3A_450 = arith.constant 7 : i32
      %shift_right_logical3A_451 = vector.broadcast %shift_right_logical3A_450 : i32 to vector<16xi32>
      %shift_right_logical3A_452 = arith.shrui %get3A_449, %shift_right_logical3A_451 : vector<16xi32>
      %and3A_453 = arith.constant 127 : i32
      %and3A_454 = vector.broadcast %and3A_453 : i32 to vector<16xi32>
      %and3A_455 = arith.andi %get3A_449, %and3A_454 : vector<16xi32>
      %gather3A_456 = tpu.vector_load_idx %arg11[%broadcast_in_dim3A, %shift_right_logical3A_452, %and3A_455] : memref<32x8x128xf32, #tpu.memory_space<vmem>>[vector<16xi32>, vector<16xi32>, vector<16xi32>], vector<16xf32>,
      %get3A_457 = arith.constant 1 : i32
      %get3A_458 = arith.index_cast %get3A_457 : i32 to index
      %get3A_459 = arith.index_cast %scan3A_359 : i32 to index
      %get3A_460 = arith.constant 0 : index
      %get3A_461 = tpu.vector_load %arg10[%get3A_458, %get3A_459, %get3A_460] {strides = array<i32>} : memref<8x32x128xi32, #tpu.memory_space<vmem>>, vector<16xi32>,
      %shift_right_logical3A_462 = arith.constant 7 : i32
      %shift_right_logical3A_463 = vector.broadcast %shift_right_logical3A_462 : i32 to vector<16xi32>
      %shift_right_logical3A_464 = arith.shrui %get3A_461, %shift_right_logical3A_463 : vector<16xi32>
      %and3A_465 = arith.constant 127 : i32
      %and3A_466 = vector.broadcast %and3A_465 : i32 to vector<16xi32>
      %and3A_467 = arith.andi %get3A_461, %and3A_466 : vector<16xi32>
      %gather3A_468 = tpu.vector_load_idx %arg11[%broadcast_in_dim3A, %shift_right_logical3A_464, %and3A_467] : memref<32x8x128xf32, #tpu.memory_space<vmem>>[vector<16xi32>, vector<16xi32>, vector<16xi32>], vector<16xf32>,
      %get3A_469 = arith.constant 1 : i32
      %get3A_470 = arith.index_cast %get3A_469 : i32 to index
      %get3A_471 = arith.index_cast %scan3A_359 : i32 to index
      %get3A_472 = arith.constant 16 : index
      %get3A_473 = tpu.vector_load %arg10[%get3A_470, %get3A_471, %get3A_472] {strides = array<i32>} : memref<8x32x128xi32, #tpu.memory_space<vmem>>, vector<16xi32>,
      %shift_right_logical3A_474 = arith.constant 7 : i32
      %shift_right_logical3A_475 = vector.broadcast %shift_right_logical3A_474 : i32 to vector<16xi32>
      %shift_right_logical3A_476 = arith.shrui %get3A_473, %shift_right_logical3A_475 : vector<16xi32>
      %and3A_477 = arith.constant 127 : i32
      %and3A_478 = vector.broadcast %and3A_477 : i32 to vector<16xi32>
      %and3A_479 = arith.andi %get3A_473, %and3A_478 : vector<16xi32>
      %gather3A_480 = tpu.vector_load_idx %arg11[%broadcast_in_dim3A, %shift_right_logical3A_476, %and3A_479] : memref<32x8x128xf32, #tpu.memory_space<vmem>>[vector<16xi32>, vector<16xi32>, vector<16xi32>], vector<16xf32>,
      %get3A_481 = arith.constant 1 : i32
      %get3A_482 = arith.index_cast %get3A_481 : i32 to index
      %get3A_483 = arith.index_cast %scan3A_359 : i32 to index
      %get3A_484 = arith.constant 32 : index
      %get3A_485 = tpu.vector_load %arg10[%get3A_482, %get3A_483, %get3A_484] {strides = array<i32>} : memref<8x32x128xi32, #tpu.memory_space<vmem>>, vector<16xi32>,
      %shift_right_logical3A_486 = arith.constant 7 : i32
      %shift_right_logical3A_487 = vector.broadcast %shift_right_logical3A_486 : i32 to vector<16xi32>
      %shift_right_logical3A_488 = arith.shrui %get3A_485, %shift_right_logical3A_487 : vector<16xi32>
      %and3A_489 = arith.constant 127 : i32
      %and3A_490 = vector.broadcast %and3A_489 : i32 to vector<16xi32>
      %and3A_491 = arith.andi %get3A_485, %and3A_490 : vector<16xi32>
      %gather3A_492 = tpu.vector_load_idx %arg11[%broadcast_in_dim3A, %shift_right_logical3A_488, %and3A_491] : memref<32x8x128xf32, #tpu.memory_space<vmem>>[vector<16xi32>, vector<16xi32>, vector<16xi32>], vector<16xf32>,
      %get3A_493 = arith.constant 1 : i32
      %get3A_494 = arith.index_cast %get3A_493 : i32 to index
      %get3A_495 = arith.index_cast %scan3A_359 : i32 to index
      %get3A_496 = arith.constant 48 : index
      %get3A_497 = tpu.vector_load %arg10[%get3A_494, %get3A_495, %get3A_496] {strides = array<i32>} : memref<8x32x128xi32, #tpu.memory_space<vmem>>, vector<16xi32>,
      %shift_right_logical3A_498 = arith.constant 7 : i32
      %shift_right_logical3A_499 = vector.broadcast %shift_right_logical3A_498 : i32 to vector<16xi32>
      %shift_right_logical3A_500 = arith.shrui %get3A_497, %shift_right_logical3A_499 : vector<16xi32>
      %and3A_501 = arith.constant 127 : i32
      %and3A_502 = vector.broadcast %and3A_501 : i32 to vector<16xi32>
      %and3A_503 = arith.andi %get3A_497, %and3A_502 : vector<16xi32>
      %gather3A_504 = tpu.vector_load_idx %arg11[%broadcast_in_dim3A, %shift_right_logical3A_500, %and3A_503] : memref<32x8x128xf32, #tpu.memory_space<vmem>>[vector<16xi32>, vector<16xi32>, vector<16xi32>], vector<16xf32>,
      %get3A_505 = arith.constant 1 : i32
      %get3A_506 = arith.index_cast %get3A_505 : i32 to index
      %get3A_507 = arith.index_cast %scan3A_359 : i32 to index
      %get3A_508 = arith.constant 64 : index
      %get3A_509 = tpu.vector_load %arg10[%get3A_506, %get3A_507, %get3A_508] {strides = array<i32>} : memref<8x32x128xi32, #tpu.memory_space<vmem>>, vector<16xi32>,
      %shift_right_logical3A_510 = arith.constant 7 : i32
      %shift_right_logical3A_511 = vector.broadcast %shift_right_logical3A_510 : i32 to vector<16xi32>
      %shift_right_logical3A_512 = arith.shrui %get3A_509, %shift_right_logical3A_511 : vector<16xi32>
      %and3A_513 = arith.constant 127 : i32
      %and3A_514 = vector.broadcast %and3A_513 : i32 to vector<16xi32>
      %and3A_515 = arith.andi %get3A_509, %and3A_514 : vector<16xi32>
      %gather3A_516 = tpu.vector_load_idx %arg11[%broadcast_in_dim3A, %shift_right_logical3A_512, %and3A_515] : memref<32x8x128xf32, #tpu.memory_space<vmem>>[vector<16xi32>, vector<16xi32>, vector<16xi32>], vector<16xf32>,
      %get3A_517 = arith.constant 1 : i32
      %get3A_518 = arith.index_cast %get3A_517 : i32 to index
      %get3A_519 = arith.index_cast %scan3A_359 : i32 to index
      %get3A_520 = arith.constant 80 : index
      %get3A_521 = tpu.vector_load %arg10[%get3A_518, %get3A_519, %get3A_520] {strides = array<i32>} : memref<8x32x128xi32, #tpu.memory_space<vmem>>, vector<16xi32>,
      %shift_right_logical3A_522 = arith.constant 7 : i32
      %shift_right_logical3A_523 = vector.broadcast %shift_right_logical3A_522 : i32 to vector<16xi32>
      %shift_right_logical3A_524 = arith.shrui %get3A_521, %shift_right_logical3A_523 : vector<16xi32>
      %and3A_525 = arith.constant 127 : i32
      %and3A_526 = vector.broadcast %and3A_525 : i32 to vector<16xi32>
      %and3A_527 = arith.andi %get3A_521, %and3A_526 : vector<16xi32>
      %gather3A_528 = tpu.vector_load_idx %arg11[%broadcast_in_dim3A, %shift_right_logical3A_524, %and3A_527] : memref<32x8x128xf32, #tpu.memory_space<vmem>>[vector<16xi32>, vector<16xi32>, vector<16xi32>], vector<16xf32>,
      %get3A_529 = arith.constant 1 : i32
      %get3A_530 = arith.index_cast %get3A_529 : i32 to index
      %get3A_531 = arith.index_cast %scan3A_359 : i32 to index
      %get3A_532 = arith.constant 96 : index
      %get3A_533 = tpu.vector_load %arg10[%get3A_530, %get3A_531, %get3A_532] {strides = array<i32>} : memref<8x32x128xi32, #tpu.memory_space<vmem>>, vector<16xi32>,
      %shift_right_logical3A_534 = arith.constant 7 : i32
      %shift_right_logical3A_535 = vector.broadcast %shift_right_logical3A_534 : i32 to vector<16xi32>
      %shift_right_logical3A_536 = arith.shrui %get3A_533, %shift_right_logical3A_535 : vector<16xi32>
      %and3A_537 = arith.constant 127 : i32
      %and3A_538 = vector.broadcast %and3A_537 : i32 to vector<16xi32>
      %and3A_539 = arith.andi %get3A_533, %and3A_538 : vector<16xi32>
      %gather3A_540 = tpu.vector_load_idx %arg11[%broadcast_in_dim3A, %shift_right_logical3A_536, %and3A_539] : memref<32x8x128xf32, #tpu.memory_space<vmem>>[vector<16xi32>, vector<16xi32>, vector<16xi32>], vector<16xf32>,
      %get3A_541 = arith.constant 1 : i32
      %get3A_542 = arith.index_cast %get3A_541 : i32 to index
      %get3A_543 = arith.index_cast %scan3A_359 : i32 to index
      %get3A_544 = arith.constant 112 : index
      %get3A_545 = tpu.vector_load %arg10[%get3A_542, %get3A_543, %get3A_544] {strides = array<i32>} : memref<8x32x128xi32, #tpu.memory_space<vmem>>, vector<16xi32>,
      %shift_right_logical3A_546 = arith.constant 7 : i32
      %shift_right_logical3A_547 = vector.broadcast %shift_right_logical3A_546 : i32 to vector<16xi32>
      %shift_right_logical3A_548 = arith.shrui %get3A_545, %shift_right_logical3A_547 : vector<16xi32>
      %and3A_549 = arith.constant 127 : i32
      %and3A_550 = vector.broadcast %and3A_549 : i32 to vector<16xi32>
      %and3A_551 = arith.andi %get3A_545, %and3A_550 : vector<16xi32>
      %gather3A_552 = tpu.vector_load_idx %arg11[%broadcast_in_dim3A, %shift_right_logical3A_548, %and3A_551] : memref<32x8x128xf32, #tpu.memory_space<vmem>>[vector<16xi32>, vector<16xi32>, vector<16xi32>], vector<16xf32>,
      %get3A_553 = arith.constant 2 : i32
      %get3A_554 = arith.index_cast %get3A_553 : i32 to index
      %get3A_555 = arith.index_cast %scan3A_359 : i32 to index
      %get3A_556 = arith.constant 0 : index
      %get3A_557 = tpu.vector_load %arg10[%get3A_554, %get3A_555, %get3A_556] {strides = array<i32>} : memref<8x32x128xi32, #tpu.memory_space<vmem>>, vector<16xi32>,
      %shift_right_logical3A_558 = arith.constant 7 : i32
      %shift_right_logical3A_559 = vector.broadcast %shift_right_logical3A_558 : i32 to vector<16xi32>
      %shift_right_logical3A_560 = arith.shrui %get3A_557, %shift_right_logical3A_559 : vector<16xi32>
      %and3A_561 = arith.constant 127 : i32
      %and3A_562 = vector.broadcast %and3A_561 : i32 to vector<16xi32>
      %and3A_563 = arith.andi %get3A_557, %and3A_562 : vector<16xi32>
      %gather3A_564 = tpu.vector_load_idx %arg11[%broadcast_in_dim3A, %shift_right_logical3A_560, %and3A_563] : memref<32x8x128xf32, #tpu.memory_space<vmem>>[vector<16xi32>, vector<16xi32>, vector<16xi32>], vector<16xf32>,
      %get3A_565 = arith.constant 2 : i32
      %get3A_566 = arith.index_cast %get3A_565 : i32 to index
      %get3A_567 = arith.index_cast %scan3A_359 : i32 to index
      %get3A_568 = arith.constant 16 : index
      %get3A_569 = tpu.vector_load %arg10[%get3A_566, %get3A_567, %get3A_568] {strides = array<i32>} : memref<8x32x128xi32, #tpu.memory_space<vmem>>, vector<16xi32>,
      %shift_right_logical3A_570 = arith.constant 7 : i32
      %shift_right_logical3A_571 = vector.broadcast %shift_right_logical3A_570 : i32 to vector<16xi32>
      %shift_right_logical3A_572 = arith.shrui %get3A_569, %shift_right_logical3A_571 : vector<16xi32>
      %and3A_573 = arith.constant 127 : i32
      %and3A_574 = vector.broadcast %and3A_573 : i32 to vector<16xi32>
      %and3A_575 = arith.andi %get3A_569, %and3A_574 : vector<16xi32>
      %gather3A_576 = tpu.vector_load_idx %arg11[%broadcast_in_dim3A, %shift_right_logical3A_572, %and3A_575] : memref<32x8x128xf32, #tpu.memory_space<vmem>>[vector<16xi32>, vector<16xi32>, vector<16xi32>], vector<16xf32>,
      %get3A_577 = arith.constant 2 : i32
      %get3A_578 = arith.index_cast %get3A_577 : i32 to index
      %get3A_579 = arith.index_cast %scan3A_359 : i32 to index
      %get3A_580 = arith.constant 32 : index
      %get3A_581 = tpu.vector_load %arg10[%get3A_578, %get3A_579, %get3A_580] {strides = array<i32>} : memref<8x32x128xi32, #tpu.memory_space<vmem>>, vector<16xi32>,
      %shift_right_logical3A_582 = arith.constant 7 : i32
      %shift_right_logical3A_583 = vector.broadcast %shift_right_logical3A_582 : i32 to vector<16xi32>
      %shift_right_logical3A_584 = arith.shrui %get3A_581, %shift_right_logical3A_583 : vector<16xi32>
      %and3A_585 = arith.constant 127 : i32
      %and3A_586 = vector.broadcast %and3A_585 : i32 to vector<16xi32>
      %and3A_587 = arith.andi %get3A_581, %and3A_586 : vector<16xi32>
      %gather3A_588 = tpu.vector_load_idx %arg11[%broadcast_in_dim3A, %shift_right_logical3A_584, %and3A_587] : memref<32x8x128xf32, #tpu.memory_space<vmem>>[vector<16xi32>, vector<16xi32>, vector<16xi32>], vector<16xf32>,
      %get3A_589 = arith.constant 2 : i32
      %get3A_590 = arith.index_cast %get3A_589 : i32 to index
      %get3A_591 = arith.index_cast %scan3A_359 : i32 to index
      %get3A_592 = arith.constant 48 : index
      %get3A_593 = tpu.vector_load %arg10[%get3A_590, %get3A_591, %get3A_592] {strides = array<i32>} : memref<8x32x128xi32, #tpu.memory_space<vmem>>, vector<16xi32>,
      %shift_right_logical3A_594 = arith.constant 7 : i32
      %shift_right_logical3A_595 = vector.broadcast %shift_right_logical3A_594 : i32 to vector<16xi32>
      %shift_right_logical3A_596 = arith.shrui %get3A_593, %shift_right_logical3A_595 : vector<16xi32>
      %and3A_597 = arith.constant 127 : i32
      %and3A_598 = vector.broadcast %and3A_597 : i32 to vector<16xi32>
      %and3A_599 = arith.andi %get3A_593, %and3A_598 : vector<16xi32>
      %gather3A_600 = tpu.vector_load_idx %arg11[%broadcast_in_dim3A, %shift_right_logical3A_596, %and3A_599] : memref<32x8x128xf32, #tpu.memory_space<vmem>>[vector<16xi32>, vector<16xi32>, vector<16xi32>], vector<16xf32>,
      %get3A_601 = arith.constant 2 : i32
      %get3A_602 = arith.index_cast %get3A_601 : i32 to index
      %get3A_603 = arith.index_cast %scan3A_359 : i32 to index
      %get3A_604 = arith.constant 64 : index
      %get3A_605 = tpu.vector_load %arg10[%get3A_602, %get3A_603, %get3A_604] {strides = array<i32>} : memref<8x32x128xi32, #tpu.memory_space<vmem>>, vector<16xi32>,
      %shift_right_logical3A_606 = arith.constant 7 : i32
      %shift_right_logical3A_607 = vector.broadcast %shift_right_logical3A_606 : i32 to vector<16xi32>
      %shift_right_logical3A_608 = arith.shrui %get3A_605, %shift_right_logical3A_607 : vector<16xi32>
      %and3A_609 = arith.constant 127 : i32
      %and3A_610 = vector.broadcast %and3A_609 : i32 to vector<16xi32>
      %and3A_611 = arith.andi %get3A_605, %and3A_610 : vector<16xi32>
      %gather3A_612 = tpu.vector_load_idx %arg11[%broadcast_in_dim3A, %shift_right_logical3A_608, %and3A_611] : memref<32x8x128xf32, #tpu.memory_space<vmem>>[vector<16xi32>, vector<16xi32>, vector<16xi32>], vector<16xf32>,
      %get3A_613 = arith.constant 2 : i32
      %get3A_614 = arith.index_cast %get3A_613 : i32 to index
      %get3A_615 = arith.index_cast %scan3A_359 : i32 to index
      %get3A_616 = arith.constant 80 : index
      %get3A_617 = tpu.vector_load %arg10[%get3A_614, %get3A_615, %get3A_616] {strides = array<i32>} : memref<8x32x128xi32, #tpu.memory_space<vmem>>, vector<16xi32>,
      %shift_right_logical3A_618 = arith.constant 7 : i32
      %shift_right_logical3A_619 = vector.broadcast %shift_right_logical3A_618 : i32 to vector<16xi32>
      %shift_right_logical3A_620 = arith.shrui %get3A_617, %shift_right_logical3A_619 : vector<16xi32>
      %and3A_621 = arith.constant 127 : i32
      %and3A_622 = vector.broadcast %and3A_621 : i32 to vector<16xi32>
      %and3A_623 = arith.andi %get3A_617, %and3A_622 : vector<16xi32>
      %gather3A_624 = tpu.vector_load_idx %arg11[%broadcast_in_dim3A, %shift_right_logical3A_620, %and3A_623] : memref<32x8x128xf32, #tpu.memory_space<vmem>>[vector<16xi32>, vector<16xi32>, vector<16xi32>], vector<16xf32>,
      %get3A_625 = arith.constant 2 : i32
      %get3A_626 = arith.index_cast %get3A_625 : i32 to index
      %get3A_627 = arith.index_cast %scan3A_359 : i32 to index
      %get3A_628 = arith.constant 96 : index
      %get3A_629 = tpu.vector_load %arg10[%get3A_626, %get3A_627, %get3A_628] {strides = array<i32>} : memref<8x32x128xi32, #tpu.memory_space<vmem>>, vector<16xi32>,
      %shift_right_logical3A_630 = arith.constant 7 : i32
      %shift_right_logical3A_631 = vector.broadcast %shift_right_logical3A_630 : i32 to vector<16xi32>
      %shift_right_logical3A_632 = arith.shrui %get3A_629, %shift_right_logical3A_631 : vector<16xi32>
      %and3A_633 = arith.constant 127 : i32
      %and3A_634 = vector.broadcast %and3A_633 : i32 to vector<16xi32>
      %and3A_635 = arith.andi %get3A_629, %and3A_634 : vector<16xi32>
      %gather3A_636 = tpu.vector_load_idx %arg11[%broadcast_in_dim3A, %shift_right_logical3A_632, %and3A_635] : memref<32x8x128xf32, #tpu.memory_space<vmem>>[vector<16xi32>, vector<16xi32>, vector<16xi32>], vector<16xf32>,
      %get3A_637 = arith.constant 2 : i32
      %get3A_638 = arith.index_cast %get3A_637 : i32 to index
      %get3A_639 = arith.index_cast %scan3A_359 : i32 to index
      %get3A_640 = arith.constant 112 : index
      %get3A_641 = tpu.vector_load %arg10[%get3A_638, %get3A_639, %get3A_640] {strides = array<i32>} : memref<8x32x128xi32, #tpu.memory_space<vmem>>, vector<16xi32>,
      %shift_right_logical3A_642 = arith.constant 7 : i32
      %shift_right_logical3A_643 = vector.broadcast %shift_right_logical3A_642 : i32 to vector<16xi32>
      %shift_right_logical3A_644 = arith.shrui %get3A_641, %shift_right_logical3A_643 : vector<16xi32>
      %and3A_645 = arith.constant 127 : i32
      %and3A_646 = vector.broadcast %and3A_645 : i32 to vector<16xi32>
      %and3A_647 = arith.andi %get3A_641, %and3A_646 : vector<16xi32>
      %gather3A_648 = tpu.vector_load_idx %arg11[%broadcast_in_dim3A, %shift_right_logical3A_644, %and3A_647] : memref<32x8x128xf32, #tpu.memory_space<vmem>>[vector<16xi32>, vector<16xi32>, vector<16xi32>], vector<16xf32>,
      %get3A_649 = arith.constant 3 : i32
      %get3A_650 = arith.index_cast %get3A_649 : i32 to index
      %get3A_651 = arith.index_cast %scan3A_359 : i32 to index
      %get3A_652 = arith.constant 0 : index
      %get3A_653 = tpu.vector_load %arg10[%get3A_650, %get3A_651, %get3A_652] {strides = array<i32>} : memref<8x32x128xi32, #tpu.memory_space<vmem>>, vector<16xi32>,
      %shift_right_logical3A_654 = arith.constant 7 : i32
      %shift_right_logical3A_655 = vector.broadcast %shift_right_logical3A_654 : i32 to vector<16xi32>
      %shift_right_logical3A_656 = arith.shrui %get3A_653, %shift_right_logical3A_655 : vector<16xi32>
      %and3A_657 = arith.constant 127 : i32
      %and3A_658 = vector.broadcast %and3A_657 : i32 to vector<16xi32>
      %and3A_659 = arith.andi %get3A_653, %and3A_658 : vector<16xi32>
      %gather3A_660 = tpu.vector_load_idx %arg11[%broadcast_in_dim3A, %shift_right_logical3A_656, %and3A_659] : memref<32x8x128xf32, #tpu.memory_space<vmem>>[vector<16xi32>, vector<16xi32>, vector<16xi32>], vector<16xf32>,
      %get3A_661 = arith.constant 3 : i32
      %get3A_662 = arith.index_cast %get3A_661 : i32 to index
      %get3A_663 = arith.index_cast %scan3A_359 : i32 to index
      %get3A_664 = arith.constant 16 : index
      %get3A_665 = tpu.vector_load %arg10[%get3A_662, %get3A_663, %get3A_664] {strides = array<i32>} : memref<8x32x128xi32, #tpu.memory_space<vmem>>, vector<16xi32>,
      %shift_right_logical3A_666 = arith.constant 7 : i32
      %shift_right_logical3A_667 = vector.broadcast %shift_right_logical3A_666 : i32 to vector<16xi32>
      %shift_right_logical3A_668 = arith.shrui %get3A_665, %shift_right_logical3A_667 : vector<16xi32>
      %and3A_669 = arith.constant 127 : i32
      %and3A_670 = vector.broadcast %and3A_669 : i32 to vector<16xi32>
      %and3A_671 = arith.andi %get3A_665, %and3A_670 : vector<16xi32>
      %gather3A_672 = tpu.vector_load_idx %arg11[%broadcast_in_dim3A, %shift_right_logical3A_668, %and3A_671] : memref<32x8x128xf32, #tpu.memory_space<vmem>>[vector<16xi32>, vector<16xi32>, vector<16xi32>], vector<16xf32>,
      %get3A_673 = arith.constant 3 : i32
      %get3A_674 = arith.index_cast %get3A_673 : i32 to index
      %get3A_675 = arith.index_cast %scan3A_359 : i32 to index
      %get3A_676 = arith.constant 32 : index
      %get3A_677 = tpu.vector_load %arg10[%get3A_674, %get3A_675, %get3A_676] {strides = array<i32>} : memref<8x32x128xi32, #tpu.memory_space<vmem>>, vector<16xi32>,
      %shift_right_logical3A_678 = arith.constant 7 : i32
      %shift_right_logical3A_679 = vector.broadcast %shift_right_logical3A_678 : i32 to vector<16xi32>
      %shift_right_logical3A_680 = arith.shrui %get3A_677, %shift_right_logical3A_679 : vector<16xi32>
      %and3A_681 = arith.constant 127 : i32
      %and3A_682 = vector.broadcast %and3A_681 : i32 to vector<16xi32>
      %and3A_683 = arith.andi %get3A_677, %and3A_682 : vector<16xi32>
      %gather3A_684 = tpu.vector_load_idx %arg11[%broadcast_in_dim3A, %shift_right_logical3A_680, %and3A_683] : memref<32x8x128xf32, #tpu.memory_space<vmem>>[vector<16xi32>, vector<16xi32>, vector<16xi32>], vector<16xf32>,
      %get3A_685 = arith.constant 3 : i32
      %get3A_686 = arith.index_cast %get3A_685 : i32 to index
      %get3A_687 = arith.index_cast %scan3A_359 : i32 to index
      %get3A_688 = arith.constant 48 : index
      %get3A_689 = tpu.vector_load %arg10[%get3A_686, %get3A_687, %get3A_688] {strides = array<i32>} : memref<8x32x128xi32, #tpu.memory_space<vmem>>, vector<16xi32>,
      %shift_right_logical3A_690 = arith.constant 7 : i32
      %shift_right_logical3A_691 = vector.broadcast %shift_right_logical3A_690 : i32 to vector<16xi32>
      %shift_right_logical3A_692 = arith.shrui %get3A_689, %shift_right_logical3A_691 : vector<16xi32>
      %and3A_693 = arith.constant 127 : i32
      %and3A_694 = vector.broadcast %and3A_693 : i32 to vector<16xi32>
      %and3A_695 = arith.andi %get3A_689, %and3A_694 : vector<16xi32>
      %gather3A_696 = tpu.vector_load_idx %arg11[%broadcast_in_dim3A, %shift_right_logical3A_692, %and3A_695] : memref<32x8x128xf32, #tpu.memory_space<vmem>>[vector<16xi32>, vector<16xi32>, vector<16xi32>], vector<16xf32>,
      %get3A_697 = arith.constant 3 : i32
      %get3A_698 = arith.index_cast %get3A_697 : i32 to index
      %get3A_699 = arith.index_cast %scan3A_359 : i32 to index
      %get3A_700 = arith.constant 64 : index
      %get3A_701 = tpu.vector_load %arg10[%get3A_698, %get3A_699, %get3A_700] {strides = array<i32>} : memref<8x32x128xi32, #tpu.memory_space<vmem>>, vector<16xi32>,
      %shift_right_logical3A_702 = arith.constant 7 : i32
      %shift_right_logical3A_703 = vector.broadcast %shift_right_logical3A_702 : i32 to vector<16xi32>
      %shift_right_logical3A_704 = arith.shrui %get3A_701, %shift_right_logical3A_703 : vector<16xi32>
      %and3A_705 = arith.constant 127 : i32
      %and3A_706 = vector.broadcast %and3A_705 : i32 to vector<16xi32>
      %and3A_707 = arith.andi %get3A_701, %and3A_706 : vector<16xi32>
      %gather3A_708 = tpu.vector_load_idx %arg11[%broadcast_in_dim3A, %shift_right_logical3A_704, %and3A_707] : memref<32x8x128xf32, #tpu.memory_space<vmem>>[vector<16xi32>, vector<16xi32>, vector<16xi32>], vector<16xf32>,
      %get3A_709 = arith.constant 3 : i32
      %get3A_710 = arith.index_cast %get3A_709 : i32 to index
      %get3A_711 = arith.index_cast %scan3A_359 : i32 to index
      %get3A_712 = arith.constant 80 : index
      %get3A_713 = tpu.vector_load %arg10[%get3A_710, %get3A_711, %get3A_712] {strides = array<i32>} : memref<8x32x128xi32, #tpu.memory_space<vmem>>, vector<16xi32>,
      %shift_right_logical3A_714 = arith.constant 7 : i32
      %shift_right_logical3A_715 = vector.broadcast %shift_right_logical3A_714 : i32 to vector<16xi32>
      %shift_right_logical3A_716 = arith.shrui %get3A_713, %shift_right_logical3A_715 : vector<16xi32>
      %and3A_717 = arith.constant 127 : i32
      %and3A_718 = vector.broadcast %and3A_717 : i32 to vector<16xi32>
      %and3A_719 = arith.andi %get3A_713, %and3A_718 : vector<16xi32>
      %gather3A_720 = tpu.vector_load_idx %arg11[%broadcast_in_dim3A, %shift_right_logical3A_716, %and3A_719] : memref<32x8x128xf32, #tpu.memory_space<vmem>>[vector<16xi32>, vector<16xi32>, vector<16xi32>], vector<16xf32>,
      %get3A_721 = arith.constant 3 : i32
      %get3A_722 = arith.index_cast %get3A_721 : i32 to index
      %get3A_723 = arith.index_cast %scan3A_359 : i32 to index
      %get3A_724 = arith.constant 96 : index
      %get3A_725 = tpu.vector_load %arg10[%get3A_722, %get3A_723, %get3A_724] {strides = array<i32>} : memref<8x32x128xi32, #tpu.memory_space<vmem>>, vector<16xi32>,
      %shift_right_logical3A_726 = arith.constant 7 : i32
      %shift_right_logical3A_727 = vector.broadcast %shift_right_logical3A_726 : i32 to vector<16xi32>
      %shift_right_logical3A_728 = arith.shrui %get3A_725, %shift_right_logical3A_727 : vector<16xi32>
      %and3A_729 = arith.constant 127 : i32
      %and3A_730 = vector.broadcast %and3A_729 : i32 to vector<16xi32>
      %and3A_731 = arith.andi %get3A_725, %and3A_730 : vector<16xi32>
      %gather3A_732 = tpu.vector_load_idx %arg11[%broadcast_in_dim3A, %shift_right_logical3A_728, %and3A_731] : memref<32x8x128xf32, #tpu.memory_space<vmem>>[vector<16xi32>, vector<16xi32>, vector<16xi32>], vector<16xf32>,
      %get3A_733 = arith.constant 3 : i32
      %get3A_734 = arith.index_cast %get3A_733 : i32 to index
      %get3A_735 = arith.index_cast %scan3A_359 : i32 to index
      %get3A_736 = arith.constant 112 : index
      %get3A_737 = tpu.vector_load %arg10[%get3A_734, %get3A_735, %get3A_736] {strides = array<i32>} : memref<8x32x128xi32, #tpu.memory_space<vmem>>, vector<16xi32>,
      %shift_right_logical3A_738 = arith.constant 7 : i32
      %shift_right_logical3A_739 = vector.broadcast %shift_right_logical3A_738 : i32 to vector<16xi32>
      %shift_right_logical3A_740 = arith.shrui %get3A_737, %shift_right_logical3A_739 : vector<16xi32>
      %and3A_741 = arith.constant 127 : i32
      %and3A_742 = vector.broadcast %and3A_741 : i32 to vector<16xi32>
      %and3A_743 = arith.andi %get3A_737, %and3A_742 : vector<16xi32>
      %gather3A_744 = tpu.vector_load_idx %arg11[%broadcast_in_dim3A, %shift_right_logical3A_740, %and3A_743] : memref<32x8x128xf32, #tpu.memory_space<vmem>>[vector<16xi32>, vector<16xi32>, vector<16xi32>], vector<16xf32>,
      %get3A_745 = arith.constant 4 : i32
      %get3A_746 = arith.index_cast %get3A_745 : i32 to index
      %get3A_747 = arith.index_cast %scan3A_359 : i32 to index
      %get3A_748 = arith.constant 0 : index
      %get3A_749 = tpu.vector_load %arg10[%get3A_746, %get3A_747, %get3A_748] {strides = array<i32>} : memref<8x32x128xi32, #tpu.memory_space<vmem>>, vector<16xi32>,
      %shift_right_logical3A_750 = arith.constant 7 : i32
      %shift_right_logical3A_751 = vector.broadcast %shift_right_logical3A_750 : i32 to vector<16xi32>
      %shift_right_logical3A_752 = arith.shrui %get3A_749, %shift_right_logical3A_751 : vector<16xi32>
      %and3A_753 = arith.constant 127 : i32
      %and3A_754 = vector.broadcast %and3A_753 : i32 to vector<16xi32>
      %and3A_755 = arith.andi %get3A_749, %and3A_754 : vector<16xi32>
      %gather3A_756 = tpu.vector_load_idx %arg11[%broadcast_in_dim3A, %shift_right_logical3A_752, %and3A_755] : memref<32x8x128xf32, #tpu.memory_space<vmem>>[vector<16xi32>, vector<16xi32>, vector<16xi32>], vector<16xf32>,
      %get3A_757 = arith.constant 4 : i32
      %get3A_758 = arith.index_cast %get3A_757 : i32 to index
      %get3A_759 = arith.index_cast %scan3A_359 : i32 to index
      %get3A_760 = arith.constant 16 : index
      %get3A_761 = tpu.vector_load %arg10[%get3A_758, %get3A_759, %get3A_760] {strides = array<i32>} : memref<8x32x128xi32, #tpu.memory_space<vmem>>, vector<16xi32>,
      %shift_right_logical3A_762 = arith.constant 7 : i32
      %shift_right_logical3A_763 = vector.broadcast %shift_right_logical3A_762 : i32 to vector<16xi32>
      %shift_right_logical3A_764 = arith.shrui %get3A_761, %shift_right_logical3A_763 : vector<16xi32>
      %and3A_765 = arith.constant 127 : i32
      %and3A_766 = vector.broadcast %and3A_765 : i32 to vector<16xi32>
      %and3A_767 = arith.andi %get3A_761, %and3A_766 : vector<16xi32>
      %gather3A_768 = tpu.vector_load_idx %arg11[%broadcast_in_dim3A, %shift_right_logical3A_764, %and3A_767] : memref<32x8x128xf32, #tpu.memory_space<vmem>>[vector<16xi32>, vector<16xi32>, vector<16xi32>], vector<16xf32>,
      %get3A_769 = arith.constant 4 : i32
      %get3A_770 = arith.index_cast %get3A_769 : i32 to index
      %get3A_771 = arith.index_cast %scan3A_359 : i32 to index
      %get3A_772 = arith.constant 32 : index
      %get3A_773 = tpu.vector_load %arg10[%get3A_770, %get3A_771, %get3A_772] {strides = array<i32>} : memref<8x32x128xi32, #tpu.memory_space<vmem>>, vector<16xi32>,
      %shift_right_logical3A_774 = arith.constant 7 : i32
      %shift_right_logical3A_775 = vector.broadcast %shift_right_logical3A_774 : i32 to vector<16xi32>
      %shift_right_logical3A_776 = arith.shrui %get3A_773, %shift_right_logical3A_775 : vector<16xi32>
      %and3A_777 = arith.constant 127 : i32
      %and3A_778 = vector.broadcast %and3A_777 : i32 to vector<16xi32>
      %and3A_779 = arith.andi %get3A_773, %and3A_778 : vector<16xi32>
      %gather3A_780 = tpu.vector_load_idx %arg11[%broadcast_in_dim3A, %shift_right_logical3A_776, %and3A_779] : memref<32x8x128xf32, #tpu.memory_space<vmem>>[vector<16xi32>, vector<16xi32>, vector<16xi32>], vector<16xf32>,
      %get3A_781 = arith.constant 4 : i32
      %get3A_782 = arith.index_cast %get3A_781 : i32 to index
      %get3A_783 = arith.index_cast %scan3A_359 : i32 to index
      %get3A_784 = arith.constant 48 : index
      %get3A_785 = tpu.vector_load %arg10[%get3A_782, %get3A_783, %get3A_784] {strides = array<i32>} : memref<8x32x128xi32, #tpu.memory_space<vmem>>, vector<16xi32>,
      %shift_right_logical3A_786 = arith.constant 7 : i32
      %shift_right_logical3A_787 = vector.broadcast %shift_right_logical3A_786 : i32 to vector<16xi32>
      %shift_right_logical3A_788 = arith.shrui %get3A_785, %shift_right_logical3A_787 : vector<16xi32>
      %and3A_789 = arith.constant 127 : i32
      %and3A_790 = vector.broadcast %and3A_789 : i32 to vector<16xi32>
      %and3A_791 = arith.andi %get3A_785, %and3A_790 : vector<16xi32>
      %gather3A_792 = tpu.vector_load_idx %arg11[%broadcast_in_dim3A, %shift_right_logical3A_788, %and3A_791] : memref<32x8x128xf32, #tpu.memory_space<vmem>>[vector<16xi32>, vector<16xi32>, vector<16xi32>], vector<16xf32>,
      %get3A_793 = arith.constant 4 : i32
      %get3A_794 = arith.index_cast %get3A_793 : i32 to index
      %get3A_795 = arith.index_cast %scan3A_359 : i32 to index
      %get3A_796 = arith.constant 64 : index
      %get3A_797 = tpu.vector_load %arg10[%get3A_794, %get3A_795, %get3A_796] {strides = array<i32>} : memref<8x32x128xi32, #tpu.memory_space<vmem>>, vector<16xi32>,
      %shift_right_logical3A_798 = arith.constant 7 : i32
      %shift_right_logical3A_799 = vector.broadcast %shift_right_logical3A_798 : i32 to vector<16xi32>
      %shift_right_logical3A_800 = arith.shrui %get3A_797, %shift_right_logical3A_799 : vector<16xi32>
      %and3A_801 = arith.constant 127 : i32
      %and3A_802 = vector.broadcast %and3A_801 : i32 to vector<16xi32>
      %and3A_803 = arith.andi %get3A_797, %and3A_802 : vector<16xi32>
      %gather3A_804 = tpu.vector_load_idx %arg11[%broadcast_in_dim3A, %shift_right_logical3A_800, %and3A_803] : memref<32x8x128xf32, #tpu.memory_space<vmem>>[vector<16xi32>, vector<16xi32>, vector<16xi32>], vector<16xf32>,
      %get3A_805 = arith.constant 4 : i32
      %get3A_806 = arith.index_cast %get3A_805 : i32 to index
      %get3A_807 = arith.index_cast %scan3A_359 : i32 to index
      %get3A_808 = arith.constant 80 : index
      %get3A_809 = tpu.vector_load %arg10[%get3A_806, %get3A_807, %get3A_808] {strides = array<i32>} : memref<8x32x128xi32, #tpu.memory_space<vmem>>, vector<16xi32>,
      %shift_right_logical3A_810 = arith.constant 7 : i32
      %shift_right_logical3A_811 = vector.broadcast %shift_right_logical3A_810 : i32 to vector<16xi32>
      %shift_right_logical3A_812 = arith.shrui %get3A_809, %shift_right_logical3A_811 : vector<16xi32>
      %and3A_813 = arith.constant 127 : i32
      %and3A_814 = vector.broadcast %and3A_813 : i32 to vector<16xi32>
      %and3A_815 = arith.andi %get3A_809, %and3A_814 : vector<16xi32>
      %gather3A_816 = tpu.vector_load_idx %arg11[%broadcast_in_dim3A, %shift_right_logical3A_812, %and3A_815] : memref<32x8x128xf32, #tpu.memory_space<vmem>>[vector<16xi32>, vector<16xi32>, vector<16xi32>], vector<16xf32>,
      %get3A_817 = arith.constant 4 : i32
      %get3A_818 = arith.index_cast %get3A_817 : i32 to index
      %get3A_819 = arith.index_cast %scan3A_359 : i32 to index
      %get3A_820 = arith.constant 96 : index
      %get3A_821 = tpu.vector_load %arg10[%get3A_818, %get3A_819, %get3A_820] {strides = array<i32>} : memref<8x32x128xi32, #tpu.memory_space<vmem>>, vector<16xi32>,
      %shift_right_logical3A_822 = arith.constant 7 : i32
      %shift_right_logical3A_823 = vector.broadcast %shift_right_logical3A_822 : i32 to vector<16xi32>
      %shift_right_logical3A_824 = arith.shrui %get3A_821, %shift_right_logical3A_823 : vector<16xi32>
      %and3A_825 = arith.constant 127 : i32
      %and3A_826 = vector.broadcast %and3A_825 : i32 to vector<16xi32>
      %and3A_827 = arith.andi %get3A_821, %and3A_826 : vector<16xi32>
      %gather3A_828 = tpu.vector_load_idx %arg11[%broadcast_in_dim3A, %shift_right_logical3A_824, %and3A_827] : memref<32x8x128xf32, #tpu.memory_space<vmem>>[vector<16xi32>, vector<16xi32>, vector<16xi32>], vector<16xf32>,
      %get3A_829 = arith.constant 4 : i32
      %get3A_830 = arith.index_cast %get3A_829 : i32 to index
      %get3A_831 = arith.index_cast %scan3A_359 : i32 to index
      %get3A_832 = arith.constant 112 : index
      %get3A_833 = tpu.vector_load %arg10[%get3A_830, %get3A_831, %get3A_832] {strides = array<i32>} : memref<8x32x128xi32, #tpu.memory_space<vmem>>, vector<16xi32>,
      %shift_right_logical3A_834 = arith.constant 7 : i32
      %shift_right_logical3A_835 = vector.broadcast %shift_right_logical3A_834 : i32 to vector<16xi32>
      %shift_right_logical3A_836 = arith.shrui %get3A_833, %shift_right_logical3A_835 : vector<16xi32>
      %and3A_837 = arith.constant 127 : i32
      %and3A_838 = vector.broadcast %and3A_837 : i32 to vector<16xi32>
      %and3A_839 = arith.andi %get3A_833, %and3A_838 : vector<16xi32>
      %gather3A_840 = tpu.vector_load_idx %arg11[%broadcast_in_dim3A, %shift_right_logical3A_836, %and3A_839] : memref<32x8x128xf32, #tpu.memory_space<vmem>>[vector<16xi32>, vector<16xi32>, vector<16xi32>], vector<16xf32>,
      %get3A_841 = arith.constant 5 : i32
      %get3A_842 = arith.index_cast %get3A_841 : i32 to index
      %get3A_843 = arith.index_cast %scan3A_359 : i32 to index
      %get3A_844 = arith.constant 0 : index
      %get3A_845 = tpu.vector_load %arg10[%get3A_842, %get3A_843, %get3A_844] {strides = array<i32>} : memref<8x32x128xi32, #tpu.memory_space<vmem>>, vector<16xi32>,
      %shift_right_logical3A_846 = arith.constant 7 : i32
      %shift_right_logical3A_847 = vector.broadcast %shift_right_logical3A_846 : i32 to vector<16xi32>
      %shift_right_logical3A_848 = arith.shrui %get3A_845, %shift_right_logical3A_847 : vector<16xi32>
      %and3A_849 = arith.constant 127 : i32
      %and3A_850 = vector.broadcast %and3A_849 : i32 to vector<16xi32>
      %and3A_851 = arith.andi %get3A_845, %and3A_850 : vector<16xi32>
      %gather3A_852 = tpu.vector_load_idx %arg11[%broadcast_in_dim3A, %shift_right_logical3A_848, %and3A_851] : memref<32x8x128xf32, #tpu.memory_space<vmem>>[vector<16xi32>, vector<16xi32>, vector<16xi32>], vector<16xf32>,
      %get3A_853 = arith.constant 5 : i32
      %get3A_854 = arith.index_cast %get3A_853 : i32 to index
      %get3A_855 = arith.index_cast %scan3A_359 : i32 to index
      %get3A_856 = arith.constant 16 : index
      %get3A_857 = tpu.vector_load %arg10[%get3A_854, %get3A_855, %get3A_856] {strides = array<i32>} : memref<8x32x128xi32, #tpu.memory_space<vmem>>, vector<16xi32>,
      %shift_right_logical3A_858 = arith.constant 7 : i32
      %shift_right_logical3A_859 = vector.broadcast %shift_right_logical3A_858 : i32 to vector<16xi32>
      %shift_right_logical3A_860 = arith.shrui %get3A_857, %shift_right_logical3A_859 : vector<16xi32>
      %and3A_861 = arith.constant 127 : i32
      %and3A_862 = vector.broadcast %and3A_861 : i32 to vector<16xi32>
      %and3A_863 = arith.andi %get3A_857, %and3A_862 : vector<16xi32>
      %gather3A_864 = tpu.vector_load_idx %arg11[%broadcast_in_dim3A, %shift_right_logical3A_860, %and3A_863] : memref<32x8x128xf32, #tpu.memory_space<vmem>>[vector<16xi32>, vector<16xi32>, vector<16xi32>], vector<16xf32>,
      %get3A_865 = arith.constant 5 : i32
      %get3A_866 = arith.index_cast %get3A_865 : i32 to index
      %get3A_867 = arith.index_cast %scan3A_359 : i32 to index
      %get3A_868 = arith.constant 32 : index
      %get3A_869 = tpu.vector_load %arg10[%get3A_866, %get3A_867, %get3A_868] {strides = array<i32>} : memref<8x32x128xi32, #tpu.memory_space<vmem>>, vector<16xi32>,
      %shift_right_logical3A_870 = arith.constant 7 : i32
      %shift_right_logical3A_871 = vector.broadcast %shift_right_logical3A_870 : i32 to vector<16xi32>
      %shift_right_logical3A_872 = arith.shrui %get3A_869, %shift_right_logical3A_871 : vector<16xi32>
      %and3A_873 = arith.constant 127 : i32
      %and3A_874 = vector.broadcast %and3A_873 : i32 to vector<16xi32>
      %and3A_875 = arith.andi %get3A_869, %and3A_874 : vector<16xi32>
      %gather3A_876 = tpu.vector_load_idx %arg11[%broadcast_in_dim3A, %shift_right_logical3A_872, %and3A_875] : memref<32x8x128xf32, #tpu.memory_space<vmem>>[vector<16xi32>, vector<16xi32>, vector<16xi32>], vector<16xf32>,
      %get3A_877 = arith.constant 5 : i32
      %get3A_878 = arith.index_cast %get3A_877 : i32 to index
      %get3A_879 = arith.index_cast %scan3A_359 : i32 to index
      %get3A_880 = arith.constant 48 : index
      %get3A_881 = tpu.vector_load %arg10[%get3A_878, %get3A_879, %get3A_880] {strides = array<i32>} : memref<8x32x128xi32, #tpu.memory_space<vmem>>, vector<16xi32>,
      %shift_right_logical3A_882 = arith.constant 7 : i32
      %shift_right_logical3A_883 = vector.broadcast %shift_right_logical3A_882 : i32 to vector<16xi32>
      %shift_right_logical3A_884 = arith.shrui %get3A_881, %shift_right_logical3A_883 : vector<16xi32>
      %and3A_885 = arith.constant 127 : i32
      %and3A_886 = vector.broadcast %and3A_885 : i32 to vector<16xi32>
      %and3A_887 = arith.andi %get3A_881, %and3A_886 : vector<16xi32>
      %gather3A_888 = tpu.vector_load_idx %arg11[%broadcast_in_dim3A, %shift_right_logical3A_884, %and3A_887] : memref<32x8x128xf32, #tpu.memory_space<vmem>>[vector<16xi32>, vector<16xi32>, vector<16xi32>], vector<16xf32>,
      %get3A_889 = arith.constant 5 : i32
      %get3A_890 = arith.index_cast %get3A_889 : i32 to index
      %get3A_891 = arith.index_cast %scan3A_359 : i32 to index
      %get3A_892 = arith.constant 64 : index
      %get3A_893 = tpu.vector_load %arg10[%get3A_890, %get3A_891, %get3A_892] {strides = array<i32>} : memref<8x32x128xi32, #tpu.memory_space<vmem>>, vector<16xi32>,
      %shift_right_logical3A_894 = arith.constant 7 : i32
      %shift_right_logical3A_895 = vector.broadcast %shift_right_logical3A_894 : i32 to vector<16xi32>
      %shift_right_logical3A_896 = arith.shrui %get3A_893, %shift_right_logical3A_895 : vector<16xi32>
      %and3A_897 = arith.constant 127 : i32
      %and3A_898 = vector.broadcast %and3A_897 : i32 to vector<16xi32>
      %and3A_899 = arith.andi %get3A_893, %and3A_898 : vector<16xi32>
      %gather3A_900 = tpu.vector_load_idx %arg11[%broadcast_in_dim3A, %shift_right_logical3A_896, %and3A_899] : memref<32x8x128xf32, #tpu.memory_space<vmem>>[vector<16xi32>, vector<16xi32>, vector<16xi32>], vector<16xf32>,
      %get3A_901 = arith.constant 5 : i32
      %get3A_902 = arith.index_cast %get3A_901 : i32 to index
      %get3A_903 = arith.index_cast %scan3A_359 : i32 to index
      %get3A_904 = arith.constant 80 : index
      %get3A_905 = tpu.vector_load %arg10[%get3A_902, %get3A_903, %get3A_904] {strides = array<i32>} : memref<8x32x128xi32, #tpu.memory_space<vmem>>, vector<16xi32>,
      %shift_right_logical3A_906 = arith.constant 7 : i32
      %shift_right_logical3A_907 = vector.broadcast %shift_right_logical3A_906 : i32 to vector<16xi32>
      %shift_right_logical3A_908 = arith.shrui %get3A_905, %shift_right_logical3A_907 : vector<16xi32>
      %and3A_909 = arith.constant 127 : i32
      %and3A_910 = vector.broadcast %and3A_909 : i32 to vector<16xi32>
      %and3A_911 = arith.andi %get3A_905, %and3A_910 : vector<16xi32>
      %gather3A_912 = tpu.vector_load_idx %arg11[%broadcast_in_dim3A, %shift_right_logical3A_908, %and3A_911] : memref<32x8x128xf32, #tpu.memory_space<vmem>>[vector<16xi32>, vector<16xi32>, vector<16xi32>], vector<16xf32>,
      %get3A_913 = arith.constant 5 : i32
      %get3A_914 = arith.index_cast %get3A_913 : i32 to index
      %get3A_915 = arith.index_cast %scan3A_359 : i32 to index
      %get3A_916 = arith.constant 96 : index
      %get3A_917 = tpu.vector_load %arg10[%get3A_914, %get3A_915, %get3A_916] {strides = array<i32>} : memref<8x32x128xi32, #tpu.memory_space<vmem>>, vector<16xi32>,
      %shift_right_logical3A_918 = arith.constant 7 : i32
      %shift_right_logical3A_919 = vector.broadcast %shift_right_logical3A_918 : i32 to vector<16xi32>
      %shift_right_logical3A_920 = arith.shrui %get3A_917, %shift_right_logical3A_919 : vector<16xi32>
      %and3A_921 = arith.constant 127 : i32
      %and3A_922 = vector.broadcast %and3A_921 : i32 to vector<16xi32>
      %and3A_923 = arith.andi %get3A_917, %and3A_922 : vector<16xi32>
      %gather3A_924 = tpu.vector_load_idx %arg11[%broadcast_in_dim3A, %shift_right_logical3A_920, %and3A_923] : memref<32x8x128xf32, #tpu.memory_space<vmem>>[vector<16xi32>, vector<16xi32>, vector<16xi32>], vector<16xf32>,
      %get3A_925 = arith.constant 5 : i32
      %get3A_926 = arith.index_cast %get3A_925 : i32 to index
      %get3A_927 = arith.index_cast %scan3A_359 : i32 to index
      %get3A_928 = arith.constant 112 : index
      %get3A_929 = tpu.vector_load %arg10[%get3A_926, %get3A_927, %get3A_928] {strides = array<i32>} : memref<8x32x128xi32, #tpu.memory_space<vmem>>, vector<16xi32>,
      %shift_right_logical3A_930 = arith.constant 7 : i32
      %shift_right_logical3A_931 = vector.broadcast %shift_right_logical3A_930 : i32 to vector<16xi32>
      %shift_right_logical3A_932 = arith.shrui %get3A_929, %shift_right_logical3A_931 : vector<16xi32>
      %and3A_933 = arith.constant 127 : i32
      %and3A_934 = vector.broadcast %and3A_933 : i32 to vector<16xi32>
      %and3A_935 = arith.andi %get3A_929, %and3A_934 : vector<16xi32>
      %gather3A_936 = tpu.vector_load_idx %arg11[%broadcast_in_dim3A, %shift_right_logical3A_932, %and3A_935] : memref<32x8x128xf32, #tpu.memory_space<vmem>>[vector<16xi32>, vector<16xi32>, vector<16xi32>], vector<16xf32>,
      %get3A_937 = arith.constant 6 : i32
      %get3A_938 = arith.index_cast %get3A_937 : i32 to index
      %get3A_939 = arith.index_cast %scan3A_359 : i32 to index
      %get3A_940 = arith.constant 0 : index
      %get3A_941 = tpu.vector_load %arg10[%get3A_938, %get3A_939, %get3A_940] {strides = array<i32>} : memref<8x32x128xi32, #tpu.memory_space<vmem>>, vector<16xi32>,
      %shift_right_logical3A_942 = arith.constant 7 : i32
      %shift_right_logical3A_943 = vector.broadcast %shift_right_logical3A_942 : i32 to vector<16xi32>
      %shift_right_logical3A_944 = arith.shrui %get3A_941, %shift_right_logical3A_943 : vector<16xi32>
      %and3A_945 = arith.constant 127 : i32
      %and3A_946 = vector.broadcast %and3A_945 : i32 to vector<16xi32>
      %and3A_947 = arith.andi %get3A_941, %and3A_946 : vector<16xi32>
      %gather3A_948 = tpu.vector_load_idx %arg11[%broadcast_in_dim3A, %shift_right_logical3A_944, %and3A_947] : memref<32x8x128xf32, #tpu.memory_space<vmem>>[vector<16xi32>, vector<16xi32>, vector<16xi32>], vector<16xf32>,
      %get3A_949 = arith.constant 6 : i32
      %get3A_950 = arith.index_cast %get3A_949 : i32 to index
      %get3A_951 = arith.index_cast %scan3A_359 : i32 to index
      %get3A_952 = arith.constant 16 : index
      %get3A_953 = tpu.vector_load %arg10[%get3A_950, %get3A_951, %get3A_952] {strides = array<i32>} : memref<8x32x128xi32, #tpu.memory_space<vmem>>, vector<16xi32>,
      %shift_right_logical3A_954 = arith.constant 7 : i32
      %shift_right_logical3A_955 = vector.broadcast %shift_right_logical3A_954 : i32 to vector<16xi32>
      %shift_right_logical3A_956 = arith.shrui %get3A_953, %shift_right_logical3A_955 : vector<16xi32>
      %and3A_957 = arith.constant 127 : i32
      %and3A_958 = vector.broadcast %and3A_957 : i32 to vector<16xi32>
      %and3A_959 = arith.andi %get3A_953, %and3A_958 : vector<16xi32>
      %gather3A_960 = tpu.vector_load_idx %arg11[%broadcast_in_dim3A, %shift_right_logical3A_956, %and3A_959] : memref<32x8x128xf32, #tpu.memory_space<vmem>>[vector<16xi32>, vector<16xi32>, vector<16xi32>], vector<16xf32>,
      %get3A_961 = arith.constant 6 : i32
      %get3A_962 = arith.index_cast %get3A_961 : i32 to index
      %get3A_963 = arith.index_cast %scan3A_359 : i32 to index
      %get3A_964 = arith.constant 32 : index
      %get3A_965 = tpu.vector_load %arg10[%get3A_962, %get3A_963, %get3A_964] {strides = array<i32>} : memref<8x32x128xi32, #tpu.memory_space<vmem>>, vector<16xi32>,
      %shift_right_logical3A_966 = arith.constant 7 : i32
      %shift_right_logical3A_967 = vector.broadcast %shift_right_logical3A_966 : i32 to vector<16xi32>
      %shift_right_logical3A_968 = arith.shrui %get3A_965, %shift_right_logical3A_967 : vector<16xi32>
      %and3A_969 = arith.constant 127 : i32
      %and3A_970 = vector.broadcast %and3A_969 : i32 to vector<16xi32>
      %and3A_971 = arith.andi %get3A_965, %and3A_970 : vector<16xi32>
      %gather3A_972 = tpu.vector_load_idx %arg11[%broadcast_in_dim3A, %shift_right_logical3A_968, %and3A_971] : memref<32x8x128xf32, #tpu.memory_space<vmem>>[vector<16xi32>, vector<16xi32>, vector<16xi32>], vector<16xf32>,
      %get3A_973 = arith.constant 6 : i32
      %get3A_974 = arith.index_cast %get3A_973 : i32 to index
      %get3A_975 = arith.index_cast %scan3A_359 : i32 to index
      %get3A_976 = arith.constant 48 : index
      %get3A_977 = tpu.vector_load %arg10[%get3A_974, %get3A_975, %get3A_976] {strides = array<i32>} : memref<8x32x128xi32, #tpu.memory_space<vmem>>, vector<16xi32>,
      %shift_right_logical3A_978 = arith.constant 7 : i32
      %shift_right_logical3A_979 = vector.broadcast %shift_right_logical3A_978 : i32 to vector<16xi32>
      %shift_right_logical3A_980 = arith.shrui %get3A_977, %shift_right_logical3A_979 : vector<16xi32>
      %and3A_981 = arith.constant 127 : i32
      %and3A_982 = vector.broadcast %and3A_981 : i32 to vector<16xi32>
      %and3A_983 = arith.andi %get3A_977, %and3A_982 : vector<16xi32>
      %gather3A_984 = tpu.vector_load_idx %arg11[%broadcast_in_dim3A, %shift_right_logical3A_980, %and3A_983] : memref<32x8x128xf32, #tpu.memory_space<vmem>>[vector<16xi32>, vector<16xi32>, vector<16xi32>], vector<16xf32>,
      %get3A_985 = arith.constant 6 : i32
      %get3A_986 = arith.index_cast %get3A_985 : i32 to index
      %get3A_987 = arith.index_cast %scan3A_359 : i32 to index
      %get3A_988 = arith.constant 64 : index
      %get3A_989 = tpu.vector_load %arg10[%get3A_986, %get3A_987, %get3A_988] {strides = array<i32>} : memref<8x32x128xi32, #tpu.memory_space<vmem>>, vector<16xi32>,
      %shift_right_logical3A_990 = arith.constant 7 : i32
      %shift_right_logical3A_991 = vector.broadcast %shift_right_logical3A_990 : i32 to vector<16xi32>
      %shift_right_logical3A_992 = arith.shrui %get3A_989, %shift_right_logical3A_991 : vector<16xi32>
      %and3A_993 = arith.constant 127 : i32
      %and3A_994 = vector.broadcast %and3A_993 : i32 to vector<16xi32>
      %and3A_995 = arith.andi %get3A_989, %and3A_994 : vector<16xi32>
      %gather3A_996 = tpu.vector_load_idx %arg11[%broadcast_in_dim3A, %shift_right_logical3A_992, %and3A_995] : memref<32x8x128xf32, #tpu.memory_space<vmem>>[vector<16xi32>, vector<16xi32>, vector<16xi32>], vector<16xf32>,
      %get3A_997 = arith.constant 6 : i32
      %get3A_998 = arith.index_cast %get3A_997 : i32 to index
      %get3A_999 = arith.index_cast %scan3A_359 : i32 to index
      %get3A_1000 = arith.constant 80 : index
      %get3A_1001 = tpu.vector_load %arg10[%get3A_998, %get3A_999, %get3A_1000] {strides = array<i32>} : memref<8x32x128xi32, #tpu.memory_space<vmem>>, vector<16xi32>,
      %shift_right_logical3A_1002 = arith.constant 7 : i32
      %shift_right_logical3A_1003 = vector.broadcast %shift_right_logical3A_1002 : i32 to vector<16xi32>
      %shift_right_logical3A_1004 = arith.shrui %get3A_1001, %shift_right_logical3A_1003 : vector<16xi32>
      %and3A_1005 = arith.constant 127 : i32
      %and3A_1006 = vector.broadcast %and3A_1005 : i32 to vector<16xi32>
      %and3A_1007 = arith.andi %get3A_1001, %and3A_1006 : vector<16xi32>
      %gather3A_1008 = tpu.vector_load_idx %arg11[%broadcast_in_dim3A, %shift_right_logical3A_1004, %and3A_1007] : memref<32x8x128xf32, #tpu.memory_space<vmem>>[vector<16xi32>, vector<16xi32>, vector<16xi32>], vector<16xf32>,
      %get3A_1009 = arith.constant 6 : i32
      %get3A_1010 = arith.index_cast %get3A_1009 : i32 to index
      %get3A_1011 = arith.index_cast %scan3A_359 : i32 to index
      %get3A_1012 = arith.constant 96 : index
      %get3A_1013 = tpu.vector_load %arg10[%get3A_1010, %get3A_1011, %get3A_1012] {strides = array<i32>} : memref<8x32x128xi32, #tpu.memory_space<vmem>>, vector<16xi32>,
      %shift_right_logical3A_1014 = arith.constant 7 : i32
      %shift_right_logical3A_1015 = vector.broadcast %shift_right_logical3A_1014 : i32 to vector<16xi32>
      %shift_right_logical3A_1016 = arith.shrui %get3A_1013, %shift_right_logical3A_1015 : vector<16xi32>
      %and3A_1017 = arith.constant 127 : i32
      %and3A_1018 = vector.broadcast %and3A_1017 : i32 to vector<16xi32>
      %and3A_1019 = arith.andi %get3A_1013, %and3A_1018 : vector<16xi32>
      %gather3A_1020 = tpu.vector_load_idx %arg11[%broadcast_in_dim3A, %shift_right_logical3A_1016, %and3A_1019] : memref<32x8x128xf32, #tpu.memory_space<vmem>>[vector<16xi32>, vector<16xi32>, vector<16xi32>], vector<16xf32>,
      %get3A_1021 = arith.constant 6 : i32
      %get3A_1022 = arith.index_cast %get3A_1021 : i32 to index
      %get3A_1023 = arith.index_cast %scan3A_359 : i32 to index
      %get3A_1024 = arith.constant 112 : index
      %get3A_1025 = tpu.vector_load %arg10[%get3A_1022, %get3A_1023, %get3A_1024] {strides = array<i32>} : memref<8x32x128xi32, #tpu.memory_space<vmem>>, vector<16xi32>,
      %shift_right_logical3A_1026 = arith.constant 7 : i32
      %shift_right_logical3A_1027 = vector.broadcast %shift_right_logical3A_1026 : i32 to vector<16xi32>
      %shift_right_logical3A_1028 = arith.shrui %get3A_1025, %shift_right_logical3A_1027 : vector<16xi32>
      %and3A_1029 = arith.constant 127 : i32
      %and3A_1030 = vector.broadcast %and3A_1029 : i32 to vector<16xi32>
      %and3A_1031 = arith.andi %get3A_1025, %and3A_1030 : vector<16xi32>
      %gather3A_1032 = tpu.vector_load_idx %arg11[%broadcast_in_dim3A, %shift_right_logical3A_1028, %and3A_1031] : memref<32x8x128xf32, #tpu.memory_space<vmem>>[vector<16xi32>, vector<16xi32>, vector<16xi32>], vector<16xf32>,
      %get3A_1033 = arith.constant 7 : i32
      %get3A_1034 = arith.index_cast %get3A_1033 : i32 to index
      %get3A_1035 = arith.index_cast %scan3A_359 : i32 to index
      %get3A_1036 = arith.constant 0 : index
      %get3A_1037 = tpu.vector_load %arg10[%get3A_1034, %get3A_1035, %get3A_1036] {strides = array<i32>} : memref<8x32x128xi32, #tpu.memory_space<vmem>>, vector<16xi32>,
      %shift_right_logical3A_1038 = arith.constant 7 : i32
      %shift_right_logical3A_1039 = vector.broadcast %shift_right_logical3A_1038 : i32 to vector<16xi32>
      %shift_right_logical3A_1040 = arith.shrui %get3A_1037, %shift_right_logical3A_1039 : vector<16xi32>
      %and3A_1041 = arith.constant 127 : i32
      %and3A_1042 = vector.broadcast %and3A_1041 : i32 to vector<16xi32>
      %and3A_1043 = arith.andi %get3A_1037, %and3A_1042 : vector<16xi32>
      %gather3A_1044 = tpu.vector_load_idx %arg11[%broadcast_in_dim3A, %shift_right_logical3A_1040, %and3A_1043] : memref<32x8x128xf32, #tpu.memory_space<vmem>>[vector<16xi32>, vector<16xi32>, vector<16xi32>], vector<16xf32>,
      %get3A_1045 = arith.constant 7 : i32
      %get3A_1046 = arith.index_cast %get3A_1045 : i32 to index
      %get3A_1047 = arith.index_cast %scan3A_359 : i32 to index
      %get3A_1048 = arith.constant 16 : index
      %get3A_1049 = tpu.vector_load %arg10[%get3A_1046, %get3A_1047, %get3A_1048] {strides = array<i32>} : memref<8x32x128xi32, #tpu.memory_space<vmem>>, vector<16xi32>,
      %shift_right_logical3A_1050 = arith.constant 7 : i32
      %shift_right_logical3A_1051 = vector.broadcast %shift_right_logical3A_1050 : i32 to vector<16xi32>
      %shift_right_logical3A_1052 = arith.shrui %get3A_1049, %shift_right_logical3A_1051 : vector<16xi32>
      %and3A_1053 = arith.constant 127 : i32
      %and3A_1054 = vector.broadcast %and3A_1053 : i32 to vector<16xi32>
      %and3A_1055 = arith.andi %get3A_1049, %and3A_1054 : vector<16xi32>
      %gather3A_1056 = tpu.vector_load_idx %arg11[%broadcast_in_dim3A, %shift_right_logical3A_1052, %and3A_1055] : memref<32x8x128xf32, #tpu.memory_space<vmem>>[vector<16xi32>, vector<16xi32>, vector<16xi32>], vector<16xf32>,
      %get3A_1057 = arith.constant 7 : i32
      %get3A_1058 = arith.index_cast %get3A_1057 : i32 to index
      %get3A_1059 = arith.index_cast %scan3A_359 : i32 to index
      %get3A_1060 = arith.constant 32 : index
      %get3A_1061 = tpu.vector_load %arg10[%get3A_1058, %get3A_1059, %get3A_1060] {strides = array<i32>} : memref<8x32x128xi32, #tpu.memory_space<vmem>>, vector<16xi32>,
      %shift_right_logical3A_1062 = arith.constant 7 : i32
      %shift_right_logical3A_1063 = vector.broadcast %shift_right_logical3A_1062 : i32 to vector<16xi32>
      %shift_right_logical3A_1064 = arith.shrui %get3A_1061, %shift_right_logical3A_1063 : vector<16xi32>
      %and3A_1065 = arith.constant 127 : i32
      %and3A_1066 = vector.broadcast %and3A_1065 : i32 to vector<16xi32>
      %and3A_1067 = arith.andi %get3A_1061, %and3A_1066 : vector<16xi32>
      %gather3A_1068 = tpu.vector_load_idx %arg11[%broadcast_in_dim3A, %shift_right_logical3A_1064, %and3A_1067] : memref<32x8x128xf32, #tpu.memory_space<vmem>>[vector<16xi32>, vector<16xi32>, vector<16xi32>], vector<16xf32>,
      %get3A_1069 = arith.constant 7 : i32
      %get3A_1070 = arith.index_cast %get3A_1069 : i32 to index
      %get3A_1071 = arith.index_cast %scan3A_359 : i32 to index
      %get3A_1072 = arith.constant 48 : index
      %get3A_1073 = tpu.vector_load %arg10[%get3A_1070, %get3A_1071, %get3A_1072] {strides = array<i32>} : memref<8x32x128xi32, #tpu.memory_space<vmem>>, vector<16xi32>,
      %shift_right_logical3A_1074 = arith.constant 7 : i32
      %shift_right_logical3A_1075 = vector.broadcast %shift_right_logical3A_1074 : i32 to vector<16xi32>
      %shift_right_logical3A_1076 = arith.shrui %get3A_1073, %shift_right_logical3A_1075 : vector<16xi32>
      %and3A_1077 = arith.constant 127 : i32
      %and3A_1078 = vector.broadcast %and3A_1077 : i32 to vector<16xi32>
      %and3A_1079 = arith.andi %get3A_1073, %and3A_1078 : vector<16xi32>
      %gather3A_1080 = tpu.vector_load_idx %arg11[%broadcast_in_dim3A, %shift_right_logical3A_1076, %and3A_1079] : memref<32x8x128xf32, #tpu.memory_space<vmem>>[vector<16xi32>, vector<16xi32>, vector<16xi32>], vector<16xf32>,
      %get3A_1081 = arith.constant 7 : i32
      %get3A_1082 = arith.index_cast %get3A_1081 : i32 to index
      %get3A_1083 = arith.index_cast %scan3A_359 : i32 to index
      %get3A_1084 = arith.constant 64 : index
      %get3A_1085 = tpu.vector_load %arg10[%get3A_1082, %get3A_1083, %get3A_1084] {strides = array<i32>} : memref<8x32x128xi32, #tpu.memory_space<vmem>>, vector<16xi32>,
      %shift_right_logical3A_1086 = arith.constant 7 : i32
      %shift_right_logical3A_1087 = vector.broadcast %shift_right_logical3A_1086 : i32 to vector<16xi32>
      %shift_right_logical3A_1088 = arith.shrui %get3A_1085, %shift_right_logical3A_1087 : vector<16xi32>
      %and3A_1089 = arith.constant 127 : i32
      %and3A_1090 = vector.broadcast %and3A_1089 : i32 to vector<16xi32>
      %and3A_1091 = arith.andi %get3A_1085, %and3A_1090 : vector<16xi32>
      %gather3A_1092 = tpu.vector_load_idx %arg11[%broadcast_in_dim3A, %shift_right_logical3A_1088, %and3A_1091] : memref<32x8x128xf32, #tpu.memory_space<vmem>>[vector<16xi32>, vector<16xi32>, vector<16xi32>], vector<16xf32>,
      %get3A_1093 = arith.constant 7 : i32
      %get3A_1094 = arith.index_cast %get3A_1093 : i32 to index
      %get3A_1095 = arith.index_cast %scan3A_359 : i32 to index
      %get3A_1096 = arith.constant 80 : index
      %get3A_1097 = tpu.vector_load %arg10[%get3A_1094, %get3A_1095, %get3A_1096] {strides = array<i32>} : memref<8x32x128xi32, #tpu.memory_space<vmem>>, vector<16xi32>,
      %shift_right_logical3A_1098 = arith.constant 7 : i32
      %shift_right_logical3A_1099 = vector.broadcast %shift_right_logical3A_1098 : i32 to vector<16xi32>
      %shift_right_logical3A_1100 = arith.shrui %get3A_1097, %shift_right_logical3A_1099 : vector<16xi32>
      %and3A_1101 = arith.constant 127 : i32
      %and3A_1102 = vector.broadcast %and3A_1101 : i32 to vector<16xi32>
      %and3A_1103 = arith.andi %get3A_1097, %and3A_1102 : vector<16xi32>
      %gather3A_1104 = tpu.vector_load_idx %arg11[%broadcast_in_dim3A, %shift_right_logical3A_1100, %and3A_1103] : memref<32x8x128xf32, #tpu.memory_space<vmem>>[vector<16xi32>, vector<16xi32>, vector<16xi32>], vector<16xf32>,
      %get3A_1105 = arith.constant 7 : i32
      %get3A_1106 = arith.index_cast %get3A_1105 : i32 to index
      %get3A_1107 = arith.index_cast %scan3A_359 : i32 to index
      %get3A_1108 = arith.constant 96 : index
      %get3A_1109 = tpu.vector_load %arg10[%get3A_1106, %get3A_1107, %get3A_1108] {strides = array<i32>} : memref<8x32x128xi32, #tpu.memory_space<vmem>>, vector<16xi32>,
      %shift_right_logical3A_1110 = arith.constant 7 : i32
      %shift_right_logical3A_1111 = vector.broadcast %shift_right_logical3A_1110 : i32 to vector<16xi32>
      %shift_right_logical3A_1112 = arith.shrui %get3A_1109, %shift_right_logical3A_1111 : vector<16xi32>
      %and3A_1113 = arith.constant 127 : i32
      %and3A_1114 = vector.broadcast %and3A_1113 : i32 to vector<16xi32>
      %and3A_1115 = arith.andi %get3A_1109, %and3A_1114 : vector<16xi32>
      %gather3A_1116 = tpu.vector_load_idx %arg11[%broadcast_in_dim3A, %shift_right_logical3A_1112, %and3A_1115] : memref<32x8x128xf32, #tpu.memory_space<vmem>>[vector<16xi32>, vector<16xi32>, vector<16xi32>], vector<16xf32>,
      %get3A_1117 = arith.constant 7 : i32
      %get3A_1118 = arith.index_cast %get3A_1117 : i32 to index
      %get3A_1119 = arith.index_cast %scan3A_359 : i32 to index
      %get3A_1120 = arith.constant 112 : index
      %get3A_1121 = tpu.vector_load %arg10[%get3A_1118, %get3A_1119, %get3A_1120] {strides = array<i32>} : memref<8x32x128xi32, #tpu.memory_space<vmem>>, vector<16xi32>,
      %shift_right_logical3A_1122 = arith.constant 7 : i32
      %shift_right_logical3A_1123 = vector.broadcast %shift_right_logical3A_1122 : i32 to vector<16xi32>
      %shift_right_logical3A_1124 = arith.shrui %get3A_1121, %shift_right_logical3A_1123 : vector<16xi32>
      %and3A_1125 = arith.constant 127 : i32
      %and3A_1126 = vector.broadcast %and3A_1125 : i32 to vector<16xi32>
      %and3A_1127 = arith.andi %get3A_1121, %and3A_1126 : vector<16xi32>
      %gather3A_1128 = tpu.vector_load_idx %arg11[%broadcast_in_dim3A, %shift_right_logical3A_1124, %and3A_1127] : memref<32x8x128xf32, #tpu.memory_space<vmem>>[vector<16xi32>, vector<16xi32>, vector<16xi32>], vector<16xf32>,
      %add3A_1129 = arith.addf %gather3A_372, %gather3A_384 : vector<16xf32>
      %add3A_1130 = arith.addf %gather3A_396, %gather3A_408 : vector<16xf32>
      %add3A_1131 = arith.addf %gather3A_420, %gather3A_432 : vector<16xf32>
      %add3A_1132 = arith.addf %gather3A_444, %gather3A_456 : vector<16xf32>
      %add3A_1133 = arith.addf %gather3A_468, %gather3A_480 : vector<16xf32>
      %add3A_1134 = arith.addf %gather3A_492, %gather3A_504 : vector<16xf32>
      %add3A_1135 = arith.addf %gather3A_516, %gather3A_528 : vector<16xf32>
      %add3A_1136 = arith.addf %gather3A_540, %gather3A_552 : vector<16xf32>
      %add3A_1137 = arith.addf %gather3A_564, %gather3A_576 : vector<16xf32>
      %add3A_1138 = arith.addf %gather3A_588, %gather3A_600 : vector<16xf32>
      %add3A_1139 = arith.addf %gather3A_612, %gather3A_624 : vector<16xf32>
      %add3A_1140 = arith.addf %gather3A_636, %gather3A_648 : vector<16xf32>
      %add3A_1141 = arith.addf %gather3A_660, %gather3A_672 : vector<16xf32>
      %add3A_1142 = arith.addf %gather3A_684, %gather3A_696 : vector<16xf32>
      %add3A_1143 = arith.addf %gather3A_708, %gather3A_720 : vector<16xf32>
      %add3A_1144 = arith.addf %gather3A_732, %gather3A_744 : vector<16xf32>
      %add3A_1145 = arith.addf %gather3A_756, %gather3A_768 : vector<16xf32>
      %add3A_1146 = arith.addf %gather3A_780, %gather3A_792 : vector<16xf32>
      %add3A_1147 = arith.addf %gather3A_804, %gather3A_816 : vector<16xf32>
      %add3A_1148 = arith.addf %gather3A_828, %gather3A_840 : vector<16xf32>
      %add3A_1149 = arith.addf %gather3A_852, %gather3A_864 : vector<16xf32>
      %add3A_1150 = arith.addf %gather3A_876, %gather3A_888 : vector<16xf32>
      %add3A_1151 = arith.addf %gather3A_900, %gather3A_912 : vector<16xf32>
      %add3A_1152 = arith.addf %gather3A_924, %gather3A_936 : vector<16xf32>
      %add3A_1153 = arith.addf %gather3A_948, %gather3A_960 : vector<16xf32>
      %add3A_1154 = arith.addf %gather3A_972, %gather3A_984 : vector<16xf32>
      %add3A_1155 = arith.addf %gather3A_996, %gather3A_1008 : vector<16xf32>
      %add3A_1156 = arith.addf %gather3A_1020, %gather3A_1032 : vector<16xf32>
      %add3A_1157 = arith.addf %gather3A_1044, %gather3A_1056 : vector<16xf32>
      %add3A_1158 = arith.addf %gather3A_1068, %gather3A_1080 : vector<16xf32>
      %add3A_1159 = arith.addf %gather3A_1092, %gather3A_1104 : vector<16xf32>
      %add3A_1160 = arith.addf %gather3A_1116, %gather3A_1128 : vector<16xf32>
      %add3A_1161 = arith.addf %add3A_1129, %add3A_1130 : vector<16xf32>
      %add3A_1162 = arith.addf %add3A_1131, %add3A_1132 : vector<16xf32>
      %add3A_1163 = arith.addf %add3A_1133, %add3A_1134 : vector<16xf32>
      %add3A_1164 = arith.addf %add3A_1135, %add3A_1136 : vector<16xf32>
      %add3A_1165 = arith.addf %add3A_1137, %add3A_1138 : vector<16xf32>
      %add3A_1166 = arith.addf %add3A_1139, %add3A_1140 : vector<16xf32>
      %add3A_1167 = arith.addf %add3A_1141, %add3A_1142 : vector<16xf32>
      %add3A_1168 = arith.addf %add3A_1143, %add3A_1144 : vector<16xf32>
      %add3A_1169 = arith.addf %add3A_1145, %add3A_1146 : vector<16xf32>
      %add3A_1170 = arith.addf %add3A_1147, %add3A_1148 : vector<16xf32>
      %add3A_1171 = arith.addf %add3A_1149, %add3A_1150 : vector<16xf32>
      %add3A_1172 = arith.addf %add3A_1151, %add3A_1152 : vector<16xf32>
      %add3A_1173 = arith.addf %add3A_1153, %add3A_1154 : vector<16xf32>
      %add3A_1174 = arith.addf %add3A_1155, %add3A_1156 : vector<16xf32>
      %add3A_1175 = arith.addf %add3A_1157, %add3A_1158 : vector<16xf32>
      %add3A_1176 = arith.addf %add3A_1159, %add3A_1160 : vector<16xf32>
      %add3A_1177 = arith.addf %add3A_1161, %add3A_1162 : vector<16xf32>
      %add3A_1178 = arith.addf %add3A_1163, %add3A_1164 : vector<16xf32>
      %add3A_1179 = arith.addf %add3A_1165, %add3A_1166 : vector<16xf32>
      %add3A_1180 = arith.addf %add3A_1167, %add3A_1168 : vector<16xf32>
      %add3A_1181 = arith.addf %add3A_1169, %add3A_1170 : vector<16xf32>
      %add3A_1182 = arith.addf %add3A_1171, %add3A_1172 : vector<16xf32>
      %add3A_1183 = arith.addf %add3A_1173, %add3A_1174 : vector<16xf32>
      %add3A_1184 = arith.addf %add3A_1175, %add3A_1176 : vector<16xf32>
      %add3A_1185 = arith.addf %add3A_1177, %add3A_1178 : vector<16xf32>
      %add3A_1186 = arith.addf %add3A_1179, %add3A_1180 : vector<16xf32>
      %add3A_1187 = arith.addf %add3A_1181, %add3A_1182 : vector<16xf32>
      %add3A_1188 = arith.addf %add3A_1183, %add3A_1184 : vector<16xf32>
      %add3A_1189 = arith.addf %add3A_1185, %add3A_1186 : vector<16xf32>
      %add3A_1190 = arith.addf %add3A_1187, %add3A_1188 : vector<16xf32>
      %add3A_1191 = arith.addf %add3A_1189, %add3A_1190 : vector<16xf32>
      %shift_right_arithmetic3A_1192 = arith.constant 3 : i32
      %shift_right_arithmetic3A_1193 = arith.shrsi %scan3A_359, %shift_right_arithmetic3A_1192 : i32
      %and3A_1194 = arith.constant 7 : i32
      %and3A_1195 = arith.andi %scan3A_359, %and3A_1194 : i32
      %mul3A_1196 = arith.constant 16 : i32
      %mul3A_1197 = arith.muli %and3A_1195, %mul3A_1196 : i32
      %swap3A_1198 = arith.index_cast %shift_right_arithmetic3A_1193 : i32 to index
      %swap3A_1199 = arith.index_cast %mul3A_1197 : i32 to index
      %swap3A_1200 = tpu.vector_load %arg12[%swap3A_1198, %swap3A_1199] {strides = array<i32>} : memref<4x128xf32, #tpu.memory_space<vmem>>, vector<16xf32>,
      tpu.vector_store %arg12[%swap3A_1198, %swap3A_1199], %add3A_1191 {strides = array<i32>} : memref<4x128xf32, #tpu.memory_space<vmem>>, vector<16xf32>,
      %scan3A_1201 = arith.constant 0 : i32
      scf.yield %scan3A_1201 : i32
    }
    %scan3A_318 = arith.constant 16 : i32
    %dma_wait3A_319 = arith.constant 16 : i32
    %dma_wait3A_320 = arith.constant 0 : i32
    %dma_wait3A_321 = arith.constant 0 : i32
    %dma_wait3A_322 = tpu.memref_slice %arg11[%dma_wait3A_319, %dma_wait3A_320, %dma_wait3A_321] : memref<32x8x128xf32, #tpu.memory_space<vmem>> -> memref<16x8x128xf32, #tpu.memory_space<vmem>>
    %dma_wait3A_323 = arith.constant 0 : i32
    %dma_wait3A_324 = arith.constant 0 : i32
    %dma_wait3A_325 = arith.constant 0 : i32
    %dma_wait3A_326 = tpu.memref_slice %arg5[%dma_wait3A_323, %dma_wait3A_324, %dma_wait3A_325] : memref<1024x8x128xf32, #tpu.memory_space<hbm>> -> memref<1024x8x128xf32, #tpu.memory_space<hbm>>
    tpu.wait_indirect_dma semaphore(%arg16 : memref<!tpu.dma_semaphore, #tpu.memory_space<semaphore_mem>>) src(%dma_wait3A_326 : memref<1024x8x128xf32, #tpu.memory_space<hbm>>) dst(%dma_wait3A_322 : memref<16x8x128xf32, #tpu.memory_space<vmem>>)
    %get3A_327 = arith.constant 16 : index
    %get3A_328 = tpu.vector_load %arg9[%get3A_327] {strides = array<i32>} : memref<32xi32, #tpu.memory_space<vmem>>, vector<16xi32>,
    %add3A_329 = arith.constant 16 : i32
    %add3A_330 = vector.broadcast %add3A_329 : i32 to vector<16xi32>
    %add3A_331 = arith.addi %iota3A, %add3A_330 : vector<16xi32>
    %shift_right_logical3A_332 = arith.constant 7 : i32
    %shift_right_logical3A_333 = vector.broadcast %shift_right_logical3A_332 : i32 to vector<16xi32>
    %shift_right_logical3A_334 = arith.shrui %get3A_328, %shift_right_logical3A_333 : vector<16xi32>
    %and3A_335 = arith.constant 127 : i32
    %and3A_336 = vector.broadcast %and3A_335 : i32 to vector<16xi32>
    %and3A_337 = arith.andi %get3A_328, %and3A_336 : vector<16xi32>
    %gather3A_338 = tpu.vector_load_idx %arg11[%add3A_331, %shift_right_logical3A_334, %and3A_337] : memref<32x8x128xf32, #tpu.memory_space<vmem>>[vector<16xi32>, vector<16xi32>, vector<16xi32>], vector<16xf32>,
    %swap3A_339 = arith.constant 0 : i32
    %swap3A_340 = arith.index_cast %swap3A_339 : i32 to index
    %swap3A_341 = arith.constant 16 : index
    %swap3A_342 = tpu.vector_load %arg13[%swap3A_340, %swap3A_341] {strides = array<i32>} : memref<1x32xf32, #tpu.memory_space<vmem>>, vector<16xf32>,
    tpu.vector_store %arg13[%swap3A_340, %swap3A_341], %gather3A_338 {strides = array<i32>} : memref<1x32xf32, #tpu.memory_space<vmem>>, vector<16xf32>,
    %scan3A_343 = arith.constant 0 : i32
    %scan3A_344 = arith.constant 16 : i32
    %scan3A_345 = arith.constant 16 : i32
    %scan3A_346 = arith.addi %scan3A_344, %scan3A_345 : i32
    %scan3A_347 = arith.constant 1 : i32
    %scan3A_348 = scf.for %scan3A_359 = %scan3A_344 to %scan3A_346 step %scan3A_347 iter_args(%scan3A_360 = %scan3A_343) -> (i32)  : i32 {
      %broadcast_in_dim3A = vector.broadcast %scan3A_359 : i32 to vector<16xi32>
      %get3A_361 = arith.constant 0 : i32
      %get3A_362 = arith.index_cast %get3A_361 : i32 to index
      %get3A_363 = arith.index_cast %scan3A_359 : i32 to index
      %get3A_364 = arith.constant 0 : index
      %get3A_365 = tpu.vector_load %arg10[%get3A_362, %get3A_363, %get3A_364] {strides = array<i32>} : memref<8x32x128xi32, #tpu.memory_space<vmem>>, vector<16xi32>,
      %shift_right_logical3A_366 = arith.constant 7 : i32
      %shift_right_logical3A_367 = vector.broadcast %shift_right_logical3A_366 : i32 to vector<16xi32>
      %shift_right_logical3A_368 = arith.shrui %get3A_365, %shift_right_logical3A_367 : vector<16xi32>
      %and3A_369 = arith.constant 127 : i32
      %and3A_370 = vector.broadcast %and3A_369 : i32 to vector<16xi32>
      %and3A_371 = arith.andi %get3A_365, %and3A_370 : vector<16xi32>
      %gather3A_372 = tpu.vector_load_idx %arg11[%broadcast_in_dim3A, %shift_right_logical3A_368, %and3A_371] : memref<32x8x128xf32, #tpu.memory_space<vmem>>[vector<16xi32>, vector<16xi32>, vector<16xi32>], vector<16xf32>,
      %get3A_373 = arith.constant 0 : i32
      %get3A_374 = arith.index_cast %get3A_373 : i32 to index
      %get3A_375 = arith.index_cast %scan3A_359 : i32 to index
      %get3A_376 = arith.constant 16 : index
      %get3A_377 = tpu.vector_load %arg10[%get3A_374, %get3A_375, %get3A_376] {strides = array<i32>} : memref<8x32x128xi32, #tpu.memory_space<vmem>>, vector<16xi32>,
      %shift_right_logical3A_378 = arith.constant 7 : i32
      %shift_right_logical3A_379 = vector.broadcast %shift_right_logical3A_378 : i32 to vector<16xi32>
      %shift_right_logical3A_380 = arith.shrui %get3A_377, %shift_right_logical3A_379 : vector<16xi32>
      %and3A_381 = arith.constant 127 : i32
      %and3A_382 = vector.broadcast %and3A_381 : i32 to vector<16xi32>
      %and3A_383 = arith.andi %get3A_377, %and3A_382 : vector<16xi32>
      %gather3A_384 = tpu.vector_load_idx %arg11[%broadcast_in_dim3A, %shift_right_logical3A_380, %and3A_383] : memref<32x8x128xf32, #tpu.memory_space<vmem>>[vector<16xi32>, vector<16xi32>, vector<16xi32>], vector<16xf32>,
      %get3A_385 = arith.constant 0 : i32
      %get3A_386 = arith.index_cast %get3A_385 : i32 to index
      %get3A_387 = arith.index_cast %scan3A_359 : i32 to index
      %get3A_388 = arith.constant 32 : index
      %get3A_389 = tpu.vector_load %arg10[%get3A_386, %get3A_387, %get3A_388] {strides = array<i32>} : memref<8x32x128xi32, #tpu.memory_space<vmem>>, vector<16xi32>,
      %shift_right_logical3A_390 = arith.constant 7 : i32
      %shift_right_logical3A_391 = vector.broadcast %shift_right_logical3A_390 : i32 to vector<16xi32>
      %shift_right_logical3A_392 = arith.shrui %get3A_389, %shift_right_logical3A_391 : vector<16xi32>
      %and3A_393 = arith.constant 127 : i32
      %and3A_394 = vector.broadcast %and3A_393 : i32 to vector<16xi32>
      %and3A_395 = arith.andi %get3A_389, %and3A_394 : vector<16xi32>
      %gather3A_396 = tpu.vector_load_idx %arg11[%broadcast_in_dim3A, %shift_right_logical3A_392, %and3A_395] : memref<32x8x128xf32, #tpu.memory_space<vmem>>[vector<16xi32>, vector<16xi32>, vector<16xi32>], vector<16xf32>,
      %get3A_397 = arith.constant 0 : i32
      %get3A_398 = arith.index_cast %get3A_397 : i32 to index
      %get3A_399 = arith.index_cast %scan3A_359 : i32 to index
      %get3A_400 = arith.constant 48 : index
      %get3A_401 = tpu.vector_load %arg10[%get3A_398, %get3A_399, %get3A_400] {strides = array<i32>} : memref<8x32x128xi32, #tpu.memory_space<vmem>>, vector<16xi32>,
      %shift_right_logical3A_402 = arith.constant 7 : i32
      %shift_right_logical3A_403 = vector.broadcast %shift_right_logical3A_402 : i32 to vector<16xi32>
      %shift_right_logical3A_404 = arith.shrui %get3A_401, %shift_right_logical3A_403 : vector<16xi32>
      %and3A_405 = arith.constant 127 : i32
      %and3A_406 = vector.broadcast %and3A_405 : i32 to vector<16xi32>
      %and3A_407 = arith.andi %get3A_401, %and3A_406 : vector<16xi32>
      %gather3A_408 = tpu.vector_load_idx %arg11[%broadcast_in_dim3A, %shift_right_logical3A_404, %and3A_407] : memref<32x8x128xf32, #tpu.memory_space<vmem>>[vector<16xi32>, vector<16xi32>, vector<16xi32>], vector<16xf32>,
      %get3A_409 = arith.constant 0 : i32
      %get3A_410 = arith.index_cast %get3A_409 : i32 to index
      %get3A_411 = arith.index_cast %scan3A_359 : i32 to index
      %get3A_412 = arith.constant 64 : index
      %get3A_413 = tpu.vector_load %arg10[%get3A_410, %get3A_411, %get3A_412] {strides = array<i32>} : memref<8x32x128xi32, #tpu.memory_space<vmem>>, vector<16xi32>,
      %shift_right_logical3A_414 = arith.constant 7 : i32
      %shift_right_logical3A_415 = vector.broadcast %shift_right_logical3A_414 : i32 to vector<16xi32>
      %shift_right_logical3A_416 = arith.shrui %get3A_413, %shift_right_logical3A_415 : vector<16xi32>
      %and3A_417 = arith.constant 127 : i32
      %and3A_418 = vector.broadcast %and3A_417 : i32 to vector<16xi32>
      %and3A_419 = arith.andi %get3A_413, %and3A_418 : vector<16xi32>
      %gather3A_420 = tpu.vector_load_idx %arg11[%broadcast_in_dim3A, %shift_right_logical3A_416, %and3A_419] : memref<32x8x128xf32, #tpu.memory_space<vmem>>[vector<16xi32>, vector<16xi32>, vector<16xi32>], vector<16xf32>,
      %get3A_421 = arith.constant 0 : i32
      %get3A_422 = arith.index_cast %get3A_421 : i32 to index
      %get3A_423 = arith.index_cast %scan3A_359 : i32 to index
      %get3A_424 = arith.constant 80 : index
      %get3A_425 = tpu.vector_load %arg10[%get3A_422, %get3A_423, %get3A_424] {strides = array<i32>} : memref<8x32x128xi32, #tpu.memory_space<vmem>>, vector<16xi32>,
      %shift_right_logical3A_426 = arith.constant 7 : i32
      %shift_right_logical3A_427 = vector.broadcast %shift_right_logical3A_426 : i32 to vector<16xi32>
      %shift_right_logical3A_428 = arith.shrui %get3A_425, %shift_right_logical3A_427 : vector<16xi32>
      %and3A_429 = arith.constant 127 : i32
      %and3A_430 = vector.broadcast %and3A_429 : i32 to vector<16xi32>
      %and3A_431 = arith.andi %get3A_425, %and3A_430 : vector<16xi32>
      %gather3A_432 = tpu.vector_load_idx %arg11[%broadcast_in_dim3A, %shift_right_logical3A_428, %and3A_431] : memref<32x8x128xf32, #tpu.memory_space<vmem>>[vector<16xi32>, vector<16xi32>, vector<16xi32>], vector<16xf32>,
      %get3A_433 = arith.constant 0 : i32
      %get3A_434 = arith.index_cast %get3A_433 : i32 to index
      %get3A_435 = arith.index_cast %scan3A_359 : i32 to index
      %get3A_436 = arith.constant 96 : index
      %get3A_437 = tpu.vector_load %arg10[%get3A_434, %get3A_435, %get3A_436] {strides = array<i32>} : memref<8x32x128xi32, #tpu.memory_space<vmem>>, vector<16xi32>,
      %shift_right_logical3A_438 = arith.constant 7 : i32
      %shift_right_logical3A_439 = vector.broadcast %shift_right_logical3A_438 : i32 to vector<16xi32>
      %shift_right_logical3A_440 = arith.shrui %get3A_437, %shift_right_logical3A_439 : vector<16xi32>
      %and3A_441 = arith.constant 127 : i32
      %and3A_442 = vector.broadcast %and3A_441 : i32 to vector<16xi32>
      %and3A_443 = arith.andi %get3A_437, %and3A_442 : vector<16xi32>
      %gather3A_444 = tpu.vector_load_idx %arg11[%broadcast_in_dim3A, %shift_right_logical3A_440, %and3A_443] : memref<32x8x128xf32, #tpu.memory_space<vmem>>[vector<16xi32>, vector<16xi32>, vector<16xi32>], vector<16xf32>,
      %get3A_445 = arith.constant 0 : i32
      %get3A_446 = arith.index_cast %get3A_445 : i32 to index
      %get3A_447 = arith.index_cast %scan3A_359 : i32 to index
      %get3A_448 = arith.constant 112 : index
      %get3A_449 = tpu.vector_load %arg10[%get3A_446, %get3A_447, %get3A_448] {strides = array<i32>} : memref<8x32x128xi32, #tpu.memory_space<vmem>>, vector<16xi32>,
      %shift_right_logical3A_450 = arith.constant 7 : i32
      %shift_right_logical3A_451 = vector.broadcast %shift_right_logical3A_450 : i32 to vector<16xi32>
      %shift_right_logical3A_452 = arith.shrui %get3A_449, %shift_right_logical3A_451 : vector<16xi32>
      %and3A_453 = arith.constant 127 : i32
      %and3A_454 = vector.broadcast %and3A_453 : i32 to vector<16xi32>
      %and3A_455 = arith.andi %get3A_449, %and3A_454 : vector<16xi32>
      %gather3A_456 = tpu.vector_load_idx %arg11[%broadcast_in_dim3A, %shift_right_logical3A_452, %and3A_455] : memref<32x8x128xf32, #tpu.memory_space<vmem>>[vector<16xi32>, vector<16xi32>, vector<16xi32>], vector<16xf32>,
      %get3A_457 = arith.constant 1 : i32
      %get3A_458 = arith.index_cast %get3A_457 : i32 to index
      %get3A_459 = arith.index_cast %scan3A_359 : i32 to index
      %get3A_460 = arith.constant 0 : index
      %get3A_461 = tpu.vector_load %arg10[%get3A_458, %get3A_459, %get3A_460] {strides = array<i32>} : memref<8x32x128xi32, #tpu.memory_space<vmem>>, vector<16xi32>,
      %shift_right_logical3A_462 = arith.constant 7 : i32
      %shift_right_logical3A_463 = vector.broadcast %shift_right_logical3A_462 : i32 to vector<16xi32>
      %shift_right_logical3A_464 = arith.shrui %get3A_461, %shift_right_logical3A_463 : vector<16xi32>
      %and3A_465 = arith.constant 127 : i32
      %and3A_466 = vector.broadcast %and3A_465 : i32 to vector<16xi32>
      %and3A_467 = arith.andi %get3A_461, %and3A_466 : vector<16xi32>
      %gather3A_468 = tpu.vector_load_idx %arg11[%broadcast_in_dim3A, %shift_right_logical3A_464, %and3A_467] : memref<32x8x128xf32, #tpu.memory_space<vmem>>[vector<16xi32>, vector<16xi32>, vector<16xi32>], vector<16xf32>,
      %get3A_469 = arith.constant 1 : i32
      %get3A_470 = arith.index_cast %get3A_469 : i32 to index
      %get3A_471 = arith.index_cast %scan3A_359 : i32 to index
      %get3A_472 = arith.constant 16 : index
      %get3A_473 = tpu.vector_load %arg10[%get3A_470, %get3A_471, %get3A_472] {strides = array<i32>} : memref<8x32x128xi32, #tpu.memory_space<vmem>>, vector<16xi32>,
      %shift_right_logical3A_474 = arith.constant 7 : i32
      %shift_right_logical3A_475 = vector.broadcast %shift_right_logical3A_474 : i32 to vector<16xi32>
      %shift_right_logical3A_476 = arith.shrui %get3A_473, %shift_right_logical3A_475 : vector<16xi32>
      %and3A_477 = arith.constant 127 : i32
      %and3A_478 = vector.broadcast %and3A_477 : i32 to vector<16xi32>
      %and3A_479 = arith.andi %get3A_473, %and3A_478 : vector<16xi32>
      %gather3A_480 = tpu.vector_load_idx %arg11[%broadcast_in_dim3A, %shift_right_logical3A_476, %and3A_479] : memref<32x8x128xf32, #tpu.memory_space<vmem>>[vector<16xi32>, vector<16xi32>, vector<16xi32>], vector<16xf32>,
      %get3A_481 = arith.constant 1 : i32
      %get3A_482 = arith.index_cast %get3A_481 : i32 to index
      %get3A_483 = arith.index_cast %scan3A_359 : i32 to index
      %get3A_484 = arith.constant 32 : index
      %get3A_485 = tpu.vector_load %arg10[%get3A_482, %get3A_483, %get3A_484] {strides = array<i32>} : memref<8x32x128xi32, #tpu.memory_space<vmem>>, vector<16xi32>,
      %shift_right_logical3A_486 = arith.constant 7 : i32
      %shift_right_logical3A_487 = vector.broadcast %shift_right_logical3A_486 : i32 to vector<16xi32>
      %shift_right_logical3A_488 = arith.shrui %get3A_485, %shift_right_logical3A_487 : vector<16xi32>
      %and3A_489 = arith.constant 127 : i32
      %and3A_490 = vector.broadcast %and3A_489 : i32 to vector<16xi32>
      %and3A_491 = arith.andi %get3A_485, %and3A_490 : vector<16xi32>
      %gather3A_492 = tpu.vector_load_idx %arg11[%broadcast_in_dim3A, %shift_right_logical3A_488, %and3A_491] : memref<32x8x128xf32, #tpu.memory_space<vmem>>[vector<16xi32>, vector<16xi32>, vector<16xi32>], vector<16xf32>,
      %get3A_493 = arith.constant 1 : i32
      %get3A_494 = arith.index_cast %get3A_493 : i32 to index
      %get3A_495 = arith.index_cast %scan3A_359 : i32 to index
      %get3A_496 = arith.constant 48 : index
      %get3A_497 = tpu.vector_load %arg10[%get3A_494, %get3A_495, %get3A_496] {strides = array<i32>} : memref<8x32x128xi32, #tpu.memory_space<vmem>>, vector<16xi32>,
      %shift_right_logical3A_498 = arith.constant 7 : i32
      %shift_right_logical3A_499 = vector.broadcast %shift_right_logical3A_498 : i32 to vector<16xi32>
      %shift_right_logical3A_500 = arith.shrui %get3A_497, %shift_right_logical3A_499 : vector<16xi32>
      %and3A_501 = arith.constant 127 : i32
      %and3A_502 = vector.broadcast %and3A_501 : i32 to vector<16xi32>
      %and3A_503 = arith.andi %get3A_497, %and3A_502 : vector<16xi32>
      %gather3A_504 = tpu.vector_load_idx %arg11[%broadcast_in_dim3A, %shift_right_logical3A_500, %and3A_503] : memref<32x8x128xf32, #tpu.memory_space<vmem>>[vector<16xi32>, vector<16xi32>, vector<16xi32>], vector<16xf32>,
      %get3A_505 = arith.constant 1 : i32
      %get3A_506 = arith.index_cast %get3A_505 : i32 to index
      %get3A_507 = arith.index_cast %scan3A_359 : i32 to index
      %get3A_508 = arith.constant 64 : index
      %get3A_509 = tpu.vector_load %arg10[%get3A_506, %get3A_507, %get3A_508] {strides = array<i32>} : memref<8x32x128xi32, #tpu.memory_space<vmem>>, vector<16xi32>,
      %shift_right_logical3A_510 = arith.constant 7 : i32
      %shift_right_logical3A_511 = vector.broadcast %shift_right_logical3A_510 : i32 to vector<16xi32>
      %shift_right_logical3A_512 = arith.shrui %get3A_509, %shift_right_logical3A_511 : vector<16xi32>
      %and3A_513 = arith.constant 127 : i32
      %and3A_514 = vector.broadcast %and3A_513 : i32 to vector<16xi32>
      %and3A_515 = arith.andi %get3A_509, %and3A_514 : vector<16xi32>
      %gather3A_516 = tpu.vector_load_idx %arg11[%broadcast_in_dim3A, %shift_right_logical3A_512, %and3A_515] : memref<32x8x128xf32, #tpu.memory_space<vmem>>[vector<16xi32>, vector<16xi32>, vector<16xi32>], vector<16xf32>,
      %get3A_517 = arith.constant 1 : i32
      %get3A_518 = arith.index_cast %get3A_517 : i32 to index
      %get3A_519 = arith.index_cast %scan3A_359 : i32 to index
      %get3A_520 = arith.constant 80 : index
      %get3A_521 = tpu.vector_load %arg10[%get3A_518, %get3A_519, %get3A_520] {strides = array<i32>} : memref<8x32x128xi32, #tpu.memory_space<vmem>>, vector<16xi32>,
      %shift_right_logical3A_522 = arith.constant 7 : i32
      %shift_right_logical3A_523 = vector.broadcast %shift_right_logical3A_522 : i32 to vector<16xi32>
      %shift_right_logical3A_524 = arith.shrui %get3A_521, %shift_right_logical3A_523 : vector<16xi32>
      %and3A_525 = arith.constant 127 : i32
      %and3A_526 = vector.broadcast %and3A_525 : i32 to vector<16xi32>
      %and3A_527 = arith.andi %get3A_521, %and3A_526 : vector<16xi32>
      %gather3A_528 = tpu.vector_load_idx %arg11[%broadcast_in_dim3A, %shift_right_logical3A_524, %and3A_527] : memref<32x8x128xf32, #tpu.memory_space<vmem>>[vector<16xi32>, vector<16xi32>, vector<16xi32>], vector<16xf32>,
      %get3A_529 = arith.constant 1 : i32
      %get3A_530 = arith.index_cast %get3A_529 : i32 to index
      %get3A_531 = arith.index_cast %scan3A_359 : i32 to index
      %get3A_532 = arith.constant 96 : index
      %get3A_533 = tpu.vector_load %arg10[%get3A_530, %get3A_531, %get3A_532] {strides = array<i32>} : memref<8x32x128xi32, #tpu.memory_space<vmem>>, vector<16xi32>,
      %shift_right_logical3A_534 = arith.constant 7 : i32
      %shift_right_logical3A_535 = vector.broadcast %shift_right_logical3A_534 : i32 to vector<16xi32>
      %shift_right_logical3A_536 = arith.shrui %get3A_533, %shift_right_logical3A_535 : vector<16xi32>
      %and3A_537 = arith.constant 127 : i32
      %and3A_538 = vector.broadcast %and3A_537 : i32 to vector<16xi32>
      %and3A_539 = arith.andi %get3A_533, %and3A_538 : vector<16xi32>
      %gather3A_540 = tpu.vector_load_idx %arg11[%broadcast_in_dim3A, %shift_right_logical3A_536, %and3A_539] : memref<32x8x128xf32, #tpu.memory_space<vmem>>[vector<16xi32>, vector<16xi32>, vector<16xi32>], vector<16xf32>,
      %get3A_541 = arith.constant 1 : i32
      %get3A_542 = arith.index_cast %get3A_541 : i32 to index
      %get3A_543 = arith.index_cast %scan3A_359 : i32 to index
      %get3A_544 = arith.constant 112 : index
      %get3A_545 = tpu.vector_load %arg10[%get3A_542, %get3A_543, %get3A_544] {strides = array<i32>} : memref<8x32x128xi32, #tpu.memory_space<vmem>>, vector<16xi32>,
      %shift_right_logical3A_546 = arith.constant 7 : i32
      %shift_right_logical3A_547 = vector.broadcast %shift_right_logical3A_546 : i32 to vector<16xi32>
      %shift_right_logical3A_548 = arith.shrui %get3A_545, %shift_right_logical3A_547 : vector<16xi32>
      %and3A_549 = arith.constant 127 : i32
      %and3A_550 = vector.broadcast %and3A_549 : i32 to vector<16xi32>
      %and3A_551 = arith.andi %get3A_545, %and3A_550 : vector<16xi32>
      %gather3A_552 = tpu.vector_load_idx %arg11[%broadcast_in_dim3A, %shift_right_logical3A_548, %and3A_551] : memref<32x8x128xf32, #tpu.memory_space<vmem>>[vector<16xi32>, vector<16xi32>, vector<16xi32>], vector<16xf32>,
      %get3A_553 = arith.constant 2 : i32
      %get3A_554 = arith.index_cast %get3A_553 : i32 to index
      %get3A_555 = arith.index_cast %scan3A_359 : i32 to index
      %get3A_556 = arith.constant 0 : index
      %get3A_557 = tpu.vector_load %arg10[%get3A_554, %get3A_555, %get3A_556] {strides = array<i32>} : memref<8x32x128xi32, #tpu.memory_space<vmem>>, vector<16xi32>,
      %shift_right_logical3A_558 = arith.constant 7 : i32
      %shift_right_logical3A_559 = vector.broadcast %shift_right_logical3A_558 : i32 to vector<16xi32>
      %shift_right_logical3A_560 = arith.shrui %get3A_557, %shift_right_logical3A_559 : vector<16xi32>
      %and3A_561 = arith.constant 127 : i32
      %and3A_562 = vector.broadcast %and3A_561 : i32 to vector<16xi32>
      %and3A_563 = arith.andi %get3A_557, %and3A_562 : vector<16xi32>
      %gather3A_564 = tpu.vector_load_idx %arg11[%broadcast_in_dim3A, %shift_right_logical3A_560, %and3A_563] : memref<32x8x128xf32, #tpu.memory_space<vmem>>[vector<16xi32>, vector<16xi32>, vector<16xi32>], vector<16xf32>,
      %get3A_565 = arith.constant 2 : i32
      %get3A_566 = arith.index_cast %get3A_565 : i32 to index
      %get3A_567 = arith.index_cast %scan3A_359 : i32 to index
      %get3A_568 = arith.constant 16 : index
      %get3A_569 = tpu.vector_load %arg10[%get3A_566, %get3A_567, %get3A_568] {strides = array<i32>} : memref<8x32x128xi32, #tpu.memory_space<vmem>>, vector<16xi32>,
      %shift_right_logical3A_570 = arith.constant 7 : i32
      %shift_right_logical3A_571 = vector.broadcast %shift_right_logical3A_570 : i32 to vector<16xi32>
      %shift_right_logical3A_572 = arith.shrui %get3A_569, %shift_right_logical3A_571 : vector<16xi32>
      %and3A_573 = arith.constant 127 : i32
      %and3A_574 = vector.broadcast %and3A_573 : i32 to vector<16xi32>
      %and3A_575 = arith.andi %get3A_569, %and3A_574 : vector<16xi32>
      %gather3A_576 = tpu.vector_load_idx %arg11[%broadcast_in_dim3A, %shift_right_logical3A_572, %and3A_575] : memref<32x8x128xf32, #tpu.memory_space<vmem>>[vector<16xi32>, vector<16xi32>, vector<16xi32>], vector<16xf32>,
      %get3A_577 = arith.constant 2 : i32
      %get3A_578 = arith.index_cast %get3A_577 : i32 to index
      %get3A_579 = arith.index_cast %scan3A_359 : i32 to index
      %get3A_580 = arith.constant 32 : index
      %get3A_581 = tpu.vector_load %arg10[%get3A_578, %get3A_579, %get3A_580] {strides = array<i32>} : memref<8x32x128xi32, #tpu.memory_space<vmem>>, vector<16xi32>,
      %shift_right_logical3A_582 = arith.constant 7 : i32
      %shift_right_logical3A_583 = vector.broadcast %shift_right_logical3A_582 : i32 to vector<16xi32>
      %shift_right_logical3A_584 = arith.shrui %get3A_581, %shift_right_logical3A_583 : vector<16xi32>
      %and3A_585 = arith.constant 127 : i32
      %and3A_586 = vector.broadcast %and3A_585 : i32 to vector<16xi32>
      %and3A_587 = arith.andi %get3A_581, %and3A_586 : vector<16xi32>
      %gather3A_588 = tpu.vector_load_idx %arg11[%broadcast_in_dim3A, %shift_right_logical3A_584, %and3A_587] : memref<32x8x128xf32, #tpu.memory_space<vmem>>[vector<16xi32>, vector<16xi32>, vector<16xi32>], vector<16xf32>,
      %get3A_589 = arith.constant 2 : i32
      %get3A_590 = arith.index_cast %get3A_589 : i32 to index
      %get3A_591 = arith.index_cast %scan3A_359 : i32 to index
      %get3A_592 = arith.constant 48 : index
      %get3A_593 = tpu.vector_load %arg10[%get3A_590, %get3A_591, %get3A_592] {strides = array<i32>} : memref<8x32x128xi32, #tpu.memory_space<vmem>>, vector<16xi32>,
      %shift_right_logical3A_594 = arith.constant 7 : i32
      %shift_right_logical3A_595 = vector.broadcast %shift_right_logical3A_594 : i32 to vector<16xi32>
      %shift_right_logical3A_596 = arith.shrui %get3A_593, %shift_right_logical3A_595 : vector<16xi32>
      %and3A_597 = arith.constant 127 : i32
      %and3A_598 = vector.broadcast %and3A_597 : i32 to vector<16xi32>
      %and3A_599 = arith.andi %get3A_593, %and3A_598 : vector<16xi32>
      %gather3A_600 = tpu.vector_load_idx %arg11[%broadcast_in_dim3A, %shift_right_logical3A_596, %and3A_599] : memref<32x8x128xf32, #tpu.memory_space<vmem>>[vector<16xi32>, vector<16xi32>, vector<16xi32>], vector<16xf32>,
      %get3A_601 = arith.constant 2 : i32
      %get3A_602 = arith.index_cast %get3A_601 : i32 to index
      %get3A_603 = arith.index_cast %scan3A_359 : i32 to index
      %get3A_604 = arith.constant 64 : index
      %get3A_605 = tpu.vector_load %arg10[%get3A_602, %get3A_603, %get3A_604] {strides = array<i32>} : memref<8x32x128xi32, #tpu.memory_space<vmem>>, vector<16xi32>,
      %shift_right_logical3A_606 = arith.constant 7 : i32
      %shift_right_logical3A_607 = vector.broadcast %shift_right_logical3A_606 : i32 to vector<16xi32>
      %shift_right_logical3A_608 = arith.shrui %get3A_605, %shift_right_logical3A_607 : vector<16xi32>
      %and3A_609 = arith.constant 127 : i32
      %and3A_610 = vector.broadcast %and3A_609 : i32 to vector<16xi32>
      %and3A_611 = arith.andi %get3A_605, %and3A_610 : vector<16xi32>
      %gather3A_612 = tpu.vector_load_idx %arg11[%broadcast_in_dim3A, %shift_right_logical3A_608, %and3A_611] : memref<32x8x128xf32, #tpu.memory_space<vmem>>[vector<16xi32>, vector<16xi32>, vector<16xi32>], vector<16xf32>,
      %get3A_613 = arith.constant 2 : i32
      %get3A_614 = arith.index_cast %get3A_613 : i32 to index
      %get3A_615 = arith.index_cast %scan3A_359 : i32 to index
      %get3A_616 = arith.constant 80 : index
      %get3A_617 = tpu.vector_load %arg10[%get3A_614, %get3A_615, %get3A_616] {strides = array<i32>} : memref<8x32x128xi32, #tpu.memory_space<vmem>>, vector<16xi32>,
      %shift_right_logical3A_618 = arith.constant 7 : i32
      %shift_right_logical3A_619 = vector.broadcast %shift_right_logical3A_618 : i32 to vector<16xi32>
      %shift_right_logical3A_620 = arith.shrui %get3A_617, %shift_right_logical3A_619 : vector<16xi32>
      %and3A_621 = arith.constant 127 : i32
      %and3A_622 = vector.broadcast %and3A_621 : i32 to vector<16xi32>
      %and3A_623 = arith.andi %get3A_617, %and3A_622 : vector<16xi32>
      %gather3A_624 = tpu.vector_load_idx %arg11[%broadcast_in_dim3A, %shift_right_logical3A_620, %and3A_623] : memref<32x8x128xf32, #tpu.memory_space<vmem>>[vector<16xi32>, vector<16xi32>, vector<16xi32>], vector<16xf32>,
      %get3A_625 = arith.constant 2 : i32
      %get3A_626 = arith.index_cast %get3A_625 : i32 to index
      %get3A_627 = arith.index_cast %scan3A_359 : i32 to index
      %get3A_628 = arith.constant 96 : index
      %get3A_629 = tpu.vector_load %arg10[%get3A_626, %get3A_627, %get3A_628] {strides = array<i32>} : memref<8x32x128xi32, #tpu.memory_space<vmem>>, vector<16xi32>,
      %shift_right_logical3A_630 = arith.constant 7 : i32
      %shift_right_logical3A_631 = vector.broadcast %shift_right_logical3A_630 : i32 to vector<16xi32>
      %shift_right_logical3A_632 = arith.shrui %get3A_629, %shift_right_logical3A_631 : vector<16xi32>
      %and3A_633 = arith.constant 127 : i32
      %and3A_634 = vector.broadcast %and3A_633 : i32 to vector<16xi32>
      %and3A_635 = arith.andi %get3A_629, %and3A_634 : vector<16xi32>
      %gather3A_636 = tpu.vector_load_idx %arg11[%broadcast_in_dim3A, %shift_right_logical3A_632, %and3A_635] : memref<32x8x128xf32, #tpu.memory_space<vmem>>[vector<16xi32>, vector<16xi32>, vector<16xi32>], vector<16xf32>,
      %get3A_637 = arith.constant 2 : i32
      %get3A_638 = arith.index_cast %get3A_637 : i32 to index
      %get3A_639 = arith.index_cast %scan3A_359 : i32 to index
      %get3A_640 = arith.constant 112 : index
      %get3A_641 = tpu.vector_load %arg10[%get3A_638, %get3A_639, %get3A_640] {strides = array<i32>} : memref<8x32x128xi32, #tpu.memory_space<vmem>>, vector<16xi32>,
      %shift_right_logical3A_642 = arith.constant 7 : i32
      %shift_right_logical3A_643 = vector.broadcast %shift_right_logical3A_642 : i32 to vector<16xi32>
      %shift_right_logical3A_644 = arith.shrui %get3A_641, %shift_right_logical3A_643 : vector<16xi32>
      %and3A_645 = arith.constant 127 : i32
      %and3A_646 = vector.broadcast %and3A_645 : i32 to vector<16xi32>
      %and3A_647 = arith.andi %get3A_641, %and3A_646 : vector<16xi32>
      %gather3A_648 = tpu.vector_load_idx %arg11[%broadcast_in_dim3A, %shift_right_logical3A_644, %and3A_647] : memref<32x8x128xf32, #tpu.memory_space<vmem>>[vector<16xi32>, vector<16xi32>, vector<16xi32>], vector<16xf32>,
      %get3A_649 = arith.constant 3 : i32
      %get3A_650 = arith.index_cast %get3A_649 : i32 to index
      %get3A_651 = arith.index_cast %scan3A_359 : i32 to index
      %get3A_652 = arith.constant 0 : index
      %get3A_653 = tpu.vector_load %arg10[%get3A_650, %get3A_651, %get3A_652] {strides = array<i32>} : memref<8x32x128xi32, #tpu.memory_space<vmem>>, vector<16xi32>,
      %shift_right_logical3A_654 = arith.constant 7 : i32
      %shift_right_logical3A_655 = vector.broadcast %shift_right_logical3A_654 : i32 to vector<16xi32>
      %shift_right_logical3A_656 = arith.shrui %get3A_653, %shift_right_logical3A_655 : vector<16xi32>
      %and3A_657 = arith.constant 127 : i32
      %and3A_658 = vector.broadcast %and3A_657 : i32 to vector<16xi32>
      %and3A_659 = arith.andi %get3A_653, %and3A_658 : vector<16xi32>
      %gather3A_660 = tpu.vector_load_idx %arg11[%broadcast_in_dim3A, %shift_right_logical3A_656, %and3A_659] : memref<32x8x128xf32, #tpu.memory_space<vmem>>[vector<16xi32>, vector<16xi32>, vector<16xi32>], vector<16xf32>,
      %get3A_661 = arith.constant 3 : i32
      %get3A_662 = arith.index_cast %get3A_661 : i32 to index
      %get3A_663 = arith.index_cast %scan3A_359 : i32 to index
      %get3A_664 = arith.constant 16 : index
      %get3A_665 = tpu.vector_load %arg10[%get3A_662, %get3A_663, %get3A_664] {strides = array<i32>} : memref<8x32x128xi32, #tpu.memory_space<vmem>>, vector<16xi32>,
      %shift_right_logical3A_666 = arith.constant 7 : i32
      %shift_right_logical3A_667 = vector.broadcast %shift_right_logical3A_666 : i32 to vector<16xi32>
      %shift_right_logical3A_668 = arith.shrui %get3A_665, %shift_right_logical3A_667 : vector<16xi32>
      %and3A_669 = arith.constant 127 : i32
      %and3A_670 = vector.broadcast %and3A_669 : i32 to vector<16xi32>
      %and3A_671 = arith.andi %get3A_665, %and3A_670 : vector<16xi32>
      %gather3A_672 = tpu.vector_load_idx %arg11[%broadcast_in_dim3A, %shift_right_logical3A_668, %and3A_671] : memref<32x8x128xf32, #tpu.memory_space<vmem>>[vector<16xi32>, vector<16xi32>, vector<16xi32>], vector<16xf32>,
      %get3A_673 = arith.constant 3 : i32
      %get3A_674 = arith.index_cast %get3A_673 : i32 to index
      %get3A_675 = arith.index_cast %scan3A_359 : i32 to index
      %get3A_676 = arith.constant 32 : index
      %get3A_677 = tpu.vector_load %arg10[%get3A_674, %get3A_675, %get3A_676] {strides = array<i32>} : memref<8x32x128xi32, #tpu.memory_space<vmem>>, vector<16xi32>,
      %shift_right_logical3A_678 = arith.constant 7 : i32
      %shift_right_logical3A_679 = vector.broadcast %shift_right_logical3A_678 : i32 to vector<16xi32>
      %shift_right_logical3A_680 = arith.shrui %get3A_677, %shift_right_logical3A_679 : vector<16xi32>
      %and3A_681 = arith.constant 127 : i32
      %and3A_682 = vector.broadcast %and3A_681 : i32 to vector<16xi32>
      %and3A_683 = arith.andi %get3A_677, %and3A_682 : vector<16xi32>
      %gather3A_684 = tpu.vector_load_idx %arg11[%broadcast_in_dim3A, %shift_right_logical3A_680, %and3A_683] : memref<32x8x128xf32, #tpu.memory_space<vmem>>[vector<16xi32>, vector<16xi32>, vector<16xi32>], vector<16xf32>,
      %get3A_685 = arith.constant 3 : i32
      %get3A_686 = arith.index_cast %get3A_685 : i32 to index
      %get3A_687 = arith.index_cast %scan3A_359 : i32 to index
      %get3A_688 = arith.constant 48 : index
      %get3A_689 = tpu.vector_load %arg10[%get3A_686, %get3A_687, %get3A_688] {strides = array<i32>} : memref<8x32x128xi32, #tpu.memory_space<vmem>>, vector<16xi32>,
      %shift_right_logical3A_690 = arith.constant 7 : i32
      %shift_right_logical3A_691 = vector.broadcast %shift_right_logical3A_690 : i32 to vector<16xi32>
      %shift_right_logical3A_692 = arith.shrui %get3A_689, %shift_right_logical3A_691 : vector<16xi32>
      %and3A_693 = arith.constant 127 : i32
      %and3A_694 = vector.broadcast %and3A_693 : i32 to vector<16xi32>
      %and3A_695 = arith.andi %get3A_689, %and3A_694 : vector<16xi32>
      %gather3A_696 = tpu.vector_load_idx %arg11[%broadcast_in_dim3A, %shift_right_logical3A_692, %and3A_695] : memref<32x8x128xf32, #tpu.memory_space<vmem>>[vector<16xi32>, vector<16xi32>, vector<16xi32>], vector<16xf32>,
      %get3A_697 = arith.constant 3 : i32
      %get3A_698 = arith.index_cast %get3A_697 : i32 to index
      %get3A_699 = arith.index_cast %scan3A_359 : i32 to index
      %get3A_700 = arith.constant 64 : index
      %get3A_701 = tpu.vector_load %arg10[%get3A_698, %get3A_699, %get3A_700] {strides = array<i32>} : memref<8x32x128xi32, #tpu.memory_space<vmem>>, vector<16xi32>,
      %shift_right_logical3A_702 = arith.constant 7 : i32
      %shift_right_logical3A_703 = vector.broadcast %shift_right_logical3A_702 : i32 to vector<16xi32>
      %shift_right_logical3A_704 = arith.shrui %get3A_701, %shift_right_logical3A_703 : vector<16xi32>
      %and3A_705 = arith.constant 127 : i32
      %and3A_706 = vector.broadcast %and3A_705 : i32 to vector<16xi32>
      %and3A_707 = arith.andi %get3A_701, %and3A_706 : vector<16xi32>
      %gather3A_708 = tpu.vector_load_idx %arg11[%broadcast_in_dim3A, %shift_right_logical3A_704, %and3A_707] : memref<32x8x128xf32, #tpu.memory_space<vmem>>[vector<16xi32>, vector<16xi32>, vector<16xi32>], vector<16xf32>,
      %get3A_709 = arith.constant 3 : i32
      %get3A_710 = arith.index_cast %get3A_709 : i32 to index
      %get3A_711 = arith.index_cast %scan3A_359 : i32 to index
      %get3A_712 = arith.constant 80 : index
      %get3A_713 = tpu.vector_load %arg10[%get3A_710, %get3A_711, %get3A_712] {strides = array<i32>} : memref<8x32x128xi32, #tpu.memory_space<vmem>>, vector<16xi32>,
      %shift_right_logical3A_714 = arith.constant 7 : i32
      %shift_right_logical3A_715 = vector.broadcast %shift_right_logical3A_714 : i32 to vector<16xi32>
      %shift_right_logical3A_716 = arith.shrui %get3A_713, %shift_right_logical3A_715 : vector<16xi32>
      %and3A_717 = arith.constant 127 : i32
      %and3A_718 = vector.broadcast %and3A_717 : i32 to vector<16xi32>
      %and3A_719 = arith.andi %get3A_713, %and3A_718 : vector<16xi32>
      %gather3A_720 = tpu.vector_load_idx %arg11[%broadcast_in_dim3A, %shift_right_logical3A_716, %and3A_719] : memref<32x8x128xf32, #tpu.memory_space<vmem>>[vector<16xi32>, vector<16xi32>, vector<16xi32>], vector<16xf32>,
      %get3A_721 = arith.constant 3 : i32
      %get3A_722 = arith.index_cast %get3A_721 : i32 to index
      %get3A_723 = arith.index_cast %scan3A_359 : i32 to index
      %get3A_724 = arith.constant 96 : index
      %get3A_725 = tpu.vector_load %arg10[%get3A_722, %get3A_723, %get3A_724] {strides = array<i32>} : memref<8x32x128xi32, #tpu.memory_space<vmem>>, vector<16xi32>,
      %shift_right_logical3A_726 = arith.constant 7 : i32
      %shift_right_logical3A_727 = vector.broadcast %shift_right_logical3A_726 : i32 to vector<16xi32>
      %shift_right_logical3A_728 = arith.shrui %get3A_725, %shift_right_logical3A_727 : vector<16xi32>
      %and3A_729 = arith.constant 127 : i32
      %and3A_730 = vector.broadcast %and3A_729 : i32 to vector<16xi32>
      %and3A_731 = arith.andi %get3A_725, %and3A_730 : vector<16xi32>
      %gather3A_732 = tpu.vector_load_idx %arg11[%broadcast_in_dim3A, %shift_right_logical3A_728, %and3A_731] : memref<32x8x128xf32, #tpu.memory_space<vmem>>[vector<16xi32>, vector<16xi32>, vector<16xi32>], vector<16xf32>,
      %get3A_733 = arith.constant 3 : i32
      %get3A_734 = arith.index_cast %get3A_733 : i32 to index
      %get3A_735 = arith.index_cast %scan3A_359 : i32 to index
      %get3A_736 = arith.constant 112 : index
      %get3A_737 = tpu.vector_load %arg10[%get3A_734, %get3A_735, %get3A_736] {strides = array<i32>} : memref<8x32x128xi32, #tpu.memory_space<vmem>>, vector<16xi32>,
      %shift_right_logical3A_738 = arith.constant 7 : i32
      %shift_right_logical3A_739 = vector.broadcast %shift_right_logical3A_738 : i32 to vector<16xi32>
      %shift_right_logical3A_740 = arith.shrui %get3A_737, %shift_right_logical3A_739 : vector<16xi32>
      %and3A_741 = arith.constant 127 : i32
      %and3A_742 = vector.broadcast %and3A_741 : i32 to vector<16xi32>
      %and3A_743 = arith.andi %get3A_737, %and3A_742 : vector<16xi32>
      %gather3A_744 = tpu.vector_load_idx %arg11[%broadcast_in_dim3A, %shift_right_logical3A_740, %and3A_743] : memref<32x8x128xf32, #tpu.memory_space<vmem>>[vector<16xi32>, vector<16xi32>, vector<16xi32>], vector<16xf32>,
      %get3A_745 = arith.constant 4 : i32
      %get3A_746 = arith.index_cast %get3A_745 : i32 to index
      %get3A_747 = arith.index_cast %scan3A_359 : i32 to index
      %get3A_748 = arith.constant 0 : index
      %get3A_749 = tpu.vector_load %arg10[%get3A_746, %get3A_747, %get3A_748] {strides = array<i32>} : memref<8x32x128xi32, #tpu.memory_space<vmem>>, vector<16xi32>,
      %shift_right_logical3A_750 = arith.constant 7 : i32
      %shift_right_logical3A_751 = vector.broadcast %shift_right_logical3A_750 : i32 to vector<16xi32>
      %shift_right_logical3A_752 = arith.shrui %get3A_749, %shift_right_logical3A_751 : vector<16xi32>
      %and3A_753 = arith.constant 127 : i32
      %and3A_754 = vector.broadcast %and3A_753 : i32 to vector<16xi32>
      %and3A_755 = arith.andi %get3A_749, %and3A_754 : vector<16xi32>
      %gather3A_756 = tpu.vector_load_idx %arg11[%broadcast_in_dim3A, %shift_right_logical3A_752, %and3A_755] : memref<32x8x128xf32, #tpu.memory_space<vmem>>[vector<16xi32>, vector<16xi32>, vector<16xi32>], vector<16xf32>,
      %get3A_757 = arith.constant 4 : i32
      %get3A_758 = arith.index_cast %get3A_757 : i32 to index
      %get3A_759 = arith.index_cast %scan3A_359 : i32 to index
      %get3A_760 = arith.constant 16 : index
      %get3A_761 = tpu.vector_load %arg10[%get3A_758, %get3A_759, %get3A_760] {strides = array<i32>} : memref<8x32x128xi32, #tpu.memory_space<vmem>>, vector<16xi32>,
      %shift_right_logical3A_762 = arith.constant 7 : i32
      %shift_right_logical3A_763 = vector.broadcast %shift_right_logical3A_762 : i32 to vector<16xi32>
      %shift_right_logical3A_764 = arith.shrui %get3A_761, %shift_right_logical3A_763 : vector<16xi32>
      %and3A_765 = arith.constant 127 : i32
      %and3A_766 = vector.broadcast %and3A_765 : i32 to vector<16xi32>
      %and3A_767 = arith.andi %get3A_761, %and3A_766 : vector<16xi32>
      %gather3A_768 = tpu.vector_load_idx %arg11[%broadcast_in_dim3A, %shift_right_logical3A_764, %and3A_767] : memref<32x8x128xf32, #tpu.memory_space<vmem>>[vector<16xi32>, vector<16xi32>, vector<16xi32>], vector<16xf32>,
      %get3A_769 = arith.constant 4 : i32
      %get3A_770 = arith.index_cast %get3A_769 : i32 to index
      %get3A_771 = arith.index_cast %scan3A_359 : i32 to index
      %get3A_772 = arith.constant 32 : index
      %get3A_773 = tpu.vector_load %arg10[%get3A_770, %get3A_771, %get3A_772] {strides = array<i32>} : memref<8x32x128xi32, #tpu.memory_space<vmem>>, vector<16xi32>,
      %shift_right_logical3A_774 = arith.constant 7 : i32
      %shift_right_logical3A_775 = vector.broadcast %shift_right_logical3A_774 : i32 to vector<16xi32>
      %shift_right_logical3A_776 = arith.shrui %get3A_773, %shift_right_logical3A_775 : vector<16xi32>
      %and3A_777 = arith.constant 127 : i32
      %and3A_778 = vector.broadcast %and3A_777 : i32 to vector<16xi32>
      %and3A_779 = arith.andi %get3A_773, %and3A_778 : vector<16xi32>
      %gather3A_780 = tpu.vector_load_idx %arg11[%broadcast_in_dim3A, %shift_right_logical3A_776, %and3A_779] : memref<32x8x128xf32, #tpu.memory_space<vmem>>[vector<16xi32>, vector<16xi32>, vector<16xi32>], vector<16xf32>,
      %get3A_781 = arith.constant 4 : i32
      %get3A_782 = arith.index_cast %get3A_781 : i32 to index
      %get3A_783 = arith.index_cast %scan3A_359 : i32 to index
      %get3A_784 = arith.constant 48 : index
      %get3A_785 = tpu.vector_load %arg10[%get3A_782, %get3A_783, %get3A_784] {strides = array<i32>} : memref<8x32x128xi32, #tpu.memory_space<vmem>>, vector<16xi32>,
      %shift_right_logical3A_786 = arith.constant 7 : i32
      %shift_right_logical3A_787 = vector.broadcast %shift_right_logical3A_786 : i32 to vector<16xi32>
      %shift_right_logical3A_788 = arith.shrui %get3A_785, %shift_right_logical3A_787 : vector<16xi32>
      %and3A_789 = arith.constant 127 : i32
      %and3A_790 = vector.broadcast %and3A_789 : i32 to vector<16xi32>
      %and3A_791 = arith.andi %get3A_785, %and3A_790 : vector<16xi32>
      %gather3A_792 = tpu.vector_load_idx %arg11[%broadcast_in_dim3A, %shift_right_logical3A_788, %and3A_791] : memref<32x8x128xf32, #tpu.memory_space<vmem>>[vector<16xi32>, vector<16xi32>, vector<16xi32>], vector<16xf32>,
      %get3A_793 = arith.constant 4 : i32
      %get3A_794 = arith.index_cast %get3A_793 : i32 to index
      %get3A_795 = arith.index_cast %scan3A_359 : i32 to index
      %get3A_796 = arith.constant 64 : index
      %get3A_797 = tpu.vector_load %arg10[%get3A_794, %get3A_795, %get3A_796] {strides = array<i32>} : memref<8x32x128xi32, #tpu.memory_space<vmem>>, vector<16xi32>,
      %shift_right_logical3A_798 = arith.constant 7 : i32
      %shift_right_logical3A_799 = vector.broadcast %shift_right_logical3A_798 : i32 to vector<16xi32>
      %shift_right_logical3A_800 = arith.shrui %get3A_797, %shift_right_logical3A_799 : vector<16xi32>
      %and3A_801 = arith.constant 127 : i32
      %and3A_802 = vector.broadcast %and3A_801 : i32 to vector<16xi32>
      %and3A_803 = arith.andi %get3A_797, %and3A_802 : vector<16xi32>
      %gather3A_804 = tpu.vector_load_idx %arg11[%broadcast_in_dim3A, %shift_right_logical3A_800, %and3A_803] : memref<32x8x128xf32, #tpu.memory_space<vmem>>[vector<16xi32>, vector<16xi32>, vector<16xi32>], vector<16xf32>,
      %get3A_805 = arith.constant 4 : i32
      %get3A_806 = arith.index_cast %get3A_805 : i32 to index
      %get3A_807 = arith.index_cast %scan3A_359 : i32 to index
      %get3A_808 = arith.constant 80 : index
      %get3A_809 = tpu.vector_load %arg10[%get3A_806, %get3A_807, %get3A_808] {strides = array<i32>} : memref<8x32x128xi32, #tpu.memory_space<vmem>>, vector<16xi32>,
      %shift_right_logical3A_810 = arith.constant 7 : i32
      %shift_right_logical3A_811 = vector.broadcast %shift_right_logical3A_810 : i32 to vector<16xi32>
      %shift_right_logical3A_812 = arith.shrui %get3A_809, %shift_right_logical3A_811 : vector<16xi32>
      %and3A_813 = arith.constant 127 : i32
      %and3A_814 = vector.broadcast %and3A_813 : i32 to vector<16xi32>
      %and3A_815 = arith.andi %get3A_809, %and3A_814 : vector<16xi32>
      %gather3A_816 = tpu.vector_load_idx %arg11[%broadcast_in_dim3A, %shift_right_logical3A_812, %and3A_815] : memref<32x8x128xf32, #tpu.memory_space<vmem>>[vector<16xi32>, vector<16xi32>, vector<16xi32>], vector<16xf32>,
      %get3A_817 = arith.constant 4 : i32
      %get3A_818 = arith.index_cast %get3A_817 : i32 to index
      %get3A_819 = arith.index_cast %scan3A_359 : i32 to index
      %get3A_820 = arith.constant 96 : index
      %get3A_821 = tpu.vector_load %arg10[%get3A_818, %get3A_819, %get3A_820] {strides = array<i32>} : memref<8x32x128xi32, #tpu.memory_space<vmem>>, vector<16xi32>,
      %shift_right_logical3A_822 = arith.constant 7 : i32
      %shift_right_logical3A_823 = vector.broadcast %shift_right_logical3A_822 : i32 to vector<16xi32>
      %shift_right_logical3A_824 = arith.shrui %get3A_821, %shift_right_logical3A_823 : vector<16xi32>
      %and3A_825 = arith.constant 127 : i32
      %and3A_826 = vector.broadcast %and3A_825 : i32 to vector<16xi32>
      %and3A_827 = arith.andi %get3A_821, %and3A_826 : vector<16xi32>
      %gather3A_828 = tpu.vector_load_idx %arg11[%broadcast_in_dim3A, %shift_right_logical3A_824, %and3A_827] : memref<32x8x128xf32, #tpu.memory_space<vmem>>[vector<16xi32>, vector<16xi32>, vector<16xi32>], vector<16xf32>,
      %get3A_829 = arith.constant 4 : i32
      %get3A_830 = arith.index_cast %get3A_829 : i32 to index
      %get3A_831 = arith.index_cast %scan3A_359 : i32 to index
      %get3A_832 = arith.constant 112 : index
      %get3A_833 = tpu.vector_load %arg10[%get3A_830, %get3A_831, %get3A_832] {strides = array<i32>} : memref<8x32x128xi32, #tpu.memory_space<vmem>>, vector<16xi32>,
      %shift_right_logical3A_834 = arith.constant 7 : i32
      %shift_right_logical3A_835 = vector.broadcast %shift_right_logical3A_834 : i32 to vector<16xi32>
      %shift_right_logical3A_836 = arith.shrui %get3A_833, %shift_right_logical3A_835 : vector<16xi32>
      %and3A_837 = arith.constant 127 : i32
      %and3A_838 = vector.broadcast %and3A_837 : i32 to vector<16xi32>
      %and3A_839 = arith.andi %get3A_833, %and3A_838 : vector<16xi32>
      %gather3A_840 = tpu.vector_load_idx %arg11[%broadcast_in_dim3A, %shift_right_logical3A_836, %and3A_839] : memref<32x8x128xf32, #tpu.memory_space<vmem>>[vector<16xi32>, vector<16xi32>, vector<16xi32>], vector<16xf32>,
      %get3A_841 = arith.constant 5 : i32
      %get3A_842 = arith.index_cast %get3A_841 : i32 to index
      %get3A_843 = arith.index_cast %scan3A_359 : i32 to index
      %get3A_844 = arith.constant 0 : index
      %get3A_845 = tpu.vector_load %arg10[%get3A_842, %get3A_843, %get3A_844] {strides = array<i32>} : memref<8x32x128xi32, #tpu.memory_space<vmem>>, vector<16xi32>,
      %shift_right_logical3A_846 = arith.constant 7 : i32
      %shift_right_logical3A_847 = vector.broadcast %shift_right_logical3A_846 : i32 to vector<16xi32>
      %shift_right_logical3A_848 = arith.shrui %get3A_845, %shift_right_logical3A_847 : vector<16xi32>
      %and3A_849 = arith.constant 127 : i32
      %and3A_850 = vector.broadcast %and3A_849 : i32 to vector<16xi32>
      %and3A_851 = arith.andi %get3A_845, %and3A_850 : vector<16xi32>
      %gather3A_852 = tpu.vector_load_idx %arg11[%broadcast_in_dim3A, %shift_right_logical3A_848, %and3A_851] : memref<32x8x128xf32, #tpu.memory_space<vmem>>[vector<16xi32>, vector<16xi32>, vector<16xi32>], vector<16xf32>,
      %get3A_853 = arith.constant 5 : i32
      %get3A_854 = arith.index_cast %get3A_853 : i32 to index
      %get3A_855 = arith.index_cast %scan3A_359 : i32 to index
      %get3A_856 = arith.constant 16 : index
      %get3A_857 = tpu.vector_load %arg10[%get3A_854, %get3A_855, %get3A_856] {strides = array<i32>} : memref<8x32x128xi32, #tpu.memory_space<vmem>>, vector<16xi32>,
      %shift_right_logical3A_858 = arith.constant 7 : i32
      %shift_right_logical3A_859 = vector.broadcast %shift_right_logical3A_858 : i32 to vector<16xi32>
      %shift_right_logical3A_860 = arith.shrui %get3A_857, %shift_right_logical3A_859 : vector<16xi32>
      %and3A_861 = arith.constant 127 : i32
      %and3A_862 = vector.broadcast %and3A_861 : i32 to vector<16xi32>
      %and3A_863 = arith.andi %get3A_857, %and3A_862 : vector<16xi32>
      %gather3A_864 = tpu.vector_load_idx %arg11[%broadcast_in_dim3A, %shift_right_logical3A_860, %and3A_863] : memref<32x8x128xf32, #tpu.memory_space<vmem>>[vector<16xi32>, vector<16xi32>, vector<16xi32>], vector<16xf32>,
      %get3A_865 = arith.constant 5 : i32
      %get3A_866 = arith.index_cast %get3A_865 : i32 to index
      %get3A_867 = arith.index_cast %scan3A_359 : i32 to index
      %get3A_868 = arith.constant 32 : index
      %get3A_869 = tpu.vector_load %arg10[%get3A_866, %get3A_867, %get3A_868] {strides = array<i32>} : memref<8x32x128xi32, #tpu.memory_space<vmem>>, vector<16xi32>,
      %shift_right_logical3A_870 = arith.constant 7 : i32
      %shift_right_logical3A_871 = vector.broadcast %shift_right_logical3A_870 : i32 to vector<16xi32>
      %shift_right_logical3A_872 = arith.shrui %get3A_869, %shift_right_logical3A_871 : vector<16xi32>
      %and3A_873 = arith.constant 127 : i32
      %and3A_874 = vector.broadcast %and3A_873 : i32 to vector<16xi32>
      %and3A_875 = arith.andi %get3A_869, %and3A_874 : vector<16xi32>
      %gather3A_876 = tpu.vector_load_idx %arg11[%broadcast_in_dim3A, %shift_right_logical3A_872, %and3A_875] : memref<32x8x128xf32, #tpu.memory_space<vmem>>[vector<16xi32>, vector<16xi32>, vector<16xi32>], vector<16xf32>,
      %get3A_877 = arith.constant 5 : i32
      %get3A_878 = arith.index_cast %get3A_877 : i32 to index
      %get3A_879 = arith.index_cast %scan3A_359 : i32 to index
      %get3A_880 = arith.constant 48 : index
      %get3A_881 = tpu.vector_load %arg10[%get3A_878, %get3A_879, %get3A_880] {strides = array<i32>} : memref<8x32x128xi32, #tpu.memory_space<vmem>>, vector<16xi32>,
      %shift_right_logical3A_882 = arith.constant 7 : i32
      %shift_right_logical3A_883 = vector.broadcast %shift_right_logical3A_882 : i32 to vector<16xi32>
      %shift_right_logical3A_884 = arith.shrui %get3A_881, %shift_right_logical3A_883 : vector<16xi32>
      %and3A_885 = arith.constant 127 : i32
      %and3A_886 = vector.broadcast %and3A_885 : i32 to vector<16xi32>
      %and3A_887 = arith.andi %get3A_881, %and3A_886 : vector<16xi32>
      %gather3A_888 = tpu.vector_load_idx %arg11[%broadcast_in_dim3A, %shift_right_logical3A_884, %and3A_887] : memref<32x8x128xf32, #tpu.memory_space<vmem>>[vector<16xi32>, vector<16xi32>, vector<16xi32>], vector<16xf32>,
      %get3A_889 = arith.constant 5 : i32
      %get3A_890 = arith.index_cast %get3A_889 : i32 to index
      %get3A_891 = arith.index_cast %scan3A_359 : i32 to index
      %get3A_892 = arith.constant 64 : index
      %get3A_893 = tpu.vector_load %arg10[%get3A_890, %get3A_891, %get3A_892] {strides = array<i32>} : memref<8x32x128xi32, #tpu.memory_space<vmem>>, vector<16xi32>,
      %shift_right_logical3A_894 = arith.constant 7 : i32
      %shift_right_logical3A_895 = vector.broadcast %shift_right_logical3A_894 : i32 to vector<16xi32>
      %shift_right_logical3A_896 = arith.shrui %get3A_893, %shift_right_logical3A_895 : vector<16xi32>
      %and3A_897 = arith.constant 127 : i32
      %and3A_898 = vector.broadcast %and3A_897 : i32 to vector<16xi32>
      %and3A_899 = arith.andi %get3A_893, %and3A_898 : vector<16xi32>
      %gather3A_900 = tpu.vector_load_idx %arg11[%broadcast_in_dim3A, %shift_right_logical3A_896, %and3A_899] : memref<32x8x128xf32, #tpu.memory_space<vmem>>[vector<16xi32>, vector<16xi32>, vector<16xi32>], vector<16xf32>,
      %get3A_901 = arith.constant 5 : i32
      %get3A_902 = arith.index_cast %get3A_901 : i32 to index
      %get3A_903 = arith.index_cast %scan3A_359 : i32 to index
      %get3A_904 = arith.constant 80 : index
      %get3A_905 = tpu.vector_load %arg10[%get3A_902, %get3A_903, %get3A_904] {strides = array<i32>} : memref<8x32x128xi32, #tpu.memory_space<vmem>>, vector<16xi32>,
      %shift_right_logical3A_906 = arith.constant 7 : i32
      %shift_right_logical3A_907 = vector.broadcast %shift_right_logical3A_906 : i32 to vector<16xi32>
      %shift_right_logical3A_908 = arith.shrui %get3A_905, %shift_right_logical3A_907 : vector<16xi32>
      %and3A_909 = arith.constant 127 : i32
      %and3A_910 = vector.broadcast %and3A_909 : i32 to vector<16xi32>
      %and3A_911 = arith.andi %get3A_905, %and3A_910 : vector<16xi32>
      %gather3A_912 = tpu.vector_load_idx %arg11[%broadcast_in_dim3A, %shift_right_logical3A_908, %and3A_911] : memref<32x8x128xf32, #tpu.memory_space<vmem>>[vector<16xi32>, vector<16xi32>, vector<16xi32>], vector<16xf32>,
      %get3A_913 = arith.constant 5 : i32
      %get3A_914 = arith.index_cast %get3A_913 : i32 to index
      %get3A_915 = arith.index_cast %scan3A_359 : i32 to index
      %get3A_916 = arith.constant 96 : index
      %get3A_917 = tpu.vector_load %arg10[%get3A_914, %get3A_915, %get3A_916] {strides = array<i32>} : memref<8x32x128xi32, #tpu.memory_space<vmem>>, vector<16xi32>,
      %shift_right_logical3A_918 = arith.constant 7 : i32
      %shift_right_logical3A_919 = vector.broadcast %shift_right_logical3A_918 : i32 to vector<16xi32>
      %shift_right_logical3A_920 = arith.shrui %get3A_917, %shift_right_logical3A_919 : vector<16xi32>
      %and3A_921 = arith.constant 127 : i32
      %and3A_922 = vector.broadcast %and3A_921 : i32 to vector<16xi32>
      %and3A_923 = arith.andi %get3A_917, %and3A_922 : vector<16xi32>
      %gather3A_924 = tpu.vector_load_idx %arg11[%broadcast_in_dim3A, %shift_right_logical3A_920, %and3A_923] : memref<32x8x128xf32, #tpu.memory_space<vmem>>[vector<16xi32>, vector<16xi32>, vector<16xi32>], vector<16xf32>,
      %get3A_925 = arith.constant 5 : i32
      %get3A_926 = arith.index_cast %get3A_925 : i32 to index
      %get3A_927 = arith.index_cast %scan3A_359 : i32 to index
      %get3A_928 = arith.constant 112 : index
      %get3A_929 = tpu.vector_load %arg10[%get3A_926, %get3A_927, %get3A_928] {strides = array<i32>} : memref<8x32x128xi32, #tpu.memory_space<vmem>>, vector<16xi32>,
      %shift_right_logical3A_930 = arith.constant 7 : i32
      %shift_right_logical3A_931 = vector.broadcast %shift_right_logical3A_930 : i32 to vector<16xi32>
      %shift_right_logical3A_932 = arith.shrui %get3A_929, %shift_right_logical3A_931 : vector<16xi32>
      %and3A_933 = arith.constant 127 : i32
      %and3A_934 = vector.broadcast %and3A_933 : i32 to vector<16xi32>
      %and3A_935 = arith.andi %get3A_929, %and3A_934 : vector<16xi32>
      %gather3A_936 = tpu.vector_load_idx %arg11[%broadcast_in_dim3A, %shift_right_logical3A_932, %and3A_935] : memref<32x8x128xf32, #tpu.memory_space<vmem>>[vector<16xi32>, vector<16xi32>, vector<16xi32>], vector<16xf32>,
      %get3A_937 = arith.constant 6 : i32
      %get3A_938 = arith.index_cast %get3A_937 : i32 to index
      %get3A_939 = arith.index_cast %scan3A_359 : i32 to index
      %get3A_940 = arith.constant 0 : index
      %get3A_941 = tpu.vector_load %arg10[%get3A_938, %get3A_939, %get3A_940] {strides = array<i32>} : memref<8x32x128xi32, #tpu.memory_space<vmem>>, vector<16xi32>,
      %shift_right_logical3A_942 = arith.constant 7 : i32
      %shift_right_logical3A_943 = vector.broadcast %shift_right_logical3A_942 : i32 to vector<16xi32>
      %shift_right_logical3A_944 = arith.shrui %get3A_941, %shift_right_logical3A_943 : vector<16xi32>
      %and3A_945 = arith.constant 127 : i32
      %and3A_946 = vector.broadcast %and3A_945 : i32 to vector<16xi32>
      %and3A_947 = arith.andi %get3A_941, %and3A_946 : vector<16xi32>
      %gather3A_948 = tpu.vector_load_idx %arg11[%broadcast_in_dim3A, %shift_right_logical3A_944, %and3A_947] : memref<32x8x128xf32, #tpu.memory_space<vmem>>[vector<16xi32>, vector<16xi32>, vector<16xi32>], vector<16xf32>,
      %get3A_949 = arith.constant 6 : i32
      %get3A_950 = arith.index_cast %get3A_949 : i32 to index
      %get3A_951 = arith.index_cast %scan3A_359 : i32 to index
      %get3A_952 = arith.constant 16 : index
      %get3A_953 = tpu.vector_load %arg10[%get3A_950, %get3A_951, %get3A_952] {strides = array<i32>} : memref<8x32x128xi32, #tpu.memory_space<vmem>>, vector<16xi32>,
      %shift_right_logical3A_954 = arith.constant 7 : i32
      %shift_right_logical3A_955 = vector.broadcast %shift_right_logical3A_954 : i32 to vector<16xi32>
      %shift_right_logical3A_956 = arith.shrui %get3A_953, %shift_right_logical3A_955 : vector<16xi32>
      %and3A_957 = arith.constant 127 : i32
      %and3A_958 = vector.broadcast %and3A_957 : i32 to vector<16xi32>
      %and3A_959 = arith.andi %get3A_953, %and3A_958 : vector<16xi32>
      %gather3A_960 = tpu.vector_load_idx %arg11[%broadcast_in_dim3A, %shift_right_logical3A_956, %and3A_959] : memref<32x8x128xf32, #tpu.memory_space<vmem>>[vector<16xi32>, vector<16xi32>, vector<16xi32>], vector<16xf32>,
      %get3A_961 = arith.constant 6 : i32
      %get3A_962 = arith.index_cast %get3A_961 : i32 to index
      %get3A_963 = arith.index_cast %scan3A_359 : i32 to index
      %get3A_964 = arith.constant 32 : index
      %get3A_965 = tpu.vector_load %arg10[%get3A_962, %get3A_963, %get3A_964] {strides = array<i32>} : memref<8x32x128xi32, #tpu.memory_space<vmem>>, vector<16xi32>,
      %shift_right_logical3A_966 = arith.constant 7 : i32
      %shift_right_logical3A_967 = vector.broadcast %shift_right_logical3A_966 : i32 to vector<16xi32>
      %shift_right_logical3A_968 = arith.shrui %get3A_965, %shift_right_logical3A_967 : vector<16xi32>
      %and3A_969 = arith.constant 127 : i32
      %and3A_970 = vector.broadcast %and3A_969 : i32 to vector<16xi32>
      %and3A_971 = arith.andi %get3A_965, %and3A_970 : vector<16xi32>
      %gather3A_972 = tpu.vector_load_idx %arg11[%broadcast_in_dim3A, %shift_right_logical3A_968, %and3A_971] : memref<32x8x128xf32, #tpu.memory_space<vmem>>[vector<16xi32>, vector<16xi32>, vector<16xi32>], vector<16xf32>,
      %get3A_973 = arith.constant 6 : i32
      %get3A_974 = arith.index_cast %get3A_973 : i32 to index
      %get3A_975 = arith.index_cast %scan3A_359 : i32 to index
      %get3A_976 = arith.constant 48 : index
      %get3A_977 = tpu.vector_load %arg10[%get3A_974, %get3A_975, %get3A_976] {strides = array<i32>} : memref<8x32x128xi32, #tpu.memory_space<vmem>>, vector<16xi32>,
      %shift_right_logical3A_978 = arith.constant 7 : i32
      %shift_right_logical3A_979 = vector.broadcast %shift_right_logical3A_978 : i32 to vector<16xi32>
      %shift_right_logical3A_980 = arith.shrui %get3A_977, %shift_right_logical3A_979 : vector<16xi32>
      %and3A_981 = arith.constant 127 : i32
      %and3A_982 = vector.broadcast %and3A_981 : i32 to vector<16xi32>
      %and3A_983 = arith.andi %get3A_977, %and3A_982 : vector<16xi32>
      %gather3A_984 = tpu.vector_load_idx %arg11[%broadcast_in_dim3A, %shift_right_logical3A_980, %and3A_983] : memref<32x8x128xf32, #tpu.memory_space<vmem>>[vector<16xi32>, vector<16xi32>, vector<16xi32>], vector<16xf32>,
      %get3A_985 = arith.constant 6 : i32
      %get3A_986 = arith.index_cast %get3A_985 : i32 to index
      %get3A_987 = arith.index_cast %scan3A_359 : i32 to index
      %get3A_988 = arith.constant 64 : index
      %get3A_989 = tpu.vector_load %arg10[%get3A_986, %get3A_987, %get3A_988] {strides = array<i32>} : memref<8x32x128xi32, #tpu.memory_space<vmem>>, vector<16xi32>,
      %shift_right_logical3A_990 = arith.constant 7 : i32
      %shift_right_logical3A_991 = vector.broadcast %shift_right_logical3A_990 : i32 to vector<16xi32>
      %shift_right_logical3A_992 = arith.shrui %get3A_989, %shift_right_logical3A_991 : vector<16xi32>
      %and3A_993 = arith.constant 127 : i32
      %and3A_994 = vector.broadcast %and3A_993 : i32 to vector<16xi32>
      %and3A_995 = arith.andi %get3A_989, %and3A_994 : vector<16xi32>
      %gather3A_996 = tpu.vector_load_idx %arg11[%broadcast_in_dim3A, %shift_right_logical3A_992, %and3A_995] : memref<32x8x128xf32, #tpu.memory_space<vmem>>[vector<16xi32>, vector<16xi32>, vector<16xi32>], vector<16xf32>,
      %get3A_997 = arith.constant 6 : i32
      %get3A_998 = arith.index_cast %get3A_997 : i32 to index
      %get3A_999 = arith.index_cast %scan3A_359 : i32 to index
      %get3A_1000 = arith.constant 80 : index
      %get3A_1001 = tpu.vector_load %arg10[%get3A_998, %get3A_999, %get3A_1000] {strides = array<i32>} : memref<8x32x128xi32, #tpu.memory_space<vmem>>, vector<16xi32>,
      %shift_right_logical3A_1002 = arith.constant 7 : i32
      %shift_right_logical3A_1003 = vector.broadcast %shift_right_logical3A_1002 : i32 to vector<16xi32>
      %shift_right_logical3A_1004 = arith.shrui %get3A_1001, %shift_right_logical3A_1003 : vector<16xi32>
      %and3A_1005 = arith.constant 127 : i32
      %and3A_1006 = vector.broadcast %and3A_1005 : i32 to vector<16xi32>
      %and3A_1007 = arith.andi %get3A_1001, %and3A_1006 : vector<16xi32>
      %gather3A_1008 = tpu.vector_load_idx %arg11[%broadcast_in_dim3A, %shift_right_logical3A_1004, %and3A_1007] : memref<32x8x128xf32, #tpu.memory_space<vmem>>[vector<16xi32>, vector<16xi32>, vector<16xi32>], vector<16xf32>,
      %get3A_1009 = arith.constant 6 : i32
      %get3A_1010 = arith.index_cast %get3A_1009 : i32 to index
      %get3A_1011 = arith.index_cast %scan3A_359 : i32 to index
      %get3A_1012 = arith.constant 96 : index
      %get3A_1013 = tpu.vector_load %arg10[%get3A_1010, %get3A_1011, %get3A_1012] {strides = array<i32>} : memref<8x32x128xi32, #tpu.memory_space<vmem>>, vector<16xi32>,
      %shift_right_logical3A_1014 = arith.constant 7 : i32
      %shift_right_logical3A_1015 = vector.broadcast %shift_right_logical3A_1014 : i32 to vector<16xi32>
      %shift_right_logical3A_1016 = arith.shrui %get3A_1013, %shift_right_logical3A_1015 : vector<16xi32>
      %and3A_1017 = arith.constant 127 : i32
      %and3A_1018 = vector.broadcast %and3A_1017 : i32 to vector<16xi32>
      %and3A_1019 = arith.andi %get3A_1013, %and3A_1018 : vector<16xi32>
      %gather3A_1020 = tpu.vector_load_idx %arg11[%broadcast_in_dim3A, %shift_right_logical3A_1016, %and3A_1019] : memref<32x8x128xf32, #tpu.memory_space<vmem>>[vector<16xi32>, vector<16xi32>, vector<16xi32>], vector<16xf32>,
      %get3A_1021 = arith.constant 6 : i32
      %get3A_1022 = arith.index_cast %get3A_1021 : i32 to index
      %get3A_1023 = arith.index_cast %scan3A_359 : i32 to index
      %get3A_1024 = arith.constant 112 : index
      %get3A_1025 = tpu.vector_load %arg10[%get3A_1022, %get3A_1023, %get3A_1024] {strides = array<i32>} : memref<8x32x128xi32, #tpu.memory_space<vmem>>, vector<16xi32>,
      %shift_right_logical3A_1026 = arith.constant 7 : i32
      %shift_right_logical3A_1027 = vector.broadcast %shift_right_logical3A_1026 : i32 to vector<16xi32>
      %shift_right_logical3A_1028 = arith.shrui %get3A_1025, %shift_right_logical3A_1027 : vector<16xi32>
      %and3A_1029 = arith.constant 127 : i32
      %and3A_1030 = vector.broadcast %and3A_1029 : i32 to vector<16xi32>
      %and3A_1031 = arith.andi %get3A_1025, %and3A_1030 : vector<16xi32>
      %gather3A_1032 = tpu.vector_load_idx %arg11[%broadcast_in_dim3A, %shift_right_logical3A_1028, %and3A_1031] : memref<32x8x128xf32, #tpu.memory_space<vmem>>[vector<16xi32>, vector<16xi32>, vector<16xi32>], vector<16xf32>,
      %get3A_1033 = arith.constant 7 : i32
      %get3A_1034 = arith.index_cast %get3A_1033 : i32 to index
      %get3A_1035 = arith.index_cast %scan3A_359 : i32 to index
      %get3A_1036 = arith.constant 0 : index
      %get3A_1037 = tpu.vector_load %arg10[%get3A_1034, %get3A_1035, %get3A_1036] {strides = array<i32>} : memref<8x32x128xi32, #tpu.memory_space<vmem>>, vector<16xi32>,
      %shift_right_logical3A_1038 = arith.constant 7 : i32
      %shift_right_logical3A_1039 = vector.broadcast %shift_right_logical3A_1038 : i32 to vector<16xi32>
      %shift_right_logical3A_1040 = arith.shrui %get3A_1037, %shift_right_logical3A_1039 : vector<16xi32>
      %and3A_1041 = arith.constant 127 : i32
      %and3A_1042 = vector.broadcast %and3A_1041 : i32 to vector<16xi32>
      %and3A_1043 = arith.andi %get3A_1037, %and3A_1042 : vector<16xi32>
      %gather3A_1044 = tpu.vector_load_idx %arg11[%broadcast_in_dim3A, %shift_right_logical3A_1040, %and3A_1043] : memref<32x8x128xf32, #tpu.memory_space<vmem>>[vector<16xi32>, vector<16xi32>, vector<16xi32>], vector<16xf32>,
      %get3A_1045 = arith.constant 7 : i32
      %get3A_1046 = arith.index_cast %get3A_1045 : i32 to index
      %get3A_1047 = arith.index_cast %scan3A_359 : i32 to index
      %get3A_1048 = arith.constant 16 : index
      %get3A_1049 = tpu.vector_load %arg10[%get3A_1046, %get3A_1047, %get3A_1048] {strides = array<i32>} : memref<8x32x128xi32, #tpu.memory_space<vmem>>, vector<16xi32>,
      %shift_right_logical3A_1050 = arith.constant 7 : i32
      %shift_right_logical3A_1051 = vector.broadcast %shift_right_logical3A_1050 : i32 to vector<16xi32>
      %shift_right_logical3A_1052 = arith.shrui %get3A_1049, %shift_right_logical3A_1051 : vector<16xi32>
      %and3A_1053 = arith.constant 127 : i32
      %and3A_1054 = vector.broadcast %and3A_1053 : i32 to vector<16xi32>
      %and3A_1055 = arith.andi %get3A_1049, %and3A_1054 : vector<16xi32>
      %gather3A_1056 = tpu.vector_load_idx %arg11[%broadcast_in_dim3A, %shift_right_logical3A_1052, %and3A_1055] : memref<32x8x128xf32, #tpu.memory_space<vmem>>[vector<16xi32>, vector<16xi32>, vector<16xi32>], vector<16xf32>,
      %get3A_1057 = arith.constant 7 : i32
      %get3A_1058 = arith.index_cast %get3A_1057 : i32 to index
      %get3A_1059 = arith.index_cast %scan3A_359 : i32 to index
      %get3A_1060 = arith.constant 32 : index
      %get3A_1061 = tpu.vector_load %arg10[%get3A_1058, %get3A_1059, %get3A_1060] {strides = array<i32>} : memref<8x32x128xi32, #tpu.memory_space<vmem>>, vector<16xi32>,
      %shift_right_logical3A_1062 = arith.constant 7 : i32
      %shift_right_logical3A_1063 = vector.broadcast %shift_right_logical3A_1062 : i32 to vector<16xi32>
      %shift_right_logical3A_1064 = arith.shrui %get3A_1061, %shift_right_logical3A_1063 : vector<16xi32>
      %and3A_1065 = arith.constant 127 : i32
      %and3A_1066 = vector.broadcast %and3A_1065 : i32 to vector<16xi32>
      %and3A_1067 = arith.andi %get3A_1061, %and3A_1066 : vector<16xi32>
      %gather3A_1068 = tpu.vector_load_idx %arg11[%broadcast_in_dim3A, %shift_right_logical3A_1064, %and3A_1067] : memref<32x8x128xf32, #tpu.memory_space<vmem>>[vector<16xi32>, vector<16xi32>, vector<16xi32>], vector<16xf32>,
      %get3A_1069 = arith.constant 7 : i32
      %get3A_1070 = arith.index_cast %get3A_1069 : i32 to index
      %get3A_1071 = arith.index_cast %scan3A_359 : i32 to index
      %get3A_1072 = arith.constant 48 : index
      %get3A_1073 = tpu.vector_load %arg10[%get3A_1070, %get3A_1071, %get3A_1072] {strides = array<i32>} : memref<8x32x128xi32, #tpu.memory_space<vmem>>, vector<16xi32>,
      %shift_right_logical3A_1074 = arith.constant 7 : i32
      %shift_right_logical3A_1075 = vector.broadcast %shift_right_logical3A_1074 : i32 to vector<16xi32>
      %shift_right_logical3A_1076 = arith.shrui %get3A_1073, %shift_right_logical3A_1075 : vector<16xi32>
      %and3A_1077 = arith.constant 127 : i32
      %and3A_1078 = vector.broadcast %and3A_1077 : i32 to vector<16xi32>
      %and3A_1079 = arith.andi %get3A_1073, %and3A_1078 : vector<16xi32>
      %gather3A_1080 = tpu.vector_load_idx %arg11[%broadcast_in_dim3A, %shift_right_logical3A_1076, %and3A_1079] : memref<32x8x128xf32, #tpu.memory_space<vmem>>[vector<16xi32>, vector<16xi32>, vector<16xi32>], vector<16xf32>,
      %get3A_1081 = arith.constant 7 : i32
      %get3A_1082 = arith.index_cast %get3A_1081 : i32 to index
      %get3A_1083 = arith.index_cast %scan3A_359 : i32 to index
      %get3A_1084 = arith.constant 64 : index
      %get3A_1085 = tpu.vector_load %arg10[%get3A_1082, %get3A_1083, %get3A_1084] {strides = array<i32>} : memref<8x32x128xi32, #tpu.memory_space<vmem>>, vector<16xi32>,
      %shift_right_logical3A_1086 = arith.constant 7 : i32
      %shift_right_logical3A_1087 = vector.broadcast %shift_right_logical3A_1086 : i32 to vector<16xi32>
      %shift_right_logical3A_1088 = arith.shrui %get3A_1085, %shift_right_logical3A_1087 : vector<16xi32>
      %and3A_1089 = arith.constant 127 : i32
      %and3A_1090 = vector.broadcast %and3A_1089 : i32 to vector<16xi32>
      %and3A_1091 = arith.andi %get3A_1085, %and3A_1090 : vector<16xi32>
      %gather3A_1092 = tpu.vector_load_idx %arg11[%broadcast_in_dim3A, %shift_right_logical3A_1088, %and3A_1091] : memref<32x8x128xf32, #tpu.memory_space<vmem>>[vector<16xi32>, vector<16xi32>, vector<16xi32>], vector<16xf32>,
      %get3A_1093 = arith.constant 7 : i32
      %get3A_1094 = arith.index_cast %get3A_1093 : i32 to index
      %get3A_1095 = arith.index_cast %scan3A_359 : i32 to index
      %get3A_1096 = arith.constant 80 : index
      %get3A_1097 = tpu.vector_load %arg10[%get3A_1094, %get3A_1095, %get3A_1096] {strides = array<i32>} : memref<8x32x128xi32, #tpu.memory_space<vmem>>, vector<16xi32>,
      %shift_right_logical3A_1098 = arith.constant 7 : i32
      %shift_right_logical3A_1099 = vector.broadcast %shift_right_logical3A_1098 : i32 to vector<16xi32>
      %shift_right_logical3A_1100 = arith.shrui %get3A_1097, %shift_right_logical3A_1099 : vector<16xi32>
      %and3A_1101 = arith.constant 127 : i32
      %and3A_1102 = vector.broadcast %and3A_1101 : i32 to vector<16xi32>
      %and3A_1103 = arith.andi %get3A_1097, %and3A_1102 : vector<16xi32>
      %gather3A_1104 = tpu.vector_load_idx %arg11[%broadcast_in_dim3A, %shift_right_logical3A_1100, %and3A_1103] : memref<32x8x128xf32, #tpu.memory_space<vmem>>[vector<16xi32>, vector<16xi32>, vector<16xi32>], vector<16xf32>,
      %get3A_1105 = arith.constant 7 : i32
      %get3A_1106 = arith.index_cast %get3A_1105 : i32 to index
      %get3A_1107 = arith.index_cast %scan3A_359 : i32 to index
      %get3A_1108 = arith.constant 96 : index
      %get3A_1109 = tpu.vector_load %arg10[%get3A_1106, %get3A_1107, %get3A_1108] {strides = array<i32>} : memref<8x32x128xi32, #tpu.memory_space<vmem>>, vector<16xi32>,
      %shift_right_logical3A_1110 = arith.constant 7 : i32
      %shift_right_logical3A_1111 = vector.broadcast %shift_right_logical3A_1110 : i32 to vector<16xi32>
      %shift_right_logical3A_1112 = arith.shrui %get3A_1109, %shift_right_logical3A_1111 : vector<16xi32>
      %and3A_1113 = arith.constant 127 : i32
      %and3A_1114 = vector.broadcast %and3A_1113 : i32 to vector<16xi32>
      %and3A_1115 = arith.andi %get3A_1109, %and3A_1114 : vector<16xi32>
      %gather3A_1116 = tpu.vector_load_idx %arg11[%broadcast_in_dim3A, %shift_right_logical3A_1112, %and3A_1115] : memref<32x8x128xf32, #tpu.memory_space<vmem>>[vector<16xi32>, vector<16xi32>, vector<16xi32>], vector<16xf32>,
      %get3A_1117 = arith.constant 7 : i32
      %get3A_1118 = arith.index_cast %get3A_1117 : i32 to index
      %get3A_1119 = arith.index_cast %scan3A_359 : i32 to index
      %get3A_1120 = arith.constant 112 : index
      %get3A_1121 = tpu.vector_load %arg10[%get3A_1118, %get3A_1119, %get3A_1120] {strides = array<i32>} : memref<8x32x128xi32, #tpu.memory_space<vmem>>, vector<16xi32>,
      %shift_right_logical3A_1122 = arith.constant 7 : i32
      %shift_right_logical3A_1123 = vector.broadcast %shift_right_logical3A_1122 : i32 to vector<16xi32>
      %shift_right_logical3A_1124 = arith.shrui %get3A_1121, %shift_right_logical3A_1123 : vector<16xi32>
      %and3A_1125 = arith.constant 127 : i32
      %and3A_1126 = vector.broadcast %and3A_1125 : i32 to vector<16xi32>
      %and3A_1127 = arith.andi %get3A_1121, %and3A_1126 : vector<16xi32>
      %gather3A_1128 = tpu.vector_load_idx %arg11[%broadcast_in_dim3A, %shift_right_logical3A_1124, %and3A_1127] : memref<32x8x128xf32, #tpu.memory_space<vmem>>[vector<16xi32>, vector<16xi32>, vector<16xi32>], vector<16xf32>,
      %add3A_1129 = arith.addf %gather3A_372, %gather3A_384 : vector<16xf32>
      %add3A_1130 = arith.addf %gather3A_396, %gather3A_408 : vector<16xf32>
      %add3A_1131 = arith.addf %gather3A_420, %gather3A_432 : vector<16xf32>
      %add3A_1132 = arith.addf %gather3A_444, %gather3A_456 : vector<16xf32>
      %add3A_1133 = arith.addf %gather3A_468, %gather3A_480 : vector<16xf32>
      %add3A_1134 = arith.addf %gather3A_492, %gather3A_504 : vector<16xf32>
      %add3A_1135 = arith.addf %gather3A_516, %gather3A_528 : vector<16xf32>
      %add3A_1136 = arith.addf %gather3A_540, %gather3A_552 : vector<16xf32>
      %add3A_1137 = arith.addf %gather3A_564, %gather3A_576 : vector<16xf32>
      %add3A_1138 = arith.addf %gather3A_588, %gather3A_600 : vector<16xf32>
      %add3A_1139 = arith.addf %gather3A_612, %gather3A_624 : vector<16xf32>
      %add3A_1140 = arith.addf %gather3A_636, %gather3A_648 : vector<16xf32>
      %add3A_1141 = arith.addf %gather3A_660, %gather3A_672 : vector<16xf32>
      %add3A_1142 = arith.addf %gather3A_684, %gather3A_696 : vector<16xf32>
      %add3A_1143 = arith.addf %gather3A_708, %gather3A_720 : vector<16xf32>
      %add3A_1144 = arith.addf %gather3A_732, %gather3A_744 : vector<16xf32>
      %add3A_1145 = arith.addf %gather3A_756, %gather3A_768 : vector<16xf32>
      %add3A_1146 = arith.addf %gather3A_780, %gather3A_792 : vector<16xf32>
      %add3A_1147 = arith.addf %gather3A_804, %gather3A_816 : vector<16xf32>
      %add3A_1148 = arith.addf %gather3A_828, %gather3A_840 : vector<16xf32>
      %add3A_1149 = arith.addf %gather3A_852, %gather3A_864 : vector<16xf32>
      %add3A_1150 = arith.addf %gather3A_876, %gather3A_888 : vector<16xf32>
      %add3A_1151 = arith.addf %gather3A_900, %gather3A_912 : vector<16xf32>
      %add3A_1152 = arith.addf %gather3A_924, %gather3A_936 : vector<16xf32>
      %add3A_1153 = arith.addf %gather3A_948, %gather3A_960 : vector<16xf32>
      %add3A_1154 = arith.addf %gather3A_972, %gather3A_984 : vector<16xf32>
      %add3A_1155 = arith.addf %gather3A_996, %gather3A_1008 : vector<16xf32>
      %add3A_1156 = arith.addf %gather3A_1020, %gather3A_1032 : vector<16xf32>
      %add3A_1157 = arith.addf %gather3A_1044, %gather3A_1056 : vector<16xf32>
      %add3A_1158 = arith.addf %gather3A_1068, %gather3A_1080 : vector<16xf32>
      %add3A_1159 = arith.addf %gather3A_1092, %gather3A_1104 : vector<16xf32>
      %add3A_1160 = arith.addf %gather3A_1116, %gather3A_1128 : vector<16xf32>
      %add3A_1161 = arith.addf %add3A_1129, %add3A_1130 : vector<16xf32>
      %add3A_1162 = arith.addf %add3A_1131, %add3A_1132 : vector<16xf32>
      %add3A_1163 = arith.addf %add3A_1133, %add3A_1134 : vector<16xf32>
      %add3A_1164 = arith.addf %add3A_1135, %add3A_1136 : vector<16xf32>
      %add3A_1165 = arith.addf %add3A_1137, %add3A_1138 : vector<16xf32>
      %add3A_1166 = arith.addf %add3A_1139, %add3A_1140 : vector<16xf32>
      %add3A_1167 = arith.addf %add3A_1141, %add3A_1142 : vector<16xf32>
      %add3A_1168 = arith.addf %add3A_1143, %add3A_1144 : vector<16xf32>
      %add3A_1169 = arith.addf %add3A_1145, %add3A_1146 : vector<16xf32>
      %add3A_1170 = arith.addf %add3A_1147, %add3A_1148 : vector<16xf32>
      %add3A_1171 = arith.addf %add3A_1149, %add3A_1150 : vector<16xf32>
      %add3A_1172 = arith.addf %add3A_1151, %add3A_1152 : vector<16xf32>
      %add3A_1173 = arith.addf %add3A_1153, %add3A_1154 : vector<16xf32>
      %add3A_1174 = arith.addf %add3A_1155, %add3A_1156 : vector<16xf32>
      %add3A_1175 = arith.addf %add3A_1157, %add3A_1158 : vector<16xf32>
      %add3A_1176 = arith.addf %add3A_1159, %add3A_1160 : vector<16xf32>
      %add3A_1177 = arith.addf %add3A_1161, %add3A_1162 : vector<16xf32>
      %add3A_1178 = arith.addf %add3A_1163, %add3A_1164 : vector<16xf32>
      %add3A_1179 = arith.addf %add3A_1165, %add3A_1166 : vector<16xf32>
      %add3A_1180 = arith.addf %add3A_1167, %add3A_1168 : vector<16xf32>
      %add3A_1181 = arith.addf %add3A_1169, %add3A_1170 : vector<16xf32>
      %add3A_1182 = arith.addf %add3A_1171, %add3A_1172 : vector<16xf32>
      %add3A_1183 = arith.addf %add3A_1173, %add3A_1174 : vector<16xf32>
      %add3A_1184 = arith.addf %add3A_1175, %add3A_1176 : vector<16xf32>
      %add3A_1185 = arith.addf %add3A_1177, %add3A_1178 : vector<16xf32>
      %add3A_1186 = arith.addf %add3A_1179, %add3A_1180 : vector<16xf32>
      %add3A_1187 = arith.addf %add3A_1181, %add3A_1182 : vector<16xf32>
      %add3A_1188 = arith.addf %add3A_1183, %add3A_1184 : vector<16xf32>
      %add3A_1189 = arith.addf %add3A_1185, %add3A_1186 : vector<16xf32>
      %add3A_1190 = arith.addf %add3A_1187, %add3A_1188 : vector<16xf32>
      %add3A_1191 = arith.addf %add3A_1189, %add3A_1190 : vector<16xf32>
      %shift_right_arithmetic3A_1192 = arith.constant 3 : i32
      %shift_right_arithmetic3A_1193 = arith.shrsi %scan3A_359, %shift_right_arithmetic3A_1192 : i32
      %and3A_1194 = arith.constant 7 : i32
      %and3A_1195 = arith.andi %scan3A_359, %and3A_1194 : i32
      %mul3A_1196 = arith.constant 16 : i32
      %mul3A_1197 = arith.muli %and3A_1195, %mul3A_1196 : i32
      %swap3A_1198 = arith.index_cast %shift_right_arithmetic3A_1193 : i32 to index
      %swap3A_1199 = arith.index_cast %mul3A_1197 : i32 to index
      %swap3A_1200 = tpu.vector_load %arg12[%swap3A_1198, %swap3A_1199] {strides = array<i32>} : memref<4x128xf32, #tpu.memory_space<vmem>>, vector<16xf32>,
      tpu.vector_store %arg12[%swap3A_1198, %swap3A_1199], %add3A_1191 {strides = array<i32>} : memref<4x128xf32, #tpu.memory_space<vmem>>, vector<16xf32>,
      %scan3A_1201 = arith.constant 0 : i32
      scf.yield %scan3A_1201 : i32
    }
    %scan3A_349 = arith.constant 16 : i32
    %shift_right_arithmetic3A = arith.constant 2 : i32
    %shift_right_arithmetic3A_350 = arith.shrsi %add3A, %shift_right_arithmetic3A : i32
    %and3A_351 = arith.constant 3 : i32
    %and3A_352 = arith.andi %add3A, %and3A_351 : i32
    %mul3A_353 = arith.constant 2 : i32
    %mul3A_354 = arith.muli %and3A_352, %mul3A_353 : i32
    %mul3A_355 = arith.constant 16 : i32
    %mul3A_356 = arith.muli %mul3A_354, %mul3A_355 : i32
    "tpu.region"() ({
      %run_scoped3A = tpu.sem_alloc : memref<!tpu.dma_semaphore, #tpu.memory_space<semaphore_mem>>
      %dma_start3A_359 = tpu.memref_slice %arg7[%shift_right_arithmetic3A_350, %mul3A_356] : memref<8x128xf32, #tpu.memory_space<hbm>> -> memref<1x32xf32, #tpu.memory_space<hbm>>
      %dma_start3A_360 = tpu.memref_slice %arg7[%shift_right_arithmetic3A_350, %mul3A_356] : memref<8x128xf32, #tpu.memory_space<hbm>> -> memref<1x32xf32, #tpu.memory_space<hbm>>
      tpu.enqueue_dma source(%arg13 : memref<1x32xf32, #tpu.memory_space<vmem>>) target(%dma_start3A_360 : memref<1x32xf32, #tpu.memory_space<hbm>>) target_semaphore(%run_scoped3A : memref<!tpu.dma_semaphore, #tpu.memory_space<semaphore_mem>>)
      %dma_wait3A_361 = tpu.memref_slice %arg7[%shift_right_arithmetic3A_350, %mul3A_356] : memref<8x128xf32, #tpu.memory_space<hbm>> -> memref<1x32xf32, #tpu.memory_space<hbm>>
      %dma_wait3A_362 = tpu.memref_slice %arg7[%shift_right_arithmetic3A_350, %mul3A_356] : memref<8x128xf32, #tpu.memory_space<hbm>> -> memref<1x32xf32, #tpu.memory_space<hbm>>
      tpu.wait_dma2 semaphore(%run_scoped3A : memref<!tpu.dma_semaphore, #tpu.memory_space<semaphore_mem>>) src(%arg13 : memref<1x32xf32, #tpu.memory_space<vmem>>) dst(%dma_wait3A_362 : memref<1x32xf32, #tpu.memory_space<hbm>>)
      tpu.yield
    }) : () -> ()
    %mul3A_357 = arith.constant 4 : i32
    %mul3A_358 = arith.muli %add3A, %mul3A_357 : i32
    "tpu.region"() ({
      %run_scoped3A = tpu.sem_alloc : memref<!tpu.dma_semaphore, #tpu.memory_space<semaphore_mem>>
      %dma_start3A_359 = arith.constant 0 : i32
      %dma_start3A_360 = tpu.memref_slice %arg6[%mul3A_358, %dma_start3A_359] : memref<128x128xf32, #tpu.memory_space<hbm>> -> memref<4x128xf32, #tpu.memory_space<hbm>>
      %dma_start3A_361 = arith.constant 0 : i32
      %dma_start3A_362 = tpu.memref_slice %arg6[%mul3A_358, %dma_start3A_361] : memref<128x128xf32, #tpu.memory_space<hbm>> -> memref<4x128xf32, #tpu.memory_space<hbm>>
      tpu.enqueue_dma source(%arg12 : memref<4x128xf32, #tpu.memory_space<vmem>>) target(%dma_start3A_362 : memref<4x128xf32, #tpu.memory_space<hbm>>) target_semaphore(%run_scoped3A : memref<!tpu.dma_semaphore, #tpu.memory_space<semaphore_mem>>)
      %dma_wait3A_363 = arith.constant 0 : i32
      %dma_wait3A_364 = tpu.memref_slice %arg6[%mul3A_358, %dma_wait3A_363] : memref<128x128xf32, #tpu.memory_space<hbm>> -> memref<4x128xf32, #tpu.memory_space<hbm>>
      %dma_wait3A_365 = arith.constant 0 : i32
      %dma_wait3A_366 = tpu.memref_slice %arg6[%mul3A_358, %dma_wait3A_365] : memref<128x128xf32, #tpu.memory_space<hbm>> -> memref<4x128xf32, #tpu.memory_space<hbm>>
      tpu.wait_dma2 semaphore(%run_scoped3A : memref<!tpu.dma_semaphore, #tpu.memory_space<semaphore_mem>>) src(%arg12 : memref<4x128xf32, #tpu.memory_space<vmem>>) dst(%dma_wait3A_366 : memref<4x128xf32, #tpu.memory_space<hbm>>)
      tpu.yield
    }) : () -> ()
    return
  }
}

module attributes {stable_mosaic.version = 14 : i64} {
  func.func @_tc_main_body(%arg0: memref<1000x64xf32, #tpu.memory_space<vmem>>, %arg1: memref<1000x64xf32, #tpu.memory_space<vmem>>, %arg2: memref<1000x1024xi32, #tpu.memory_space<vmem>>, %arg3: memref<1024x8x128xf32, #tpu.memory_space<vmem>>, %arg4: memref<8x1024x128xi32, #tpu.memory_space<vmem>>) attributes {dimension_semantics = [], scalar_prefetch = 0 : i64, scratch_operands = 0 : i64, tpu.core_type = #tpu.core_type<tc>} {
    %get3A = arith.constant 0 : index
    %get3A_0 = arith.constant 0 : index
    %get3A_1 = vector.load %arg0[%get3A, %get3A_0] : memref<1000x64xf32, #tpu.memory_space<vmem>>, vector<1000x64xf32>
    %broadcast_in_dim3A = arith.constant 0.000000e+00 : f32
    %broadcast_in_dim3A_2 = vector.broadcast %broadcast_in_dim3A : f32 to vector<24x64xf32>
    %concatenate3A = tpu.concatenate %get3A_1, %broadcast_in_dim3A_2 in 0 : vector<1000x64xf32>, vector<24x64xf32> -> vector<1024x64xf32>
    %get3A_3 = arith.constant 0 : index
    %get3A_4 = arith.constant 0 : index
    %get3A_5 = vector.load %arg1[%get3A_3, %get3A_4] : memref<1000x64xf32, #tpu.memory_space<vmem>>, vector<1000x64xf32>
    %broadcast_in_dim3A_6 = arith.constant 0.000000e+00 : f32
    %broadcast_in_dim3A_7 = vector.broadcast %broadcast_in_dim3A_6 : f32 to vector<24x64xf32>
    %concatenate3A_8 = tpu.concatenate %get3A_5, %broadcast_in_dim3A_7 in 0 : vector<1000x64xf32>, vector<24x64xf32> -> vector<1024x64xf32>
    %slice3A = vector.extract_strided_slice %concatenate3A_8 {offsets = [0, 0], sizes = [128, 64], strides = [1, 1]} : vector<1024x64xf32> to vector<128x64xf32>
    %dot_general3A = arith.constant dense<0.000000e+00> : vector<1024x128xf32>
    %dot_general3A_9 = tpu.matmul %concatenate3A, %slice3A, %dot_general3A {dimension_numbers = #tpu.dot_dimension_numbers<[1], [1], [0], [0], [0, 0, 1, 0], [], []>, transpose_lhs_hint = false} : vector<1024x64xf32>, vector<128x64xf32>, vector<1024x128xf32> -> vector<1024x128xf32>
    %exp3A = math.exp %dot_general3A_9 : vector<1024x128xf32>
    %swap3A = arith.constant 0 : index
    %swap3A_10 = arith.constant 0 : index
    %swap3A_11 = arith.constant 0 : index
    %swap3A_12 = vector.load %arg3[%swap3A, %swap3A_10, %swap3A_11] : memref<1024x8x128xf32, #tpu.memory_space<vmem>>, vector<1024x1x128xf32>
    %swap3A_13 = vector.shape_cast %swap3A_12 : vector<1024x1x128xf32> to vector<1024x128xf32>
    %swap3A_14 = vector.shape_cast %exp3A : vector<1024x128xf32> to vector<1024x1x128xf32>
    tpu.vector_store %arg3[%swap3A, %swap3A_10, %swap3A_11], %swap3A_14 {strides = array<i32>} : memref<1024x8x128xf32, #tpu.memory_space<vmem>>, vector<1024x1x128xf32>,
    %get3A_15 = arith.constant 0 : index
    %get3A_16 = arith.constant 0 : index
    %get3A_17 = vector.load %arg2[%get3A_15, %get3A_16] : memref<1000x1024xi32, #tpu.memory_space<vmem>>, vector<128x1024xi32>
    %transpose3A = tpu.transpose %get3A_17, [1, 0] : vector<128x1024xi32> -> vector<1024x128xi32>
    %swap3A_18 = arith.constant 0 : index
    %swap3A_19 = arith.constant 0 : index
    %swap3A_20 = arith.constant 0 : index
    %swap3A_21 = vector.load %arg4[%swap3A_18, %swap3A_19, %swap3A_20] : memref<8x1024x128xi32, #tpu.memory_space<vmem>>, vector<1x1024x128xi32>
    %swap3A_22 = vector.shape_cast %swap3A_21 : vector<1x1024x128xi32> to vector<1024x128xi32>
    %swap3A_23 = vector.shape_cast %transpose3A : vector<1024x128xi32> to vector<1x1024x128xi32>
    tpu.vector_store %arg4[%swap3A_18, %swap3A_19, %swap3A_20], %swap3A_23 {strides = array<i32>} : memref<8x1024x128xi32, #tpu.memory_space<vmem>>, vector<1x1024x128xi32>,
    %slice3A_24 = vector.extract_strided_slice %concatenate3A_8 {offsets = [128, 0], sizes = [128, 64], strides = [1, 1]} : vector<1024x64xf32> to vector<128x64xf32>
    %dot_general3A_25 = arith.constant dense<0.000000e+00> : vector<1024x128xf32>
    %dot_general3A_26 = tpu.matmul %concatenate3A, %slice3A_24, %dot_general3A_25 {dimension_numbers = #tpu.dot_dimension_numbers<[1], [1], [0], [0], [0, 0, 1, 0], [], []>, transpose_lhs_hint = false} : vector<1024x64xf32>, vector<128x64xf32>, vector<1024x128xf32> -> vector<1024x128xf32>
    %exp3A_27 = math.exp %dot_general3A_26 : vector<1024x128xf32>
    %swap3A_28 = arith.constant 0 : index
    %swap3A_29 = arith.constant 1 : index
    %swap3A_30 = arith.constant 0 : index
    %swap3A_31 = vector.load %arg3[%swap3A_28, %swap3A_29, %swap3A_30] : memref<1024x8x128xf32, #tpu.memory_space<vmem>>, vector<1024x1x128xf32>
    %swap3A_32 = vector.shape_cast %swap3A_31 : vector<1024x1x128xf32> to vector<1024x128xf32>
    %swap3A_33 = vector.shape_cast %exp3A_27 : vector<1024x128xf32> to vector<1024x1x128xf32>
    tpu.vector_store %arg3[%swap3A_28, %swap3A_29, %swap3A_30], %swap3A_33 {strides = array<i32>} : memref<1024x8x128xf32, #tpu.memory_space<vmem>>, vector<1024x1x128xf32>,
    %get3A_34 = arith.constant 128 : index
    %get3A_35 = arith.constant 0 : index
    %get3A_36 = vector.load %arg2[%get3A_34, %get3A_35] : memref<1000x1024xi32, #tpu.memory_space<vmem>>, vector<128x1024xi32>
    %transpose3A_37 = tpu.transpose %get3A_36, [1, 0] : vector<128x1024xi32> -> vector<1024x128xi32>
    %swap3A_38 = arith.constant 1 : index
    %swap3A_39 = arith.constant 0 : index
    %swap3A_40 = arith.constant 0 : index
    %swap3A_41 = vector.load %arg4[%swap3A_38, %swap3A_39, %swap3A_40] : memref<8x1024x128xi32, #tpu.memory_space<vmem>>, vector<1x1024x128xi32>
    %swap3A_42 = vector.shape_cast %swap3A_41 : vector<1x1024x128xi32> to vector<1024x128xi32>
    %swap3A_43 = vector.shape_cast %transpose3A_37 : vector<1024x128xi32> to vector<1x1024x128xi32>
    tpu.vector_store %arg4[%swap3A_38, %swap3A_39, %swap3A_40], %swap3A_43 {strides = array<i32>} : memref<8x1024x128xi32, #tpu.memory_space<vmem>>, vector<1x1024x128xi32>,
    %slice3A_44 = vector.extract_strided_slice %concatenate3A_8 {offsets = [256, 0], sizes = [128, 64], strides = [1, 1]} : vector<1024x64xf32> to vector<128x64xf32>
    %dot_general3A_45 = arith.constant dense<0.000000e+00> : vector<1024x128xf32>
    %dot_general3A_46 = tpu.matmul %concatenate3A, %slice3A_44, %dot_general3A_45 {dimension_numbers = #tpu.dot_dimension_numbers<[1], [1], [0], [0], [0, 0, 1, 0], [], []>, transpose_lhs_hint = false} : vector<1024x64xf32>, vector<128x64xf32>, vector<1024x128xf32> -> vector<1024x128xf32>
    %exp3A_47 = math.exp %dot_general3A_46 : vector<1024x128xf32>
    %swap3A_48 = arith.constant 0 : index
    %swap3A_49 = arith.constant 2 : index
    %swap3A_50 = arith.constant 0 : index
    %swap3A_51 = vector.load %arg3[%swap3A_48, %swap3A_49, %swap3A_50] : memref<1024x8x128xf32, #tpu.memory_space<vmem>>, vector<1024x1x128xf32>
    %swap3A_52 = vector.shape_cast %swap3A_51 : vector<1024x1x128xf32> to vector<1024x128xf32>
    %swap3A_53 = vector.shape_cast %exp3A_47 : vector<1024x128xf32> to vector<1024x1x128xf32>
    tpu.vector_store %arg3[%swap3A_48, %swap3A_49, %swap3A_50], %swap3A_53 {strides = array<i32>} : memref<1024x8x128xf32, #tpu.memory_space<vmem>>, vector<1024x1x128xf32>,
    %get3A_54 = arith.constant 256 : index
    %get3A_55 = arith.constant 0 : index
    %get3A_56 = vector.load %arg2[%get3A_54, %get3A_55] : memref<1000x1024xi32, #tpu.memory_space<vmem>>, vector<128x1024xi32>
    %transpose3A_57 = tpu.transpose %get3A_56, [1, 0] : vector<128x1024xi32> -> vector<1024x128xi32>
    %swap3A_58 = arith.constant 2 : index
    %swap3A_59 = arith.constant 0 : index
    %swap3A_60 = arith.constant 0 : index
    %swap3A_61 = vector.load %arg4[%swap3A_58, %swap3A_59, %swap3A_60] : memref<8x1024x128xi32, #tpu.memory_space<vmem>>, vector<1x1024x128xi32>
    %swap3A_62 = vector.shape_cast %swap3A_61 : vector<1x1024x128xi32> to vector<1024x128xi32>
    %swap3A_63 = vector.shape_cast %transpose3A_57 : vector<1024x128xi32> to vector<1x1024x128xi32>
    tpu.vector_store %arg4[%swap3A_58, %swap3A_59, %swap3A_60], %swap3A_63 {strides = array<i32>} : memref<8x1024x128xi32, #tpu.memory_space<vmem>>, vector<1x1024x128xi32>,
    %slice3A_64 = vector.extract_strided_slice %concatenate3A_8 {offsets = [384, 0], sizes = [128, 64], strides = [1, 1]} : vector<1024x64xf32> to vector<128x64xf32>
    %dot_general3A_65 = arith.constant dense<0.000000e+00> : vector<1024x128xf32>
    %dot_general3A_66 = tpu.matmul %concatenate3A, %slice3A_64, %dot_general3A_65 {dimension_numbers = #tpu.dot_dimension_numbers<[1], [1], [0], [0], [0, 0, 1, 0], [], []>, transpose_lhs_hint = false} : vector<1024x64xf32>, vector<128x64xf32>, vector<1024x128xf32> -> vector<1024x128xf32>
    %exp3A_67 = math.exp %dot_general3A_66 : vector<1024x128xf32>
    %swap3A_68 = arith.constant 0 : index
    %swap3A_69 = arith.constant 3 : index
    %swap3A_70 = arith.constant 0 : index
    %swap3A_71 = vector.load %arg3[%swap3A_68, %swap3A_69, %swap3A_70] : memref<1024x8x128xf32, #tpu.memory_space<vmem>>, vector<1024x1x128xf32>
    %swap3A_72 = vector.shape_cast %swap3A_71 : vector<1024x1x128xf32> to vector<1024x128xf32>
    %swap3A_73 = vector.shape_cast %exp3A_67 : vector<1024x128xf32> to vector<1024x1x128xf32>
    tpu.vector_store %arg3[%swap3A_68, %swap3A_69, %swap3A_70], %swap3A_73 {strides = array<i32>} : memref<1024x8x128xf32, #tpu.memory_space<vmem>>, vector<1024x1x128xf32>,
    %get3A_74 = arith.constant 384 : index
    %get3A_75 = arith.constant 0 : index
    %get3A_76 = vector.load %arg2[%get3A_74, %get3A_75] : memref<1000x1024xi32, #tpu.memory_space<vmem>>, vector<128x1024xi32>
    %transpose3A_77 = tpu.transpose %get3A_76, [1, 0] : vector<128x1024xi32> -> vector<1024x128xi32>
    %swap3A_78 = arith.constant 3 : index
    %swap3A_79 = arith.constant 0 : index
    %swap3A_80 = arith.constant 0 : index
    %swap3A_81 = vector.load %arg4[%swap3A_78, %swap3A_79, %swap3A_80] : memref<8x1024x128xi32, #tpu.memory_space<vmem>>, vector<1x1024x128xi32>
    %swap3A_82 = vector.shape_cast %swap3A_81 : vector<1x1024x128xi32> to vector<1024x128xi32>
    %swap3A_83 = vector.shape_cast %transpose3A_77 : vector<1024x128xi32> to vector<1x1024x128xi32>
    tpu.vector_store %arg4[%swap3A_78, %swap3A_79, %swap3A_80], %swap3A_83 {strides = array<i32>} : memref<8x1024x128xi32, #tpu.memory_space<vmem>>, vector<1x1024x128xi32>,
    %slice3A_84 = vector.extract_strided_slice %concatenate3A_8 {offsets = [512, 0], sizes = [128, 64], strides = [1, 1]} : vector<1024x64xf32> to vector<128x64xf32>
    %dot_general3A_85 = arith.constant dense<0.000000e+00> : vector<1024x128xf32>
    %dot_general3A_86 = tpu.matmul %concatenate3A, %slice3A_84, %dot_general3A_85 {dimension_numbers = #tpu.dot_dimension_numbers<[1], [1], [0], [0], [0, 0, 1, 0], [], []>, transpose_lhs_hint = false} : vector<1024x64xf32>, vector<128x64xf32>, vector<1024x128xf32> -> vector<1024x128xf32>
    %exp3A_87 = math.exp %dot_general3A_86 : vector<1024x128xf32>
    %swap3A_88 = arith.constant 0 : index
    %swap3A_89 = arith.constant 4 : index
    %swap3A_90 = arith.constant 0 : index
    %swap3A_91 = vector.load %arg3[%swap3A_88, %swap3A_89, %swap3A_90] : memref<1024x8x128xf32, #tpu.memory_space<vmem>>, vector<1024x1x128xf32>
    %swap3A_92 = vector.shape_cast %swap3A_91 : vector<1024x1x128xf32> to vector<1024x128xf32>
    %swap3A_93 = vector.shape_cast %exp3A_87 : vector<1024x128xf32> to vector<1024x1x128xf32>
    tpu.vector_store %arg3[%swap3A_88, %swap3A_89, %swap3A_90], %swap3A_93 {strides = array<i32>} : memref<1024x8x128xf32, #tpu.memory_space<vmem>>, vector<1024x1x128xf32>,
    %get3A_94 = arith.constant 512 : index
    %get3A_95 = arith.constant 0 : index
    %get3A_96 = vector.load %arg2[%get3A_94, %get3A_95] : memref<1000x1024xi32, #tpu.memory_space<vmem>>, vector<128x1024xi32>
    %transpose3A_97 = tpu.transpose %get3A_96, [1, 0] : vector<128x1024xi32> -> vector<1024x128xi32>
    %swap3A_98 = arith.constant 4 : index
    %swap3A_99 = arith.constant 0 : index
    %swap3A_100 = arith.constant 0 : index
    %swap3A_101 = vector.load %arg4[%swap3A_98, %swap3A_99, %swap3A_100] : memref<8x1024x128xi32, #tpu.memory_space<vmem>>, vector<1x1024x128xi32>
    %swap3A_102 = vector.shape_cast %swap3A_101 : vector<1x1024x128xi32> to vector<1024x128xi32>
    %swap3A_103 = vector.shape_cast %transpose3A_97 : vector<1024x128xi32> to vector<1x1024x128xi32>
    tpu.vector_store %arg4[%swap3A_98, %swap3A_99, %swap3A_100], %swap3A_103 {strides = array<i32>} : memref<8x1024x128xi32, #tpu.memory_space<vmem>>, vector<1x1024x128xi32>,
    %slice3A_104 = vector.extract_strided_slice %concatenate3A_8 {offsets = [640, 0], sizes = [128, 64], strides = [1, 1]} : vector<1024x64xf32> to vector<128x64xf32>
    %dot_general3A_105 = arith.constant dense<0.000000e+00> : vector<1024x128xf32>
    %dot_general3A_106 = tpu.matmul %concatenate3A, %slice3A_104, %dot_general3A_105 {dimension_numbers = #tpu.dot_dimension_numbers<[1], [1], [0], [0], [0, 0, 1, 0], [], []>, transpose_lhs_hint = false} : vector<1024x64xf32>, vector<128x64xf32>, vector<1024x128xf32> -> vector<1024x128xf32>
    %exp3A_107 = math.exp %dot_general3A_106 : vector<1024x128xf32>
    %swap3A_108 = arith.constant 0 : index
    %swap3A_109 = arith.constant 5 : index
    %swap3A_110 = arith.constant 0 : index
    %swap3A_111 = vector.load %arg3[%swap3A_108, %swap3A_109, %swap3A_110] : memref<1024x8x128xf32, #tpu.memory_space<vmem>>, vector<1024x1x128xf32>
    %swap3A_112 = vector.shape_cast %swap3A_111 : vector<1024x1x128xf32> to vector<1024x128xf32>
    %swap3A_113 = vector.shape_cast %exp3A_107 : vector<1024x128xf32> to vector<1024x1x128xf32>
    tpu.vector_store %arg3[%swap3A_108, %swap3A_109, %swap3A_110], %swap3A_113 {strides = array<i32>} : memref<1024x8x128xf32, #tpu.memory_space<vmem>>, vector<1024x1x128xf32>,
    %get3A_114 = arith.constant 640 : index
    %get3A_115 = arith.constant 0 : index
    %get3A_116 = vector.load %arg2[%get3A_114, %get3A_115] : memref<1000x1024xi32, #tpu.memory_space<vmem>>, vector<128x1024xi32>
    %transpose3A_117 = tpu.transpose %get3A_116, [1, 0] : vector<128x1024xi32> -> vector<1024x128xi32>
    %swap3A_118 = arith.constant 5 : index
    %swap3A_119 = arith.constant 0 : index
    %swap3A_120 = arith.constant 0 : index
    %swap3A_121 = vector.load %arg4[%swap3A_118, %swap3A_119, %swap3A_120] : memref<8x1024x128xi32, #tpu.memory_space<vmem>>, vector<1x1024x128xi32>
    %swap3A_122 = vector.shape_cast %swap3A_121 : vector<1x1024x128xi32> to vector<1024x128xi32>
    %swap3A_123 = vector.shape_cast %transpose3A_117 : vector<1024x128xi32> to vector<1x1024x128xi32>
    tpu.vector_store %arg4[%swap3A_118, %swap3A_119, %swap3A_120], %swap3A_123 {strides = array<i32>} : memref<8x1024x128xi32, #tpu.memory_space<vmem>>, vector<1x1024x128xi32>,
    %slice3A_124 = vector.extract_strided_slice %concatenate3A_8 {offsets = [768, 0], sizes = [128, 64], strides = [1, 1]} : vector<1024x64xf32> to vector<128x64xf32>
    %dot_general3A_125 = arith.constant dense<0.000000e+00> : vector<1024x128xf32>
    %dot_general3A_126 = tpu.matmul %concatenate3A, %slice3A_124, %dot_general3A_125 {dimension_numbers = #tpu.dot_dimension_numbers<[1], [1], [0], [0], [0, 0, 1, 0], [], []>, transpose_lhs_hint = false} : vector<1024x64xf32>, vector<128x64xf32>, vector<1024x128xf32> -> vector<1024x128xf32>
    %exp3A_127 = math.exp %dot_general3A_126 : vector<1024x128xf32>
    %swap3A_128 = arith.constant 0 : index
    %swap3A_129 = arith.constant 6 : index
    %swap3A_130 = arith.constant 0 : index
    %swap3A_131 = vector.load %arg3[%swap3A_128, %swap3A_129, %swap3A_130] : memref<1024x8x128xf32, #tpu.memory_space<vmem>>, vector<1024x1x128xf32>
    %swap3A_132 = vector.shape_cast %swap3A_131 : vector<1024x1x128xf32> to vector<1024x128xf32>
    %swap3A_133 = vector.shape_cast %exp3A_127 : vector<1024x128xf32> to vector<1024x1x128xf32>
    tpu.vector_store %arg3[%swap3A_128, %swap3A_129, %swap3A_130], %swap3A_133 {strides = array<i32>} : memref<1024x8x128xf32, #tpu.memory_space<vmem>>, vector<1024x1x128xf32>,
    %get3A_134 = arith.constant 768 : index
    %get3A_135 = arith.constant 0 : index
    %get3A_136 = vector.load %arg2[%get3A_134, %get3A_135] : memref<1000x1024xi32, #tpu.memory_space<vmem>>, vector<128x1024xi32>
    %transpose3A_137 = tpu.transpose %get3A_136, [1, 0] : vector<128x1024xi32> -> vector<1024x128xi32>
    %swap3A_138 = arith.constant 6 : index
    %swap3A_139 = arith.constant 0 : index
    %swap3A_140 = arith.constant 0 : index
    %swap3A_141 = vector.load %arg4[%swap3A_138, %swap3A_139, %swap3A_140] : memref<8x1024x128xi32, #tpu.memory_space<vmem>>, vector<1x1024x128xi32>
    %swap3A_142 = vector.shape_cast %swap3A_141 : vector<1x1024x128xi32> to vector<1024x128xi32>
    %swap3A_143 = vector.shape_cast %transpose3A_137 : vector<1024x128xi32> to vector<1x1024x128xi32>
    tpu.vector_store %arg4[%swap3A_138, %swap3A_139, %swap3A_140], %swap3A_143 {strides = array<i32>} : memref<8x1024x128xi32, #tpu.memory_space<vmem>>, vector<1x1024x128xi32>,
    %slice3A_144 = vector.extract_strided_slice %concatenate3A_8 {offsets = [896, 0], sizes = [128, 64], strides = [1, 1]} : vector<1024x64xf32> to vector<128x64xf32>
    %dot_general3A_145 = arith.constant dense<0.000000e+00> : vector<1024x128xf32>
    %dot_general3A_146 = tpu.matmul %concatenate3A, %slice3A_144, %dot_general3A_145 {dimension_numbers = #tpu.dot_dimension_numbers<[1], [1], [0], [0], [0, 0, 1, 0], [], []>, transpose_lhs_hint = false} : vector<1024x64xf32>, vector<128x64xf32>, vector<1024x128xf32> -> vector<1024x128xf32>
    %exp3A_147 = math.exp %dot_general3A_146 : vector<1024x128xf32>
    %iota3A = tpu.iota {dimensions = array<i32: 1>} : vector<1024x128xi32>
    %lt3A = arith.constant 104 : i32
    %lt3A_148 = vector.broadcast %lt3A : i32 to vector<1024x128xi32>
    %lt3A_149 = arith.cmpi slt, %iota3A, %lt3A_148 : vector<1024x128xi32>
    %jit3A = arith.constant 0.000000e+00 : f32
    %broadcast_in_dim3A_150 = vector.broadcast %jit3A : f32 to vector<1024x128xf32>
    %select_n3A = arith.select %lt3A_149, %exp3A_147, %broadcast_in_dim3A_150 : vector<1024x128xi1>, vector<1024x128xf32>
    %swap3A_151 = arith.constant 0 : index
    %swap3A_152 = arith.constant 7 : index
    %swap3A_153 = arith.constant 0 : index
    %swap3A_154 = vector.load %arg3[%swap3A_151, %swap3A_152, %swap3A_153] : memref<1024x8x128xf32, #tpu.memory_space<vmem>>, vector<1024x1x128xf32>
    %swap3A_155 = vector.shape_cast %swap3A_154 : vector<1024x1x128xf32> to vector<1024x128xf32>
    %swap3A_156 = vector.shape_cast %select_n3A : vector<1024x128xf32> to vector<1024x1x128xf32>
    tpu.vector_store %arg3[%swap3A_151, %swap3A_152, %swap3A_153], %swap3A_156 {strides = array<i32>} : memref<1024x8x128xf32, #tpu.memory_space<vmem>>, vector<1024x1x128xf32>,
    %get3A_157 = arith.constant 896 : index
    %get3A_158 = arith.constant 0 : index
    %get3A_159 = vector.load %arg2[%get3A_157, %get3A_158] : memref<1000x1024xi32, #tpu.memory_space<vmem>>, vector<104x1024xi32>
    %transpose3A_160 = tpu.transpose %get3A_159, [1, 0] : vector<104x1024xi32> -> vector<1024x104xi32>
    %broadcast_in_dim3A_161 = arith.constant 1000 : i32
    %broadcast_in_dim3A_162 = vector.broadcast %broadcast_in_dim3A_161 : i32 to vector<1024x24xi32>
    %concatenate3A_163 = tpu.concatenate %transpose3A_160, %broadcast_in_dim3A_162 in 1 : vector<1024x104xi32>, vector<1024x24xi32> -> vector<1024x128xi32>
    %swap3A_164 = arith.constant 7 : index
    %swap3A_165 = arith.constant 0 : index
    %swap3A_166 = arith.constant 0 : index
    %swap3A_167 = vector.load %arg4[%swap3A_164, %swap3A_165, %swap3A_166] : memref<8x1024x128xi32, #tpu.memory_space<vmem>>, vector<1x1024x128xi32>
    %swap3A_168 = vector.shape_cast %swap3A_167 : vector<1x1024x128xi32> to vector<1024x128xi32>
    %swap3A_169 = vector.shape_cast %concatenate3A_163 : vector<1024x128xi32> to vector<1x1024x128xi32>
    tpu.vector_store %arg4[%swap3A_164, %swap3A_165, %swap3A_166], %swap3A_169 {strides = array<i32>} : memref<8x1024x128xi32, #tpu.memory_space<vmem>>, vector<1x1024x128xi32>,
    return
  }
}

module attributes {stable_mosaic.version = 14 : i64} {
  func.func @_tc_final_body(%arg0: memref<128x128xf32, #tpu.memory_space<vmem>>, %arg1: memref<8x128xf32, #tpu.memory_space<vmem>>, %arg2: memref<1x1xf32, #tpu.memory_space<vmem>>) attributes {dimension_semantics = [], scalar_prefetch = 0 : i64, scratch_operands = 0 : i64, tpu.core_type = #tpu.core_type<tc>} {
    %iota3A = tpu.iota {dimensions = array<i32: 0>} : vector<128x8xi32>
    %iota3A_0 = tpu.iota {dimensions = array<i32: 1>} : vector<128x8xi32>
    %shift_right_logical3A = arith.constant 4 : i32
    %shift_right_logical3A_1 = vector.broadcast %shift_right_logical3A : i32 to vector<128x8xi32>
    %shift_right_logical3A_2 = arith.shrui %iota3A, %shift_right_logical3A_1 : vector<128x8xi32>
    %eq3A = arith.cmpi eq, %shift_right_logical3A_2, %iota3A_0 : vector<128x8xi32>
    %convert_element_type3A = arith.extui %eq3A : vector<128x8xi1> to vector<128x8xi32>
    %convert_element_type3A_3 = arith.sitofp %convert_element_type3A : vector<128x8xi32> to vector<128x8xf32>
    %get3A = arith.constant 0 : index
    %get3A_4 = arith.constant 0 : index
    %get3A_5 = vector.load %arg0[%get3A, %get3A_4] : memref<128x128xf32, #tpu.memory_space<vmem>>, vector<128x128xf32>
    %dot_general3A = arith.constant dense<0.000000e+00> : vector<128x8xf32>
    %dot_general3A_6 = tpu.matmul %get3A_5, %convert_element_type3A_3, %dot_general3A {dimension_numbers = #tpu.dot_dimension_numbers<[1], [0], [0], [1], [0, 0, 1, 1], [], []>, transpose_lhs_hint = false} : vector<128x128xf32>, vector<128x8xf32>, vector<128x8xf32> -> vector<128x8xf32>
    %log3A = math.log %dot_general3A_6 : vector<128x8xf32>
    %reduce_sum3A = vector.shape_cast %log3A : vector<128x8xf32> to vector<1x128x8xf32>
    %reduce_sum3A_7 = arith.constant dense<0.000000e+00> : vector<1xf32>
    %reduce_sum3A_8 = vector.multi_reduction <add>, %reduce_sum3A, %reduce_sum3A_7 [1, 2] : vector<1x128x8xf32> to vector<1xf32>
    %reduce_sum3A_9 = vector.shape_cast %reduce_sum3A_8 : vector<1xf32> to vector<1x1x1xf32>
    %reduce_sum3A_10 = vector.extract %reduce_sum3A_9[0, 0, 0] : f32 from vector<1x1x1xf32>
    %get3A_11 = arith.constant 0 : index
    %get3A_12 = arith.constant 0 : index
    %get3A_13 = vector.load %arg1[%get3A_11, %get3A_12] : memref<8x128xf32, #tpu.memory_space<vmem>>, vector<8x128xf32>
    %log3A_14 = math.log %get3A_13 : vector<8x128xf32>
    %reduce_sum3A_15 = vector.shape_cast %log3A_14 : vector<8x128xf32> to vector<1x8x128xf32>
    %reduce_sum3A_16 = arith.constant dense<0.000000e+00> : vector<1xf32>
    %reduce_sum3A_17 = vector.multi_reduction <add>, %reduce_sum3A_15, %reduce_sum3A_16 [1, 2] : vector<1x8x128xf32> to vector<1xf32>
    %reduce_sum3A_18 = vector.shape_cast %reduce_sum3A_17 : vector<1xf32> to vector<1x1x1xf32>
    %reduce_sum3A_19 = vector.extract %reduce_sum3A_18[0, 0, 0] : f32 from vector<1x1x1xf32>
    %sub3A = arith.subf %reduce_sum3A_10, %reduce_sum3A_19 : f32
    %div3A = arith.constant 1.024000e+03 : f32
    %div3A_20 = arith.divf %sub3A, %div3A : f32
    %reshape3A = vector.broadcast %div3A_20 : f32 to vector<1x1xf32>
    %swap3A = arith.constant 0 : index
    %swap3A_21 = arith.constant 0 : index
    %swap3A_22 = vector.load %arg2[%swap3A, %swap3A_21] : memref<1x1xf32, #tpu.memory_space<vmem>>, vector<1x1xf32>
    tpu.vector_store %arg2[%swap3A, %swap3A_21], %reshape3A {strides = array<i32>} : memref<1x1xf32, #tpu.memory_space<vmem>>, vector<1x1xf32>,
    return
  }
}

</mosaic_0001>

<sc_bundles>
// kernel: kernel.5.cloned.1.call-start
scs
__scs_entry_jumppad:
0x0: {  	(pc) =	sbr.rel $0x88, $3  }
0x1: {  	(tag) =	ssettag $0x0;
	lr =	simm.s32 $0x1  }
0x2: {  	[smem:$0x3F9C] =	sst lr;
	_ =	strace $0xD0000000  }
0x3: {  	_ = 	snop  }
0x4: {  	_ = 	snop  }
0x5: {  	_ = 	snop  }
0x6: {  	_ = 	snop  }
0x7: {  	_ = 	snop  }
__scs_overlays_trampoline_lowered:
0x8: {  	[smem:$0x3FAB] =	sst s0  }
0x9: {  	[smem:$0x3FAC] =	sst s1  }
0xa: {  	[smem:$0x3FAD] =	sst s2  }
0xb: {  	[smem:$0x3FAE] =	sst s3  }
0xc: {  	[smem:$0x3FAF] =	sst s4  }
0xd: {  	[smem:$0x3FB0] =	sst s5  }
0xe: {  	[smem:$0x3FB1] =	sst s6  }
0xf: {  	[smem:$0x3FB2] =	sst s7  }
0x10: {  	[smem:$0x3FB3] =	sst s8  }
0x11: {  	[smem:$0x3FB4] =	sst s9;
	s0 =	simm.s32 @!p0 $0x0  }
0x12: {  	s1 =	sld [smem:$0x3F9A];
	s0 =	simm.s32 @p0 $0x1  }
0x13: {  	[smem:$0x3FB5] =	sst s0;
	s0 =	simm.s32 @!p1 $0x0  }
0x14: {  	s2 =	sld [smem:$0x3F99];
	s0 =	simm.s32 @p1 $0x1  }
0x15: {  	[smem:$0x3FB6] =	sst s0;
	s0 =	simm.s32 @!p2 $0x0  }
0x16: {  	s3 =	sld [smem:$0x3FDB];
	s0 =	simm.s32 @p2 $0x1  }
0x17: {  	s4 =	simm.s32 $0x1BF5;
	[smem:$0x3FB8] =	sst s0  }
0x18: {  	s0 =	sld [smem:$0x3F9B];
	_ =	swait.ge [sflag:s4], $0x0  }
0x19: {  	s7 =	sld [smem:$0x3F9C]  }
0x1a: {  	s8 =	sadd.s32 $0xFFFFE003, lr  }
0x1b: {  	s9 =	sadd.s32 $0xFFFFFEF7, lr;
	s5 =	simm.s32 $0xFFFFFFFF;
	p2 =	slt.u32 s8, $0xFFFFF086  }
0x1c: {  	p1 =	slt.u32 s9, $0xF7A;
	s5 =	simm.s32 @!p2 $0x0  }
0x1d: {  	s5 =	simm.s32 @p1 $0x1;
	p0 =	seq.s32 s7, s2  }
0x1e: {  	s7 =	smul.u32 @!p0 $0xF7A, s2;
	p2 =	seq.s32 @!p0 s5, $0x0  }
0x1f: {  	s9 =	smul.u32 $0xF7A, s1;
	s8 =	simm.s32 @!p0 $0x1BF5;
	p2 =	por !p2, p0  }
0x20: {  	[sflag:s8] =	ssyncset.s32 @!p0 $0xFFFFF086;
	s6 =	sadd.s32 @!p0 s3, s7;
	s7 =	simm.s32 @!p0 $0x108  }
0x21: {  	s3 =	sadd.s32 s3, s9;
	s6 =	sadd.s32 @!p0 $0x88, s6;
	s7 =	simm.s32 @p2 $0x1082  }
0x22: {  	[simem:s7], [sflag:s8] =	dma.local @!p0 [hbm:s6], $0xF7A  }
0x23: {  	s9 =	sor.u32 $0xD0000000, s2;
	s6 =	simm.s32 $0x108;
	_ =	swait.ge @!p0 [sflag:s8], $0x0  }
0x24: {  	s3 =	sadd.s32 $0x88, s3;
	s6 =	simm.s32 @!p1 $0x1082;
	[sflag:s4] =	ssyncset.s32 $0xFFFFF086  }
0x25: {  	[simem:s6], [sflag:s4] =	dma.local [hbm:s3], $0xF7A  }
0x26: {  	[smem:$0x3F9C] =	sst s1;
	(tag) =	ssettag s2;
	_ =	strace s9  }
0x27: {  	s1 =	sld [smem:$0x3FAC]  }
0x28: {  	s2 =	sld [smem:$0x3FAD]  }
0x29: {  	s4 =	sld [smem:$0x3FAF]  }
0x2a: {  	p0 =	seq.s32 s5, $0x0;
	s5 =	sld [smem:$0x3FB0]  }
0x2b: {  	s6 =	sld [smem:$0x3FB1]  }
0x2c: {  	s7 =	sld [smem:$0x3FB2]  }
0x2d: {  	s3 =	simm.s32 $0x108;
	s8 =	sld [smem:$0x3FB3]  }
0x2e: {  	s3 =	simm.s32 @!p0 $0x1082;
	s9 =	sld [smem:$0x3FB4]  }
0x2f: {  	lr =	sadd.s32 s0, s3;
	s0 =	sld [smem:$0x3FAB]  }
0x30: {  	s3 =	sld [smem:$0x3FAE]  }
0x31: {  	[smem:$0x3FB7] =	sst s10  }
0x32: {  	s10 =	sld [smem:$0x3FB5];
	_ =	sdelay $0x3  }
0x33: {  	p0 =	seq.s32 s10, $0x1;
	s10 =	sld [smem:$0x3FB7];
	_ =	sdelay $0x3  }
0x34: {  	[smem:$0x3FB7] =	sst s10  }
0x35: {  	s10 =	sld [smem:$0x3FB6];
	_ =	sdelay $0x3  }
0x36: {  	p1 =	seq.s32 s10, $0x1;
	s10 =	sld [smem:$0x3FB7];
	_ =	sdelay $0x3  }
0x37: {  	[smem:$0x3FB7] =	sst s10  }
0x38: {  	s10 =	sld [smem:$0x3FB8]  }
0x39: {  	_ = 	snop;
	(pc) =	sbr.ind lr, $3  }
0x3a: {  	_ = 	snop  }
0x3b: {  	_ = 	snop  }
0x3c: {  	p2 =	seq.s32 s10, $0x1;
	s10 =	sld [smem:$0x3FB7]  }
0x3d: {  	_ =	shalt  }
0x3e: {  	_ =	shalt  }
0x3f: {  	_ =	shalt  }
0x40: {  	_ =	shalt  }
0x41: {  	_ =	shalt  }
0x42: {  	_ =	shalt  }
0x43: {  	_ =	shalt  }
0x44: {  	_ =	shalt  }
0x45: {  	_ =	shalt  }
0x46: {  	_ =	shalt  }
0x47: {  	_ =	shalt  }
0x48: {  	_ =	shalt  }
0x49: {  	_ =	shalt  }
0x4a: {  	_ =	shalt  }
0x4b: {  	_ =	shalt  }
0x4c: {  	_ =	shalt  }
0x4d: {  	_ =	shalt  }
0x4e: {  	_ =	shalt  }
0x4f: {  	_ =	shalt  }
0x50: {  	_ =	shalt  }
0x51: {  	_ =	shalt  }
0x52: {  	_ =	shalt  }
0x53: {  	_ =	shalt  }
0x54: {  	_ =	shalt  }
0x55: {  	_ =	shalt  }
0x56: {  	_ =	shalt  }
0x57: {  	_ =	shalt  }
0x58: {  	_ =	shalt  }
0x59: {  	_ =	shalt  }
0x5a: {  	_ =	shalt  }
0x5b: {  	_ =	shalt  }
0x5c: {  	_ =	shalt  }
0x5d: {  	_ =	shalt  }
0x5e: {  	_ =	shalt  }
0x5f: {  	_ =	shalt  }
0x60: {  	_ =	shalt  }
0x61: {  	_ =	shalt  }
0x62: {  	_ =	shalt  }
0x63: {  	_ =	shalt  }
0x64: {  	_ =	shalt  }
0x65: {  	_ =	shalt  }
0x66: {  	_ =	shalt  }
0x67: {  	_ =	shalt  }
0x68: {  	_ =	shalt  }
0x69: {  	_ =	shalt  }
0x6a: {  	_ =	shalt  }
0x6b: {  	_ =	shalt  }
0x6c: {  	_ =	shalt  }
0x6d: {  	_ =	shalt  }
0x6e: {  	_ =	shalt  }
0x6f: {  	_ =	shalt  }
0x70: {  	_ =	shalt  }
0x71: {  	_ =	shalt  }
0x72: {  	_ =	shalt  }
0x73: {  	_ =	shalt  }
0x74: {  	_ =	shalt  }
0x75: {  	_ =	shalt  }
0x76: {  	_ =	shalt  }
0x77: {  	_ =	shalt  }
0x78: {  	_ =	shalt  }
0x79: {  	_ =	shalt  }
0x7a: {  	_ =	shalt  }
0x7b: {  	_ =	shalt  }
0x7c: {  	_ =	shalt  }
0x7d: {  	_ =	shalt  }
0x7e: {  	_ =	shalt  }
0x7f: {  	_ =	shalt  }
0x80: {  	_ =	shalt  }
0x81: {  	_ =	shalt  }
0x82: {  	_ =	shalt  }
0x83: {  	_ =	shalt  }
0x84: {  	_ =	shalt  }
0x85: {  	_ =	shalt  }
0x86: {  	_ =	shalt  }
0x87: {  	_ =	shalt  }
.Lfunc_end0:
.L_simem_size_0:
called_computation_lowered:
.L_overlay_start_0:
0x88: {  	s2 =	sld [smem:$0x3FD9]  }
0x89: {  	s3 =	sld [smem:$0x3FFE];
	_ =	sdelay $0x1  }
0x8a: {  	s1 =	srdreg.scid  }
0x8b: {  	s0 =	sand.u32 $0x1, s1  }
0x8c: {  	s17 =	sshll.u32 s0, $0xA;
	s2 =	sadd.s32 s3, s2  }
0x8d: {  	s2 =	sadd.s32 s2, s17  }
0x8e: {  	[smem:$0x3FC3] =	sst s2  }
0x8f: {  	_ = 	snop  }
0x90: {  	s2 =	sld [smem:$0x3FC9]  }
0x91: {  	s18 =	sld [smem:$0x3FC8];
	(tm) =	ssettm $0x1  }
0x92: {  	s4 =	sld [smem:$0x3FFB];
	_ =	sdelay $0x3  }
0x93: {  	_ =	strace s4  }
0x94: {  	s4 =	sld [smem:$0x3FFC];
	_ =	sdelay $0x3  }
0x95: {  	_ =	strace s4  }
0x96: {  	s4 =	sld [smem:$0x3FFD];
	_ =	sdelay $0x3  }
0x97: {  	_ =	strace s4  }
0x98: {  	_ =	strace $0x8FFFFFFF  }
0x99: {  	s19 =	sld [smem:$0x3FDB];
	_ =	sdelay $0x1  }
0x9a: {  	s5 =	simm.s32 $_scs_section_size  }
0x9b: {  	s6 =	simm.s32 $_size__tile_overlayer_lowered;
	s7 =	simm.s32 $_tile_overlayer_lowered  }
0x9c: {  	s22 =	simm.s32 $0x1BFF;
	s21 =	sshll.u32 s7, $0x1;
	s4 =	sadd.s32 s5, s19  }
0x9d: {  	s8 =	simm.s32 $0x0;
	s20 =	sshll.u32 s6, $0x1;
	s6 =	sadd.s32 s21, s4  }
0x9e: {  	[timem:s8], [sflag:s22] =	dma.local [hbm:s6], s20  }
0x9f: {  	_ =	swait.ge [sflag:s22], s20  }
0xa0: {  	s5 =	ssub.s32 $0x0, s20;
	[sflag:s22] =	ssyncset.done $0x0  }
0xa1: {  	[sflag:s22] =	ssyncadd.s32 s5;
	_ =	sdelay $0x1  }
0xa2: {  	s23 =	simm.s32 $0x1B8B  }
0xa3: {  	_ =	swait.ge [sflag:s23], $0x1  }
0xa4: {  	[sflag:s23] =	ssyncset.done $0x0  }
0xa5: {  	s25 =	simm.s32 $0x1B8E;
	s24 =	sld [smem:$0x3FFE];
	[sflag:s23] =	ssyncadd.s32 $0xFFFFFFFF  }
0xa6: {  	s26 =	simm.s32 $execute0_lowered;
	[smem:$0x3FD2] =	sst s25  }
0xa7: {  	s6 =	sshll.u32 s26, $0x1;
	_ =	strace $0x80000046;
	[dreg:$0x1] =	wrdreg $0xFFFFFFFF  }
0xa8: {  	s28 =	simm.s32 $_size_execute0_lowered;
	s4 =	sadd.s32 s4, s6;
	[dreg:$0x0] =	wrdreg $0x0  }
0xa9: {  	s6 =	sshll.u32 s28, $0x1;
	[dreg:$0x2] =	wrdreg s4  }
0xaa: {  	[dreg:$0x3] =	wrdreg s6  }
0xab: {  	[dreg:$0x4] =	wrdreg $0xC0  }
0xac: {  	_ =	task [dreg:s8], $0x5FFFF  }
0xad: {  	[dreg:$0x1] =	wrdreg $0xFFFFFFFF  }
0xae: {  	[dreg:$0x0] =	wrdreg $0x60  }
0xaf: {  	[dreg:$0x2] =	wrdreg s2  }
0xb0: {  	[dreg:$0x3] =	wrdreg s18  }
0xb1: {  	[dreg:$0x4] =	wrdreg s24  }
0xb2: {  	[dreg:$0x5] =	wrdreg $0x9  }
0xb3: {  	_ =	task.clear_ibuf [dreg:s8], $0x6FFFF;
	_ =	strace $0x90000046  }
0xb4: {  	s29 =	simm.s32 $0x9;
	_ =	strace $0x80000048  }
0xb5: {  	_ =	swait.ge [sflag:s29], $0x1  }
0xb6: {  	[sflag:s29] =	ssyncadd.s32 $0xFFFFFFFF  }
0xb7: {  	_ =	strace $0x90000048  }
0xb8: {  	_ =	sfence  }
0xb9: {  	s30 =	sld [smem:$0x0];
	_ =	sdelay $0x2  }
0xba: {  	s31 =	sshll.u32 s1, $0xD;
	s1 =	sshrl.u32 s1, $0x2  }
0xbb: {  	s3 =	sand.u32 $0x4000, s31;
	s1 =	sadd.s32 s1, s30  }
0xbc: {  	s0 =	sor.u32 s3, s0;
	s1 =	sshll.u32 s1, $0x11  }
0xbd: {  	s0 =	sor.u32 s1, s0  }
0xbe: {  	s0 =	sadd.s32 $0x8F2B, s0  }
0xbf: {  	[sflag:s0] =	ssyncadd.remote.s32 $0x1  }
0xc0: {  	_ =	sfence.sel $0xFFFF  }
0xc1: {  	[dreg:$0x0] =	wrdreg $0xFFFFFFFF;
	(pc) =	sbr.abs _section_cstart, $3  }
0xc2: {  	[dreg:$0x1] =	wrdreg $0xFFFFFFFF  }
0xc3: {  	_ =	task.clear_ibuf [dreg:s8], $0x2FFFF;
	_ =	strace $0x9FFFFFFF  }
0xc4: {  	(tm) =	ssettm $0x7FFFFFFF  }
0xc5: {  	_ =	shalt  }
tec
execute0_lowered:
.L_overlay_start_1:
0x0: {  	(tag) =	ssettag $0x1  }
0x1: {  	s0 =	rddreg [dreg:$0x0]  }
0x2: {  	s1 =	rddreg [dreg:$0x1];
	s2 =	srdreg.scid  }
0x3: {  	s3 =	stileid.u32;
	s4 =	rddreg [dreg:$0x2];
	s24 =	simm.s32 $0x6040  }
0x4: {  	s25 =	simm.s32 $0x7040;
	s28 =	simm.s32 $0x8040;
	s29 =	simm.s32 $0xC040  }
0x5: {  	s30 =	simm.s32 $0x2;
	s31 =	simm.s32 $0x3;
	s17 =	simm.s32 $0x10040  }
0x6: {  	s5 =	sand.u32 $0x1, s2;
	s3 =	sshll.u32 s3, $0x1;
	s2 =	simm.s32 $0x0  }
0x7: {  	s18 =	simm.s32 $0x0;
	s6 =	sor.u32 s5, s3;
	[smem:$0x7FF] =	sst s2  }
0x8: {  	s5 =	ssub.s32 $0x2, s5;
	s3 =	sshll.u32 s6, $0x9;
	_ =	strace $0x80000047  }
0x9: {  	s7 =	sshll.u32 s6, $0x6;
	s6 =	sshll.u32 s6, $0x2;
	s26 =	sshrl.u32 s5, $0x1  }
0xa: {  	s13 =	sadd.s32 s3, s4;
	s3 =	sadd.s32 $0x1400, s4;
	s15 =	sadd.s32 s7, s4  }
0xb: {  	s14 =	sadd.s32 s6, s4;
	s16 =	ssub.s32 s5, s26;
	s4 =	sadd.s32 s0, s6  }
0xc: {  	s5 =	sadd.s32 s1, s6;
	s26 =	simm.s32 $0x1;
	s1 =	simm.s32 $0x10240  }
0xd: {  	s0 =	simm.s32 $0x4;
	s6 =	sadd.s32 $0x21400, s13;
	s7 =	sadd.s32 $0x25400, s13  }
0xe: {  	s8 =	sadd.s32 $0x29400, s13;
	s9 =	sadd.s32 $0x2D400, s13;
	s10 =	sadd.s32 $0x31400, s13  }
0xf: {  	v0 =	vlaneseq.u32;
	s11 =	sadd.s32 $0x35400, s13;
	s12 =	sadd.s32 $0x39400, s13;
	s13 =	sadd.s32 $0x3D400, s13  }
0x10: {  	vm0 =	vmmov $0xffff;
	v0 =	vmul.u32 $0x400, v0;
	s14 =	sadd.s32 $0x41C00, s14;
	s15 =	sadd.s32 $0x41400, s15;
	s16 =	smax.u32 s16, $0x1  }
.LBB2_1:
0x11: {  	[tilespmem:s2], [sflag:$0x1] =	stream.linear.gather [hbm4b:s4+s2], $0x20, $0x38;
	[tilespmem:$0x10260] =	vst v63  }
0x12: {  	s19 =	simm.s32 $0x20  }
0x13: {  	[tilespmem:s19], [sflag:$0x1] =	stream.linear.gather [hbm4b:s5+s2], $0x20, $0x38;
	[tilespmem:$0x10260] =	vst v63  }
0x14: {  	s20 =	simm.s32 $0x40  }
0x15: {  	[tilespmem:s20], [sflag:$0x1] =	stream.linear.gather [hbm4b:s6+s2], $0x1000, $0x38;
	[tilespmem:$0x10260] =	vst v63  }
0x16: {  	s21 =	simm.s32 $0x1040  }
0x17: {  	[tilespmem:s21], [sflag:$0x1] =	stream.linear.gather [hbm4b:s7+s2], $0x1000, $0x38;
	[tilespmem:$0x10260] =	vst v63  }
0x18: {  	s22 =	simm.s32 $0x2040  }
0x19: {  	[tilespmem:s22], [sflag:$0x1] =	stream.linear.gather [hbm4b:s8+s2], $0x1000, $0x38;
	[tilespmem:$0x10260] =	vst v63  }
0x1a: {  	s23 =	simm.s32 $0x3040  }
0x1b: {  	[tilespmem:s23], [sflag:$0x1] =	stream.linear.gather [hbm4b:s9+s2], $0x1000, $0x38;
	[tilespmem:$0x10260] =	vst v63  }
0x1c: {  	s20 =	simm.s32 $0x4040  }
0x1d: {  	[tilespmem:s20], [sflag:$0x1] =	stream.linear.gather [hbm4b:s10+s2], $0x1000, $0x38;
	[tilespmem:$0x10260] =	vst v63  }
0x1e: {  	s21 =	simm.s32 $0x5040  }
0x1f: {  	[tilespmem:s21], [sflag:$0x1] =	stream.linear.gather [hbm4b:s11+s2], $0x1000, $0x38;
	[tilespmem:$0x10260] =	vst v63  }
0x20: {  	_ = 	snop  }
0x21: {  	[tilespmem:s24], [sflag:$0x1] =	stream.linear.gather [hbm4b:s12+s2], $0x1000, $0x38;
	[tilespmem:$0x10260] =	vst v63  }
0x22: {  	_ = 	snop  }
0x23: {  	[tilespmem:s25], [sflag:$0x1] =	stream.linear.gather [hbm4b:s13+s2], $0x1000, $0x38;
	[tilespmem:$0x10260] =	vst v63  }
0x24: {  	_ =	swait.ge [sflag:s26], $0x20  }
0x25: {  	[sflag:s26] =	ssyncset.done $0x0  }
0x26: {  	[sflag:s26] =	ssyncadd.s32 $0xFFFFFFE0  }
0x27: {  	_ =	swait.ge [sflag:s26], $0x20  }
0x28: {  	[sflag:s26] =	ssyncset.done $0x0  }
0x29: {  	[sflag:s26] =	ssyncadd.s32 $0xFFFFFFE0  }
0x2a: {  	v1 =	vld [tilespmem:$0x0];
	_ =	sdelay $0x1  }
0x2b: {  	v2 =	vld [tilespmem:$0x10];
	_ =	sdelay $0x5  }
0x2c: {  	[tilespmem:s28], [sflag:$0x2] =	stream.indirect_vreg.gather [hbm4b:s3+s2], $0x400, v1, vm0, $0xb8;
	[tilespmem:$0x10260] =	vst v63  }
0x2d: {  	_ = 	snop  }
0x2e: {  	[tilespmem:s29], [sflag:$0x3] =	stream.indirect_vreg.gather [hbm4b:s3+s2], $0x400, v2, vm0, $0xb8;
	[tilespmem:$0x10260] =	vst v63  }
0x2f: {  	_ =	swait.ge [sflag:s26], $0x1000  }
0x30: {  	[sflag:s26] =	ssyncset.done $0x0  }
0x31: {  	[sflag:s26] =	ssyncadd.s32 $0xFFFFF000  }
0x32: {  	_ =	swait.ge [sflag:s26], $0x1000  }
0x33: {  	[sflag:s26] =	ssyncset.done $0x0  }
0x34: {  	[sflag:s26] =	ssyncadd.s32 $0xFFFFF000  }
0x35: {  	_ =	swait.ge [sflag:s26], $0x1000  }
0x36: {  	[sflag:s26] =	ssyncset.done $0x0  }
0x37: {  	[sflag:s26] =	ssyncadd.s32 $0xFFFFF000  }
0x38: {  	_ =	swait.ge [sflag:s26], $0x1000  }
0x39: {  	[sflag:s26] =	ssyncset.done $0x0  }
0x3a: {  	[sflag:s26] =	ssyncadd.s32 $0xFFFFF000  }
0x3b: {  	_ =	swait.ge [sflag:s26], $0x1000  }
0x3c: {  	[sflag:s26] =	ssyncset.done $0x0  }
0x3d: {  	[sflag:s26] =	ssyncadd.s32 $0xFFFFF000  }
0x3e: {  	_ =	swait.ge [sflag:s26], $0x1000  }
0x3f: {  	[sflag:s26] =	ssyncset.done $0x0  }
0x40: {  	[sflag:s26] =	ssyncadd.s32 $0xFFFFF000  }
0x41: {  	_ =	swait.ge [sflag:s26], $0x1000  }
0x42: {  	[sflag:s26] =	ssyncset.done $0x0  }
0x43: {  	[sflag:s26] =	ssyncadd.s32 $0xFFFFF000  }
0x44: {  	_ =	swait.ge [sflag:s26], $0x1000  }
0x45: {  	[sflag:s26] =	ssyncset.done $0x0  }
0x46: {  	[sflag:s26] =	ssyncadd.s32 $0xFFFFF000  }
0x47: {  	_ =	swait.ge [sflag:s30], $0x4000  }
0x48: {  	[sflag:s30] =	ssyncset.done $0x0  }
0x49: {  	[sflag:s30] =	ssyncadd.s32 $0xFFFFC000  }
0x4a: {  	v1 =	vld [tilespmem:$0x20];
	_ =	sdelay $0x4  }
0x4b: {  	v1 =	vadd.s32 v0, v1;
	_ =	sdelay $0x4  }
0x4c: {  	v1 =	vld.idx.msk [tilespmem:v1+s28+$0x0], $0xffff;
	_ =	sdelay $0x4  }
0x4d: {  	s20 =	simm.s32 $0x0;
	[tilespmem:$0x10240] =	vst v1  }
0x4e: {  	v1 =	vld [tilespmem:s20+$0x40]  }
0x4f: {  	v2 =	vld [tilespmem:s20+$0x50]  }
0x50: {  	v3 =	vld [tilespmem:s20+$0x60]  }
0x51: {  	v5 =	vld [tilespmem:s20+$0x70]  }
0x52: {  	v6 =	vld [tilespmem:s20+$0x80]  }
0x53: {  	v8 =	vld [tilespmem:s20+$0x90]  }
0x54: {  	v10 =	vld [tilespmem:s20+$0xA0]  }
0x55: {  	v11 =	vld [tilespmem:s20+$0xB0]  }
0x56: {  	v14 =	vld [tilespmem:s20+$0x1040]  }
0x57: {  	v15 =	vld [tilespmem:s20+$0x1080]  }
0x58: {  	v16 =	vld [tilespmem:s20+$0x1090]  }
0x59: {  	v17 =	vld [tilespmem:s20+$0x10B0]  }
0x5a: {  	v18 =	vld [tilespmem:s20+$0x2040]  }
0x5b: {  	v19 =	vld [tilespmem:s20+$0x2050]  }
0x5c: {  	v21 =	vld [tilespmem:s20+$0x2060]  }
0x5d: {  	v24 =	vld [tilespmem:s20+$0x2080]  }
0x5e: {  	v27 =	vld [tilespmem:s20+$0x20B0]  }
0x5f: {  	v28 =	vld [tilespmem:s20+$0x3040]  }
0x60: {  	v30 =	vld [tilespmem:s20+$0x3070]  }
0x61: {  	s22 =	simm.s32 $0x0;
	v31 =	vld [tilespmem:s20+$0x3080];
	v4 =	vand.u32 $0xFFFFFF80, v1  }
0x62: {  	v32 =	vld [tilespmem:s20+$0x3090];
	v1 =	vand.u32 $0x7F, v1;
	v4 =	vadd.s32 s22, v4  }
0x63: {  	v33 =	vld [tilespmem:s20+$0x30A0];
	v1 =	vor.u32 v1, v4;
	v4 =	vand.u32 $0xFFFFFF80, v2  }
0x64: {  	v34 =	vld [tilespmem:s20+$0x30B0];
	v2 =	vand.u32 $0x7F, v2;
	v4 =	vadd.s32 s22, v4  }
0x65: {  	v36 =	vld [tilespmem:s20+$0x4040];
	v2 =	vor.u32 v2, v4;
	v4 =	vand.u32 $0xFFFFFF80, v3  }
0x66: {  	v46 =	vld [tilespmem:s20+$0x4050];
	v7 =	vand.u32 $0xFFFFFF80, v5;
	v3 =	vand.u32 $0x7F, v3;
	v4 =	vadd.s32 s22, v4  }
0x67: {  	v49 =	vld [tilespmem:s20+$0x4060];
	v5 =	vand.u32 $0x7F, v5;
	v3 =	vor.u32 v3, v4;
	v4 =	vadd.s32 s22, v7  }
0x68: {  	v7 =	vld.idx.msk [tilespmem:v1+s28+$0x0], $0xffff;
	v1 =	vor.u32 v5, v4;
	v4 =	vand.u32 $0xFFFFFF80, v6  }
0x69: {  	v52 =	vld [tilespmem:s20+$0x4070];
	v5 =	vand.u32 $0x7F, v6;
	v6 =	vand.u32 $0xFFFFFF80, v8;
	v4 =	vadd.s32 s22, v4  }
0x6a: {  	v13 =	vld.idx.msk [tilespmem:v2+s28+$0x0], $0xffff;
	v2 =	vor.u32 v5, v4;
	v4 =	vadd.s32 s22, v6;
	v5 =	vand.u32 $0x7F, v8  }
0x6b: {  	v6 =	vld [tilespmem:s20+$0x1050];
	v4 =	vor.u32 v5, v4;
	v5 =	vand.u32 $0xFFFFFF80, v10  }
0x6c: {  	v8 =	vand.u32 $0xFFFFFF80, v11;
	v9 =	vld.idx.msk [tilespmem:v3+s28+$0x0], $0xffff;
	v3 =	vadd.s32 s22, v5;
	v5 =	vand.u32 $0x7F, v10  }
0x6d: {  	v12 =	vld.idx.msk [tilespmem:v1+s28+$0x0], $0xffff;
	v1 =	vor.u32 v5, v3;
	v3 =	vadd.s32 s22, v8;
	v5 =	vand.u32 $0x7F, v11  }
0x6e: {  	v11 =	vld [tilespmem:s20+$0x1060];
	v5 =	vor.u32 v5, v3;
	v3 =	vand.u32 $0xFFFFFF80, v14  }
0x6f: {  	v8 =	vld.idx.msk [tilespmem:v2+s28+$0x0], $0xffff;
	v2 =	vadd.s32 s22, v3;
	v3 =	vand.u32 $0x7F, v14  }
0x70: {  	v14 =	vld [tilespmem:s20+$0x1070];
	v2 =	vor.u32 v3, v2;
	v3 =	vand.u32 $0xFFFFFF80, v6  }
0x71: {  	v10 =	vld.idx.msk [tilespmem:v4+s28+$0x0], $0xffff;
	v6 =	vand.u32 $0x7F, v6;
	v4 =	vadd.s32 s22, v3  }
0x72: {  	v41 =	vld [tilespmem:s20+$0x40B0];
	v6 =	vor.u32 v6, v4  }
0x73: {  	v43 =	vld [tilespmem:s20+$0x5050]  }
0x74: {  	v3 =	vld.idx.msk [tilespmem:v1+s28+$0x0], $0xffff;
	v1 =	vand.u32 $0xFFFFFF80, v11  }
0x75: {  	v11 =	vand.u32 $0x7F, v11;
	v4 =	vld.idx.msk [tilespmem:v5+s28+$0x0], $0xffff;
	v5 =	vadd.s32 s22, v1  }
0x76: {  	v5 =	vor.u32 v11, v5;
	v11 =	vand.u32 $0xFFFFFF80, v14;
	v1 =	vld.idx.msk [tilespmem:v2+s28+$0x0], $0xffff  }
0x77: {  	v2 =	vld.idx.msk [tilespmem:v6+s28+$0x0], $0xffff;
	v6 =	vadd.s32 s22, v11;
	v11 =	vand.u32 $0x7F, v14  }
0x78: {  	v6 =	vor.u32 v11, v6;
	v11 =	vld [tilespmem:s20+$0x10A0]  }
0x79: {  	v53 =	vld [tilespmem:s20+$0x4080];
	v20 =	vand.u32 $0xFFFFFF80, v17;
	v44 =	vand.u32 $0xFFFFFF80, v41;
	v14 =	vand.u32 $0xFFFFFF80, v15  }
0x7a: {  	v39 =	vld [tilespmem:s20+$0x4090];
	v41 =	vand.u32 $0x7F, v41;
	v15 =	vand.u32 $0x7F, v15;
	v14 =	vadd.s32 s22, v14  }
0x7b: {  	v54 =	vld [tilespmem:s20+$0x40A0];
	v58 =	vand.u32 $0xFFFFFF80, v43;
	v14 =	vor.u32 v15, v14;
	v15 =	vand.u32 $0xFFFFFF80, v16  }
0x7c: {  	v55 =	vld [tilespmem:s20+$0x5040];
	v44 =	vadd.s32 s22, v44;
	v16 =	vand.u32 $0x7F, v16;
	v15 =	vadd.s32 s22, v15  }
0x7d: {  	v62 =	vld [tilespmem:s20+$0x50A0];
	v57 =	vor.u32 v41, v44;
	v15 =	vor.u32 v16, v15;
	v16 =	vand.u32 $0xFFFFFF80, v11  }
0x7e: {  	v44 =	vadd.s32 s22, v58;
	v58 =	vld [tilespmem:s20+$0x6040];
	v11 =	vand.u32 $0x7F, v11;
	v16 =	vadd.s32 s22, v16  }
0x7f: {  	v17 =	vand.u32 $0x7F, v17;
	v22 =	vor.u32 v11, v16;
	v16 =	vadd.s32 s22, v20;
	v20 =	vld [tilespmem:s20+$0x2070]  }
0x80: {  	v23 =	vand.u32 $0xFFFFFF80, v19;
	v11 =	vld.idx.msk [tilespmem:v14+s28+$0x0], $0xffff;
	v14 =	vor.u32 v17, v16;
	v16 =	vand.u32 $0xFFFFFF80, v18  }
0x81: {  	v29 =	vand.u32 $0xFFFFFF80, v28;
	v5 =	vld.idx.msk [tilespmem:v5+s28+$0x0], $0xffff;
	v18 =	vand.u32 $0x7F, v18;
	v17 =	vadd.s32 s22, v16  }
0x82: {  	v16 =	vld.idx.msk [tilespmem:v15+s28+$0x0], $0xffff;
	v15 =	vor.u32 v18, v17;
	v17 =	vadd.s32 s22, v23;
	v18 =	vand.u32 $0x7F, v19  }
0x83: {  	v28 =	vand.u32 $0x7F, v28;
	v19 =	vand.u32 $0xFFFFFF80, v21;
	v23 =	vld [tilespmem:s20+$0x2090];
	v17 =	vor.u32 v18, v17  }
0x84: {  	v21 =	vand.u32 $0x7F, v21;
	v18 =	vld.idx.msk [tilespmem:v22+s28+$0x0], $0xffff;
	v22 =	vadd.s32 s22, v19;
	v25 =	vand.u32 $0xFFFFFF80, v20  }
0x85: {  	v20 =	vand.u32 $0x7F, v20;
	v19 =	vld.idx.msk [tilespmem:v14+s28+$0x0], $0xffff;
	v14 =	vor.u32 v21, v22;
	v21 =	vadd.s32 s22, v25  }
0x86: {  	v35 =	vand.u32 $0xFFFFFF80, v32;
	v25 =	vld [tilespmem:s20+$0x20A0];
	v22 =	vor.u32 v20, v21;
	v21 =	vand.u32 $0xFFFFFF80, v24  }
0x87: {  	v37 =	vand.u32 $0xFFFFFF80, v34;
	v24 =	vand.u32 $0x7F, v24;
	v20 =	vld.idx.msk [tilespmem:v15+s28+$0x0], $0xffff;
	v15 =	vadd.s32 s22, v21  }
0x88: {  	v47 =	vand.u32 $0x7F, v34;
	v21 =	vld.idx.msk [tilespmem:v17+s28+$0x0], $0xffff;
	v15 =	vor.u32 v24, v15;
	v17 =	vand.u32 $0xFFFFFF80, v23  }
0x89: {  	v42 =	vand.u32 $0xFFFFFF80, v39;
	v6 =	vld.idx.msk [tilespmem:v6+s28+$0x0], $0xffff;
	v24 =	vand.u32 $0x7F, v23;
	v17 =	vadd.s32 s22, v17  }
0x8a: {  	v39 =	vand.u32 $0x7F, v39;
	v42 =	vadd.s32 s22, v42;
	v23 =	vld.idx.msk [tilespmem:v14+s28+$0x0], $0xffff;
	v14 =	vor.u32 v24, v17  }
0x8b: {  	v39 =	vor.u32 v39, v42;
	v42 =	vadd.f32 v13, v7;
	v13 =	vld [tilespmem:s20+$0x5060];
	v17 =	vand.u32 $0xFFFFFF80, v25  }
0x8c: {  	v40 =	vand.u32 $0xFFFFFF80, v53;
	v24 =	vld.idx.msk [tilespmem:v22+s28+$0x0], $0xffff;
	v17 =	vadd.s32 s22, v17;
	v22 =	vand.u32 $0x7F, v25  }
0x8d: {  	v34 =	vand.u32 $0x7F, v53;
	v41 =	vadd.f32 v12, v9;
	v25 =	vld.idx.msk [tilespmem:v15+s28+$0x0], $0xffff;
	v15 =	vor.u32 v22, v17  }
0x8e: {  	v9 =	vand.u32 $0xFFFFFF80, v55;
	v1 =	vadd.f32 v2, v1;
	v17 =	vand.u32 $0xFFFFFF80, v27;
	v22 =	vld [tilespmem:s20+$0x3050]  }
0x8f: {  	v2 =	vadd.f32 v6, v5;
	v26 =	vld.idx.msk [tilespmem:v14+s28+$0x0], $0xffff;
	v14 =	vadd.s32 s22, v17;
	v17 =	vand.u32 $0x7F, v27  }
0x90: {  	v59 =	vadd.s32 s22, v9;
	v6 =	vand.u32 $0xFFFFFF80, v58;
	v14 =	vor.u32 v17, v14;
	v17 =	vld [tilespmem:s20+$0x3060]  }
0x91: {  	v12 =	vld [tilespmem:s20+$0x5080];
	v6 =	vadd.s32 s22, v6;
	v1 =	vadd.f32 v2, v1;
	v11 =	vadd.f32 v16, v11  }
0x92: {  	v16 =	vadd.f32 v19, v18;
	v19 =	vand.u32 $0x7F, v58;
	v27 =	vld.idx.msk [tilespmem:v15+s28+$0x0], $0xffff;
	v15 =	vadd.s32 s22, v29  }
0x93: {  	v9 =	vld.idx.msk [tilespmem:v39+s28+$0x0], $0xffff;
	v2 =	vor.u32 v19, v6;
	v15 =	vor.u32 v28, v15;
	v28 =	vand.u32 $0xFFFFFF80, v22  }
0x94: {  	v40 =	vadd.s32 s22, v40;
	v58 =	vld [tilespmem:s20+$0x70B0];
	v22 =	vand.u32 $0x7F, v22;
	v29 =	vadd.s32 s22, v28  }
0x95: {  	v11 =	vadd.f32 v16, v11;
	v28 =	vld.idx.msk [tilespmem:v14+s28+$0x0], $0xffff;
	v14 =	vor.u32 v22, v29;
	v22 =	vand.u32 $0xFFFFFF80, v17  }
0x96: {  	v16 =	vld [tilespmem:s20+$0x6060];
	v6 =	vadd.f32 v21, v20;
	v17 =	vand.u32 $0x7F, v17;
	v22 =	vadd.s32 s22, v22  }
0x97: {  	v20 =	vadd.f32 v24, v23;
	v23 =	vld [tilespmem:s20+$0x6070];
	v29 =	vand.u32 $0xFFFFFF80, v30;
	v17 =	vor.u32 v17, v22  }
0x98: {  	v34 =	vor.u32 v34, v40;
	v2 =	vld.idx.msk [tilespmem:v2+s28+$0x0], $0xffff;
	v30 =	vand.u32 $0x7F, v30;
	v22 =	vadd.s32 s22, v29  }
0x99: {  	v45 =	vand.u32 $0xFFFFFF80, v33;
	v29 =	vld.idx.msk [tilespmem:v15+s28+$0x0], $0xffff;
	v15 =	vor.u32 v30, v22;
	v22 =	vand.u32 $0xFFFFFF80, v31  }
0x9a: {  	v21 =	vadd.f32 v26, v25;
	v25 =	vld [tilespmem:s20+$0x6080];
	v31 =	vand.u32 $0x7F, v31;
	v22 =	vadd.s32 s22, v22  }
0x9b: {  	v30 =	vld.idx.msk [tilespmem:v14+s28+$0x0], $0xffff;
	v14 =	vor.u32 v31, v22;
	v22 =	vadd.s32 s22, v35;
	v31 =	vand.u32 $0x7F, v32  }
0x9c: {  	v7 =	vand.u32 $0xFFFFFF80, v54;
	v24 =	vadd.f32 v28, v27;
	v22 =	vor.u32 v31, v22;
	v31 =	vld.idx.msk [tilespmem:v17+s28+$0x0], $0xffff  }
0x9d: {  	v33 =	vand.u32 $0x7F, v33;
	v17 =	vadd.s32 s22, v45;
	v45 =	vadd.s32 s22, v7;
	v7 =	vld.idx.msk [tilespmem:v34+s28+$0x0], $0xffff  }
0x9e: {  	v48 =	vand.u32 $0xFFFFFF80, v36;
	v6 =	vadd.f32 v20, v6;
	v20 =	vadd.f32 v24, v21;
	v24 =	vld [tilespmem:s20+$0x60A0]  }
0x9f: {  	v50 =	vand.u32 $0x7F, v36;
	v32 =	vld.idx.msk [tilespmem:v15+s28+$0x0], $0xffff;
	v15 =	vor.u32 v33, v17;
	v17 =	vadd.s32 s22, v37  }
0xa0: {  	v51 =	vand.u32 $0x7F, v46;
	v43 =	vand.u32 $0x7F, v43;
	v17 =	vor.u32 v47, v17;
	v47 =	vld [tilespmem:s20+$0x5090]  }
0xa1: {  	v40 =	vand.u32 $0x7F, v55;
	v61 =	vor.u32 v43, v44;
	v44 =	vand.u32 $0x7F, v62;
	v37 =	vld.idx.msk [tilespmem:v14+s28+$0x0], $0xffff  }
0xa2: {  	v60 =	vor.u32 v40, v59;
	v41 =	vadd.f32 v41, v42;
	v14 =	vadd.s32 s22, v48;
	v48 =	vld [tilespmem:s20+$0x50B0]  }
0xa3: {  	v43 =	vadd.f32 v10, v8;
	v21 =	vand.u32 $0xFFFFFF80, v16;
	v26 =	vadd.f32 v30, v29;
	v29 =	vld [tilespmem:s20+$0x6090]  }
0xa4: {  	v8 =	vand.u32 $0xFFFFFF80, v13;
	v16 =	vand.u32 $0x7F, v16;
	v21 =	vadd.s32 s22, v21;
	v36 =	vld.idx.msk [tilespmem:v22+s28+$0x0], $0xffff  }
0xa5: {  	v59 =	vadd.f32 v4, v3;
	v16 =	vor.u32 v16, v21;
	v22 =	vand.u32 $0xFFFFFF80, v46;
	v46 =	vld [tilespmem:s20+$0x5070]  }
0xa6: {  	v10 =	vand.u32 $0x7F, v13;
	v63 =	vadd.s32 s22, v8;
	v14 =	vor.u32 v50, v14;
	v50 =	vld [tilespmem:s20+$0x7080]  }
0xa7: {  	v55 =	vand.u32 $0x7F, v12;
	v42 =	vadd.f32 v59, v43;
	v1 =	vadd.f32 v11, v1;
	v38 =	vld.idx.msk [tilespmem:v15+s28+$0x0], $0xffff  }
0xa8: {  	v35 =	vand.u32 $0x7F, v52;
	v22 =	vadd.s32 s22, v22;
	v28 =	vadd.f32 v32, v31;
	v33 =	vld.idx.msk [tilespmem:v17+s28+$0x0], $0xffff  }
0xa9: {  	v15 =	vor.u32 v51, v22;
	v22 =	vand.u32 $0x7F, v49;
	v17 =	vand.u32 $0xFFFFFF80, v49;
	v49 =	vld [tilespmem:s20+$0x7070]  }
0xaa: {  	v16 =	vld.idx.msk [tilespmem:v16+s28+$0x0], $0xffff;
	v17 =	vadd.s32 s22, v17;
	v4 =	vand.u32 $0xFFFFFF80, v48;
	v26 =	vadd.f32 v28, v26  }
0xab: {  	v28 =	vand.u32 $0xFFFFFF80, v23;
	v23 =	vand.u32 $0x7F, v23;
	v14 =	vld.idx.msk [tilespmem:v14+s28+$0x0], $0xffff;
	v17 =	vor.u32 v22, v17  }
0xac: {  	v22 =	vand.u32 $0xFFFFFF80, v52;
	v13 =	vand.u32 $0xFFFFFF80, v46;
	v52 =	vor.u32 v10, v63;
	v10 =	vld.idx.msk [tilespmem:v57+s28+$0x0], $0xffff  }
0xad: {  	v46 =	vand.u32 $0x7F, v46;
	v57 =	vand.u32 $0xFFFFFF80, v62;
	v62 =	vand.u32 $0x7F, v48;
	v63 =	vld [tilespmem:s20+$0x6050]  }
0xae: {  	v21 =	vadd.s32 s22, v28;
	v28 =	vand.u32 $0xFFFFFF80, v25;
	v25 =	vand.u32 $0x7F, v25;
	v48 =	vld [tilespmem:s20+$0x7050]  }
0xaf: {  	v22 =	vadd.s32 s22, v22;
	v13 =	vadd.s32 s22, v13;
	v40 =	vadd.s32 s22, v57;
	v57 =	vld [tilespmem:s20+$0x70A0]  }
0xb0: {  	v28 =	vadd.s32 s22, v28;
	v21 =	vor.u32 v23, v21;
	v15 =	vld.idx.msk [tilespmem:v15+s28+$0x0], $0xffff;
	v22 =	vor.u32 v35, v22  }
0xb1: {  	v35 =	vand.u32 $0x7F, v54;
	v53 =	vor.u32 v46, v13;
	v13 =	vand.u32 $0xFFFFFF80, v12;
	v12 =	vld.idx.msk [tilespmem:v60+s28+$0x0], $0xffff  }
0xb2: {  	v54 =	vand.u32 $0xFFFFFF80, v47;
	v47 =	vand.u32 $0x7F, v47;
	v60 =	vor.u32 v44, v40;
	v46 =	vld [tilespmem:s20+$0x60B0]  }
0xb3: {  	v23 =	vor.u32 v25, v28;
	v25 =	vld [tilespmem:s20+$0x7060];
	v56 =	vor.u32 v35, v45;
	v35 =	vadd.s32 s22, v54  }
0xb4: {  	v6 =	vadd.f32 v20, v6;
	v7 =	vadd.f32 v9, v7;
	v35 =	vor.u32 v47, v35;
	v47 =	vld [tilespmem:s20+$0x7040]  }
0xb5: {  	v30 =	vadd.f32 v36, v37;
	v36 =	vand.u32 $0x7F, v50;
	v45 =	vand.u32 $0xFFFFFF80, v58;
	v17 =	vld.idx.msk [tilespmem:v17+s28+$0x0], $0xffff  }
0xb6: {  	v3 =	vld.idx.msk [tilespmem:v52+s28+$0x0], $0xffff;
	v19 =	vand.u32 $0xFFFFFF80, v63;
	v27 =	vand.u32 $0x7F, v63;
	v51 =	vand.u32 $0xFFFFFF80, v48  }
0xb7: {  	v52 =	vld [tilespmem:s20+$0x7090];
	v54 =	vand.u32 $0x7F, v48;
	v19 =	vadd.s32 s22, v19;
	v63 =	vand.u32 $0xFFFFFF80, v57  }
0xb8: {  	v44 =	vand.u32 $0x7F, v57;
	v18 =	vld.idx.msk [tilespmem:v60+s28+$0x0], $0xffff;
	v19 =	vor.u32 v27, v19;
	v27 =	vadd.f32 v33, v38  }
0xb9: {  	v32 =	vand.u32 $0x7F, v46;
	v60 =	vand.u32 $0xFFFFFF80, v50;
	v8 =	vld.idx.msk [tilespmem:v56+s28+$0x0], $0xffff;
	v56 =	vadd.s32 s22, v13  }
0xba: {  	v14 =	vadd.f32 v15, v14;
	v13 =	vld.idx.msk [tilespmem:v61+s28+$0x0], $0xffff;
	v61 =	vadd.s32 s22, v4;
	v39 =	vor.u32 v55, v56  }
0xbb: {  	v21 =	vld.idx.msk [tilespmem:v21+s28+$0x0], $0xffff;
	v40 =	vor.u32 v62, v61;
	v27 =	vadd.f32 v27, v30;
	v30 =	vand.u32 $0xFFFFFF80, v29  }
0xbc: {  	v22 =	vld.idx.msk [tilespmem:v22+s28+$0x0], $0xffff;
	v29 =	vand.u32 $0x7F, v29;
	v55 =	vand.u32 $0xFFFFFF80, v25;
	v56 =	vand.u32 $0xFFFFFF80, v49  }
0xbd: {  	v5 =	vld.idx.msk [tilespmem:v35+s28+$0x0], $0xffff;
	v25 =	vand.u32 $0x7F, v25;
	v35 =	vand.u32 $0x7F, v49;
	v30 =	vadd.s32 s22, v30  }
0xbe: {  	v23 =	vld.idx.msk [tilespmem:v23+s28+$0x0], $0xffff;
	v34 =	vadd.s32 s22, v55;
	v37 =	vadd.s32 s22, v56;
	v28 =	vor.u32 v29, v30  }
0xbf: {  	v4 =	vld.idx.msk [tilespmem:v53+s28+$0x0], $0xffff;
	v61 =	vand.u32 $0xFFFFFF80, v52;
	v62 =	vand.u32 $0x7F, v52;
	v25 =	vor.u32 v25, v34  }
0xc0: {  	v29 =	vand.u32 $0xFFFFFF80, v24;
	v59 =	vor.u32 v35, v37;
	v34 =	vadd.s32 s22, v60;
	v19 =	vld.idx.msk [tilespmem:v19+s28+$0x0], $0xffff  }
0xc1: {  	v30 =	vand.u32 $0xFFFFFF80, v46;
	v35 =	vadd.s32 s22, v61;
	v34 =	vor.u32 v36, v34;
	v39 =	vld.idx.msk [tilespmem:v39+s28+$0x0], $0xffff  }
0xc2: {  	v24 =	vand.u32 $0x7F, v24;
	v29 =	vadd.s32 s22, v29;
	v35 =	vor.u32 v62, v35;
	v31 =	vld.idx.msk [tilespmem:v40+s28+$0x0], $0xffff  }
0xc3: {  	v53 =	vadd.s32 s22, v51;
	v30 =	vadd.s32 s22, v30;
	v24 =	vor.u32 v24, v29;
	v28 =	vld.idx.msk [tilespmem:v28+s28+$0x0], $0xffff  }
0xc4: {  	v33 =	vand.u32 $0x7F, v47;
	v20 =	vadd.f32 v27, v26;
	v30 =	vor.u32 v32, v30;
	v11 =	vld.idx.msk [tilespmem:v25+s28+$0x0], $0xffff  }
0xc5: {  	v36 =	vadd.s32 s22, v63;
	v29 =	vand.u32 $0xFFFFFF80, v47;
	v32 =	vor.u32 v54, v53;
	v26 =	vld.idx.msk [tilespmem:v59+s28+$0x0], $0xffff  }
0xc6: {  	v15 =	vadd.f32 v22, v17;
	v36 =	vor.u32 v44, v36;
	v29 =	vadd.s32 s22, v29;
	v17 =	vld.idx.msk [tilespmem:v34+s28+$0x0], $0xffff  }
0xc7: {  	v46 =	vadd.s32 s22, v45;
	v47 =	vand.u32 $0x7F, v58;
	v29 =	vor.u32 v33, v29;
	v9 =	vld.idx.msk [tilespmem:v35+s28+$0x0], $0xffff  }
0xc8: {  	v25 =	vor.u32 v47, v46;
	v24 =	vld.idx.msk [tilespmem:v24+s28+$0x0], $0xffff  }
0xc9: {  	v30 =	vld.idx.msk [tilespmem:v30+s28+$0x0], $0xffff  }
0xca: {  	v48 =	vadd.f32 v42, v41;
	v8 =	vadd.f32 v10, v8;
	v32 =	vld.idx.msk [tilespmem:v32+s28+$0x0], $0xffff  }
0xcb: {  	v10 =	vadd.f32 v13, v12;
	v3 =	vadd.f32 v4, v3;
	v4 =	vld.idx.msk [tilespmem:v36+s28+$0x0], $0xffff  }
0xcc: {  	v14 =	vadd.f32 v15, v14;
	v7 =	vadd.f32 v8, v7;
	v29 =	vld.idx.msk [tilespmem:v29+s28+$0x0], $0xffff  }
0xcd: {  	v5 =	vadd.f32 v5, v39;
	v12 =	vadd.f32 v31, v18;
	v13 =	vld.idx.msk [tilespmem:v25+s28+$0x0], $0xffff  }
0xce: {  	v3 =	vadd.f32 v3, v10;
	v8 =	vadd.f32 v21, v16  }
0xcf: {  	v2 =	vadd.f32 v19, v2;
	v5 =	vadd.f32 v12, v5  }
0xd0: {  	v10 =	vadd.f32 v28, v23;
	v11 =	vadd.f32 v26, v11  }
0xd1: {  	v9 =	vadd.f32 v9, v17;
	v12 =	vadd.f32 v30, v24  }
0xd2: {  	v15 =	vadd.f32 v32, v29;
	v4 =	vadd.f32 v13, v4  }
0xd3: {  	v2 =	vadd.f32 v8, v2;
	v8 =	vadd.f32 v12, v10  }
0xd4: {  	v10 =	vadd.f32 v11, v15;
	v4 =	vadd.f32 v4, v9  }
0xd5: {  	v7 =	vadd.f32 v7, v14;
	v3 =	vadd.f32 v5, v3  }
0xd6: {  	v2 =	vadd.f32 v8, v2;
	v4 =	vadd.f32 v4, v10  }
0xd7: {  	v1 =	vadd.f32 v1, v48;
	v5 =	vadd.f32 v20, v6  }
0xd8: {  	v3 =	vadd.f32 v3, v7;
	v2 =	vadd.f32 v4, v2;
	_ =	sdelay $0x1  }
0xd9: {  	v1 =	vadd.f32 v5, v1;
	v2 =	vadd.f32 v2, v3;
	_ =	sdelay $0x1  }
0xda: {  	v1 =	vadd.f32 v2, v1  }
0xdb: {  	s23 =	sand.u32 $0xF0, s2  }
0xdc: {  	s20 =	simm.s32 $0x80;
	[tilespmem:s23+$0x10040] =	vst v1  }
0xdd: {  	v1 =	vld [tilespmem:s20+$0x40]  }
0xde: {  	v2 =	vld [tilespmem:s20+$0x50]  }
0xdf: {  	v3 =	vld [tilespmem:s20+$0x60]  }
0xe0: {  	v5 =	vld [tilespmem:s20+$0x70]  }
0xe1: {  	v6 =	vld [tilespmem:s20+$0x80]  }
0xe2: {  	v7 =	vld [tilespmem:s20+$0x90]  }
0xe3: {  	v9 =	vld [tilespmem:s20+$0xA0]  }
0xe4: {  	v10 =	vld [tilespmem:s20+$0xB0]  }
0xe5: {  	s19 =	simm.s32 $0x400;
	v12 =	vld [tilespmem:s20+$0x1040];
	v4 =	vand.u32 $0xFFFFFF80, v1  }
0xe6: {  	v14 =	vld [tilespmem:s20+$0x1060];
	v1 =	vand.u32 $0x7F, v1;
	v4 =	vadd.s32 s19, v4  }
0xe7: {  	v15 =	vld [tilespmem:s20+$0x1070];
	v1 =	vor.u32 v1, v4;
	v4 =	vand.u32 $0xFFFFFF80, v2  }
0xe8: {  	v17 =	vld [tilespmem:s20+$0x1080];
	v2 =	vand.u32 $0x7F, v2;
	v4 =	vadd.s32 s19, v4  }
0xe9: {  	v18 =	vld [tilespmem:s20+$0x10B0];
	v2 =	vor.u32 v2, v4;
	v4 =	vand.u32 $0xFFFFFF80, v3  }
0xea: {  	v19 =	vld [tilespmem:s20+$0x2040];
	v8 =	vand.u32 $0xFFFFFF80, v5;
	v3 =	vand.u32 $0x7F, v3;
	v4 =	vadd.s32 s19, v4  }
0xeb: {  	v20 =	vld [tilespmem:s20+$0x2050];
	v3 =	vor.u32 v3, v4;
	v4 =	vadd.s32 s19, v8;
	v8 =	vand.u32 $0x7F, v5  }
0xec: {  	v5 =	vld.idx.msk [tilespmem:v1+s28+$0x0], $0xffff;
	v1 =	vor.u32 v8, v4;
	v4 =	vand.u32 $0xFFFFFF80, v6  }
0xed: {  	v23 =	vld [tilespmem:s20+$0x2060];
	v6 =	vand.u32 $0x7F, v6;
	v8 =	vand.u32 $0xFFFFFF80, v7;
	v4 =	vadd.s32 s19, v4  }
0xee: {  	v13 =	vld.idx.msk [tilespmem:v2+s28+$0x0], $0xffff;
	v2 =	vor.u32 v6, v4;
	v4 =	vadd.s32 s19, v8;
	v6 =	vand.u32 $0x7F, v7  }
0xef: {  	v7 =	vand.u32 $0xFFFFFF80, v9;
	v8 =	vld [tilespmem:s20+$0x1050];
	v4 =	vor.u32 v6, v4  }
0xf0: {  	v6 =	vld.idx.msk [tilespmem:v3+s28+$0x0], $0xffff;
	v3 =	vadd.s32 s19, v7;
	v7 =	vand.u32 $0x7F, v9;
	v9 =	vand.u32 $0xFFFFFF80, v10  }
0xf1: {  	v11 =	vld.idx.msk [tilespmem:v1+s28+$0x0], $0xffff;
	v1 =	vor.u32 v7, v3;
	v3 =	vadd.s32 s19, v9;
	v7 =	vand.u32 $0x7F, v10  }
0xf2: {  	v24 =	vld [tilespmem:s20+$0x2070];
	v9 =	vand.u32 $0xFFFFFF80, v12;
	v3 =	vor.u32 v7, v3  }
0xf3: {  	v7 =	vld.idx.msk [tilespmem:v2+s28+$0x0], $0xffff;
	v2 =	vadd.s32 s19, v9;
	v9 =	vand.u32 $0x7F, v12  }
0xf4: {  	v10 =	vld.idx.msk [tilespmem:v4+s28+$0x0], $0xffff;
	v2 =	vor.u32 v9, v2;
	v4 =	vand.u32 $0xFFFFFF80, v8  }
0xf5: {  	v25 =	vld [tilespmem:s20+$0x2080];
	v9 =	vand.u32 $0x7F, v8;
	v4 =	vadd.s32 s19, v4  }
0xf6: {  	v8 =	vld.idx.msk [tilespmem:v1+s28+$0x0], $0xffff;
	v1 =	vor.u32 v9, v4  }
0xf7: {  	v9 =	vld.idx.msk [tilespmem:v3+s28+$0x0], $0xffff;
	v3 =	vand.u32 $0xFFFFFF80, v14  }
0xf8: {  	v49 =	vld [tilespmem:s20+$0x3090];
	v4 =	vand.u32 $0x7F, v14;
	v3 =	vadd.s32 s19, v3  }
0xf9: {  	v12 =	vld.idx.msk [tilespmem:v2+s28+$0x0], $0xffff;
	v2 =	vor.u32 v4, v3  }
0xfa: {  	v3 =	vand.u32 $0xFFFFFF80, v15;
	v4 =	vld [tilespmem:s20+$0x1090]  }
0xfb: {  	v14 =	vld.idx.msk [tilespmem:v1+s28+$0x0], $0xffff;
	v1 =	vadd.s32 s19, v3;
	v3 =	vand.u32 $0x7F, v15  }
0xfc: {  	v1 =	vor.u32 v3, v1;
	v3 =	vld [tilespmem:s20+$0x10A0]  }
0xfd: {  	v50 =	vld [tilespmem:s20+$0x30A0];
	v15 =	vand.u32 $0xFFFFFF80, v17  }
0xfe: {  	v16 =	vld.idx.msk [tilespmem:v2+s28+$0x0], $0xffff;
	v2 =	vadd.s32 s19, v15;
	v15 =	vand.u32 $0x7F, v17  }
0xff: {  	v51 =	vld [tilespmem:s20+$0x4040];
	v2 =	vor.u32 v15, v2;
	v15 =	vand.u32 $0xFFFFFF80, v4  }
0x100: {  	v53 =	vld [tilespmem:s20+$0x4090];
	v4 =	vand.u32 $0x7F, v4;
	v15 =	vadd.s32 s19, v15  }
0x101: {  	v17 =	vld.idx.msk [tilespmem:v1+s28+$0x0], $0xffff;
	v1 =	vor.u32 v4, v15;
	v4 =	vand.u32 $0xFFFFFF80, v3  }
0x102: {  	v54 =	vld [tilespmem:s20+$0x40B0];
	v3 =	vand.u32 $0x7F, v3;
	v15 =	vand.u32 $0xFFFFFF80, v18;
	v4 =	vadd.s32 s19, v4  }
0x103: {  	v55 =	vld [tilespmem:s20+$0x5040];
	v3 =	vor.u32 v3, v4;
	v4 =	vadd.s32 s19, v15;
	v15 =	vand.u32 $0x7F, v18  }
0x104: {  	v18 =	vld.idx.msk [tilespmem:v2+s28+$0x0], $0xffff;
	v2 =	vor.u32 v15, v4;
	v4 =	vand.u32 $0xFFFFFF80, v19  }
0x105: {  	v56 =	vld [tilespmem:s20+$0x5050];
	v15 =	vand.u32 $0x7F, v19;
	v19 =	vand.u32 $0xFFFFFF80, v20;
	v4 =	vadd.s32 s19, v4  }
0x106: {  	v21 =	vld.idx.msk [tilespmem:v1+s28+$0x0], $0xffff;
	v1 =	vor.u32 v15, v4;
	v4 =	vadd.s32 s19, v19;
	v15 =	vand.u32 $0x7F, v20  }
0x107: {  	v19 =	vld [tilespmem:s20+$0x2090];
	v4 =	vor.u32 v15, v4;
	v15 =	vand.u32 $0xFFFFFF80, v23  }
0x108: {  	v20 =	vand.u32 $0xFFFFFF80, v24;
	v22 =	vld.idx.msk [tilespmem:v3+s28+$0x0], $0xffff;
	v3 =	vadd.s32 s19, v15;
	v15 =	vand.u32 $0x7F, v23  }
0x109: {  	v23 =	vld.idx.msk [tilespmem:v2+s28+$0x0], $0xffff;
	v2 =	vor.u32 v15, v3;
	v3 =	vadd.s32 s19, v20;
	v15 =	vand.u32 $0x7F, v24  }
0x10a: {  	v20 =	vld [tilespmem:s20+$0x20A0];
	v3 =	vor.u32 v15, v3;
	v15 =	vand.u32 $0xFFFFFF80, v25  }
0x10b: {  	v24 =	vld.idx.msk [tilespmem:v1+s28+$0x0], $0xffff;
	v1 =	vadd.s32 s19, v15;
	v15 =	vand.u32 $0x7F, v25  }
0x10c: {  	v25 =	vld.idx.msk [tilespmem:v4+s28+$0x0], $0xffff;
	v1 =	vor.u32 v15, v1;
	v4 =	vand.u32 $0xFFFFFF80, v19  }
0x10d: {  	v15 =	vand.u32 $0x7F, v19;
	v19 =	vld [tilespmem:s20+$0x20B0];
	v4 =	vadd.s32 s19, v4  }
0x10e: {  	v26 =	vld.idx.msk [tilespmem:v2+s28+$0x0], $0xffff;
	v2 =	vor.u32 v15, v4  }
0x10f: {  	v27 =	vld.idx.msk [tilespmem:v3+s28+$0x0], $0xffff;
	v3 =	vand.u32 $0xFFFFFF80, v20  }
0x110: {  	v4 =	vand.u32 $0x7F, v20;
	v15 =	vld [tilespmem:s20+$0x3040];
	v3 =	vadd.s32 s19, v3  }
0x111: {  	v28 =	vld.idx.msk [tilespmem:v1+s28+$0x0], $0xffff;
	v1 =	vor.u32 v4, v3  }
0x112: {  	v3 =	vand.u32 $0xFFFFFF80, v19;
	v4 =	vld [tilespmem:s20+$0x3050]  }
0x113: {  	v29 =	vld.idx.msk [tilespmem:v2+s28+$0x0], $0xffff;
	v2 =	vadd.s32 s19, v3;
	v3 =	vand.u32 $0x7F, v19  }
0x114: {  	v2 =	vor.u32 v3, v2;
	v3 =	vld [tilespmem:s20+$0x3060]  }
0x115: {  	v20 =	vld [tilespmem:s20+$0x3070];
	v19 =	vand.u32 $0xFFFFFF80, v15  }
0x116: {  	v15 =	vand.u32 $0x7F, v15;
	v30 =	vld.idx.msk [tilespmem:v1+s28+$0x0], $0xffff;
	v1 =	vadd.s32 s19, v19  }
0x117: {  	v19 =	vld [tilespmem:s20+$0x3080];
	v1 =	vor.u32 v15, v1;
	v15 =	vand.u32 $0xFFFFFF80, v4  }
0x118: {  	v57 =	vld [tilespmem:s20+$0x5060];
	v4 =	vand.u32 $0x7F, v4;
	v15 =	vadd.s32 s19, v15  }
0x119: {  	v31 =	vld.idx.msk [tilespmem:v2+s28+$0x0], $0xffff;
	v2 =	vor.u32 v4, v15;
	v4 =	vand.u32 $0xFFFFFF80, v3  }
0x11a: {  	v59 =	vld [tilespmem:s20+$0x5070];
	v3 =	vand.u32 $0x7F, v3;
	v15 =	vand.u32 $0xFFFFFF80, v20;
	v4 =	vadd.s32 s19, v4  }
0x11b: {  	v3 =	vor.u32 v3, v4;
	v4 =	vadd.s32 s19, v15;
	v15 =	vand.u32 $0x7F, v20;
	v20 =	vld [tilespmem:s20+$0x30B0]  }
0x11c: {  	v32 =	vld.idx.msk [tilespmem:v1+s28+$0x0], $0xffff;
	v1 =	vor.u32 v15, v4;
	v4 =	vand.u32 $0xFFFFFF80, v19  }
0x11d: {  	v61 =	vld [tilespmem:s20+$0x5080];
	v15 =	vand.u32 $0x7F, v19;
	v19 =	vand.u32 $0xFFFFFF80, v49;
	v4 =	vadd.s32 s19, v4  }
0x11e: {  	v33 =	vld.idx.msk [tilespmem:v2+s28+$0x0], $0xffff;
	v2 =	vor.u32 v15, v4;
	v4 =	vadd.s32 s19, v19;
	v15 =	vand.u32 $0x7F, v49  }
0x11f: {  	v19 =	vld [tilespmem:s20+$0x4050];
	v4 =	vor.u32 v15, v4;
	v15 =	vand.u32 $0xFFFFFF80, v50  }
0x120: {  	v34 =	vld.idx.msk [tilespmem:v3+s28+$0x0], $0xffff;
	v3 =	vadd.s32 s19, v15;
	v15 =	vand.u32 $0x7F, v50  }
0x121: {  	v52 =	vand.u32 $0xFFFFFF80, v20;
	v35 =	vld.idx.msk [tilespmem:v1+s28+$0x0], $0xffff;
	v1 =	vor.u32 v15, v3  }
0x122: {  	v3 =	vadd.s32 s19, v52;
	v15 =	vand.u32 $0x7F, v20;
	v20 =	vld [tilespmem:s20+$0x4060]  }
0x123: {  	v3 =	vor.u32 v15, v3;
	v15 =	vand.u32 $0xFFFFFF80, v51;
	v37 =	vld.idx.msk [tilespmem:v2+s28+$0x0], $0xffff  }
0x124: {  	v2 =	vadd.s32 s19, v15;
	v15 =	vand.u32 $0x7F, v51;
	v36 =	vld.idx.msk [tilespmem:v4+s28+$0x0], $0xffff;
	v4 =	vand.u32 $0xFFFFFF80, v19  }
0x125: {  	v2 =	vor.u32 v15, v2;
	v15 =	vand.u32 $0x7F, v19;
	v19 =	vld [tilespmem:s20+$0x4070];
	v4 =	vadd.s32 s19, v4  }
0x126: {  	v38 =	vld.idx.msk [tilespmem:v1+s28+$0x0], $0xffff;
	v4 =	vor.u32 v15, v4  }
0x127: {  	v1 =	vand.u32 $0xFFFFFF80, v20;
	v15 =	vand.u32 $0x7F, v20;
	v20 =	vld [tilespmem:s20+$0x4080]  }
0x128: {  	v63 =	vld [tilespmem:s20+$0x5090];
	v40 =	vand.u32 $0x7F, v53;
	v41 =	vand.u32 $0x7F, v54;
	v60 =	vand.u32 $0xFFFFFF80, v56  }
0x129: {  	v43 =	vand.u32 $0x7F, v56;
	v46 =	vand.u32 $0x7F, v59;
	v39 =	vld.idx.msk [tilespmem:v3+s28+$0x0], $0xffff;
	v3 =	vadd.s32 s19, v1  }
0x12a: {  	v45 =	vadd.f32 v14, v12;
	v3 =	vor.u32 v15, v3;
	v1 =	vld.idx.msk [tilespmem:v2+s28+$0x0], $0xffff;
	v15 =	vand.u32 $0xFFFFFF80, v19  }
0x12b: {  	v16 =	vadd.f32 v17, v16;
	v2 =	vld.idx.msk [tilespmem:v4+s28+$0x0], $0xffff;
	v4 =	vadd.s32 s19, v15;
	v15 =	vand.u32 $0x7F, v19  }
0x12c: {  	v21 =	vadd.f32 v21, v18;
	v19 =	vand.u32 $0xFFFFFF80, v20;
	v4 =	vor.u32 v15, v4;
	v15 =	vld [tilespmem:s20+$0x40A0]  }
0x12d: {  	v48 =	vld [tilespmem:s20+$0x6060];
	v22 =	vadd.f32 v23, v22;
	v20 =	vand.u32 $0x7F, v20;
	v19 =	vadd.s32 s19, v19  }
0x12e: {  	v56 =	vadd.f32 v9, v8;
	v18 =	vadd.f32 v16, v45;
	v51 =	vld [tilespmem:s20+$0x60A0];
	v19 =	vor.u32 v20, v19  }
0x12f: {  	v21 =	vadd.f32 v22, v21;
	v49 =	vadd.f32 v36, v37;
	v36 =	vld [tilespmem:s20+$0x7080];
	v20 =	vand.u32 $0xFFFFFF80, v53  }
0x130: {  	v52 =	vand.u32 $0xFFFFFF80, v59;
	v50 =	vadd.f32 v39, v38;
	v3 =	vld.idx.msk [tilespmem:v3+s28+$0x0], $0xffff;
	v20 =	vadd.s32 s19, v20  }
0x131: {  	v53 =	vld [tilespmem:s20+$0x50A0];
	v20 =	vor.u32 v40, v20;
	v40 =	vadd.f32 v13, v5;
	v5 =	vand.u32 $0xFFFFFF80, v15  }
0x132: {  	v4 =	vld.idx.msk [tilespmem:v4+s28+$0x0], $0xffff;
	v13 =	vand.u32 $0x7F, v15;
	v15 =	vand.u32 $0xFFFFFF80, v54;
	v58 =	vadd.s32 s19, v5  }
0x133: {  	v15 =	vadd.s32 s19, v15;
	v5 =	vld.idx.msk [tilespmem:v19+s28+$0x0], $0xffff;
	v19 =	vadd.f32 v11, v6;
	v6 =	vand.u32 $0xFFFFFF80, v55  }
0x134: {  	v11 =	vand.u32 $0x7F, v55;
	v55 =	vld [tilespmem:s20+$0x50B0];
	v13 =	vor.u32 v13, v58;
	v15 =	vor.u32 v41, v15  }
0x135: {  	v62 =	vadd.s32 s19, v6;
	v41 =	vadd.s32 s19, v60;
	v58 =	vand.u32 $0x7F, v63;
	v60 =	vld [tilespmem:s20+$0x6040]  }
0x136: {  	v6 =	vld.idx.msk [tilespmem:v20+s28+$0x0], $0xffff;
	v11 =	vor.u32 v11, v62;
	v20 =	vor.u32 v43, v41;
	v41 =	vadd.f32 v10, v7  }
0x137: {  	v7 =	vand.u32 $0xFFFFFF80, v57;
	v10 =	vand.u32 $0x7F, v57;
	v57 =	vand.u32 $0xFFFFFF80, v63;
	v63 =	vld [tilespmem:s20+$0x6050]  }
0x138: {  	v44 =	vand.u32 $0x7F, v53;
	v43 =	vadd.s32 s19, v52;
	v42 =	vadd.s32 s19, v57;
	v57 =	vld [tilespmem:s20+$0x7050]  }
0x139: {  	v19 =	vadd.f32 v19, v40;
	v54 =	vadd.s32 s19, v7;
	v43 =	vor.u32 v46, v43;
	v7 =	vld.idx.msk [tilespmem:v13+s28+$0x0], $0xffff  }
0x13a: {  	v42 =	vor.u32 v58, v42;
	v59 =	vand.u32 $0xFFFFFF80, v55;
	v13 =	vor.u32 v10, v54;
	v8 =	vld.idx.msk [tilespmem:v15+s28+$0x0], $0xffff  }
0x13b: {  	v10 =	vand.u32 $0xFFFFFF80, v61;
	v15 =	vand.u32 $0x7F, v61;
	v17 =	vand.u32 $0xFFFFFF80, v60;
	v9 =	vld.idx.msk [tilespmem:v11+s28+$0x0], $0xffff  }
0x13c: {  	v23 =	vand.u32 $0x7F, v60;
	v11 =	vadd.s32 s19, v10;
	v10 =	vld.idx.msk [tilespmem:v20+s28+$0x0], $0xffff;
	v17 =	vadd.s32 s19, v17  }
0x13d: {  	v17 =	vor.u32 v23, v17;
	v23 =	vadd.f32 v25, v24;
	v24 =	vadd.f32 v27, v26;
	v27 =	vld [tilespmem:s20+$0x6070]  }
0x13e: {  	v61 =	vand.u32 $0x7F, v55;
	v60 =	vand.u32 $0x7F, v51;
	v25 =	vadd.f32 v29, v28;
	v29 =	vld [tilespmem:s20+$0x6080]  }
0x13f: {  	v22 =	vand.u32 $0xFFFFFF80, v63;
	v15 =	vor.u32 v15, v11;
	v28 =	vadd.f32 v31, v30;
	v31 =	vld [tilespmem:s20+$0x6090]  }
0x140: {  	v11 =	vand.u32 $0xFFFFFF80, v53;
	v22 =	vadd.s32 s19, v22;
	v26 =	vand.u32 $0x7F, v63;
	v53 =	vld [tilespmem:s20+$0x60B0]  }
0x141: {  	v30 =	vadd.f32 v35, v34;
	v63 =	vand.u32 $0xFFFFFF80, v57;
	v34 =	vld [tilespmem:s20+$0x7090];
	v39 =	vand.u32 $0x7F, v57  }
0x142: {  	v20 =	vadd.s32 s19, v11;
	v12 =	vld.idx.msk [tilespmem:v42+s28+$0x0], $0xffff;
	v22 =	vor.u32 v26, v22;
	v26 =	vadd.f32 v33, v32  }
0x143: {  	v44 =	vor.u32 v44, v20;
	v20 =	vadd.s32 s19, v59;
	v23 =	vadd.f32 v24, v23;
	v59 =	vld [tilespmem:s20+$0x7060]  }
0x144: {  	v24 =	vadd.f32 v28, v25;
	v28 =	vand.u32 $0xFFFFFF80, v48;
	v11 =	vld.idx.msk [tilespmem:v13+s28+$0x0], $0xffff;
	v62 =	vor.u32 v61, v20  }
0x145: {  	v13 =	vld.idx.msk [tilespmem:v43+s28+$0x0], $0xffff;
	v25 =	vadd.f32 v30, v26;
	v28 =	vadd.s32 s19, v28;
	v30 =	vand.u32 $0x7F, v48  }
0x146: {  	v20 =	vadd.f32 v56, v41;
	v56 =	vld [tilespmem:s20+$0x7040];
	v28 =	vor.u32 v30, v28;
	v52 =	vand.u32 $0xFFFFFF80, v27  }
0x147: {  	v15 =	vld.idx.msk [tilespmem:v15+s28+$0x0], $0xffff;
	v27 =	vand.u32 $0x7F, v27;
	v54 =	vand.u32 $0xFFFFFF80, v29;
	v29 =	vand.u32 $0x7F, v29  }
0x148: {  	v17 =	vld.idx.msk [tilespmem:v17+s28+$0x0], $0xffff;
	v55 =	vand.u32 $0xFFFFFF80, v31;
	v31 =	vand.u32 $0x7F, v31;
	v30 =	vadd.s32 s19, v52  }
0x149: {  	v22 =	vld.idx.msk [tilespmem:v22+s28+$0x0], $0xffff;
	v32 =	vadd.s32 s19, v54;
	v35 =	vadd.s32 s19, v55;
	v58 =	vor.u32 v27, v30  }
0x14a: {  	v38 =	vadd.s32 s19, v63;
	v30 =	vor.u32 v29, v32;
	v29 =	vor.u32 v31, v35;
	v35 =	vld [tilespmem:s20+$0x7070]  }
0x14b: {  	v26 =	vadd.f32 v50, v49;
	v61 =	vand.u32 $0xFFFFFF80, v53;
	v14 =	vld.idx.msk [tilespmem:v44+s28+$0x0], $0xffff;
	v31 =	vand.u32 $0xFFFFFF80, v51  }
0x14c: {  	v33 =	vand.u32 $0x7F, v53;
	v41 =	vand.u32 $0xFFFFFF80, v59;
	v27 =	vld.idx.msk [tilespmem:v28+s28+$0x0], $0xffff;
	v28 =	vadd.s32 s19, v31  }
0x14d: {  	v40 =	vand.u32 $0x7F, v59;
	v16 =	vld.idx.msk [tilespmem:v62+s28+$0x0], $0xffff;
	v32 =	vor.u32 v60, v28;
	v28 =	vand.u32 $0xFFFFFF80, v56  }
0x14e: {  	v37 =	vand.u32 $0x7F, v56;
	v31 =	vadd.s32 s19, v61;
	v62 =	vadd.s32 s19, v28;
	v28 =	vld.idx.msk [tilespmem:v58+s28+$0x0], $0xffff  }
0x14f: {  	s21 =	simm.s32 $0x0;
	s22 =	simm.s32 $0x1;
	s23 =	simm.s32 $0x400;
	v31 =	vor.u32 v33, v31;
	v33 =	vor.u32 v37, v62;
	v42 =	vand.u32 $0xFFFFFF80, v35;
	v37 =	vld [tilespmem:s20+$0x70A0]  }
.LBB2_2:
0x150: {  	p0 =	sne.s32 s23, $0x1E00;
	v41 =	vadd.s32 s19, v41;
	v42 =	vadd.s32 s19, v42;
	v35 =	vand.u32 $0x7F, v35;
	v43 =	vld [tilespmem:s20+$0x70B0]  }
0x151: {  	v38 =	vor.u32 v39, v38;
	v30 =	vld.idx.msk [tilespmem:v30+s28+$0x0], $0xffff;
	v39 =	vor.u32 v40, v41;
	v35 =	vor.u32 v35, v42  }
0x152: {  	v40 =	vand.u32 $0xFFFFFF80, v36;
	v36 =	vand.u32 $0x7F, v36;
	v29 =	vld.idx.msk [tilespmem:v29+s28+$0x0], $0xffff;
	v41 =	vand.u32 $0xFFFFFF80, v34  }
0x153: {  	v40 =	vadd.s32 s19, v40;
	v34 =	vand.u32 $0x7F, v34;
	v32 =	vld.idx.msk [tilespmem:v32+s28+$0x0], $0xffff;
	v41 =	vadd.s32 s19, v41  }
0x154: {  	v36 =	vor.u32 v36, v40;
	v31 =	vld.idx.msk [tilespmem:v31+s28+$0x0], $0xffff;
	v34 =	vor.u32 v34, v41;
	v40 =	vand.u32 $0xFFFFFF80, v37  }
0x155: {  	v37 =	vand.u32 $0x7F, v37;
	v33 =	vld.idx.msk [tilespmem:v33+s28+$0x0], $0xffff;
	v40 =	vadd.s32 s19, v40;
	v41 =	vand.u32 $0xFFFFFF80, v43  }
0x156: {  	v38 =	vld.idx.msk [tilespmem:v38+s28+$0x0], $0xffff;
	v37 =	vor.u32 v37, v40;
	v40 =	vadd.s32 s19, v41;
	v41 =	vand.u32 $0x7F, v43  }
0x157: {  	v19 =	vadd.f32 v20, v19;
	v18 =	vadd.f32 v21, v18;
	v39 =	vld.idx.msk [tilespmem:v39+s28+$0x0], $0xffff;
	v40 =	vor.u32 v41, v40  }
0x158: {  	v21 =	vadd.f32 v24, v23;
	v23 =	vadd.f32 v26, v25;
	v20 =	vld.idx.msk [tilespmem:v35+s28+$0x0], $0xffff  }
0x159: {  	v1 =	vadd.f32 v2, v1;
	v2 =	vadd.f32 v4, v3;
	v24 =	vld.idx.msk [tilespmem:v36+s28+$0x0], $0xffff  }
0x15a: {  	v4 =	vadd.f32 v6, v5;
	v5 =	vadd.f32 v8, v7;
	v3 =	vld.idx.msk [tilespmem:v34+s28+$0x0], $0xffff  }
0x15b: {  	v7 =	vadd.f32 v10, v9;
	v8 =	vadd.f32 v13, v11;
	v6 =	vld.idx.msk [tilespmem:v37+s28+$0x0], $0xffff  }
0x15c: {  	v10 =	vadd.f32 v12, v15;
	v11 =	vadd.f32 v16, v14;
	v9 =	vld.idx.msk [tilespmem:v40+s28+$0x0], $0xffff  }
0x15d: {  	v1 =	vadd.f32 v2, v1;
	v2 =	vadd.f32 v5, v4  }
0x15e: {  	v4 =	vadd.f32 v8, v7;
	v5 =	vadd.f32 v11, v10  }
0x15f: {  	v7 =	vadd.f32 v22, v17;
	v8 =	vadd.f32 v28, v27  }
0x160: {  	v10 =	vadd.f32 v29, v30;
	v11 =	vadd.f32 v31, v32  }
0x161: {  	v12 =	vadd.f32 v38, v33;
	v13 =	vadd.f32 v20, v39  }
0x162: {  	v3 =	vadd.f32 v3, v24;
	v6 =	vadd.f32 v9, v6  }
0x163: {  	v7 =	vadd.f32 v8, v7;
	v8 =	vadd.f32 v11, v10  }
0x164: {  	v9 =	vadd.f32 v13, v12;
	v3 =	vadd.f32 v6, v3  }
0x165: {  	v1 =	vadd.f32 v2, v1;
	v2 =	vadd.f32 v5, v4  }
0x166: {  	v4 =	vadd.f32 v8, v7;
	v3 =	vadd.f32 v3, v9  }
0x167: {  	v5 =	vadd.f32 v18, v19;
	v6 =	vadd.f32 v23, v21  }
0x168: {  	v1 =	vadd.f32 v2, v1;
	v2 =	vadd.f32 v3, v4;
	_ =	sdelay $0x1  }
0x169: {  	v3 =	vadd.f32 v6, v5;
	v1 =	vadd.f32 v2, v1;
	_ =	sdelay $0x1  }
0x16a: {  	s21 =	sadd.s32 $0x10, s21;
	v1 =	vadd.f32 v1, v3  }
0x16b: {  	s19 =	sand.u32 $0xF0, s21  }
0x16c: {  	s20 =	sshra.s32 s23, $0x2;
	[tilespmem:s19+$0x10040] =	vst v1  }
0x16d: {  	v1 =	vld [tilespmem:s20+$0x40];
	_ =	sdelay $0x1  }
0x16e: {  	v2 =	vld [tilespmem:s20+$0x50];
	_ =	sdelay $0x1  }
0x16f: {  	s22 =	sadd.s32 $0x1, s22;
	v3 =	vld [tilespmem:s20+$0x60]  }
0x170: {  	s19 =	sshll.u32 s22, $0xA;
	v4 =	vand.u32 $0xFFFFFF80, v1;
	v5 =	vld [tilespmem:s20+$0x70]  }
0x171: {  	v1 =	vand.u32 $0x7F, v1;
	v4 =	vadd.s32 s19, v4  }
0x172: {  	v1 =	vor.u32 v1, v4;
	v4 =	vand.u32 $0xFFFFFF80, v2;
	v6 =	vld [tilespmem:s20+$0x80]  }
0x173: {  	v2 =	vand.u32 $0x7F, v2;
	v4 =	vadd.s32 s19, v4;
	v7 =	vld [tilespmem:s20+$0x90]  }
0x174: {  	v2 =	vor.u32 v2, v4;
	v4 =	vand.u32 $0xFFFFFF80, v3  }
0x175: {  	v3 =	vand.u32 $0x7F, v3;
	v4 =	vadd.s32 s19, v4;
	v8 =	vand.u32 $0xFFFFFF80, v5;
	v9 =	vld [tilespmem:s20+$0xA0]  }
0x176: {  	v3 =	vor.u32 v3, v4;
	v4 =	vadd.s32 s19, v8;
	v8 =	vand.u32 $0x7F, v5;
	v10 =	vld [tilespmem:s20+$0xB0]  }
0x177: {  	v5 =	vld.idx.msk [tilespmem:v1+s28+$0x0], $0xffff;
	v1 =	vor.u32 v8, v4;
	v4 =	vand.u32 $0xFFFFFF80, v6  }
0x178: {  	v6 =	vand.u32 $0x7F, v6;
	v4 =	vadd.s32 s19, v4;
	v8 =	vand.u32 $0xFFFFFF80, v7;
	v12 =	vld [tilespmem:s20+$0x1040]  }
0x179: {  	v13 =	vld.idx.msk [tilespmem:v2+s28+$0x0], $0xffff;
	v2 =	vor.u32 v6, v4;
	v4 =	vadd.s32 s19, v8;
	v6 =	vand.u32 $0x7F, v7  }
0x17a: {  	v4 =	vor.u32 v6, v4;
	v7 =	vand.u32 $0xFFFFFF80, v9;
	v8 =	vld [tilespmem:s20+$0x1050]  }
0x17b: {  	v6 =	vld.idx.msk [tilespmem:v3+s28+$0x0], $0xffff;
	v3 =	vadd.s32 s19, v7;
	v7 =	vand.u32 $0x7F, v9;
	v9 =	vand.u32 $0xFFFFFF80, v10  }
0x17c: {  	v11 =	vld.idx.msk [tilespmem:v1+s28+$0x0], $0xffff;
	v1 =	vor.u32 v7, v3;
	v3 =	vadd.s32 s19, v9;
	v7 =	vand.u32 $0x7F, v10  }
0x17d: {  	v3 =	vor.u32 v7, v3;
	v9 =	vand.u32 $0xFFFFFF80, v12;
	v14 =	vld [tilespmem:s20+$0x1060]  }
0x17e: {  	v7 =	vld.idx.msk [tilespmem:v2+s28+$0x0], $0xffff;
	v2 =	vadd.s32 s19, v9;
	v9 =	vand.u32 $0x7F, v12  }
0x17f: {  	v10 =	vld.idx.msk [tilespmem:v4+s28+$0x0], $0xffff;
	v2 =	vor.u32 v9, v2;
	v4 =	vand.u32 $0xFFFFFF80, v8  }
0x180: {  	v9 =	vand.u32 $0x7F, v8;
	v4 =	vadd.s32 s19, v4;
	v15 =	vld [tilespmem:s20+$0x1070]  }
0x181: {  	v8 =	vld.idx.msk [tilespmem:v1+s28+$0x0], $0xffff;
	v1 =	vor.u32 v9, v4  }
0x182: {  	v9 =	vld.idx.msk [tilespmem:v3+s28+$0x0], $0xffff;
	v3 =	vand.u32 $0xFFFFFF80, v14  }
0x183: {  	v4 =	vand.u32 $0x7F, v14;
	v3 =	vadd.s32 s19, v3;
	v17 =	vld [tilespmem:s20+$0x1080]  }
0x184: {  	v12 =	vld.idx.msk [tilespmem:v2+s28+$0x0], $0xffff;
	v2 =	vor.u32 v4, v3  }
0x185: {  	v3 =	vand.u32 $0xFFFFFF80, v15;
	v4 =	vld [tilespmem:s20+$0x1090]  }
0x186: {  	v14 =	vld.idx.msk [tilespmem:v1+s28+$0x0], $0xffff;
	v1 =	vadd.s32 s19, v3;
	v3 =	vand.u32 $0x7F, v15  }
0x187: {  	v1 =	vor.u32 v3, v1;
	v3 =	vld [tilespmem:s20+$0x10A0]  }
0x188: {  	v15 =	vand.u32 $0xFFFFFF80, v17;
	v18 =	vld [tilespmem:s20+$0x10B0]  }
0x189: {  	v16 =	vld.idx.msk [tilespmem:v2+s28+$0x0], $0xffff;
	v2 =	vadd.s32 s19, v15;
	v15 =	vand.u32 $0x7F, v17  }
0x18a: {  	v2 =	vor.u32 v15, v2;
	v15 =	vand.u32 $0xFFFFFF80, v4;
	v19 =	vld [tilespmem:s20+$0x2040]  }
0x18b: {  	v4 =	vand.u32 $0x7F, v4;
	v15 =	vadd.s32 s19, v15;
	v20 =	vld [tilespmem:s20+$0x2050]  }
0x18c: {  	v17 =	vld.idx.msk [tilespmem:v1+s28+$0x0], $0xffff;
	v1 =	vor.u32 v4, v15;
	v4 =	vand.u32 $0xFFFFFF80, v3  }
0x18d: {  	v3 =	vand.u32 $0x7F, v3;
	v4 =	vadd.s32 s19, v4;
	v15 =	vand.u32 $0xFFFFFF80, v18;
	v23 =	vld [tilespmem:s20+$0x2060]  }
0x18e: {  	v3 =	vor.u32 v3, v4;
	v4 =	vadd.s32 s19, v15;
	v15 =	vand.u32 $0x7F, v18;
	v24 =	vld [tilespmem:s20+$0x2070]  }
0x18f: {  	v18 =	vld.idx.msk [tilespmem:v2+s28+$0x0], $0xffff;
	v2 =	vor.u32 v15, v4;
	v4 =	vand.u32 $0xFFFFFF80, v19  }
0x190: {  	v15 =	vand.u32 $0x7F, v19;
	v4 =	vadd.s32 s19, v4;
	v19 =	vand.u32 $0xFFFFFF80, v20;
	v25 =	vld [tilespmem:s20+$0x2080]  }
0x191: {  	v21 =	vld.idx.msk [tilespmem:v1+s28+$0x0], $0xffff;
	v1 =	vor.u32 v15, v4;
	v4 =	vadd.s32 s19, v19;
	v15 =	vand.u32 $0x7F, v20  }
0x192: {  	v4 =	vor.u32 v15, v4;
	v15 =	vand.u32 $0xFFFFFF80, v23;
	v19 =	vld [tilespmem:s20+$0x2090]  }
0x193: {  	v22 =	vld.idx.msk [tilespmem:v3+s28+$0x0], $0xffff;
	v3 =	vadd.s32 s19, v15;
	v15 =	vand.u32 $0x7F, v23;
	v20 =	vand.u32 $0xFFFFFF80, v24  }
0x194: {  	v23 =	vld.idx.msk [tilespmem:v2+s28+$0x0], $0xffff;
	v2 =	vor.u32 v15, v3;
	v3 =	vadd.s32 s19, v20;
	v15 =	vand.u32 $0x7F, v24  }
0x195: {  	v3 =	vor.u32 v15, v3;
	v15 =	vand.u32 $0xFFFFFF80, v25;
	v20 =	vld [tilespmem:s20+$0x20A0]  }
0x196: {  	v24 =	vld.idx.msk [tilespmem:v1+s28+$0x0], $0xffff;
	v1 =	vadd.s32 s19, v15;
	v15 =	vand.u32 $0x7F, v25  }
0x197: {  	v25 =	vld.idx.msk [tilespmem:v4+s28+$0x0], $0xffff;
	v1 =	vor.u32 v15, v1;
	v4 =	vand.u32 $0xFFFFFF80, v19  }
0x198: {  	v15 =	vand.u32 $0x7F, v19;
	v4 =	vadd.s32 s19, v4;
	v19 =	vld [tilespmem:s20+$0x20B0]  }
0x199: {  	v26 =	vld.idx.msk [tilespmem:v2+s28+$0x0], $0xffff;
	v2 =	vor.u32 v15, v4  }
0x19a: {  	v27 =	vld.idx.msk [tilespmem:v3+s28+$0x0], $0xffff;
	v3 =	vand.u32 $0xFFFFFF80, v20  }
0x19b: {  	v4 =	vand.u32 $0x7F, v20;
	v3 =	vadd.s32 s19, v3;
	v15 =	vld [tilespmem:s20+$0x3040]  }
0x19c: {  	v28 =	vld.idx.msk [tilespmem:v1+s28+$0x0], $0xffff;
	v1 =	vor.u32 v4, v3  }
0x19d: {  	v3 =	vand.u32 $0xFFFFFF80, v19;
	v4 =	vld [tilespmem:s20+$0x3050]  }
0x19e: {  	v29 =	vld.idx.msk [tilespmem:v2+s28+$0x0], $0xffff;
	v2 =	vadd.s32 s19, v3;
	v3 =	vand.u32 $0x7F, v19  }
0x19f: {  	v2 =	vor.u32 v3, v2;
	v3 =	vld [tilespmem:s20+$0x3060]  }
0x1a0: {  	v19 =	vand.u32 $0xFFFFFF80, v15;
	v20 =	vld [tilespmem:s20+$0x3070]  }
0x1a1: {  	v15 =	vand.u32 $0x7F, v15;
	v30 =	vld.idx.msk [tilespmem:v1+s28+$0x0], $0xffff;
	v1 =	vadd.s32 s19, v19  }
0x1a2: {  	v1 =	vor.u32 v15, v1;
	v15 =	vand.u32 $0xFFFFFF80, v4;
	v19 =	vld [tilespmem:s20+$0x3080]  }
0x1a3: {  	v4 =	vand.u32 $0x7F, v4;
	v15 =	vadd.s32 s19, v15;
	v34 =	vld [tilespmem:s20+$0x3090]  }
0x1a4: {  	v31 =	vld.idx.msk [tilespmem:v2+s28+$0x0], $0xffff;
	v2 =	vor.u32 v4, v15;
	v4 =	vand.u32 $0xFFFFFF80, v3  }
0x1a5: {  	v3 =	vand.u32 $0x7F, v3;
	v4 =	vadd.s32 s19, v4;
	v15 =	vand.u32 $0xFFFFFF80, v20;
	v35 =	vld [tilespmem:s20+$0x30A0]  }
0x1a6: {  	v3 =	vor.u32 v3, v4;
	v4 =	vadd.s32 s19, v15;
	v15 =	vand.u32 $0x7F, v20;
	v20 =	vld [tilespmem:s20+$0x30B0]  }
0x1a7: {  	v32 =	vld.idx.msk [tilespmem:v1+s28+$0x0], $0xffff;
	v1 =	vor.u32 v15, v4;
	v4 =	vand.u32 $0xFFFFFF80, v19  }
0x1a8: {  	v15 =	vand.u32 $0x7F, v19;
	v4 =	vadd.s32 s19, v4;
	v19 =	vand.u32 $0xFFFFFF80, v34;
	v37 =	vld [tilespmem:s20+$0x4040]  }
0x1a9: {  	v33 =	vld.idx.msk [tilespmem:v2+s28+$0x0], $0xffff;
	v2 =	vor.u32 v15, v4;
	v4 =	vadd.s32 s19, v19;
	v15 =	vand.u32 $0x7F, v34  }
0x1aa: {  	v4 =	vor.u32 v15, v4;
	v15 =	vand.u32 $0xFFFFFF80, v35;
	v19 =	vld [tilespmem:s20+$0x4050]  }
0x1ab: {  	v34 =	vld.idx.msk [tilespmem:v3+s28+$0x0], $0xffff;
	v3 =	vadd.s32 s19, v15;
	v15 =	vand.u32 $0x7F, v35;
	v36 =	vand.u32 $0xFFFFFF80, v20  }
0x1ac: {  	v35 =	vld.idx.msk [tilespmem:v1+s28+$0x0], $0xffff;
	v1 =	vor.u32 v15, v3;
	v3 =	vadd.s32 s19, v36;
	v15 =	vand.u32 $0x7F, v20  }
0x1ad: {  	v3 =	vor.u32 v15, v3;
	v15 =	vand.u32 $0xFFFFFF80, v37;
	v20 =	vld [tilespmem:s20+$0x4060]  }
0x1ae: {  	v36 =	vld.idx.msk [tilespmem:v2+s28+$0x0], $0xffff;
	v2 =	vadd.s32 s19, v15;
	v15 =	vand.u32 $0x7F, v37  }
0x1af: {  	v37 =	vld.idx.msk [tilespmem:v4+s28+$0x0], $0xffff;
	v2 =	vor.u32 v15, v2;
	v4 =	vand.u32 $0xFFFFFF80, v19  }
0x1b0: {  	v15 =	vand.u32 $0x7F, v19;
	v4 =	vadd.s32 s19, v4;
	v19 =	vld [tilespmem:s20+$0x4070]  }
0x1b1: {  	v38 =	vld.idx.msk [tilespmem:v1+s28+$0x0], $0xffff;
	v4 =	vor.u32 v15, v4  }
0x1b2: {  	v39 =	vld.idx.msk [tilespmem:v3+s28+$0x0], $0xffff;
	v1 =	vand.u32 $0xFFFFFF80, v20  }
0x1b3: {  	v15 =	vand.u32 $0x7F, v20;
	v3 =	vadd.s32 s19, v1;
	v20 =	vld [tilespmem:s20+$0x4080]  }
0x1b4: {  	v1 =	vld.idx.msk [tilespmem:v2+s28+$0x0], $0xffff;
	v3 =	vor.u32 v15, v3  }
0x1b5: {  	v15 =	vand.u32 $0xFFFFFF80, v19;
	v40 =	vld [tilespmem:s20+$0x4090]  }
0x1b6: {  	v2 =	vld.idx.msk [tilespmem:v4+s28+$0x0], $0xffff;
	v4 =	vadd.s32 s19, v15;
	v15 =	vand.u32 $0x7F, v19  }
0x1b7: {  	v4 =	vor.u32 v15, v4;
	v15 =	vld [tilespmem:s20+$0x40A0]  }
0x1b8: {  	v19 =	vand.u32 $0xFFFFFF80, v20;
	v41 =	vld [tilespmem:s20+$0x40B0]  }
0x1b9: {  	v20 =	vand.u32 $0x7F, v20;
	v3 =	vld.idx.msk [tilespmem:v3+s28+$0x0], $0xffff;
	v19 =	vadd.s32 s19, v19  }
0x1ba: {  	v19 =	vor.u32 v20, v19;
	v20 =	vand.u32 $0xFFFFFF80, v40;
	v42 =	vld [tilespmem:s20+$0x5040]  }
0x1bb: {  	v40 =	vand.u32 $0x7F, v40;
	v20 =	vadd.s32 s19, v20;
	v43 =	vld [tilespmem:s20+$0x5050]  }
0x1bc: {  	v4 =	vld.idx.msk [tilespmem:v4+s28+$0x0], $0xffff;
	v20 =	vor.u32 v40, v20;
	v40 =	vadd.f32 v13, v5  }
0x1bd: {  	v5 =	vand.u32 $0xFFFFFF80, v15;
	v13 =	vand.u32 $0x7F, v15;
	v15 =	vand.u32 $0xFFFFFF80, v41;
	v44 =	vld [tilespmem:s20+$0x5060]  }
0x1be: {  	v45 =	vadd.s32 s19, v5;
	v41 =	vand.u32 $0x7F, v41;
	v15 =	vadd.s32 s19, v15;
	v46 =	vld [tilespmem:s20+$0x5070]  }
0x1bf: {  	v13 =	vor.u32 v13, v45;
	v5 =	vld.idx.msk [tilespmem:v19+s28+$0x0], $0xffff;
	v15 =	vor.u32 v41, v15;
	v19 =	vadd.f32 v11, v6  }
0x1c0: {  	v6 =	vand.u32 $0xFFFFFF80, v42;
	v11 =	vand.u32 $0x7F, v42;
	v41 =	vand.u32 $0xFFFFFF80, v43;
	v42 =	vld [tilespmem:s20+$0x5080]  }
0x1c1: {  	v45 =	vadd.s32 s19, v6;
	v43 =	vand.u32 $0x7F, v43;
	v41 =	vadd.s32 s19, v41;
	v47 =	vld [tilespmem:s20+$0x5090]  }
0x1c2: {  	v11 =	vor.u32 v11, v45;
	v6 =	vld.idx.msk [tilespmem:v20+s28+$0x0], $0xffff;
	v20 =	vor.u32 v43, v41;
	v41 =	vadd.f32 v10, v7  }
0x1c3: {  	v7 =	vand.u32 $0xFFFFFF80, v44;
	v10 =	vand.u32 $0x7F, v44;
	v43 =	vand.u32 $0xFFFFFF80, v46;
	v44 =	vld [tilespmem:s20+$0x50A0]  }
0x1c4: {  	v45 =	vadd.s32 s19, v7;
	v46 =	vand.u32 $0x7F, v46;
	v43 =	vadd.s32 s19, v43;
	v48 =	vld [tilespmem:s20+$0x50B0]  }
0x1c5: {  	v7 =	vld.idx.msk [tilespmem:v13+s28+$0x0], $0xffff;
	v13 =	vor.u32 v10, v45;
	v43 =	vor.u32 v46, v43;
	v45 =	vadd.f32 v9, v8  }
0x1c6: {  	v10 =	vand.u32 $0xFFFFFF80, v42;
	v8 =	vld.idx.msk [tilespmem:v15+s28+$0x0], $0xffff;
	v15 =	vand.u32 $0x7F, v42;
	v42 =	vand.u32 $0xFFFFFF80, v47  }
0x1c7: {  	v46 =	vand.u32 $0x7F, v47;
	v9 =	vld.idx.msk [tilespmem:v11+s28+$0x0], $0xffff;
	v11 =	vadd.s32 s19, v10;
	v42 =	vadd.s32 s19, v42  }
0x1c8: {  	v10 =	vld.idx.msk [tilespmem:v20+s28+$0x0], $0xffff;
	v15 =	vor.u32 v15, v11;
	v42 =	vor.u32 v46, v42;
	v11 =	vand.u32 $0xFFFFFF80, v44  }
0x1c9: {  	v44 =	vand.u32 $0x7F, v44;
	v20 =	vadd.s32 s19, v11;
	v46 =	vand.u32 $0xFFFFFF80, v48;
	v47 =	vld [tilespmem:s20+$0x6040]  }
0x1ca: {  	v11 =	vld.idx.msk [tilespmem:v13+s28+$0x0], $0xffff;
	v44 =	vor.u32 v44, v20;
	v20 =	vadd.s32 s19, v46;
	v46 =	vand.u32 $0x7F, v48  }
0x1cb: {  	v13 =	vld.idx.msk [tilespmem:v43+s28+$0x0], $0xffff;
	v43 =	vor.u32 v46, v20  }
0x1cc: {  	v19 =	vadd.f32 v19, v40;
	v20 =	vadd.f32 v45, v41;
	v46 =	vld [tilespmem:s20+$0x6050]  }
0x1cd: {  	v16 =	vadd.f32 v17, v16;
	v40 =	vadd.f32 v14, v12;
	v15 =	vld.idx.msk [tilespmem:v15+s28+$0x0], $0xffff  }
0x1ce: {  	v21 =	vadd.f32 v21, v18;
	v22 =	vadd.f32 v23, v22;
	v12 =	vld.idx.msk [tilespmem:v42+s28+$0x0], $0xffff;
	v17 =	vand.u32 $0xFFFFFF80, v47  }
0x1cf: {  	v18 =	vadd.f32 v16, v40;
	v23 =	vand.u32 $0x7F, v47;
	v14 =	vld.idx.msk [tilespmem:v44+s28+$0x0], $0xffff;
	v17 =	vadd.s32 s19, v17  }
0x1d0: {  	v21 =	vadd.f32 v22, v21;
	v16 =	vld.idx.msk [tilespmem:v43+s28+$0x0], $0xffff;
	v17 =	vor.u32 v23, v17;
	v23 =	vadd.f32 v25, v24  }
0x1d1: {  	v24 =	vadd.f32 v27, v26;
	v25 =	vadd.f32 v29, v28;
	v22 =	vand.u32 $0xFFFFFF80, v46;
	v40 =	vld [tilespmem:s20+$0x6060]  }
0x1d2: {  	v28 =	vadd.f32 v31, v30;
	v26 =	vand.u32 $0x7F, v46;
	v22 =	vadd.s32 s19, v22;
	v27 =	vld [tilespmem:s20+$0x6070]  }
0x1d3: {  	v30 =	vadd.f32 v35, v34;
	v22 =	vor.u32 v26, v22;
	v29 =	vld [tilespmem:s20+$0x6080];
	v26 =	vadd.f32 v33, v32  }
0x1d4: {  	v32 =	vadd.f32 v37, v36;
	v33 =	vadd.f32 v39, v38;
	v31 =	vld [tilespmem:s20+$0x6090]  }
0x1d5: {  	v23 =	vadd.f32 v24, v23;
	v24 =	vadd.f32 v28, v25;
	v17 =	vld.idx.msk [tilespmem:v17+s28+$0x0], $0xffff  }
0x1d6: {  	v25 =	vadd.f32 v30, v26;
	v26 =	vadd.f32 v33, v32;
	v28 =	vand.u32 $0xFFFFFF80, v40;
	v34 =	vld [tilespmem:s20+$0x60A0]  }
0x1d7: {  	v30 =	vand.u32 $0x7F, v40;
	v28 =	vadd.s32 s19, v28;
	v32 =	vand.u32 $0xFFFFFF80, v27;
	v33 =	vld [tilespmem:s20+$0x60B0]  }
0x1d8: {  	v27 =	vand.u32 $0x7F, v27;
	v22 =	vld.idx.msk [tilespmem:v22+s28+$0x0], $0xffff;
	v28 =	vor.u32 v30, v28;
	v30 =	vadd.s32 s19, v32  }
0x1d9: {  	v32 =	vand.u32 $0xFFFFFF80, v29;
	v29 =	vand.u32 $0x7F, v29;
	v35 =	vand.u32 $0xFFFFFF80, v31;
	v37 =	vld [tilespmem:s20+$0x7040]  }
0x1da: {  	v32 =	vadd.s32 s19, v32;
	v31 =	vand.u32 $0x7F, v31;
	v35 =	vadd.s32 s19, v35;
	v39 =	vld [tilespmem:s20+$0x7050]  }
0x1db: {  	v38 =	vor.u32 v27, v30;
	v30 =	vor.u32 v29, v32;
	v29 =	vor.u32 v31, v35;
	v40 =	vld [tilespmem:s20+$0x7060]  }
0x1dc: {  	v31 =	vand.u32 $0xFFFFFF80, v34;
	v32 =	vand.u32 $0x7F, v34;
	v34 =	vand.u32 $0xFFFFFF80, v33;
	v35 =	vld [tilespmem:s20+$0x7070]  }
.Ltmp0:
0x1dd: {  	v33 =	vand.u32 $0x7F, v33;
	v27 =	vld.idx.msk [tilespmem:v28+s28+$0x0], $0xffff;
	v28 =	vadd.s32 s19, v31;
	v31 =	vadd.s32 s19, v34;
	(pc) =	sbr.rel @p0 .LBB2_2-.Ltmp0, $4  }
0x1de: {  	v32 =	vor.u32 v32, v28;
	v31 =	vor.u32 v33, v31;
	v28 =	vand.u32 $0xFFFFFF80, v37;
	v36 =	vld [tilespmem:s20+$0x7080]  }
0x1df: {  	v37 =	vand.u32 $0x7F, v37;
	v33 =	vadd.s32 s19, v28;
	v41 =	vand.u32 $0xFFFFFF80, v39;
	v34 =	vld [tilespmem:s20+$0x7090]  }
0x1e0: {  	v39 =	vand.u32 $0x7F, v39;
	v28 =	vld.idx.msk [tilespmem:v38+s28+$0x0], $0xffff;
	v33 =	vor.u32 v37, v33;
	v38 =	vadd.s32 s19, v41  }
0x1e1: {  	s23 =	sadd.s32 $0x200, s23;
	v41 =	vand.u32 $0xFFFFFF80, v40;
	v40 =	vand.u32 $0x7F, v40;
	v42 =	vand.u32 $0xFFFFFF80, v35;
	v37 =	vld [tilespmem:s20+$0x70A0]  }
0x1e2: {  	_ =	sdelay $0x1  }
0x1e3: {  	v41 =	vadd.s32 s19, v41;
	v42 =	vadd.s32 s19, v42  }
0x1e4: {  	v43 =	vld [tilespmem:s20+$0x70B0];
	v35 =	vand.u32 $0x7F, v35;
	v38 =	vor.u32 v39, v38;
	v19 =	vadd.f32 v20, v19  }
0x1e5: {  	v30 =	vld.idx.msk [tilespmem:v30+s28+$0x0], $0xffff;
	v18 =	vadd.f32 v21, v18;
	v49 =	vor.u32 v40, v41;
	v35 =	vor.u32 v35, v42  }
0x1e6: {  	v29 =	vld.idx.msk [tilespmem:v29+s28+$0x0], $0xffff;
	v50 =	vand.u32 $0xFFFFFF80, v36;
	v52 =	vand.u32 $0x7F, v36;
	v51 =	vand.u32 $0xFFFFFF80, v34  }
0x1e7: {  	v32 =	vld.idx.msk [tilespmem:v32+s28+$0x0], $0xffff;
	v40 =	vadd.s32 s19, v50;
	v53 =	vand.u32 $0x7F, v34;
	v41 =	vadd.s32 s19, v51  }
0x1e8: {  	v31 =	vld.idx.msk [tilespmem:v31+s28+$0x0], $0xffff;
	v36 =	vor.u32 v52, v40;
	v54 =	vand.u32 $0xFFFFFF80, v37;
	v55 =	vand.u32 $0x7F, v37  }
0x1e9: {  	v33 =	vld.idx.msk [tilespmem:v33+s28+$0x0], $0xffff;
	v34 =	vor.u32 v53, v41;
	v40 =	vadd.s32 s19, v54;
	v56 =	vand.u32 $0xFFFFFF80, v43  }
0x1ea: {  	v38 =	vld.idx.msk [tilespmem:v38+s28+$0x0], $0xffff;
	v58 =	vand.u32 $0x7F, v43;
	v37 =	vor.u32 v55, v40;
	v57 =	vadd.s32 s19, v56  }
0x1eb: {  	v23 =	vadd.f32 v24, v23;
	v24 =	vadd.f32 v26, v25;
	v20 =	vld.idx.msk [tilespmem:v49+s28+$0x0], $0xffff;
	v21 =	vor.u32 v58, v57  }
0x1ec: {  	v1 =	vadd.f32 v2, v1;
	v2 =	vadd.f32 v4, v3;
	v25 =	vld.idx.msk [tilespmem:v35+s28+$0x0], $0xffff  }
0x1ed: {  	v4 =	vadd.f32 v6, v5;
	v5 =	vadd.f32 v8, v7;
	v3 =	vld.idx.msk [tilespmem:v36+s28+$0x0], $0xffff  }
0x1ee: {  	v7 =	vadd.f32 v10, v9;
	v8 =	vadd.f32 v13, v11;
	v6 =	vld.idx.msk [tilespmem:v34+s28+$0x0], $0xffff  }
0x1ef: {  	v10 =	vadd.f32 v12, v15;
	v11 =	vadd.f32 v16, v14;
	v9 =	vld.idx.msk [tilespmem:v37+s28+$0x0], $0xffff  }
0x1f0: {  	v1 =	vadd.f32 v2, v1;
	v2 =	vadd.f32 v5, v4;
	v12 =	vld.idx.msk [tilespmem:v21+s28+$0x0], $0xffff  }
0x1f1: {  	v4 =	vadd.f32 v8, v7;
	v5 =	vadd.f32 v11, v10  }
0x1f2: {  	v7 =	vadd.f32 v22, v17;
	v8 =	vadd.f32 v28, v27  }
0x1f3: {  	v10 =	vadd.f32 v29, v30;
	v11 =	vadd.f32 v31, v32  }
0x1f4: {  	v13 =	vadd.f32 v38, v33;
	v14 =	vadd.f32 v25, v20  }
0x1f5: {  	v3 =	vadd.f32 v6, v3;
	v6 =	vadd.f32 v12, v9  }
0x1f6: {  	v7 =	vadd.f32 v8, v7;
	v8 =	vadd.f32 v11, v10  }
0x1f7: {  	v9 =	vadd.f32 v14, v13;
	v3 =	vadd.f32 v6, v3  }
0x1f8: {  	v1 =	vadd.f32 v2, v1;
	v2 =	vadd.f32 v5, v4  }
0x1f9: {  	v4 =	vadd.f32 v8, v7;
	v3 =	vadd.f32 v3, v9  }
0x1fa: {  	v5 =	vadd.f32 v18, v19;
	v1 =	vadd.f32 v2, v1  }
0x1fb: {  	v6 =	vadd.f32 v24, v23;
	v2 =	vadd.f32 v3, v4;
	_ =	sdelay $0x1  }
0x1fc: {  	v3 =	vadd.f32 v6, v5;
	v1 =	vadd.f32 v2, v1;
	_ =	sdelay $0x1  }
0x1fd: {  	s20 =	sadd.s32 $0x10, s21;
	v1 =	vadd.f32 v1, v3  }
0x1fe: {  	s19 =	sand.u32 $0xF0, s20  }
0x1ff: {  	[tilespmem:s19+$0x10040] =	vst v1  }
0x200: {  	_ =	swait.ge [sflag:s31], $0x4000  }
0x201: {  	[sflag:s31] =	ssyncset.done $0x0  }
0x202: {  	[sflag:s31] =	ssyncadd.s32 $0xFFFFC000  }
0x203: {  	v1 =	vld [tilespmem:$0x30];
	_ =	sdelay $0x3  }
0x204: {  	v2 =	vor.u32 $0x4000, v0  }
0x205: {  	v1 =	vadd.s32 v2, v1;
	_ =	sdelay $0x4  }
0x206: {  	v1 =	vld.idx.msk [tilespmem:v1+s28+$0x0], $0xffff;
	_ =	sdelay $0x4  }
0x207: {  	s21 =	simm.s32 $0x0;
	[tilespmem:$0x10250] =	vst v1  }
0x208: {  	v1 =	vld [tilespmem:s21+$0x840]  }
0x209: {  	v2 =	vld [tilespmem:s21+$0x850]  }
0x20a: {  	v3 =	vld [tilespmem:s21+$0x860]  }
0x20b: {  	v5 =	vld [tilespmem:s21+$0x870]  }
0x20c: {  	v6 =	vld [tilespmem:s21+$0x880]  }
0x20d: {  	v8 =	vld [tilespmem:s21+$0x890]  }
0x20e: {  	v10 =	vld [tilespmem:s21+$0x8A0]  }
0x20f: {  	v11 =	vld [tilespmem:s21+$0x8B0]  }
0x210: {  	v14 =	vld [tilespmem:s21+$0x1840]  }
0x211: {  	v15 =	vld [tilespmem:s21+$0x1880]  }
0x212: {  	v16 =	vld [tilespmem:s21+$0x1890]  }
0x213: {  	v17 =	vld [tilespmem:s21+$0x18B0]  }
0x214: {  	s22 =	simm.s32 $0x4000;
	v18 =	vld [tilespmem:s21+$0x2840];
	v4 =	vand.u32 $0xFFFFFF80, v1  }
0x215: {  	v19 =	vld [tilespmem:s21+$0x2850];
	v1 =	vand.u32 $0x7F, v1;
	v4 =	vadd.s32 s22, v4  }
0x216: {  	v21 =	vld [tilespmem:s21+$0x2860];
	v1 =	vor.u32 v1, v4;
	v4 =	vand.u32 $0xFFFFFF80, v2  }
0x217: {  	v24 =	vld [tilespmem:s21+$0x2880];
	v2 =	vand.u32 $0x7F, v2;
	v4 =	vadd.s32 s22, v4  }
0x218: {  	v27 =	vld [tilespmem:s21+$0x28B0];
	v2 =	vor.u32 v2, v4;
	v4 =	vand.u32 $0xFFFFFF80, v3  }
0x219: {  	v28 =	vld [tilespmem:s21+$0x3840];
	v7 =	vand.u32 $0xFFFFFF80, v5;
	v3 =	vand.u32 $0x7F, v3;
	v4 =	vadd.s32 s22, v4  }
0x21a: {  	v30 =	vld [tilespmem:s21+$0x3870];
	v5 =	vand.u32 $0x7F, v5;
	v3 =	vor.u32 v3, v4;
	v4 =	vadd.s32 s22, v7  }
0x21b: {  	v7 =	vld.idx.msk [tilespmem:v1+s28+$0x0], $0xffff;
	v1 =	vor.u32 v5, v4;
	v4 =	vand.u32 $0xFFFFFF80, v6  }
0x21c: {  	v31 =	vld [tilespmem:s21+$0x3880];
	v5 =	vand.u32 $0x7F, v6;
	v6 =	vand.u32 $0xFFFFFF80, v8;
	v4 =	vadd.s32 s22, v4  }
0x21d: {  	v13 =	vld.idx.msk [tilespmem:v2+s28+$0x0], $0xffff;
	v2 =	vor.u32 v5, v4;
	v4 =	vadd.s32 s22, v6;
	v5 =	vand.u32 $0x7F, v8  }
0x21e: {  	v6 =	vld [tilespmem:s21+$0x1850];
	v4 =	vor.u32 v5, v4;
	v5 =	vand.u32 $0xFFFFFF80, v10  }
0x21f: {  	v8 =	vand.u32 $0xFFFFFF80, v11;
	v9 =	vld.idx.msk [tilespmem:v3+s28+$0x0], $0xffff;
	v3 =	vadd.s32 s22, v5;
	v5 =	vand.u32 $0x7F, v10  }
0x220: {  	v12 =	vld.idx.msk [tilespmem:v1+s28+$0x0], $0xffff;
	v1 =	vor.u32 v5, v3;
	v3 =	vadd.s32 s22, v8;
	v5 =	vand.u32 $0x7F, v11  }
0x221: {  	v11 =	vld [tilespmem:s21+$0x1860];
	v5 =	vor.u32 v5, v3;
	v3 =	vand.u32 $0xFFFFFF80, v14  }
0x222: {  	v8 =	vld.idx.msk [tilespmem:v2+s28+$0x0], $0xffff;
	v2 =	vadd.s32 s22, v3;
	v3 =	vand.u32 $0x7F, v14  }
0x223: {  	v14 =	vld [tilespmem:s21+$0x1870];
	v2 =	vor.u32 v3, v2;
	v3 =	vand.u32 $0xFFFFFF80, v6  }
0x224: {  	v10 =	vld.idx.msk [tilespmem:v4+s28+$0x0], $0xffff;
	v6 =	vand.u32 $0x7F, v6;
	v4 =	vadd.s32 s22, v3  }
0x225: {  	v59 =	vld [tilespmem:s21+$0x3890];
	v6 =	vor.u32 v6, v4  }
0x226: {  	v60 =	vld [tilespmem:s21+$0x38A0]  }
0x227: {  	v3 =	vld.idx.msk [tilespmem:v1+s28+$0x0], $0xffff;
	v1 =	vand.u32 $0xFFFFFF80, v11  }
0x228: {  	v11 =	vand.u32 $0x7F, v11;
	v4 =	vld.idx.msk [tilespmem:v5+s28+$0x0], $0xffff;
	v5 =	vadd.s32 s22, v1  }
0x229: {  	v5 =	vor.u32 v11, v5;
	v11 =	vand.u32 $0xFFFFFF80, v14;
	v1 =	vld.idx.msk [tilespmem:v2+s28+$0x0], $0xffff  }
0x22a: {  	v2 =	vld.idx.msk [tilespmem:v6+s28+$0x0], $0xffff;
	v6 =	vadd.s32 s22, v11;
	v11 =	vand.u32 $0x7F, v14  }
0x22b: {  	v6 =	vor.u32 v11, v6;
	v11 =	vld [tilespmem:s21+$0x18A0]  }
0x22c: {  	v61 =	vld [tilespmem:s21+$0x38B0];
	v14 =	vand.u32 $0xFFFFFF80, v15  }
0x22d: {  	v63 =	vld [tilespmem:s21+$0x4840];
	v15 =	vand.u32 $0x7F, v15;
	v14 =	vadd.s32 s22, v14  }
0x22e: {  	v40 =	vld [tilespmem:s21+$0x4850];
	v14 =	vor.u32 v15, v14;
	v15 =	vand.u32 $0xFFFFFF80, v16  }
0x22f: {  	v44 =	vld [tilespmem:s21+$0x4860];
	v16 =	vand.u32 $0x7F, v16;
	v15 =	vadd.s32 s22, v15  }
0x230: {  	v47 =	vld [tilespmem:s21+$0x4870];
	v15 =	vor.u32 v16, v15;
	v16 =	vand.u32 $0xFFFFFF80, v11  }
0x231: {  	v48 =	vld [tilespmem:s21+$0x4880];
	v20 =	vand.u32 $0xFFFFFF80, v17;
	v11 =	vand.u32 $0x7F, v11;
	v16 =	vadd.s32 s22, v16  }
0x232: {  	v17 =	vand.u32 $0x7F, v17;
	v22 =	vor.u32 v11, v16;
	v16 =	vadd.s32 s22, v20;
	v20 =	vld [tilespmem:s21+$0x2870]  }
0x233: {  	v11 =	vld.idx.msk [tilespmem:v14+s28+$0x0], $0xffff;
	v14 =	vor.u32 v17, v16;
	v16 =	vand.u32 $0xFFFFFF80, v18  }
0x234: {  	v49 =	vld [tilespmem:s21+$0x4890];
	v23 =	vand.u32 $0xFFFFFF80, v19;
	v18 =	vand.u32 $0x7F, v18;
	v17 =	vadd.s32 s22, v16  }
0x235: {  	v16 =	vld.idx.msk [tilespmem:v15+s28+$0x0], $0xffff;
	v15 =	vor.u32 v18, v17;
	v17 =	vadd.s32 s22, v23;
	v18 =	vand.u32 $0x7F, v19  }
0x236: {  	v19 =	vand.u32 $0xFFFFFF80, v21;
	v23 =	vld [tilespmem:s21+$0x2890];
	v17 =	vor.u32 v18, v17  }
0x237: {  	v21 =	vand.u32 $0x7F, v21;
	v18 =	vld.idx.msk [tilespmem:v22+s28+$0x0], $0xffff;
	v22 =	vadd.s32 s22, v19;
	v25 =	vand.u32 $0xFFFFFF80, v20  }
0x238: {  	v20 =	vand.u32 $0x7F, v20;
	v19 =	vld.idx.msk [tilespmem:v14+s28+$0x0], $0xffff;
	v14 =	vor.u32 v21, v22;
	v21 =	vadd.s32 s22, v25  }
0x239: {  	v25 =	vld [tilespmem:s21+$0x28A0];
	v22 =	vor.u32 v20, v21;
	v21 =	vand.u32 $0xFFFFFF80, v24  }
0x23a: {  	v24 =	vand.u32 $0x7F, v24;
	v20 =	vld.idx.msk [tilespmem:v15+s28+$0x0], $0xffff;
	v15 =	vadd.s32 s22, v21  }
0x23b: {  	v21 =	vld.idx.msk [tilespmem:v17+s28+$0x0], $0xffff;
	v15 =	vor.u32 v24, v15;
	v17 =	vand.u32 $0xFFFFFF80, v23  }
0x23c: {  	v50 =	vld [tilespmem:s21+$0x48A0];
	v24 =	vand.u32 $0x7F, v23;
	v17 =	vadd.s32 s22, v17  }
0x23d: {  	v23 =	vld.idx.msk [tilespmem:v14+s28+$0x0], $0xffff;
	v14 =	vor.u32 v24, v17  }
0x23e: {  	v52 =	vld [tilespmem:s21+$0x48B0];
	v17 =	vand.u32 $0xFFFFFF80, v25  }
0x23f: {  	v24 =	vld.idx.msk [tilespmem:v22+s28+$0x0], $0xffff;
	v17 =	vadd.s32 s22, v17;
	v22 =	vand.u32 $0x7F, v25  }
0x240: {  	v25 =	vld.idx.msk [tilespmem:v15+s28+$0x0], $0xffff;
	v15 =	vor.u32 v22, v17  }
0x241: {  	v17 =	vand.u32 $0xFFFFFF80, v27;
	v22 =	vld [tilespmem:s21+$0x3850]  }
0x242: {  	v26 =	vld.idx.msk [tilespmem:v14+s28+$0x0], $0xffff;
	v14 =	vadd.s32 s22, v17;
	v17 =	vand.u32 $0x7F, v27  }
0x243: {  	v14 =	vor.u32 v17, v14;
	v17 =	vld [tilespmem:s21+$0x3860]  }
0x244: {  	v53 =	vld [tilespmem:s21+$0x5840];
	v29 =	vand.u32 $0xFFFFFF80, v28;
	v28 =	vand.u32 $0x7F, v28;
	v62 =	vand.u32 $0xFFFFFF80, v59  }
0x245: {  	v39 =	vand.u32 $0xFFFFFF80, v60;
	v51 =	vand.u32 $0xFFFFFF80, v48;
	v27 =	vld.idx.msk [tilespmem:v15+s28+$0x0], $0xffff;
	v15 =	vadd.s32 s22, v29  }
0x246: {  	v55 =	vld [tilespmem:s21+$0x5850];
	v34 =	vand.u32 $0x7F, v48;
	v15 =	vor.u32 v28, v15;
	v28 =	vand.u32 $0xFFFFFF80, v22  }
0x247: {  	v48 =	vld [tilespmem:s21+$0x58B0];
	v11 =	vadd.f32 v16, v11;
	v22 =	vand.u32 $0x7F, v22;
	v29 =	vadd.s32 s22, v28  }
0x248: {  	v16 =	vadd.f32 v19, v18;
	v28 =	vld.idx.msk [tilespmem:v14+s28+$0x0], $0xffff;
	v14 =	vor.u32 v22, v29;
	v22 =	vand.u32 $0xFFFFFF80, v17  }
0x249: {  	v5 =	vld.idx.msk [tilespmem:v5+s28+$0x0], $0xffff;
	v17 =	vand.u32 $0x7F, v17;
	v29 =	vand.u32 $0xFFFFFF80, v30;
	v22 =	vadd.s32 s22, v22  }
0x24a: {  	v6 =	vld.idx.msk [tilespmem:v6+s28+$0x0], $0xffff;
	v30 =	vand.u32 $0x7F, v30;
	v17 =	vor.u32 v17, v22;
	v22 =	vadd.s32 s22, v29  }
0x24b: {  	v33 =	vand.u32 $0x7F, v60;
	v29 =	vld.idx.msk [tilespmem:v15+s28+$0x0], $0xffff;
	v15 =	vor.u32 v30, v22;
	v22 =	vand.u32 $0xFFFFFF80, v31  }
0x24c: {  	v11 =	vadd.f32 v16, v11;
	v16 =	vld [tilespmem:s21+$0x6860];
	v31 =	vand.u32 $0x7F, v31;
	v22 =	vadd.s32 s22, v22  }
0x24d: {  	v41 =	vand.u32 $0xFFFFFF80, v61;
	v42 =	vand.u32 $0x7F, v61;
	v30 =	vld.idx.msk [tilespmem:v14+s28+$0x0], $0xffff;
	v14 =	vor.u32 v31, v22  }
0x24e: {  	v43 =	vand.u32 $0xFFFFFF80, v63;
	v22 =	vadd.s32 s22, v62;
	v31 =	vand.u32 $0x7F, v59;
	v62 =	vld [tilespmem:s21+$0x58A0]  }
0x24f: {  	v45 =	vand.u32 $0x7F, v63;
	v22 =	vor.u32 v31, v22;
	v31 =	vld.idx.msk [tilespmem:v17+s28+$0x0], $0xffff;
	v17 =	vadd.s32 s22, v39  }
0x250: {  	v46 =	vand.u32 $0x7F, v40;
	v35 =	vand.u32 $0x7F, v47;
	v32 =	vld.idx.msk [tilespmem:v15+s28+$0x0], $0xffff;
	v15 =	vor.u32 v33, v17  }
0x251: {  	v54 =	vand.u32 $0xFFFFFF80, v49;
	v39 =	vand.u32 $0x7F, v49;
	v49 =	vld [tilespmem:s21+$0x7870];
	v17 =	vadd.s32 s22, v41  }
0x252: {  	v17 =	vor.u32 v42, v17;
	v42 =	vadd.s32 s22, v54;
	v37 =	vld.idx.msk [tilespmem:v14+s28+$0x0], $0xffff;
	v14 =	vadd.s32 s22, v43  }
0x253: {  	v39 =	vor.u32 v39, v42;
	v42 =	vadd.f32 v13, v7;
	v13 =	vld [tilespmem:s21+$0x5860];
	v14 =	vor.u32 v45, v14  }
0x254: {  	v1 =	vadd.f32 v2, v1;
	v2 =	vadd.f32 v6, v5;
	v36 =	vld.idx.msk [tilespmem:v22+s28+$0x0], $0xffff;
	v22 =	vand.u32 $0xFFFFFF80, v40  }
0x255: {  	v58 =	vand.u32 $0xFFFFFF80, v55;
	v40 =	vadd.s32 s22, v51;
	v22 =	vadd.s32 s22, v22;
	v38 =	vld.idx.msk [tilespmem:v15+s28+$0x0], $0xffff  }
0x256: {  	v1 =	vadd.f32 v2, v1;
	v34 =	vor.u32 v34, v40;
	v15 =	vor.u32 v46, v22;
	v46 =	vld [tilespmem:s21+$0x5870]  }
0x257: {  	v22 =	vand.u32 $0x7F, v44;
	v33 =	vld.idx.msk [tilespmem:v17+s28+$0x0], $0xffff;
	v17 =	vand.u32 $0xFFFFFF80, v44;
	v44 =	vand.u32 $0xFFFFFF80, v52  }
0x258: {  	v41 =	vand.u32 $0x7F, v52;
	v7 =	vand.u32 $0xFFFFFF80, v50;
	v44 =	vadd.s32 s22, v44;
	v14 =	vld.idx.msk [tilespmem:v14+s28+$0x0], $0xffff  }
0x259: {  	v17 =	vadd.s32 s22, v17;
	v57 =	vor.u32 v41, v44;
	v41 =	vadd.f32 v12, v9;
	v12 =	vld [tilespmem:s21+$0x5880]  }
0x25a: {  	v43 =	vand.u32 $0x7F, v55;
	v17 =	vor.u32 v22, v17;
	v22 =	vand.u32 $0xFFFFFF80, v47;
	v47 =	vld [tilespmem:s21+$0x5890]  }
0x25b: {  	v45 =	vadd.s32 s22, v7;
	v9 =	vand.u32 $0xFFFFFF80, v53;
	v44 =	vadd.s32 s22, v58;
	v58 =	vld [tilespmem:s21+$0x6840]  }
0x25c: {  	v40 =	vand.u32 $0x7F, v53;
	v22 =	vadd.s32 s22, v22;
	v7 =	vld.idx.msk [tilespmem:v34+s28+$0x0], $0xffff;
	v59 =	vadd.s32 s22, v9  }
0x25d: {  	v9 =	vld.idx.msk [tilespmem:v39+s28+$0x0], $0xffff;
	v61 =	vor.u32 v43, v44;
	v43 =	vadd.f32 v10, v8;
	v8 =	vand.u32 $0xFFFFFF80, v13  }
0x25e: {  	v10 =	vand.u32 $0x7F, v13;
	v44 =	vand.u32 $0x7F, v62;
	v15 =	vld.idx.msk [tilespmem:v15+s28+$0x0], $0xffff;
	v22 =	vor.u32 v35, v22  }
0x25f: {  	v35 =	vand.u32 $0x7F, v50;
	v13 =	vand.u32 $0xFFFFFF80, v46;
	v63 =	vadd.s32 s22, v8;
	v50 =	vld [tilespmem:s21+$0x7880]  }
0x260: {  	v46 =	vand.u32 $0x7F, v46;
	v13 =	vadd.s32 s22, v13;
	v52 =	vor.u32 v10, v63;
	v63 =	vld [tilespmem:s21+$0x6850]  }
0x261: {  	v60 =	vor.u32 v40, v59;
	v59 =	vadd.f32 v4, v3;
	v53 =	vor.u32 v46, v13;
	v46 =	vld [tilespmem:s21+$0x68B0]  }
0x262: {  	v4 =	vand.u32 $0xFFFFFF80, v48;
	v41 =	vadd.f32 v41, v42;
	v56 =	vor.u32 v35, v45;
	v17 =	vld.idx.msk [tilespmem:v17+s28+$0x0], $0xffff  }
0x263: {  	v42 =	vadd.f32 v59, v43;
	v10 =	vld.idx.msk [tilespmem:v57+s28+$0x0], $0xffff;
	v13 =	vand.u32 $0xFFFFFF80, v12;
	v54 =	vand.u32 $0xFFFFFF80, v47  }
0x264: {  	v55 =	vand.u32 $0x7F, v12;
	v57 =	vand.u32 $0xFFFFFF80, v62;
	v62 =	vand.u32 $0x7F, v48;
	v48 =	vld [tilespmem:s21+$0x7850]  }
0x265: {  	v47 =	vand.u32 $0x7F, v47;
	v6 =	vand.u32 $0xFFFFFF80, v58;
	v19 =	vand.u32 $0x7F, v58;
	v58 =	vld [tilespmem:s21+$0x78B0]  }
0x266: {  	v35 =	vadd.s32 s22, v54;
	v40 =	vadd.s32 s22, v57;
	v6 =	vadd.s32 s22, v6;
	v57 =	vld [tilespmem:s21+$0x78A0]  }
0x267: {  	v7 =	vadd.f32 v9, v7;
	v22 =	vld.idx.msk [tilespmem:v22+s28+$0x0], $0xffff;
	v2 =	vor.u32 v19, v6;
	v6 =	vadd.f32 v21, v20  }
0x268: {  	v12 =	vld.idx.msk [tilespmem:v60+s28+$0x0], $0xffff;
	v35 =	vor.u32 v47, v35;
	v20 =	vadd.f32 v24, v23;
	v21 =	vadd.f32 v26, v25  }
0x269: {  	v60 =	vor.u32 v44, v40;
	v23 =	vld [tilespmem:s21+$0x6870];
	v24 =	vadd.f32 v28, v27;
	v26 =	vadd.f32 v30, v29  }
0x26a: {  	v28 =	vadd.f32 v32, v31;
	v30 =	vadd.f32 v36, v37;
	v36 =	vand.u32 $0x7F, v50;
	v8 =	vld.idx.msk [tilespmem:v56+s28+$0x0], $0xffff  }
0x26b: {  	v56 =	vadd.s32 s22, v13;
	v13 =	vld.idx.msk [tilespmem:v61+s28+$0x0], $0xffff;
	v61 =	vadd.s32 s22, v4;
	v19 =	vand.u32 $0xFFFFFF80, v63  }
0x26c: {  	v25 =	vld [tilespmem:s21+$0x6880];
	v27 =	vand.u32 $0x7F, v63;
	v39 =	vor.u32 v55, v56;
	v40 =	vor.u32 v62, v61  }
0x26d: {  	v29 =	vld [tilespmem:s21+$0x6890];
	v19 =	vadd.s32 s22, v19;
	v6 =	vadd.f32 v20, v6;
	v20 =	vadd.f32 v24, v21  }
0x26e: {  	v47 =	vld [tilespmem:s21+$0x7840];
	v21 =	vand.u32 $0xFFFFFF80, v16;
	v26 =	vadd.f32 v28, v26;
	v16 =	vand.u32 $0x7F, v16  }
0x26f: {  	v3 =	vld.idx.msk [tilespmem:v52+s28+$0x0], $0xffff;
	v32 =	vand.u32 $0x7F, v46;
	v56 =	vand.u32 $0xFFFFFF80, v49;
	v19 =	vor.u32 v27, v19  }
0x270: {  	v52 =	vld [tilespmem:s21+$0x7890];
	v27 =	vadd.f32 v33, v38;
	v21 =	vadd.s32 s22, v21;
	v51 =	vand.u32 $0xFFFFFF80, v48  }
0x271: {  	v4 =	vld.idx.msk [tilespmem:v53+s28+$0x0], $0xffff;
	v54 =	vand.u32 $0x7F, v48;
	v37 =	vadd.s32 s22, v56;
	v45 =	vand.u32 $0xFFFFFF80, v58  }
0x272: {  	v24 =	vld [tilespmem:s21+$0x68A0];
	v16 =	vor.u32 v16, v21;
	v53 =	vadd.s32 s22, v51;
	v6 =	vadd.f32 v20, v6  }
0x273: {  	v5 =	vld.idx.msk [tilespmem:v35+s28+$0x0], $0xffff;
	v28 =	vand.u32 $0xFFFFFF80, v23;
	v27 =	vadd.f32 v27, v30;
	v23 =	vand.u32 $0x7F, v23  }
0x274: {  	v18 =	vld.idx.msk [tilespmem:v60+s28+$0x0], $0xffff;
	v30 =	vand.u32 $0xFFFFFF80, v29;
	v21 =	vadd.s32 s22, v28;
	v28 =	vand.u32 $0xFFFFFF80, v25  }
0x275: {  	v2 =	vld.idx.msk [tilespmem:v2+s28+$0x0], $0xffff;
	v35 =	vand.u32 $0x7F, v49;
	v25 =	vand.u32 $0x7F, v25;
	v28 =	vadd.s32 s22, v28  }
0x276: {  	v59 =	vor.u32 v35, v37;
	v21 =	vor.u32 v23, v21;
	v23 =	vor.u32 v25, v28;
	v25 =	vld [tilespmem:s21+$0x7860]  }
0x277: {  	v29 =	vand.u32 $0x7F, v29;
	v30 =	vadd.s32 s22, v30;
	v61 =	vand.u32 $0xFFFFFF80, v52;
	v39 =	vld.idx.msk [tilespmem:v39+s28+$0x0], $0xffff  }
0x278: {  	v62 =	vand.u32 $0x7F, v52;
	v31 =	vld.idx.msk [tilespmem:v40+s28+$0x0], $0xffff;
	v35 =	vadd.s32 s22, v61;
	v20 =	vadd.f32 v27, v26  }
0x279: {  	v28 =	vor.u32 v29, v30;
	v29 =	vand.u32 $0xFFFFFF80, v24;
	v30 =	vand.u32 $0xFFFFFF80, v46;
	v19 =	vld.idx.msk [tilespmem:v19+s28+$0x0], $0xffff  }
0x27a: {  	v24 =	vand.u32 $0x7F, v24;
	v35 =	vor.u32 v62, v35;
	v29 =	vadd.s32 s22, v29;
	v16 =	vld.idx.msk [tilespmem:v16+s28+$0x0], $0xffff  }
0x27b: {  	v30 =	vadd.s32 s22, v30;
	v24 =	vor.u32 v24, v29;
	v26 =	vld.idx.msk [tilespmem:v59+s28+$0x0], $0xffff;
	v55 =	vand.u32 $0xFFFFFF80, v25  }
0x27c: {  	v30 =	vor.u32 v32, v30;
	v21 =	vld.idx.msk [tilespmem:v21+s28+$0x0], $0xffff;
	v25 =	vand.u32 $0x7F, v25;
	v34 =	vadd.s32 s22, v55  }
0x27d: {  	v33 =	vand.u32 $0x7F, v47;
	v29 =	vand.u32 $0xFFFFFF80, v47;
	v23 =	vld.idx.msk [tilespmem:v23+s28+$0x0], $0xffff;
	v25 =	vor.u32 v25, v34  }
0x27e: {  	v60 =	vand.u32 $0xFFFFFF80, v50;
	v32 =	vor.u32 v54, v53;
	v29 =	vadd.s32 s22, v29;
	v28 =	vld.idx.msk [tilespmem:v28+s28+$0x0], $0xffff  }
0x27f: {  	v63 =	vand.u32 $0xFFFFFF80, v57;
	v29 =	vor.u32 v33, v29;
	v9 =	vld.idx.msk [tilespmem:v35+s28+$0x0], $0xffff;
	v34 =	vadd.s32 s22, v60  }
0x280: {  	v44 =	vand.u32 $0x7F, v57;
	v24 =	vld.idx.msk [tilespmem:v24+s28+$0x0], $0xffff;
	v34 =	vor.u32 v36, v34;
	v36 =	vadd.s32 s22, v63  }
0x281: {  	v46 =	vadd.s32 s22, v45;
	v47 =	vand.u32 $0x7F, v58;
	v30 =	vld.idx.msk [tilespmem:v30+s28+$0x0], $0xffff;
	v36 =	vor.u32 v44, v36  }
0x282: {  	v1 =	vadd.f32 v11, v1;
	v11 =	vld.idx.msk [tilespmem:v25+s28+$0x0], $0xffff;
	v25 =	vor.u32 v47, v46  }
0x283: {  	v14 =	vadd.f32 v15, v14;
	v48 =	vadd.f32 v42, v41;
	v32 =	vld.idx.msk [tilespmem:v32+s28+$0x0], $0xffff  }
0x284: {  	v15 =	vadd.f32 v22, v17;
	v8 =	vadd.f32 v10, v8;
	v29 =	vld.idx.msk [tilespmem:v29+s28+$0x0], $0xffff  }
0x285: {  	v10 =	vadd.f32 v13, v12;
	v3 =	vadd.f32 v4, v3;
	v17 =	vld.idx.msk [tilespmem:v34+s28+$0x0], $0xffff  }
0x286: {  	v14 =	vadd.f32 v15, v14;
	v7 =	vadd.f32 v8, v7;
	v4 =	vld.idx.msk [tilespmem:v36+s28+$0x0], $0xffff  }
0x287: {  	v5 =	vadd.f32 v5, v39;
	v12 =	vadd.f32 v31, v18;
	v13 =	vld.idx.msk [tilespmem:v25+s28+$0x0], $0xffff  }
0x288: {  	v3 =	vadd.f32 v3, v10;
	v2 =	vadd.f32 v19, v2  }
0x289: {  	v5 =	vadd.f32 v12, v5;
	v8 =	vadd.f32 v21, v16  }
0x28a: {  	v10 =	vadd.f32 v28, v23;
	v12 =	vadd.f32 v30, v24  }
0x28b: {  	v15 =	vadd.f32 v32, v29;
	v11 =	vadd.f32 v26, v11  }
0x28c: {  	v9 =	vadd.f32 v9, v17;
	v4 =	vadd.f32 v13, v4  }
0x28d: {  	v2 =	vadd.f32 v8, v2;
	v8 =	vadd.f32 v12, v10  }
0x28e: {  	v10 =	vadd.f32 v11, v15;
	v4 =	vadd.f32 v4, v9  }
0x28f: {  	v7 =	vadd.f32 v7, v14;
	v3 =	vadd.f32 v5, v3  }
0x290: {  	v2 =	vadd.f32 v8, v2;
	v4 =	vadd.f32 v4, v10  }
0x291: {  	v1 =	vadd.f32 v1, v48;
	v5 =	vadd.f32 v20, v6  }
0x292: {  	v3 =	vadd.f32 v3, v7;
	v2 =	vadd.f32 v4, v2;
	_ =	sdelay $0x1  }
0x293: {  	v1 =	vadd.f32 v5, v1;
	v2 =	vadd.f32 v2, v3;
	_ =	sdelay $0x1  }
0x294: {  	s19 =	simm.s32 $0x100;
	v1 =	vadd.f32 v2, v1  }
0x295: {  	s23 =	sand.u32 $0x1F0, s19  }
0x296: {  	s21 =	simm.s32 $0x80;
	[tilespmem:s23+$0x10040] =	vst v1  }
0x297: {  	v1 =	vld [tilespmem:s21+$0x840]  }
0x298: {  	v2 =	vld [tilespmem:s21+$0x850]  }
0x299: {  	v3 =	vld [tilespmem:s21+$0x860]  }
0x29a: {  	v5 =	vld [tilespmem:s21+$0x870]  }
0x29b: {  	v6 =	vld [tilespmem:s21+$0x880]  }
0x29c: {  	v7 =	vld [tilespmem:s21+$0x890]  }
0x29d: {  	v9 =	vld [tilespmem:s21+$0x8A0]  }
0x29e: {  	v10 =	vld [tilespmem:s21+$0x8B0]  }
0x29f: {  	s20 =	simm.s32 $0x4400;
	v12 =	vld [tilespmem:s21+$0x1840];
	v4 =	vand.u32 $0xFFFFFF80, v1  }
0x2a0: {  	v14 =	vld [tilespmem:s21+$0x1860];
	v1 =	vand.u32 $0x7F, v1;
	v4 =	vadd.s32 s20, v4  }
0x2a1: {  	v15 =	vld [tilespmem:s21+$0x1870];
	v1 =	vor.u32 v1, v4;
	v4 =	vand.u32 $0xFFFFFF80, v2  }
0x2a2: {  	v17 =	vld [tilespmem:s21+$0x1880];
	v2 =	vand.u32 $0x7F, v2;
	v4 =	vadd.s32 s20, v4  }
0x2a3: {  	v18 =	vld [tilespmem:s21+$0x18B0];
	v2 =	vor.u32 v2, v4;
	v4 =	vand.u32 $0xFFFFFF80, v3  }
0x2a4: {  	v19 =	vld [tilespmem:s21+$0x2840];
	v8 =	vand.u32 $0xFFFFFF80, v5;
	v3 =	vand.u32 $0x7F, v3;
	v4 =	vadd.s32 s20, v4  }
0x2a5: {  	v20 =	vld [tilespmem:s21+$0x2850];
	v3 =	vor.u32 v3, v4;
	v4 =	vadd.s32 s20, v8;
	v8 =	vand.u32 $0x7F, v5  }
0x2a6: {  	v5 =	vld.idx.msk [tilespmem:v1+s28+$0x0], $0xffff;
	v1 =	vor.u32 v8, v4;
	v4 =	vand.u32 $0xFFFFFF80, v6  }
0x2a7: {  	v23 =	vld [tilespmem:s21+$0x2860];
	v6 =	vand.u32 $0x7F, v6;
	v8 =	vand.u32 $0xFFFFFF80, v7;
	v4 =	vadd.s32 s20, v4  }
0x2a8: {  	v13 =	vld.idx.msk [tilespmem:v2+s28+$0x0], $0xffff;
	v2 =	vor.u32 v6, v4;
	v4 =	vadd.s32 s20, v8;
	v6 =	vand.u32 $0x7F, v7  }
0x2a9: {  	v7 =	vand.u32 $0xFFFFFF80, v9;
	v8 =	vld [tilespmem:s21+$0x1850];
	v4 =	vor.u32 v6, v4  }
0x2aa: {  	v6 =	vld.idx.msk [tilespmem:v3+s28+$0x0], $0xffff;
	v3 =	vadd.s32 s20, v7;
	v7 =	vand.u32 $0x7F, v9;
	v9 =	vand.u32 $0xFFFFFF80, v10  }
0x2ab: {  	v11 =	vld.idx.msk [tilespmem:v1+s28+$0x0], $0xffff;
	v1 =	vor.u32 v7, v3;
	v3 =	vadd.s32 s20, v9;
	v7 =	vand.u32 $0x7F, v10  }
0x2ac: {  	v24 =	vld [tilespmem:s21+$0x2870];
	v9 =	vand.u32 $0xFFFFFF80, v12;
	v3 =	vor.u32 v7, v3  }
0x2ad: {  	v7 =	vld.idx.msk [tilespmem:v2+s28+$0x0], $0xffff;
	v2 =	vadd.s32 s20, v9;
	v9 =	vand.u32 $0x7F, v12  }
0x2ae: {  	v10 =	vld.idx.msk [tilespmem:v4+s28+$0x0], $0xffff;
	v2 =	vor.u32 v9, v2;
	v4 =	vand.u32 $0xFFFFFF80, v8  }
0x2af: {  	v25 =	vld [tilespmem:s21+$0x2880];
	v9 =	vand.u32 $0x7F, v8;
	v4 =	vadd.s32 s20, v4  }
0x2b0: {  	v8 =	vld.idx.msk [tilespmem:v1+s28+$0x0], $0xffff;
	v1 =	vor.u32 v9, v4  }
0x2b1: {  	v9 =	vld.idx.msk [tilespmem:v3+s28+$0x0], $0xffff;
	v3 =	vand.u32 $0xFFFFFF80, v14  }
0x2b2: {  	v49 =	vld [tilespmem:s21+$0x3890];
	v4 =	vand.u32 $0x7F, v14;
	v3 =	vadd.s32 s20, v3  }
0x2b3: {  	v12 =	vld.idx.msk [tilespmem:v2+s28+$0x0], $0xffff;
	v2 =	vor.u32 v4, v3  }
0x2b4: {  	v3 =	vand.u32 $0xFFFFFF80, v15;
	v4 =	vld [tilespmem:s21+$0x1890]  }
0x2b5: {  	v14 =	vld.idx.msk [tilespmem:v1+s28+$0x0], $0xffff;
	v1 =	vadd.s32 s20, v3;
	v3 =	vand.u32 $0x7F, v15  }
0x2b6: {  	v1 =	vor.u32 v3, v1;
	v3 =	vld [tilespmem:s21+$0x18A0]  }
0x2b7: {  	v50 =	vld [tilespmem:s21+$0x38A0];
	v15 =	vand.u32 $0xFFFFFF80, v17  }
0x2b8: {  	v16 =	vld.idx.msk [tilespmem:v2+s28+$0x0], $0xffff;
	v2 =	vadd.s32 s20, v15;
	v15 =	vand.u32 $0x7F, v17  }
0x2b9: {  	v51 =	vld [tilespmem:s21+$0x4840];
	v2 =	vor.u32 v15, v2;
	v15 =	vand.u32 $0xFFFFFF80, v4  }
0x2ba: {  	v53 =	vld [tilespmem:s21+$0x4890];
	v4 =	vand.u32 $0x7F, v4;
	v15 =	vadd.s32 s20, v15  }
0x2bb: {  	v17 =	vld.idx.msk [tilespmem:v1+s28+$0x0], $0xffff;
	v1 =	vor.u32 v4, v15;
	v4 =	vand.u32 $0xFFFFFF80, v3  }
0x2bc: {  	v54 =	vld [tilespmem:s21+$0x48B0];
	v3 =	vand.u32 $0x7F, v3;
	v15 =	vand.u32 $0xFFFFFF80, v18;
	v4 =	vadd.s32 s20, v4  }
0x2bd: {  	v55 =	vld [tilespmem:s21+$0x5840];
	v3 =	vor.u32 v3, v4;
	v4 =	vadd.s32 s20, v15;
	v15 =	vand.u32 $0x7F, v18  }
0x2be: {  	v18 =	vld.idx.msk [tilespmem:v2+s28+$0x0], $0xffff;
	v2 =	vor.u32 v15, v4;
	v4 =	vand.u32 $0xFFFFFF80, v19  }
0x2bf: {  	v56 =	vld [tilespmem:s21+$0x5850];
	v15 =	vand.u32 $0x7F, v19;
	v19 =	vand.u32 $0xFFFFFF80, v20;
	v4 =	vadd.s32 s20, v4  }
0x2c0: {  	v21 =	vld.idx.msk [tilespmem:v1+s28+$0x0], $0xffff;
	v1 =	vor.u32 v15, v4;
	v4 =	vadd.s32 s20, v19;
	v15 =	vand.u32 $0x7F, v20  }
0x2c1: {  	v19 =	vld [tilespmem:s21+$0x2890];
	v4 =	vor.u32 v15, v4;
	v15 =	vand.u32 $0xFFFFFF80, v23  }
0x2c2: {  	v20 =	vand.u32 $0xFFFFFF80, v24;
	v22 =	vld.idx.msk [tilespmem:v3+s28+$0x0], $0xffff;
	v3 =	vadd.s32 s20, v15;
	v15 =	vand.u32 $0x7F, v23  }
0x2c3: {  	v23 =	vld.idx.msk [tilespmem:v2+s28+$0x0], $0xffff;
	v2 =	vor.u32 v15, v3;
	v3 =	vadd.s32 s20, v20;
	v15 =	vand.u32 $0x7F, v24  }
0x2c4: {  	v20 =	vld [tilespmem:s21+$0x28A0];
	v3 =	vor.u32 v15, v3;
	v15 =	vand.u32 $0xFFFFFF80, v25  }
0x2c5: {  	v24 =	vld.idx.msk [tilespmem:v1+s28+$0x0], $0xffff;
	v1 =	vadd.s32 s20, v15;
	v15 =	vand.u32 $0x7F, v25  }
0x2c6: {  	v25 =	vld.idx.msk [tilespmem:v4+s28+$0x0], $0xffff;
	v1 =	vor.u32 v15, v1;
	v4 =	vand.u32 $0xFFFFFF80, v19  }
0x2c7: {  	v15 =	vand.u32 $0x7F, v19;
	v19 =	vld [tilespmem:s21+$0x28B0];
	v4 =	vadd.s32 s20, v4  }
0x2c8: {  	v26 =	vld.idx.msk [tilespmem:v2+s28+$0x0], $0xffff;
	v2 =	vor.u32 v15, v4  }
0x2c9: {  	v27 =	vld.idx.msk [tilespmem:v3+s28+$0x0], $0xffff;
	v3 =	vand.u32 $0xFFFFFF80, v20  }
0x2ca: {  	v4 =	vand.u32 $0x7F, v20;
	v15 =	vld [tilespmem:s21+$0x3840];
	v3 =	vadd.s32 s20, v3  }
0x2cb: {  	v28 =	vld.idx.msk [tilespmem:v1+s28+$0x0], $0xffff;
	v1 =	vor.u32 v4, v3  }
0x2cc: {  	v3 =	vand.u32 $0xFFFFFF80, v19;
	v4 =	vld [tilespmem:s21+$0x3850]  }
0x2cd: {  	v29 =	vld.idx.msk [tilespmem:v2+s28+$0x0], $0xffff;
	v2 =	vadd.s32 s20, v3;
	v3 =	vand.u32 $0x7F, v19  }
0x2ce: {  	v2 =	vor.u32 v3, v2;
	v3 =	vld [tilespmem:s21+$0x3860]  }
0x2cf: {  	v20 =	vld [tilespmem:s21+$0x3870];
	v19 =	vand.u32 $0xFFFFFF80, v15  }
0x2d0: {  	v15 =	vand.u32 $0x7F, v15;
	v30 =	vld.idx.msk [tilespmem:v1+s28+$0x0], $0xffff;
	v1 =	vadd.s32 s20, v19  }
0x2d1: {  	v19 =	vld [tilespmem:s21+$0x3880];
	v1 =	vor.u32 v15, v1;
	v15 =	vand.u32 $0xFFFFFF80, v4  }
0x2d2: {  	v57 =	vld [tilespmem:s21+$0x5860];
	v4 =	vand.u32 $0x7F, v4;
	v15 =	vadd.s32 s20, v15  }
0x2d3: {  	v31 =	vld.idx.msk [tilespmem:v2+s28+$0x0], $0xffff;
	v2 =	vor.u32 v4, v15;
	v4 =	vand.u32 $0xFFFFFF80, v3  }
0x2d4: {  	v59 =	vld [tilespmem:s21+$0x5870];
	v3 =	vand.u32 $0x7F, v3;
	v15 =	vand.u32 $0xFFFFFF80, v20;
	v4 =	vadd.s32 s20, v4  }
0x2d5: {  	v3 =	vor.u32 v3, v4;
	v4 =	vadd.s32 s20, v15;
	v15 =	vand.u32 $0x7F, v20;
	v20 =	vld [tilespmem:s21+$0x38B0]  }
0x2d6: {  	v32 =	vld.idx.msk [tilespmem:v1+s28+$0x0], $0xffff;
	v1 =	vor.u32 v15, v4;
	v4 =	vand.u32 $0xFFFFFF80, v19  }
0x2d7: {  	v61 =	vld [tilespmem:s21+$0x5880];
	v15 =	vand.u32 $0x7F, v19;
	v19 =	vand.u32 $0xFFFFFF80, v49;
	v4 =	vadd.s32 s20, v4  }
0x2d8: {  	v33 =	vld.idx.msk [tilespmem:v2+s28+$0x0], $0xffff;
	v2 =	vor.u32 v15, v4;
	v4 =	vadd.s32 s20, v19;
	v15 =	vand.u32 $0x7F, v49  }
0x2d9: {  	v19 =	vld [tilespmem:s21+$0x4850];
	v4 =	vor.u32 v15, v4;
	v15 =	vand.u32 $0xFFFFFF80, v50  }
0x2da: {  	v34 =	vld.idx.msk [tilespmem:v3+s28+$0x0], $0xffff;
	v3 =	vadd.s32 s20, v15;
	v15 =	vand.u32 $0x7F, v50  }
0x2db: {  	v52 =	vand.u32 $0xFFFFFF80, v20;
	v35 =	vld.idx.msk [tilespmem:v1+s28+$0x0], $0xffff;
	v1 =	vor.u32 v15, v3  }
0x2dc: {  	v3 =	vadd.s32 s20, v52;
	v15 =	vand.u32 $0x7F, v20;
	v20 =	vld [tilespmem:s21+$0x4860]  }
0x2dd: {  	v3 =	vor.u32 v15, v3;
	v15 =	vand.u32 $0xFFFFFF80, v51;
	v37 =	vld.idx.msk [tilespmem:v2+s28+$0x0], $0xffff  }
0x2de: {  	v2 =	vadd.s32 s20, v15;
	v15 =	vand.u32 $0x7F, v51;
	v36 =	vld.idx.msk [tilespmem:v4+s28+$0x0], $0xffff;
	v4 =	vand.u32 $0xFFFFFF80, v19  }
0x2df: {  	v2 =	vor.u32 v15, v2;
	v15 =	vand.u32 $0x7F, v19;
	v19 =	vld [tilespmem:s21+$0x4870];
	v4 =	vadd.s32 s20, v4  }
0x2e0: {  	v38 =	vld.idx.msk [tilespmem:v1+s28+$0x0], $0xffff;
	v4 =	vor.u32 v15, v4  }
0x2e1: {  	v1 =	vand.u32 $0xFFFFFF80, v20;
	v15 =	vand.u32 $0x7F, v20;
	v20 =	vld [tilespmem:s21+$0x4880]  }
0x2e2: {  	v63 =	vld [tilespmem:s21+$0x5890];
	v40 =	vand.u32 $0x7F, v53;
	v41 =	vand.u32 $0x7F, v54;
	v60 =	vand.u32 $0xFFFFFF80, v56  }
0x2e3: {  	v43 =	vand.u32 $0x7F, v56;
	v46 =	vand.u32 $0x7F, v59;
	v39 =	vld.idx.msk [tilespmem:v3+s28+$0x0], $0xffff;
	v3 =	vadd.s32 s20, v1  }
0x2e4: {  	v45 =	vadd.f32 v14, v12;
	v3 =	vor.u32 v15, v3;
	v1 =	vld.idx.msk [tilespmem:v2+s28+$0x0], $0xffff;
	v15 =	vand.u32 $0xFFFFFF80, v19  }
0x2e5: {  	v16 =	vadd.f32 v17, v16;
	v2 =	vld.idx.msk [tilespmem:v4+s28+$0x0], $0xffff;
	v4 =	vadd.s32 s20, v15;
	v15 =	vand.u32 $0x7F, v19  }
0x2e6: {  	v21 =	vadd.f32 v21, v18;
	v19 =	vand.u32 $0xFFFFFF80, v20;
	v4 =	vor.u32 v15, v4;
	v15 =	vld [tilespmem:s21+$0x48A0]  }
0x2e7: {  	v48 =	vld [tilespmem:s21+$0x6860];
	v22 =	vadd.f32 v23, v22;
	v20 =	vand.u32 $0x7F, v20;
	v19 =	vadd.s32 s20, v19  }
0x2e8: {  	v56 =	vadd.f32 v9, v8;
	v18 =	vadd.f32 v16, v45;
	v51 =	vld [tilespmem:s21+$0x68A0];
	v19 =	vor.u32 v20, v19  }
0x2e9: {  	v21 =	vadd.f32 v22, v21;
	v49 =	vadd.f32 v36, v37;
	v36 =	vld [tilespmem:s21+$0x7880];
	v20 =	vand.u32 $0xFFFFFF80, v53  }
0x2ea: {  	v52 =	vand.u32 $0xFFFFFF80, v59;
	v50 =	vadd.f32 v39, v38;
	v3 =	vld.idx.msk [tilespmem:v3+s28+$0x0], $0xffff;
	v20 =	vadd.s32 s20, v20  }
0x2eb: {  	v53 =	vld [tilespmem:s21+$0x58A0];
	v20 =	vor.u32 v40, v20;
	v40 =	vadd.f32 v13, v5;
	v5 =	vand.u32 $0xFFFFFF80, v15  }
0x2ec: {  	v4 =	vld.idx.msk [tilespmem:v4+s28+$0x0], $0xffff;
	v13 =	vand.u32 $0x7F, v15;
	v15 =	vand.u32 $0xFFFFFF80, v54;
	v58 =	vadd.s32 s20, v5  }
0x2ed: {  	v15 =	vadd.s32 s20, v15;
	v5 =	vld.idx.msk [tilespmem:v19+s28+$0x0], $0xffff;
	v19 =	vadd.f32 v11, v6;
	v6 =	vand.u32 $0xFFFFFF80, v55  }
0x2ee: {  	v11 =	vand.u32 $0x7F, v55;
	v55 =	vld [tilespmem:s21+$0x58B0];
	v13 =	vor.u32 v13, v58;
	v15 =	vor.u32 v41, v15  }
0x2ef: {  	v62 =	vadd.s32 s20, v6;
	v41 =	vadd.s32 s20, v60;
	v58 =	vand.u32 $0x7F, v63;
	v60 =	vld [tilespmem:s21+$0x6840]  }
0x2f0: {  	v6 =	vld.idx.msk [tilespmem:v20+s28+$0x0], $0xffff;
	v11 =	vor.u32 v11, v62;
	v20 =	vor.u32 v43, v41;
	v41 =	vadd.f32 v10, v7  }
0x2f1: {  	v7 =	vand.u32 $0xFFFFFF80, v57;
	v10 =	vand.u32 $0x7F, v57;
	v57 =	vand.u32 $0xFFFFFF80, v63;
	v63 =	vld [tilespmem:s21+$0x6850]  }
0x2f2: {  	v44 =	vand.u32 $0x7F, v53;
	v43 =	vadd.s32 s20, v52;
	v42 =	vadd.s32 s20, v57;
	v57 =	vld [tilespmem:s21+$0x7850]  }
0x2f3: {  	v19 =	vadd.f32 v19, v40;
	v54 =	vadd.s32 s20, v7;
	v43 =	vor.u32 v46, v43;
	v7 =	vld.idx.msk [tilespmem:v13+s28+$0x0], $0xffff  }
0x2f4: {  	v42 =	vor.u32 v58, v42;
	v59 =	vand.u32 $0xFFFFFF80, v55;
	v13 =	vor.u32 v10, v54;
	v8 =	vld.idx.msk [tilespmem:v15+s28+$0x0], $0xffff  }
0x2f5: {  	v10 =	vand.u32 $0xFFFFFF80, v61;
	v15 =	vand.u32 $0x7F, v61;
	v17 =	vand.u32 $0xFFFFFF80, v60;
	v9 =	vld.idx.msk [tilespmem:v11+s28+$0x0], $0xffff  }
0x2f6: {  	v23 =	vand.u32 $0x7F, v60;
	v11 =	vadd.s32 s20, v10;
	v10 =	vld.idx.msk [tilespmem:v20+s28+$0x0], $0xffff;
	v17 =	vadd.s32 s20, v17  }
0x2f7: {  	v17 =	vor.u32 v23, v17;
	v23 =	vadd.f32 v25, v24;
	v24 =	vadd.f32 v27, v26;
	v27 =	vld [tilespmem:s21+$0x6870]  }
0x2f8: {  	v61 =	vand.u32 $0x7F, v55;
	v60 =	vand.u32 $0x7F, v51;
	v25 =	vadd.f32 v29, v28;
	v29 =	vld [tilespmem:s21+$0x6880]  }
0x2f9: {  	v22 =	vand.u32 $0xFFFFFF80, v63;
	v15 =	vor.u32 v15, v11;
	v28 =	vadd.f32 v31, v30;
	v31 =	vld [tilespmem:s21+$0x6890]  }
0x2fa: {  	v11 =	vand.u32 $0xFFFFFF80, v53;
	v22 =	vadd.s32 s20, v22;
	v26 =	vand.u32 $0x7F, v63;
	v53 =	vld [tilespmem:s21+$0x68B0]  }
0x2fb: {  	v30 =	vadd.f32 v35, v34;
	v63 =	vand.u32 $0xFFFFFF80, v57;
	v34 =	vld [tilespmem:s21+$0x7890];
	v39 =	vand.u32 $0x7F, v57  }
0x2fc: {  	v20 =	vadd.s32 s20, v11;
	v12 =	vld.idx.msk [tilespmem:v42+s28+$0x0], $0xffff;
	v22 =	vor.u32 v26, v22;
	v26 =	vadd.f32 v33, v32  }
0x2fd: {  	v44 =	vor.u32 v44, v20;
	v20 =	vadd.s32 s20, v59;
	v23 =	vadd.f32 v24, v23;
	v59 =	vld [tilespmem:s21+$0x7860]  }
0x2fe: {  	v24 =	vadd.f32 v28, v25;
	v28 =	vand.u32 $0xFFFFFF80, v48;
	v11 =	vld.idx.msk [tilespmem:v13+s28+$0x0], $0xffff;
	v62 =	vor.u32 v61, v20  }
0x2ff: {  	v13 =	vld.idx.msk [tilespmem:v43+s28+$0x0], $0xffff;
	v25 =	vadd.f32 v30, v26;
	v28 =	vadd.s32 s20, v28;
	v30 =	vand.u32 $0x7F, v48  }
0x300: {  	v20 =	vadd.f32 v56, v41;
	v56 =	vld [tilespmem:s21+$0x7840];
	v28 =	vor.u32 v30, v28;
	v52 =	vand.u32 $0xFFFFFF80, v27  }
0x301: {  	v15 =	vld.idx.msk [tilespmem:v15+s28+$0x0], $0xffff;
	v27 =	vand.u32 $0x7F, v27;
	v54 =	vand.u32 $0xFFFFFF80, v29;
	v29 =	vand.u32 $0x7F, v29  }
0x302: {  	v17 =	vld.idx.msk [tilespmem:v17+s28+$0x0], $0xffff;
	v55 =	vand.u32 $0xFFFFFF80, v31;
	v31 =	vand.u32 $0x7F, v31;
	v30 =	vadd.s32 s20, v52  }
0x303: {  	v22 =	vld.idx.msk [tilespmem:v22+s28+$0x0], $0xffff;
	v32 =	vadd.s32 s20, v54;
	v35 =	vadd.s32 s20, v55;
	v58 =	vor.u32 v27, v30  }
0x304: {  	v38 =	vadd.s32 s20, v63;
	v30 =	vor.u32 v29, v32;
	v29 =	vor.u32 v31, v35;
	v35 =	vld [tilespmem:s21+$0x7870]  }
0x305: {  	v26 =	vadd.f32 v50, v49;
	v61 =	vand.u32 $0xFFFFFF80, v53;
	v14 =	vld.idx.msk [tilespmem:v44+s28+$0x0], $0xffff;
	v31 =	vand.u32 $0xFFFFFF80, v51  }
0x306: {  	v33 =	vand.u32 $0x7F, v53;
	v41 =	vand.u32 $0xFFFFFF80, v59;
	v27 =	vld.idx.msk [tilespmem:v28+s28+$0x0], $0xffff;
	v28 =	vadd.s32 s20, v31  }
0x307: {  	v40 =	vand.u32 $0x7F, v59;
	v16 =	vld.idx.msk [tilespmem:v62+s28+$0x0], $0xffff;
	v32 =	vor.u32 v60, v28;
	v28 =	vand.u32 $0xFFFFFF80, v56  }
0x308: {  	v37 =	vand.u32 $0x7F, v56;
	v31 =	vadd.s32 s20, v61;
	v62 =	vadd.s32 s20, v28;
	v28 =	vld.idx.msk [tilespmem:v58+s28+$0x0], $0xffff  }
0x309: {  	s22 =	simm.s32 $0x11;
	s23 =	simm.s32 $0x400;
	v31 =	vor.u32 v33, v31;
	v33 =	vor.u32 v37, v62;
	v42 =	vand.u32 $0xFFFFFF80, v35;
	v37 =	vld [tilespmem:s21+$0x78A0]  }
.LBB2_4:
0x30a: {  	p0 =	sne.s32 s23, $0x1E00;
	v41 =	vadd.s32 s20, v41;
	v42 =	vadd.s32 s20, v42;
	v35 =	vand.u32 $0x7F, v35;
	v43 =	vld [tilespmem:s21+$0x78B0]  }
0x30b: {  	v38 =	vor.u32 v39, v38;
	v30 =	vld.idx.msk [tilespmem:v30+s28+$0x0], $0xffff;
	v39 =	vor.u32 v40, v41;
	v35 =	vor.u32 v35, v42  }
0x30c: {  	v40 =	vand.u32 $0xFFFFFF80, v36;
	v36 =	vand.u32 $0x7F, v36;
	v29 =	vld.idx.msk [tilespmem:v29+s28+$0x0], $0xffff;
	v41 =	vand.u32 $0xFFFFFF80, v34  }
0x30d: {  	v40 =	vadd.s32 s20, v40;
	v34 =	vand.u32 $0x7F, v34;
	v32 =	vld.idx.msk [tilespmem:v32+s28+$0x0], $0xffff;
	v41 =	vadd.s32 s20, v41  }
0x30e: {  	v36 =	vor.u32 v36, v40;
	v31 =	vld.idx.msk [tilespmem:v31+s28+$0x0], $0xffff;
	v34 =	vor.u32 v34, v41;
	v40 =	vand.u32 $0xFFFFFF80, v37  }
0x30f: {  	v37 =	vand.u32 $0x7F, v37;
	v33 =	vld.idx.msk [tilespmem:v33+s28+$0x0], $0xffff;
	v40 =	vadd.s32 s20, v40;
	v41 =	vand.u32 $0xFFFFFF80, v43  }
0x310: {  	v38 =	vld.idx.msk [tilespmem:v38+s28+$0x0], $0xffff;
	v37 =	vor.u32 v37, v40;
	v40 =	vadd.s32 s20, v41;
	v41 =	vand.u32 $0x7F, v43  }
0x311: {  	v19 =	vadd.f32 v20, v19;
	v18 =	vadd.f32 v21, v18;
	v39 =	vld.idx.msk [tilespmem:v39+s28+$0x0], $0xffff;
	v40 =	vor.u32 v41, v40  }
0x312: {  	v21 =	vadd.f32 v24, v23;
	v23 =	vadd.f32 v26, v25;
	v20 =	vld.idx.msk [tilespmem:v35+s28+$0x0], $0xffff  }
0x313: {  	v1 =	vadd.f32 v2, v1;
	v2 =	vadd.f32 v4, v3;
	v24 =	vld.idx.msk [tilespmem:v36+s28+$0x0], $0xffff  }
0x314: {  	v4 =	vadd.f32 v6, v5;
	v5 =	vadd.f32 v8, v7;
	v3 =	vld.idx.msk [tilespmem:v34+s28+$0x0], $0xffff  }
0x315: {  	v7 =	vadd.f32 v10, v9;
	v8 =	vadd.f32 v13, v11;
	v6 =	vld.idx.msk [tilespmem:v37+s28+$0x0], $0xffff  }
0x316: {  	v10 =	vadd.f32 v12, v15;
	v11 =	vadd.f32 v16, v14;
	v9 =	vld.idx.msk [tilespmem:v40+s28+$0x0], $0xffff  }
0x317: {  	v1 =	vadd.f32 v2, v1;
	v2 =	vadd.f32 v5, v4  }
0x318: {  	v4 =	vadd.f32 v8, v7;
	v5 =	vadd.f32 v11, v10  }
0x319: {  	v7 =	vadd.f32 v22, v17;
	v8 =	vadd.f32 v28, v27  }
0x31a: {  	v10 =	vadd.f32 v29, v30;
	v11 =	vadd.f32 v31, v32  }
0x31b: {  	v12 =	vadd.f32 v38, v33;
	v13 =	vadd.f32 v20, v39  }
0x31c: {  	v3 =	vadd.f32 v3, v24;
	v6 =	vadd.f32 v9, v6  }
0x31d: {  	v7 =	vadd.f32 v8, v7;
	v8 =	vadd.f32 v11, v10  }
0x31e: {  	v9 =	vadd.f32 v13, v12;
	v3 =	vadd.f32 v6, v3  }
0x31f: {  	v1 =	vadd.f32 v2, v1;
	v2 =	vadd.f32 v5, v4  }
0x320: {  	v4 =	vadd.f32 v8, v7;
	v3 =	vadd.f32 v3, v9  }
0x321: {  	v5 =	vadd.f32 v18, v19;
	v6 =	vadd.f32 v23, v21  }
0x322: {  	v1 =	vadd.f32 v2, v1;
	v2 =	vadd.f32 v3, v4;
	_ =	sdelay $0x1  }
0x323: {  	v3 =	vadd.f32 v6, v5;
	v1 =	vadd.f32 v2, v1;
	_ =	sdelay $0x1  }
0x324: {  	s19 =	sadd.s32 $0x10, s19;
	v1 =	vadd.f32 v1, v3  }
0x325: {  	s20 =	sand.u32 $0x1F0, s19  }
0x326: {  	s21 =	sshra.s32 s23, $0x2;
	[tilespmem:s20+$0x10040] =	vst v1  }
0x327: {  	v1 =	vld [tilespmem:s21+$0x840];
	_ =	sdelay $0x1  }
0x328: {  	v2 =	vld [tilespmem:s21+$0x850];
	_ =	sdelay $0x1  }
0x329: {  	s22 =	sadd.s32 $0x1, s22;
	v3 =	vld [tilespmem:s21+$0x860]  }
0x32a: {  	s20 =	sshll.u32 s22, $0xA;
	v4 =	vand.u32 $0xFFFFFF80, v1;
	v5 =	vld [tilespmem:s21+$0x870]  }
0x32b: {  	v1 =	vand.u32 $0x7F, v1;
	v4 =	vadd.s32 s20, v4  }
0x32c: {  	v1 =	vor.u32 v1, v4;
	v4 =	vand.u32 $0xFFFFFF80, v2;
	v6 =	vld [tilespmem:s21+$0x880]  }
0x32d: {  	v2 =	vand.u32 $0x7F, v2;
	v4 =	vadd.s32 s20, v4;
	v7 =	vld [tilespmem:s21+$0x890]  }
0x32e: {  	v2 =	vor.u32 v2, v4;
	v4 =	vand.u32 $0xFFFFFF80, v3  }
0x32f: {  	v3 =	vand.u32 $0x7F, v3;
	v4 =	vadd.s32 s20, v4;
	v8 =	vand.u32 $0xFFFFFF80, v5;
	v9 =	vld [tilespmem:s21+$0x8A0]  }
0x330: {  	v3 =	vor.u32 v3, v4;
	v4 =	vadd.s32 s20, v8;
	v8 =	vand.u32 $0x7F, v5;
	v10 =	vld [tilespmem:s21+$0x8B0]  }
0x331: {  	v5 =	vld.idx.msk [tilespmem:v1+s28+$0x0], $0xffff;
	v1 =	vor.u32 v8, v4;
	v4 =	vand.u32 $0xFFFFFF80, v6  }
0x332: {  	v6 =	vand.u32 $0x7F, v6;
	v4 =	vadd.s32 s20, v4;
	v8 =	vand.u32 $0xFFFFFF80, v7;
	v12 =	vld [tilespmem:s21+$0x1840]  }
0x333: {  	v13 =	vld.idx.msk [tilespmem:v2+s28+$0x0], $0xffff;
	v2 =	vor.u32 v6, v4;
	v4 =	vadd.s32 s20, v8;
	v6 =	vand.u32 $0x7F, v7  }
0x334: {  	v4 =	vor.u32 v6, v4;
	v7 =	vand.u32 $0xFFFFFF80, v9;
	v8 =	vld [tilespmem:s21+$0x1850]  }
0x335: {  	v6 =	vld.idx.msk [tilespmem:v3+s28+$0x0], $0xffff;
	v3 =	vadd.s32 s20, v7;
	v7 =	vand.u32 $0x7F, v9;
	v9 =	vand.u32 $0xFFFFFF80, v10  }
0x336: {  	v11 =	vld.idx.msk [tilespmem:v1+s28+$0x0], $0xffff;
	v1 =	vor.u32 v7, v3;
	v3 =	vadd.s32 s20, v9;
	v7 =	vand.u32 $0x7F, v10  }
0x337: {  	v3 =	vor.u32 v7, v3;
	v9 =	vand.u32 $0xFFFFFF80, v12;
	v14 =	vld [tilespmem:s21+$0x1860]  }
0x338: {  	v7 =	vld.idx.msk [tilespmem:v2+s28+$0x0], $0xffff;
	v2 =	vadd.s32 s20, v9;
	v9 =	vand.u32 $0x7F, v12  }
0x339: {  	v10 =	vld.idx.msk [tilespmem:v4+s28+$0x0], $0xffff;
	v2 =	vor.u32 v9, v2;
	v4 =	vand.u32 $0xFFFFFF80, v8  }
0x33a: {  	v9 =	vand.u32 $0x7F, v8;
	v4 =	vadd.s32 s20, v4;
	v15 =	vld [tilespmem:s21+$0x1870]  }
0x33b: {  	v8 =	vld.idx.msk [tilespmem:v1+s28+$0x0], $0xffff;
	v1 =	vor.u32 v9, v4  }
0x33c: {  	v9 =	vld.idx.msk [tilespmem:v3+s28+$0x0], $0xffff;
	v3 =	vand.u32 $0xFFFFFF80, v14  }
0x33d: {  	v4 =	vand.u32 $0x7F, v14;
	v3 =	vadd.s32 s20, v3;
	v17 =	vld [tilespmem:s21+$0x1880]  }
0x33e: {  	v12 =	vld.idx.msk [tilespmem:v2+s28+$0x0], $0xffff;
	v2 =	vor.u32 v4, v3  }
0x33f: {  	v3 =	vand.u32 $0xFFFFFF80, v15;
	v4 =	vld [tilespmem:s21+$0x1890]  }
0x340: {  	v14 =	vld.idx.msk [tilespmem:v1+s28+$0x0], $0xffff;
	v1 =	vadd.s32 s20, v3;
	v3 =	vand.u32 $0x7F, v15  }
0x341: {  	v1 =	vor.u32 v3, v1;
	v3 =	vld [tilespmem:s21+$0x18A0]  }
0x342: {  	v15 =	vand.u32 $0xFFFFFF80, v17;
	v18 =	vld [tilespmem:s21+$0x18B0]  }
0x343: {  	v16 =	vld.idx.msk [tilespmem:v2+s28+$0x0], $0xffff;
	v2 =	vadd.s32 s20, v15;
	v15 =	vand.u32 $0x7F, v17  }
0x344: {  	v2 =	vor.u32 v15, v2;
	v15 =	vand.u32 $0xFFFFFF80, v4;
	v19 =	vld [tilespmem:s21+$0x2840]  }
0x345: {  	v4 =	vand.u32 $0x7F, v4;
	v15 =	vadd.s32 s20, v15;
	v20 =	vld [tilespmem:s21+$0x2850]  }
0x346: {  	v17 =	vld.idx.msk [tilespmem:v1+s28+$0x0], $0xffff;
	v1 =	vor.u32 v4, v15;
	v4 =	vand.u32 $0xFFFFFF80, v3  }
0x347: {  	v3 =	vand.u32 $0x7F, v3;
	v4 =	vadd.s32 s20, v4;
	v15 =	vand.u32 $0xFFFFFF80, v18;
	v23 =	vld [tilespmem:s21+$0x2860]  }
0x348: {  	v3 =	vor.u32 v3, v4;
	v4 =	vadd.s32 s20, v15;
	v15 =	vand.u32 $0x7F, v18;
	v24 =	vld [tilespmem:s21+$0x2870]  }
0x349: {  	v18 =	vld.idx.msk [tilespmem:v2+s28+$0x0], $0xffff;
	v2 =	vor.u32 v15, v4;
	v4 =	vand.u32 $0xFFFFFF80, v19  }
0x34a: {  	v15 =	vand.u32 $0x7F, v19;
	v4 =	vadd.s32 s20, v4;
	v19 =	vand.u32 $0xFFFFFF80, v20;
	v25 =	vld [tilespmem:s21+$0x2880]  }
0x34b: {  	v21 =	vld.idx.msk [tilespmem:v1+s28+$0x0], $0xffff;
	v1 =	vor.u32 v15, v4;
	v4 =	vadd.s32 s20, v19;
	v15 =	vand.u32 $0x7F, v20  }
0x34c: {  	v4 =	vor.u32 v15, v4;
	v15 =	vand.u32 $0xFFFFFF80, v23;
	v19 =	vld [tilespmem:s21+$0x2890]  }
0x34d: {  	v22 =	vld.idx.msk [tilespmem:v3+s28+$0x0], $0xffff;
	v3 =	vadd.s32 s20, v15;
	v15 =	vand.u32 $0x7F, v23;
	v20 =	vand.u32 $0xFFFFFF80, v24  }
0x34e: {  	v23 =	vld.idx.msk [tilespmem:v2+s28+$0x0], $0xffff;
	v2 =	vor.u32 v15, v3;
	v3 =	vadd.s32 s20, v20;
	v15 =	vand.u32 $0x7F, v24  }
0x34f: {  	v3 =	vor.u32 v15, v3;
	v15 =	vand.u32 $0xFFFFFF80, v25;
	v20 =	vld [tilespmem:s21+$0x28A0]  }
0x350: {  	v24 =	vld.idx.msk [tilespmem:v1+s28+$0x0], $0xffff;
	v1 =	vadd.s32 s20, v15;
	v15 =	vand.u32 $0x7F, v25  }
0x351: {  	v25 =	vld.idx.msk [tilespmem:v4+s28+$0x0], $0xffff;
	v1 =	vor.u32 v15, v1;
	v4 =	vand.u32 $0xFFFFFF80, v19  }
0x352: {  	v15 =	vand.u32 $0x7F, v19;
	v4 =	vadd.s32 s20, v4;
	v19 =	vld [tilespmem:s21+$0x28B0]  }
0x353: {  	v26 =	vld.idx.msk [tilespmem:v2+s28+$0x0], $0xffff;
	v2 =	vor.u32 v15, v4  }
0x354: {  	v27 =	vld.idx.msk [tilespmem:v3+s28+$0x0], $0xffff;
	v3 =	vand.u32 $0xFFFFFF80, v20  }
0x355: {  	v4 =	vand.u32 $0x7F, v20;
	v3 =	vadd.s32 s20, v3;
	v15 =	vld [tilespmem:s21+$0x3840]  }
0x356: {  	v28 =	vld.idx.msk [tilespmem:v1+s28+$0x0], $0xffff;
	v1 =	vor.u32 v4, v3  }
0x357: {  	v3 =	vand.u32 $0xFFFFFF80, v19;
	v4 =	vld [tilespmem:s21+$0x3850]  }
0x358: {  	v29 =	vld.idx.msk [tilespmem:v2+s28+$0x0], $0xffff;
	v2 =	vadd.s32 s20, v3;
	v3 =	vand.u32 $0x7F, v19  }
0x359: {  	v2 =	vor.u32 v3, v2;
	v3 =	vld [tilespmem:s21+$0x3860]  }
0x35a: {  	v19 =	vand.u32 $0xFFFFFF80, v15;
	v20 =	vld [tilespmem:s21+$0x3870]  }
0x35b: {  	v15 =	vand.u32 $0x7F, v15;
	v30 =	vld.idx.msk [tilespmem:v1+s28+$0x0], $0xffff;
	v1 =	vadd.s32 s20, v19  }
0x35c: {  	v1 =	vor.u32 v15, v1;
	v15 =	vand.u32 $0xFFFFFF80, v4;
	v19 =	vld [tilespmem:s21+$0x3880]  }
0x35d: {  	v4 =	vand.u32 $0x7F, v4;
	v15 =	vadd.s32 s20, v15;
	v34 =	vld [tilespmem:s21+$0x3890]  }
0x35e: {  	v31 =	vld.idx.msk [tilespmem:v2+s28+$0x0], $0xffff;
	v2 =	vor.u32 v4, v15;
	v4 =	vand.u32 $0xFFFFFF80, v3  }
0x35f: {  	v3 =	vand.u32 $0x7F, v3;
	v4 =	vadd.s32 s20, v4;
	v15 =	vand.u32 $0xFFFFFF80, v20;
	v35 =	vld [tilespmem:s21+$0x38A0]  }
0x360: {  	v3 =	vor.u32 v3, v4;
	v4 =	vadd.s32 s20, v15;
	v15 =	vand.u32 $0x7F, v20;
	v20 =	vld [tilespmem:s21+$0x38B0]  }
0x361: {  	v32 =	vld.idx.msk [tilespmem:v1+s28+$0x0], $0xffff;
	v1 =	vor.u32 v15, v4;
	v4 =	vand.u32 $0xFFFFFF80, v19  }
0x362: {  	v15 =	vand.u32 $0x7F, v19;
	v4 =	vadd.s32 s20, v4;
	v19 =	vand.u32 $0xFFFFFF80, v34;
	v37 =	vld [tilespmem:s21+$0x4840]  }
0x363: {  	v33 =	vld.idx.msk [tilespmem:v2+s28+$0x0], $0xffff;
	v2 =	vor.u32 v15, v4;
	v4 =	vadd.s32 s20, v19;
	v15 =	vand.u32 $0x7F, v34  }
0x364: {  	v4 =	vor.u32 v15, v4;
	v15 =	vand.u32 $0xFFFFFF80, v35;
	v19 =	vld [tilespmem:s21+$0x4850]  }
0x365: {  	v34 =	vld.idx.msk [tilespmem:v3+s28+$0x0], $0xffff;
	v3 =	vadd.s32 s20, v15;
	v15 =	vand.u32 $0x7F, v35;
	v36 =	vand.u32 $0xFFFFFF80, v20  }
0x366: {  	v35 =	vld.idx.msk [tilespmem:v1+s28+$0x0], $0xffff;
	v1 =	vor.u32 v15, v3;
	v3 =	vadd.s32 s20, v36;
	v15 =	vand.u32 $0x7F, v20  }
0x367: {  	v3 =	vor.u32 v15, v3;
	v15 =	vand.u32 $0xFFFFFF80, v37;
	v20 =	vld [tilespmem:s21+$0x4860]  }
0x368: {  	v36 =	vld.idx.msk [tilespmem:v2+s28+$0x0], $0xffff;
	v2 =	vadd.s32 s20, v15;
	v15 =	vand.u32 $0x7F, v37  }
0x369: {  	v37 =	vld.idx.msk [tilespmem:v4+s28+$0x0], $0xffff;
	v2 =	vor.u32 v15, v2;
	v4 =	vand.u32 $0xFFFFFF80, v19  }
0x36a: {  	v15 =	vand.u32 $0x7F, v19;
	v4 =	vadd.s32 s20, v4;
	v19 =	vld [tilespmem:s21+$0x4870]  }
0x36b: {  	v38 =	vld.idx.msk [tilespmem:v1+s28+$0x0], $0xffff;
	v4 =	vor.u32 v15, v4  }
0x36c: {  	v39 =	vld.idx.msk [tilespmem:v3+s28+$0x0], $0xffff;
	v1 =	vand.u32 $0xFFFFFF80, v20  }
0x36d: {  	v15 =	vand.u32 $0x7F, v20;
	v3 =	vadd.s32 s20, v1;
	v20 =	vld [tilespmem:s21+$0x4880]  }
0x36e: {  	v1 =	vld.idx.msk [tilespmem:v2+s28+$0x0], $0xffff;
	v3 =	vor.u32 v15, v3  }
0x36f: {  	v15 =	vand.u32 $0xFFFFFF80, v19;
	v40 =	vld [tilespmem:s21+$0x4890]  }
0x370: {  	v2 =	vld.idx.msk [tilespmem:v4+s28+$0x0], $0xffff;
	v4 =	vadd.s32 s20, v15;
	v15 =	vand.u32 $0x7F, v19  }
0x371: {  	v4 =	vor.u32 v15, v4;
	v15 =	vld [tilespmem:s21+$0x48A0]  }
0x372: {  	v19 =	vand.u32 $0xFFFFFF80, v20;
	v41 =	vld [tilespmem:s21+$0x48B0]  }
0x373: {  	v20 =	vand.u32 $0x7F, v20;
	v3 =	vld.idx.msk [tilespmem:v3+s28+$0x0], $0xffff;
	v19 =	vadd.s32 s20, v19  }
0x374: {  	v19 =	vor.u32 v20, v19;
	v20 =	vand.u32 $0xFFFFFF80, v40;
	v42 =	vld [tilespmem:s21+$0x5840]  }
0x375: {  	v40 =	vand.u32 $0x7F, v40;
	v20 =	vadd.s32 s20, v20;
	v43 =	vld [tilespmem:s21+$0x5850]  }
0x376: {  	v4 =	vld.idx.msk [tilespmem:v4+s28+$0x0], $0xffff;
	v20 =	vor.u32 v40, v20;
	v40 =	vadd.f32 v13, v5  }
0x377: {  	v5 =	vand.u32 $0xFFFFFF80, v15;
	v13 =	vand.u32 $0x7F, v15;
	v15 =	vand.u32 $0xFFFFFF80, v41;
	v44 =	vld [tilespmem:s21+$0x5860]  }
0x378: {  	v45 =	vadd.s32 s20, v5;
	v41 =	vand.u32 $0x7F, v41;
	v15 =	vadd.s32 s20, v15;
	v46 =	vld [tilespmem:s21+$0x5870]  }
0x379: {  	v13 =	vor.u32 v13, v45;
	v5 =	vld.idx.msk [tilespmem:v19+s28+$0x0], $0xffff;
	v15 =	vor.u32 v41, v15;
	v19 =	vadd.f32 v11, v6  }
0x37a: {  	v6 =	vand.u32 $0xFFFFFF80, v42;
	v11 =	vand.u32 $0x7F, v42;
	v41 =	vand.u32 $0xFFFFFF80, v43;
	v42 =	vld [tilespmem:s21+$0x5880]  }
0x37b: {  	v45 =	vadd.s32 s20, v6;
	v43 =	vand.u32 $0x7F, v43;
	v41 =	vadd.s32 s20, v41;
	v47 =	vld [tilespmem:s21+$0x5890]  }
0x37c: {  	v11 =	vor.u32 v11, v45;
	v6 =	vld.idx.msk [tilespmem:v20+s28+$0x0], $0xffff;
	v20 =	vor.u32 v43, v41;
	v41 =	vadd.f32 v10, v7  }
0x37d: {  	v7 =	vand.u32 $0xFFFFFF80, v44;
	v10 =	vand.u32 $0x7F, v44;
	v43 =	vand.u32 $0xFFFFFF80, v46;
	v44 =	vld [tilespmem:s21+$0x58A0]  }
0x37e: {  	v45 =	vadd.s32 s20, v7;
	v46 =	vand.u32 $0x7F, v46;
	v43 =	vadd.s32 s20, v43;
	v48 =	vld [tilespmem:s21+$0x58B0]  }
0x37f: {  	v7 =	vld.idx.msk [tilespmem:v13+s28+$0x0], $0xffff;
	v13 =	vor.u32 v10, v45;
	v43 =	vor.u32 v46, v43;
	v45 =	vadd.f32 v9, v8  }
0x380: {  	v10 =	vand.u32 $0xFFFFFF80, v42;
	v8 =	vld.idx.msk [tilespmem:v15+s28+$0x0], $0xffff;
	v15 =	vand.u32 $0x7F, v42;
	v42 =	vand.u32 $0xFFFFFF80, v47  }
0x381: {  	v46 =	vand.u32 $0x7F, v47;
	v9 =	vld.idx.msk [tilespmem:v11+s28+$0x0], $0xffff;
	v11 =	vadd.s32 s20, v10;
	v42 =	vadd.s32 s20, v42  }
0x382: {  	v10 =	vld.idx.msk [tilespmem:v20+s28+$0x0], $0xffff;
	v15 =	vor.u32 v15, v11;
	v42 =	vor.u32 v46, v42;
	v11 =	vand.u32 $0xFFFFFF80, v44  }
0x383: {  	v44 =	vand.u32 $0x7F, v44;
	v20 =	vadd.s32 s20, v11;
	v46 =	vand.u32 $0xFFFFFF80, v48;
	v47 =	vld [tilespmem:s21+$0x6840]  }
0x384: {  	v11 =	vld.idx.msk [tilespmem:v13+s28+$0x0], $0xffff;
	v44 =	vor.u32 v44, v20;
	v20 =	vadd.s32 s20, v46;
	v46 =	vand.u32 $0x7F, v48  }
0x385: {  	v13 =	vld.idx.msk [tilespmem:v43+s28+$0x0], $0xffff;
	v43 =	vor.u32 v46, v20  }
0x386: {  	v19 =	vadd.f32 v19, v40;
	v20 =	vadd.f32 v45, v41;
	v46 =	vld [tilespmem:s21+$0x6850]  }
0x387: {  	v16 =	vadd.f32 v17, v16;
	v40 =	vadd.f32 v14, v12;
	v15 =	vld.idx.msk [tilespmem:v15+s28+$0x0], $0xffff  }
0x388: {  	v21 =	vadd.f32 v21, v18;
	v22 =	vadd.f32 v23, v22;
	v12 =	vld.idx.msk [tilespmem:v42+s28+$0x0], $0xffff;
	v17 =	vand.u32 $0xFFFFFF80, v47  }
0x389: {  	v18 =	vadd.f32 v16, v40;
	v23 =	vand.u32 $0x7F, v47;
	v14 =	vld.idx.msk [tilespmem:v44+s28+$0x0], $0xffff;
	v17 =	vadd.s32 s20, v17  }
0x38a: {  	v21 =	vadd.f32 v22, v21;
	v16 =	vld.idx.msk [tilespmem:v43+s28+$0x0], $0xffff;
	v17 =	vor.u32 v23, v17;
	v23 =	vadd.f32 v25, v24  }
0x38b: {  	v24 =	vadd.f32 v27, v26;
	v25 =	vadd.f32 v29, v28;
	v22 =	vand.u32 $0xFFFFFF80, v46;
	v40 =	vld [tilespmem:s21+$0x6860]  }
0x38c: {  	v28 =	vadd.f32 v31, v30;
	v26 =	vand.u32 $0x7F, v46;
	v22 =	vadd.s32 s20, v22;
	v27 =	vld [tilespmem:s21+$0x6870]  }
0x38d: {  	v30 =	vadd.f32 v35, v34;
	v22 =	vor.u32 v26, v22;
	v29 =	vld [tilespmem:s21+$0x6880];
	v26 =	vadd.f32 v33, v32  }
0x38e: {  	v32 =	vadd.f32 v37, v36;
	v33 =	vadd.f32 v39, v38;
	v31 =	vld [tilespmem:s21+$0x6890]  }
0x38f: {  	v23 =	vadd.f32 v24, v23;
	v24 =	vadd.f32 v28, v25;
	v17 =	vld.idx.msk [tilespmem:v17+s28+$0x0], $0xffff  }
0x390: {  	v25 =	vadd.f32 v30, v26;
	v26 =	vadd.f32 v33, v32;
	v28 =	vand.u32 $0xFFFFFF80, v40;
	v34 =	vld [tilespmem:s21+$0x68A0]  }
0x391: {  	v30 =	vand.u32 $0x7F, v40;
	v28 =	vadd.s32 s20, v28;
	v32 =	vand.u32 $0xFFFFFF80, v27;
	v33 =	vld [tilespmem:s21+$0x68B0]  }
0x392: {  	v27 =	vand.u32 $0x7F, v27;
	v22 =	vld.idx.msk [tilespmem:v22+s28+$0x0], $0xffff;
	v28 =	vor.u32 v30, v28;
	v30 =	vadd.s32 s20, v32  }
0x393: {  	v32 =	vand.u32 $0xFFFFFF80, v29;
	v29 =	vand.u32 $0x7F, v29;
	v35 =	vand.u32 $0xFFFFFF80, v31;
	v37 =	vld [tilespmem:s21+$0x7840]  }
0x394: {  	v32 =	vadd.s32 s20, v32;
	v31 =	vand.u32 $0x7F, v31;
	v35 =	vadd.s32 s20, v35;
	v39 =	vld [tilespmem:s21+$0x7850]  }
0x395: {  	v38 =	vor.u32 v27, v30;
	v30 =	vor.u32 v29, v32;
	v29 =	vor.u32 v31, v35;
	v40 =	vld [tilespmem:s21+$0x7860]  }
0x396: {  	v31 =	vand.u32 $0xFFFFFF80, v34;
	v32 =	vand.u32 $0x7F, v34;
	v34 =	vand.u32 $0xFFFFFF80, v33;
	v35 =	vld [tilespmem:s21+$0x7870]  }
.Ltmp1:
0x397: {  	v33 =	vand.u32 $0x7F, v33;
	v27 =	vld.idx.msk [tilespmem:v28+s28+$0x0], $0xffff;
	v28 =	vadd.s32 s20, v31;
	v31 =	vadd.s32 s20, v34;
	(pc) =	sbr.rel @p0 .LBB2_4-.Ltmp1, $4  }
0x398: {  	v32 =	vor.u32 v32, v28;
	v31 =	vor.u32 v33, v31;
	v28 =	vand.u32 $0xFFFFFF80, v37;
	v36 =	vld [tilespmem:s21+$0x7880]  }
0x399: {  	v37 =	vand.u32 $0x7F, v37;
	v33 =	vadd.s32 s20, v28;
	v41 =	vand.u32 $0xFFFFFF80, v39;
	v34 =	vld [tilespmem:s21+$0x7890]  }
0x39a: {  	v39 =	vand.u32 $0x7F, v39;
	v28 =	vld.idx.msk [tilespmem:v38+s28+$0x0], $0xffff;
	v33 =	vor.u32 v37, v33;
	v38 =	vadd.s32 s20, v41  }
0x39b: {  	s23 =	sadd.s32 $0x200, s23;
	v41 =	vand.u32 $0xFFFFFF80, v40;
	v40 =	vand.u32 $0x7F, v40;
	v42 =	vand.u32 $0xFFFFFF80, v35;
	v37 =	vld [tilespmem:s21+$0x78A0]  }
0x39c: {  	_ =	sdelay $0x1  }
0x39d: {  	v41 =	vadd.s32 s20, v41;
	v42 =	vadd.s32 s20, v42  }
0x39e: {  	v43 =	vld [tilespmem:s21+$0x78B0];
	v35 =	vand.u32 $0x7F, v35;
	v38 =	vor.u32 v39, v38;
	v19 =	vadd.f32 v20, v19  }
0x39f: {  	v30 =	vld.idx.msk [tilespmem:v30+s28+$0x0], $0xffff;
	v18 =	vadd.f32 v21, v18;
	v52 =	vor.u32 v40, v41;
	v35 =	vor.u32 v35, v42  }
0x3a0: {  	v29 =	vld.idx.msk [tilespmem:v29+s28+$0x0], $0xffff;
	v53 =	vand.u32 $0xFFFFFF80, v36;
	v55 =	vand.u32 $0x7F, v36;
	v54 =	vand.u32 $0xFFFFFF80, v34  }
0x3a1: {  	v32 =	vld.idx.msk [tilespmem:v32+s28+$0x0], $0xffff;
	v40 =	vadd.s32 s20, v53;
	v56 =	vand.u32 $0x7F, v34;
	v41 =	vadd.s32 s20, v54  }
0x3a2: {  	v31 =	vld.idx.msk [tilespmem:v31+s28+$0x0], $0xffff;
	v36 =	vor.u32 v55, v40;
	v57 =	vand.u32 $0xFFFFFF80, v37;
	v58 =	vand.u32 $0x7F, v37  }
0x3a3: {  	v33 =	vld.idx.msk [tilespmem:v33+s28+$0x0], $0xffff;
	v34 =	vor.u32 v56, v41;
	v40 =	vadd.s32 s20, v57;
	v59 =	vand.u32 $0xFFFFFF80, v43  }
0x3a4: {  	v38 =	vld.idx.msk [tilespmem:v38+s28+$0x0], $0xffff;
	v61 =	vand.u32 $0x7F, v43;
	v37 =	vor.u32 v58, v40;
	v60 =	vadd.s32 s20, v59  }
0x3a5: {  	v23 =	vadd.f32 v24, v23;
	v39 =	vadd.f32 v26, v25;
	v62 =	vld.idx.msk [tilespmem:v52+s28+$0x0], $0xffff;
	v63 =	vor.u32 v61, v60  }
0x3a6: {  	v1 =	vadd.f32 v2, v1;
	v2 =	vadd.f32 v4, v3;
	v40 =	vld.idx.msk [tilespmem:v35+s28+$0x0], $0xffff  }
0x3a7: {  	v44 =	vadd.f32 v10, v9;
	v45 =	vadd.f32 v13, v11;
	v3 =	vld.idx.msk [tilespmem:v36+s28+$0x0], $0xffff  }
0x3a8: {  	v47 =	vadd.f32 v12, v15;
	v48 =	vadd.f32 v16, v14;
	v43 =	vld.idx.msk [tilespmem:v34+s28+$0x0], $0xffff  }
0x3a9: {  	v42 =	vadd.f32 v8, v7;
	v1 =	vadd.f32 v2, v1;
	v46 =	vld.idx.msk [tilespmem:v37+s28+$0x0], $0xffff  }
0x3aa: {  	v50 =	vadd.f32 v45, v44;
	v51 =	vadd.f32 v48, v47;
	v49 =	vld.idx.msk [tilespmem:v63+s28+$0x0], $0xffff  }
0x3ab: {  	v53 =	vadd.f32 v28, v27;
	v41 =	vadd.f32 v6, v5  }
0x3ac: {  	v54 =	vadd.f32 v29, v30;
	v55 =	vadd.f32 v31, v32  }
0x3ad: {  	v2 =	vadd.f32 v42, v41;
	v52 =	vadd.f32 v22, v17  }
0x3ae: {  	v56 =	vadd.f32 v38, v33;
	v57 =	vadd.f32 v40, v62  }
0x3af: {  	v3 =	vadd.f32 v43, v3;
	v58 =	vadd.f32 v49, v46  }
0x3b0: {  	v59 =	vadd.f32 v55, v54;
	v7 =	vadd.f32 v53, v52  }
0x3b1: {  	v60 =	vadd.f32 v57, v56;
	v3 =	vadd.f32 v58, v3  }
0x3b2: {  	v1 =	vadd.f32 v2, v1;
	v2 =	vadd.f32 v51, v50  }
0x3b3: {  	v61 =	vadd.f32 v59, v7;
	v3 =	vadd.f32 v3, v60  }
0x3b4: {  	v1 =	vadd.f32 v2, v1;
	v62 =	vadd.f32 v18, v19  }
0x3b5: {  	v63 =	vadd.f32 v39, v23;
	v2 =	vadd.f32 v3, v61;
	_ =	sdelay $0x1  }
0x3b6: {  	v3 =	vadd.f32 v63, v62;
	v1 =	vadd.f32 v2, v1;
	_ =	sdelay $0x1  }
0x3b7: {  	s19 =	sadd.s32 $0x10, s19;
	v1 =	vadd.f32 v1, v3  }
0x3b8: {  	s19 =	sand.u32 $0x1F0, s19  }
0x3b9: {  	[tilespmem:s19+$0x10040] =	vst v1  }
0x3ba: {  	[hbm4b:s14+s2] =	stream.linear.scatter [tilespmem:s1], [sflag:$0x4], $0x20, $0x38;
	[tilespmem:$0x10260] =	vst v63  }
0x3bb: {  	s18 =	sadd.s32 $0x1, s18;
	_ =	swait.ge [sflag:s0], $0x20  }
0x3bc: {  	p0 =	sne.s32 s18, s16;
	[sflag:s0] =	ssyncset.done $0x0  }
.Ltmp2:
0x3bd: {  	[sflag:s0] =	ssyncadd.s32 $0xFFFFFFE0;
	(pc) =	sbr.rel @p0 .LBB2_1-.Ltmp2, $4  }
0x3be: {  	[hbm4b:s15+s2] =	stream.linear.scatter [tilespmem:s17], [sflag:$0x4], $0x200, $0x38;
	[tilespmem:$0x10260] =	vst v63  }
0x3bf: {  	_ =	swait.ge [sflag:s0], $0x200  }
0x3c0: {  	[sflag:s0] =	ssyncset.done $0x0  }
0x3c1: {  	[sflag:s0] =	ssyncadd.s32 $0xFFFFFE00  }
0x3c2: {  	_ =	sfence.sel $0x180000  }
0x3c3: {  	[bflag:$0x0] =	sbarrier.arrive $0xFFFF  }
0x3c4: {  	_ =	strace $0x90000047  }
0x3c5: {  	s0 =	stileid.u32;
	[bflag:$0x2] =	sbarrier.arrive $0xFFFF  }
0x3c6: {  	p0 =	sne.s32 s0, $0x0;
	s0 =	rddreg [dreg:$0x3]  }
0x3c7: {  	s0 =	sadd.s32 @!p0 $0x100000, s0  }
0x3c8: {  	[sflag:s0] =	ssyncadd.tile.s32 @!p0 $0x1;
	_ =	shalt  }
.Lfunc_end2:
_tile_overlayer_lowered:
.L_overlay_start_2:
0x3c9: {  	(tag) =	ssettag $0x2  }
0x3ca: {  	s0 =	rddreg [dreg:$0x0];
	s2 =	stileid.u32  }
0x3cb: {  	s1 =	rddreg [dreg:$0x1];
	p0 =	sne.s32 s2, $0x0  }
0x3cc: {  	s3 =	rddreg [dreg:$0x2];
	[bflag:$0x3] =	sbarrier.arrive $0xFFFF;
	s2 =	simm.s32 @!p0 $0x1C04  }
0x3cd: {  	[timem:s3], [sflag:s2] =	dma.local @!p0 [hbm:s0], s1  }
0x3ce: {  	s0 =	simm.s32 @!p0 $0x4  }
0x3cf: {  	_ =	swait.ge @!p0 [sflag:s0], s1  }
0x3d0: {  	s1 =	ssub.s32 @!p0 $0x0, s1;
	[sflag:s0] =	ssyncset.done @!p0 $0x0  }
0x3d1: {  	[sflag:s0] =	ssyncadd.s32 @!p0 s1  }
0x3d2: {  	[bflag:$0x3] =	sbarrier.arrive $0xFFFF  }
0x3d3: {  	_ =	shalt  }

</sc_bundles>
